<compile_context>
chip_gen: v7x
topology: tpu7x:2x2x1
jax: 0.10.2.dev20260603
libtpu: 0.0.44.dev20260713+nightly
codegen_flags: <defaults>
</compile_context>

<pallas_src>
import functools

import jax
import jax.numpy as jnp
from jax import lax
from jax.experimental import pallas as pl
from jax.experimental.pallas import tpu as pltpu
from jax.experimental.pallas import tpu_sc as plsc

N = 10000
E = 160000
NG = 10
F_IN = 128
F_MID = 64

NC = 2
NS = 16
NW = NC * NS
BB = 128
EP = 163840
GW = EP // (NW * BB)
PW = EP // NW

NPS = 10240
NCK = 1280
BES = 512

BE = 256
BN = 400


def _sc_gather(d):
    mesh = plsc.VectorSubcoreMesh(core_axis_name="c", subcore_axis_name="s")

    @functools.partial(
        pl.kernel,
        mesh=mesh,
        out_type=jax.ShapeDtypeStruct((EP, d), jnp.float32),
        scratch_types=[
            pltpu.VMEM((GW, BB), jnp.int32),
            pltpu.VMEM((BB, d), jnp.float32),
            pltpu.SemaphoreType.DMA,
        ],
    )
    def k(table_hbm, idx_hbm, out_hbm, idx_v, rows_v, sem):
        wid = lax.axis_index("s") * NC + lax.axis_index("c")
        pltpu.sync_copy(idx_hbm.at[pl.ds(wid * GW, GW)], idx_v)

        def body(j, carry):
            pltpu.async_copy(table_hbm.at[idx_v.at[j]], rows_v, sem).wait()
            pltpu.sync_copy(rows_v, out_hbm.at[pl.ds(wid * PW + j * BB, BB)])
            return carry

        lax.fori_loop(0, GW, body, 0)

    return k


def _tc_scatter(with_deg):

    def body(*refs):
        if with_deg:
            dst_ref, msgs_ref, agg_ref, deg_ref = refs
        else:
            dst_ref, msgs_ref, agg_ref = refs
        c = pl.program_id(0)
        e = pl.program_id(1)

        @pl.when(e == 0)
        def _():
            agg_ref[...] = jnp.zeros_like(agg_ref)
            if with_deg:
                deg_ref[...] = jnp.zeros_like(deg_ref)

        rows = lax.broadcasted_iota(jnp.int32, (NCK, BES), 0) + c * NCK
        oh = (dst_ref[...] == rows).astype(jnp.bfloat16)
        agg_ref[...] += lax.dot_general(
            oh, msgs_ref[...].astype(jnp.bfloat16),
            (((1,), (0,)), ((), ())),
            preferred_element_type=jnp.float32)
        if with_deg:
            deg_ref[...] += lax.dot_general(
                oh, jnp.ones((BES, 16), jnp.bfloat16),
                (((1,), (0,)), ((), ())),
                preferred_element_type=jnp.float32)

    out_shape = [jax.ShapeDtypeStruct((NPS, 64), jnp.float32)]
    out_specs = [pl.BlockSpec((NCK, 64), lambda c, e: (c, 0))]
    if with_deg:
        out_shape.append(jax.ShapeDtypeStruct((NPS, 16), jnp.float32))
        out_specs.append(pl.BlockSpec((NCK, 16), lambda c, e: (c, 0)))

    return pl.pallas_call(
        body,
        grid=(NPS // NCK, EP // BES),
        in_specs=[
            pl.BlockSpec((1, BES), lambda c, e: (0, e)),
            pl.BlockSpec((BES, 64), lambda c, e: (e, 0)),
        ],
        out_specs=out_specs,
        out_shape=out_shape,
    )


def _tc_edge(din):

    def body(xs_ref, a_ref, A_ref, b_ref, out_ref):
        a = a_ref[...]
        acc = jnp.zeros((BE, 64), jnp.float32)
        for i in range(din):
            w = jnp.maximum(a * A_ref[i:i + 1, :] + b_ref[i:i + 1, :], 0.0)
            acc = acc + xs_ref[:, i:i + 1] * w
        out_ref[...] = acc

    return pl.pallas_call(
        body,
        grid=(EP // BE,),
        in_specs=[
            pl.BlockSpec((BE, F_IN), lambda i: (i, 0)),
            pl.BlockSpec((BE, 1), lambda i: (i, 0)),
            pl.BlockSpec((din, 64), lambda i: (0, 0)),
            pl.BlockSpec((din, 64), lambda i: (0, 0)),
        ],
        out_specs=pl.BlockSpec((BE, 64), lambda i: (i, 0)),
        out_shape=jax.ShapeDtypeStruct((EP, 64), jnp.float32),
    )


def _tc_combine(din, pad_out):
    dout = F_IN if pad_out else F_MID

    def body(x_ref, root_ref, a_ref, d_ref, bias_ref, out_ref):
        deg = d_ref[:, 0:1]
        m = jnp.dot(x_ref[...], root_ref[...],
                    preferred_element_type=jnp.float32)
        h = jnp.maximum(
            m + a_ref[...] / jnp.maximum(deg, 1.0) + bias_ref[...], 0.0)
        if pad_out:
            h = jnp.concatenate([h, jnp.zeros((BN, F_IN - F_MID),
                                              jnp.float32)], axis=1)
        out_ref[...] = h

    return pl.pallas_call(
        body,
        grid=(N // BN,),
        in_specs=[
            pl.BlockSpec((BN, din), lambda i: (i, 0)),
            pl.BlockSpec((din, 64), lambda i: (0, 0)),
            pl.BlockSpec((BN, 64), lambda i: (i, 0)),
            pl.BlockSpec((BN, 16), lambda i: (i, 0)),
            pl.BlockSpec((1, 64), lambda i: (0, 0)),
        ],
        out_specs=pl.BlockSpec((BN, dout), lambda i: (i, 0)),
        out_shape=jax.ShapeDtypeStruct((N, dout), jnp.float32),
    )


def _tc_pool():

    def body(h_ref, b_ref, out_ref):
        oh = (b_ref[...] == lax.broadcasted_iota(jnp.int32, (1, 16), 1))
        oh = oh.astype(jnp.float32)
        s = lax.dot_general(oh, h_ref[...], (((0,), (0,)), ((), ())),
                            preferred_element_type=jnp.float32)
        ones = jnp.ones((N, 1), jnp.float32)
        c = lax.dot_general(oh, ones, (((0,), (0,)), ((), ())),
                            preferred_element_type=jnp.float32)
        out_ref[...] = s / jnp.maximum(c, 1.0)

    return pl.pallas_call(
        body,
        in_specs=[
            pl.BlockSpec((N, 64), lambda: (0, 0)),
            pl.BlockSpec((N, 1), lambda: (0, 0)),
        ],
        out_specs=pl.BlockSpec((16, 64), lambda: (0, 0)),
        out_shape=jax.ShapeDtypeStruct((16, 64), jnp.float32),
    )


def kernel(x, edge_index, edge_attr, batch, A1, b1, root1, bias1,
           A2, b2, root2, bias2):
    pad = EP - E
    src = jnp.concatenate([edge_index[0], jnp.zeros((pad,), jnp.int32)])
    dst = jnp.concatenate([edge_index[1], jnp.full((pad,), N, jnp.int32)])
    a = jnp.concatenate([edge_attr[:, 0], jnp.zeros((pad,), jnp.float32)])
    src2 = src.reshape(EP // BB, BB)
    dst_row = dst.reshape(1, EP)
    a2 = a.reshape(EP, 1)

    A1m = A1.reshape(F_IN, F_MID)
    b1m = b1.reshape(F_IN, F_MID)
    A2m = A2.reshape(F_MID, F_MID)
    b2m = b2.reshape(F_MID, F_MID)
    bias1m = bias1.reshape(1, F_MID)
    bias2m = bias2.reshape(1, F_MID)
    batch2 = batch.reshape(N, 1)

    xs = _sc_gather(F_IN)(x, src2)
    msgs = _tc_edge(F_IN)(xs, a2, A1m, b1m)
    agg, deg = _tc_scatter(True)(dst_row, msgs)
    h = _tc_combine(F_IN, True)(x, root1, agg, deg, bias1m)

    hs = _sc_gather(F_IN)(h, src2)
    msgs2 = _tc_edge(F_MID)(hs, a2, A2m, b2m)
    (agg2,) = _tc_scatter(False)(dst_row, msgs2)
    h2 = _tc_combine(F_MID, False)(h[:, :F_MID], root2, agg2, deg, bias2m)

    pooled = _tc_pool()(h2, batch2)
    return pooled[:NG]

# --- scband reference (transcript-rebuilt; emitter-appended) ---
"""Pipeline reference for scband-actor-network-19215683682359 (READ-ONLY COPY).

The authoritative reference and input builder live on the scoring server;
editing this copy changes nothing except your own understanding.
"""

import jax, jax.numpy as jnp
import numpy as np

N = 10000
E = 160000
F_IN = 128
F_MID = 64
NG = 10
CHUNK = 4000


def setup_inputs(seed: int = 0) -> dict:
    key = jax.random.key(seed)
    ks = jax.random.split(key, 12)
    x = jax.random.normal(ks[0], (N, F_IN), dtype=jnp.float32)
    edge_index = jax.random.randint(ks[1], (2, E), 0, N, dtype=jnp.int32)
    edge_attr = jax.random.uniform(ks[2], (E, 1), dtype=jnp.float32)
    batch = jnp.sort(jax.random.randint(ks[3], (N,), 0, NG, dtype=jnp.int32))
    # NNConv layer 1 params: edge-MLP Linear(1 -> F_IN*F_MID) + ReLU, root weight, bias
    A1 = jax.random.normal(ks[4], (1, F_IN * F_MID), dtype=jnp.float32) * 0.1
    b1 = jax.random.normal(ks[5], (F_IN * F_MID,), dtype=jnp.float32) * 0.01
    root1 = jax.random.normal(ks[6], (F_IN, F_MID), dtype=jnp.float32) * (1.0 / np.sqrt(F_IN))
    bias1 = jnp.zeros((F_MID,), dtype=jnp.float32)
    # NNConv layer 2 params: edge-MLP Linear(1 -> F_MID*F_MID) + ReLU
    A2 = jax.random.normal(ks[7], (1, F_MID * F_MID), dtype=jnp.float32) * 0.1
    b2 = jax.random.normal(ks[8], (F_MID * F_MID,), dtype=jnp.float32) * 0.01
    root2 = jax.random.normal(ks[9], (F_MID, F_MID), dtype=jnp.float32) * (1.0 / np.sqrt(F_MID))
    bias2 = jnp.zeros((F_MID,), dtype=jnp.float32)
    return {"x": x, "edge_index": edge_index, "edge_attr": edge_attr, "batch": batch,
            "A1": A1, "b1": b1, "root1": root1, "bias1": bias1,
            "A2": A2, "b2": b2, "root2": root2, "bias2": bias2}


def _nnconv(x, edge_index, edge_attr, A, b, root, bias, out_c, chunk):
    # PyG NNConv with aggr='mean': out_i = x_i @ root + mean_{j->i}(x_j @ W(e_ji)) + bias
    src = edge_index[0]
    dst = edge_index[1]
    in_c = x.shape[1]
    e = edge_attr.shape[0]
    n = x.shape[0]
    nch = e // chunk
    ea = edge_attr.reshape(nch, chunk, edge_attr.shape[1])
    sr = src.reshape(nch, chunk)

    def f(args):
        ea_c, sr_c = args
        w = jax.nn.relu(ea_c @ A + b).reshape(chunk, in_c, out_c)
        return jnp.einsum('ei,eio->eo', x[sr_c], w)

    msgs = jax.lax.map(jax.checkpoint(f), (ea, sr)).reshape(e, out_c)
    agg = jax.ops.segment_sum(msgs, dst, num_segments=n)
    deg = jax.ops.segment_sum(jnp.ones((e,), x.dtype), dst, num_segments=n)
    agg = agg / jnp.maximum(deg, 1.0)[:, None]
    return x @ root + agg + bias


def reference(x, edge_index, edge_attr, batch, A1, b1, root1, bias1, A2, b2, root2, bias2):
    h = jax.nn.relu(_nnconv(x, edge_index, edge_attr, A1, b1, root1, bias1, F_MID, CHUNK))
    h = jax.nn.relu(_nnconv(h, edge_index, edge_attr, A2, b2, root2, bias2, F_MID, CHUNK))
    # global_mean_pool over batch vector
    s = jax.ops.segment_sum(h, batch, num_segments=NG)
    c = jax.ops.segment_sum(jnp.ones((h.shape[0],), h.dtype), batch, num_segments=NG)
    return s / jnp.maximum(c, 1.0)[:, None]

if __name__ == "__main__":
    import jax
    _d = setup_inputs()
    print(jax.jit(kernel)(*tuple(_d.values())))

</pallas_src>

<mosaic_0001>
#map = affine_map<(d0, d1) -> (0, 0)>
module attributes {stable_mosaic.version = 14 : i64} {
  func.func @k(%arg0: i32, %arg1: i32, %arg2: memref<10000x128xf32, #tpu.memory_space<hbm>>, %arg3: memref<1280x128xi32, #tpu.memory_space<hbm>>, %arg4: memref<163840x128xf32, #tpu.memory_space<hbm>>, %arg5: memref<40x128xi32, #tpu.memory_space<vmem>>, %arg6: memref<128x128xf32, #tpu.memory_space<vmem>>, %arg7: memref<!tpu.dma_semaphore, #tpu.memory_space<semaphore_mem>>) attributes {dimension_semantics = [#tpu.dimension_semantics<core_parallel>, #tpu.dimension_semantics<subcore_parallel>], iteration_bounds = array<i64: 2, 16>, scalar_prefetch = 0 : i64, scratch_operands = 3 : i64, tpu.core_type = #tpu.core_type<sc_vector_subcore>, window_params = [{transform_indices = #map}, {transform_indices = #map}, {transform_indices = #map}]} {
    %mul3A = arith.constant 2 : i32
    %mul3A_0 = arith.muli %arg1, %mul3A : i32
    %add3A = arith.addi %mul3A_0, %arg0 : i32
    %mul3A_1 = arith.constant 40 : i32
    %mul3A_2 = arith.muli %add3A, %mul3A_1 : i32
    "tpu.region"() ({
      %run_scoped3A = tpu.sem_alloc : memref<!tpu.dma_semaphore, #tpu.memory_space<semaphore_mem>>
      %dma_start3A = arith.constant 0 : i32
      %dma_start3A_8 = tpu.memref_slice %arg3[%mul3A_2, %dma_start3A] : memref<1280x128xi32, #tpu.memory_space<hbm>> -> memref<40x128xi32, #tpu.memory_space<hbm>>
      %dma_start3A_9 = arith.constant 0 : i32
      %dma_start3A_10 = tpu.memref_slice %arg3[%mul3A_2, %dma_start3A_9] : memref<1280x128xi32, #tpu.memory_space<hbm>> -> memref<40x128xi32, #tpu.memory_space<hbm>>
      tpu.enqueue_dma source(%dma_start3A_10 : memref<40x128xi32, #tpu.memory_space<hbm>>) target(%arg5 : memref<40x128xi32, #tpu.memory_space<vmem>>) target_semaphore(%run_scoped3A : memref<!tpu.dma_semaphore, #tpu.memory_space<semaphore_mem>>)
      %dma_wait3A = arith.constant 0 : i32
      %dma_wait3A_11 = tpu.memref_slice %arg3[%mul3A_2, %dma_wait3A] : memref<1280x128xi32, #tpu.memory_space<hbm>> -> memref<40x128xi32, #tpu.memory_space<hbm>>
      %dma_wait3A_12 = arith.constant 0 : i32
      %dma_wait3A_13 = tpu.memref_slice %arg3[%mul3A_2, %dma_wait3A_12] : memref<1280x128xi32, #tpu.memory_space<hbm>> -> memref<40x128xi32, #tpu.memory_space<hbm>>
      tpu.wait_dma2 semaphore(%run_scoped3A : memref<!tpu.dma_semaphore, #tpu.memory_space<semaphore_mem>>) src(%dma_wait3A_13 : memref<40x128xi32, #tpu.memory_space<hbm>>) dst(%arg5 : memref<40x128xi32, #tpu.memory_space<vmem>>)
      tpu.yield
    }) : () -> ()
    %scan3A = arith.constant 0 : i32
    %scan3A_3 = arith.constant 0 : i32
    %scan3A_4 = arith.constant 40 : i32
    %scan3A_5 = arith.addi %scan3A_3, %scan3A_4 : i32
    %scan3A_6 = arith.constant 1 : i32
    scf.for %scan3A_8 = %scan3A_3 to %scan3A_5 step %scan3A_6  : i32 {
      %dma_start3A = arith.constant 0 : i32
      %dma_start3A_9 = tpu.memref_slice %arg5[%scan3A_8, %dma_start3A] : memref<40x128xi32, #tpu.memory_space<vmem>> -> memref<1x128xi32, #tpu.memory_space<vmem>>
      %dma_start3A_10 = tpu.memref_squeeze %dma_start3A_9 : memref<1x128xi32, #tpu.memory_space<vmem>> -> memref<128xi32, #tpu.memory_space<vmem>>
      %dma_start3A_11 = arith.constant 0 : i32
      %dma_start3A_12 = arith.constant 0 : i32
      %dma_start3A_13 = tpu.memref_slice %arg2[%dma_start3A_11, %dma_start3A_12] : memref<10000x128xf32, #tpu.memory_space<hbm>> -> memref<10000x128xf32, #tpu.memory_space<hbm>>
      tpu.enqueue_indirect_dma source(%dma_start3A_13 : memref<10000x128xf32, #tpu.memory_space<hbm>>) target(%arg6 : memref<128x128xf32, #tpu.memory_space<vmem>>) offsets(%dma_start3A_10 : memref<128xi32, #tpu.memory_space<vmem>>) semaphore(%arg7 : memref<!tpu.dma_semaphore, #tpu.memory_space<semaphore_mem>>)
      %dma_wait3A = arith.constant 0 : i32
      %dma_wait3A_14 = tpu.memref_slice %arg5[%scan3A_8, %dma_wait3A] : memref<40x128xi32, #tpu.memory_space<vmem>> -> memref<1x128xi32, #tpu.memory_space<vmem>>
      %dma_wait3A_15 = tpu.memref_squeeze %dma_wait3A_14 : memref<1x128xi32, #tpu.memory_space<vmem>> -> memref<128xi32, #tpu.memory_space<vmem>>
      %dma_wait3A_16 = arith.constant 0 : i32
      %dma_wait3A_17 = arith.constant 0 : i32
      %dma_wait3A_18 = tpu.memref_slice %arg2[%dma_wait3A_16, %dma_wait3A_17] : memref<10000x128xf32, #tpu.memory_space<hbm>> -> memref<10000x128xf32, #tpu.memory_space<hbm>>
      tpu.wait_indirect_dma semaphore(%arg7 : memref<!tpu.dma_semaphore, #tpu.memory_space<semaphore_mem>>) src(%dma_wait3A_18 : memref<10000x128xf32, #tpu.memory_space<hbm>>) dst(%arg6 : memref<128x128xf32, #tpu.memory_space<vmem>>)
      %mul3A_19 = arith.constant 5120 : i32
      %mul3A_20 = arith.muli %add3A, %mul3A_19 : i32
      %mul3A_21 = arith.constant 128 : i32
      %mul3A_22 = arith.muli %scan3A_8, %mul3A_21 : i32
      %add3A_23 = arith.addi %mul3A_20, %mul3A_22 : i32
      "tpu.region"() ({
        %run_scoped3A = tpu.sem_alloc : memref<!tpu.dma_semaphore, #tpu.memory_space<semaphore_mem>>
        %dma_start3A_24 = arith.constant 0 : i32
        %dma_start3A_25 = tpu.memref_slice %arg4[%add3A_23, %dma_start3A_24] : memref<163840x128xf32, #tpu.memory_space<hbm>> -> memref<128x128xf32, #tpu.memory_space<hbm>>
        %dma_start3A_26 = arith.constant 0 : i32
        %dma_start3A_27 = tpu.memref_slice %arg4[%add3A_23, %dma_start3A_26] : memref<163840x128xf32, #tpu.memory_space<hbm>> -> memref<128x128xf32, #tpu.memory_space<hbm>>
        tpu.enqueue_dma source(%arg6 : memref<128x128xf32, #tpu.memory_space<vmem>>) target(%dma_start3A_27 : memref<128x128xf32, #tpu.memory_space<hbm>>) target_semaphore(%run_scoped3A : memref<!tpu.dma_semaphore, #tpu.memory_space<semaphore_mem>>)
        %dma_wait3A_28 = arith.constant 0 : i32
        %dma_wait3A_29 = tpu.memref_slice %arg4[%add3A_23, %dma_wait3A_28] : memref<163840x128xf32, #tpu.memory_space<hbm>> -> memref<128x128xf32, #tpu.memory_space<hbm>>
        %dma_wait3A_30 = arith.constant 0 : i32
        %dma_wait3A_31 = tpu.memref_slice %arg4[%add3A_23, %dma_wait3A_30] : memref<163840x128xf32, #tpu.memory_space<hbm>> -> memref<128x128xf32, #tpu.memory_space<hbm>>
        tpu.wait_dma2 semaphore(%run_scoped3A : memref<!tpu.dma_semaphore, #tpu.memory_space<semaphore_mem>>) src(%arg6 : memref<128x128xf32, #tpu.memory_space<vmem>>) dst(%dma_wait3A_31 : memref<128x128xf32, #tpu.memory_space<hbm>>)
        tpu.yield
      }) : () -> ()
    }
    %scan3A_7 = arith.constant 40 : i32
    return
  }
}

#map = affine_map<(d0, d1) -> (0, 0)>
module attributes {stable_mosaic.version = 14 : i64} {
  func.func @k(%arg0: i32, %arg1: i32, %arg2: memref<10000x128xf32, #tpu.memory_space<hbm>>, %arg3: memref<1280x128xi32, #tpu.memory_space<hbm>>, %arg4: memref<163840x128xf32, #tpu.memory_space<hbm>>, %arg5: memref<40x128xi32, #tpu.memory_space<vmem>>, %arg6: memref<128x128xf32, #tpu.memory_space<vmem>>, %arg7: memref<!tpu.dma_semaphore, #tpu.memory_space<semaphore_mem>>) attributes {dimension_semantics = [#tpu.dimension_semantics<core_parallel>, #tpu.dimension_semantics<subcore_parallel>], iteration_bounds = array<i64: 2, 16>, scalar_prefetch = 0 : i64, scratch_operands = 3 : i64, tpu.core_type = #tpu.core_type<sc_vector_subcore>, window_params = [{transform_indices = #map}, {transform_indices = #map}, {transform_indices = #map}]} {
    %mul3A = arith.constant 2 : i32
    %mul3A_0 = arith.muli %arg1, %mul3A : i32
    %add3A = arith.addi %mul3A_0, %arg0 : i32
    %mul3A_1 = arith.constant 40 : i32
    %mul3A_2 = arith.muli %add3A, %mul3A_1 : i32
    "tpu.region"() ({
      %run_scoped3A = tpu.sem_alloc : memref<!tpu.dma_semaphore, #tpu.memory_space<semaphore_mem>>
      %dma_start3A = arith.constant 0 : i32
      %dma_start3A_8 = tpu.memref_slice %arg3[%mul3A_2, %dma_start3A] : memref<1280x128xi32, #tpu.memory_space<hbm>> -> memref<40x128xi32, #tpu.memory_space<hbm>>
      %dma_start3A_9 = arith.constant 0 : i32
      %dma_start3A_10 = tpu.memref_slice %arg3[%mul3A_2, %dma_start3A_9] : memref<1280x128xi32, #tpu.memory_space<hbm>> -> memref<40x128xi32, #tpu.memory_space<hbm>>
      tpu.enqueue_dma source(%dma_start3A_10 : memref<40x128xi32, #tpu.memory_space<hbm>>) target(%arg5 : memref<40x128xi32, #tpu.memory_space<vmem>>) target_semaphore(%run_scoped3A : memref<!tpu.dma_semaphore, #tpu.memory_space<semaphore_mem>>)
      %dma_wait3A = arith.constant 0 : i32
      %dma_wait3A_11 = tpu.memref_slice %arg3[%mul3A_2, %dma_wait3A] : memref<1280x128xi32, #tpu.memory_space<hbm>> -> memref<40x128xi32, #tpu.memory_space<hbm>>
      %dma_wait3A_12 = arith.constant 0 : i32
      %dma_wait3A_13 = tpu.memref_slice %arg3[%mul3A_2, %dma_wait3A_12] : memref<1280x128xi32, #tpu.memory_space<hbm>> -> memref<40x128xi32, #tpu.memory_space<hbm>>
      tpu.wait_dma2 semaphore(%run_scoped3A : memref<!tpu.dma_semaphore, #tpu.memory_space<semaphore_mem>>) src(%dma_wait3A_13 : memref<40x128xi32, #tpu.memory_space<hbm>>) dst(%arg5 : memref<40x128xi32, #tpu.memory_space<vmem>>)
      tpu.yield
    }) : () -> ()
    %scan3A = arith.constant 0 : i32
    %scan3A_3 = arith.constant 0 : i32
    %scan3A_4 = arith.constant 40 : i32
    %scan3A_5 = arith.addi %scan3A_3, %scan3A_4 : i32
    %scan3A_6 = arith.constant 1 : i32
    scf.for %scan3A_8 = %scan3A_3 to %scan3A_5 step %scan3A_6  : i32 {
      %dma_start3A = arith.constant 0 : i32
      %dma_start3A_9 = tpu.memref_slice %arg5[%scan3A_8, %dma_start3A] : memref<40x128xi32, #tpu.memory_space<vmem>> -> memref<1x128xi32, #tpu.memory_space<vmem>>
      %dma_start3A_10 = tpu.memref_squeeze %dma_start3A_9 : memref<1x128xi32, #tpu.memory_space<vmem>> -> memref<128xi32, #tpu.memory_space<vmem>>
      %dma_start3A_11 = arith.constant 0 : i32
      %dma_start3A_12 = arith.constant 0 : i32
      %dma_start3A_13 = tpu.memref_slice %arg2[%dma_start3A_11, %dma_start3A_12] : memref<10000x128xf32, #tpu.memory_space<hbm>> -> memref<10000x128xf32, #tpu.memory_space<hbm>>
      tpu.enqueue_indirect_dma source(%dma_start3A_13 : memref<10000x128xf32, #tpu.memory_space<hbm>>) target(%arg6 : memref<128x128xf32, #tpu.memory_space<vmem>>) offsets(%dma_start3A_10 : memref<128xi32, #tpu.memory_space<vmem>>) semaphore(%arg7 : memref<!tpu.dma_semaphore, #tpu.memory_space<semaphore_mem>>)
      %dma_wait3A = arith.constant 0 : i32
      %dma_wait3A_14 = tpu.memref_slice %arg5[%scan3A_8, %dma_wait3A] : memref<40x128xi32, #tpu.memory_space<vmem>> -> memref<1x128xi32, #tpu.memory_space<vmem>>
      %dma_wait3A_15 = tpu.memref_squeeze %dma_wait3A_14 : memref<1x128xi32, #tpu.memory_space<vmem>> -> memref<128xi32, #tpu.memory_space<vmem>>
      %dma_wait3A_16 = arith.constant 0 : i32
      %dma_wait3A_17 = arith.constant 0 : i32
      %dma_wait3A_18 = tpu.memref_slice %arg2[%dma_wait3A_16, %dma_wait3A_17] : memref<10000x128xf32, #tpu.memory_space<hbm>> -> memref<10000x128xf32, #tpu.memory_space<hbm>>
      tpu.wait_indirect_dma semaphore(%arg7 : memref<!tpu.dma_semaphore, #tpu.memory_space<semaphore_mem>>) src(%dma_wait3A_18 : memref<10000x128xf32, #tpu.memory_space<hbm>>) dst(%arg6 : memref<128x128xf32, #tpu.memory_space<vmem>>)
      %mul3A_19 = arith.constant 5120 : i32
      %mul3A_20 = arith.muli %add3A, %mul3A_19 : i32
      %mul3A_21 = arith.constant 128 : i32
      %mul3A_22 = arith.muli %scan3A_8, %mul3A_21 : i32
      %add3A_23 = arith.addi %mul3A_20, %mul3A_22 : i32
      "tpu.region"() ({
        %run_scoped3A = tpu.sem_alloc : memref<!tpu.dma_semaphore, #tpu.memory_space<semaphore_mem>>
        %dma_start3A_24 = arith.constant 0 : i32
        %dma_start3A_25 = tpu.memref_slice %arg4[%add3A_23, %dma_start3A_24] : memref<163840x128xf32, #tpu.memory_space<hbm>> -> memref<128x128xf32, #tpu.memory_space<hbm>>
        %dma_start3A_26 = arith.constant 0 : i32
        %dma_start3A_27 = tpu.memref_slice %arg4[%add3A_23, %dma_start3A_26] : memref<163840x128xf32, #tpu.memory_space<hbm>> -> memref<128x128xf32, #tpu.memory_space<hbm>>
        tpu.enqueue_dma source(%arg6 : memref<128x128xf32, #tpu.memory_space<vmem>>) target(%dma_start3A_27 : memref<128x128xf32, #tpu.memory_space<hbm>>) target_semaphore(%run_scoped3A : memref<!tpu.dma_semaphore, #tpu.memory_space<semaphore_mem>>)
        %dma_wait3A_28 = arith.constant 0 : i32
        %dma_wait3A_29 = tpu.memref_slice %arg4[%add3A_23, %dma_wait3A_28] : memref<163840x128xf32, #tpu.memory_space<hbm>> -> memref<128x128xf32, #tpu.memory_space<hbm>>
        %dma_wait3A_30 = arith.constant 0 : i32
        %dma_wait3A_31 = tpu.memref_slice %arg4[%add3A_23, %dma_wait3A_30] : memref<163840x128xf32, #tpu.memory_space<hbm>> -> memref<128x128xf32, #tpu.memory_space<hbm>>
        tpu.wait_dma2 semaphore(%run_scoped3A : memref<!tpu.dma_semaphore, #tpu.memory_space<semaphore_mem>>) src(%arg6 : memref<128x128xf32, #tpu.memory_space<vmem>>) dst(%dma_wait3A_31 : memref<128x128xf32, #tpu.memory_space<hbm>>)
        tpu.yield
      }) : () -> ()
    }
    %scan3A_7 = arith.constant 40 : i32
    return
  }
}

module attributes {stable_mosaic.version = 14 : i64} {
  func.func @body(%arg0: i32, %arg1: i32, %arg2: memref<1x512xi32, #tpu.memory_space<vmem>>, %arg3: memref<512x64xf32, #tpu.memory_space<vmem>>, %arg4: memref<1280x64xf32, #tpu.memory_space<vmem>>, %arg5: memref<1280x16xf32, #tpu.memory_space<vmem>>) attributes {dimension_semantics = [#tpu.dimension_semantics<arbitrary>, #tpu.dimension_semantics<arbitrary>], iteration_bounds = array<i64: 8, 320>, scalar_prefetch = 0 : i64, scratch_operands = 0 : i64, tpu.core_type = #tpu.core_type<tc>, window_params = [{transform_indices = @transform_0, window_bounds = array<i64: 1, 512>}, {transform_indices = @transform_1, window_bounds = array<i64: 512, 64>}, {transform_indices = @transform_2, window_bounds = array<i64: 1280, 64>}, {transform_indices = @transform_3, window_bounds = array<i64: 1280, 16>}]} {
    %eq3A = arith.constant 0 : i32
    %eq3A_0 = arith.cmpi eq, %arg1, %eq3A : i32
    %convert_element_type3A = arith.extui %eq3A_0 : i1 to i32
    %cond3A = arith.constant 0 : i32
    %cond3A_1 = arith.cmpi ne, %convert_element_type3A, %cond3A : i32
    scf.if %cond3A_1 {
      %broadcast_in_dim3A_32 = arith.constant 0.000000e+00 : f32
      %broadcast_in_dim3A_33 = vector.broadcast %broadcast_in_dim3A_32 : f32 to vector<1280x64xf32>
      %swap3A_34 = arith.constant 0 : index
      %swap3A_35 = arith.constant 0 : index
      %swap3A_36 = vector.load %arg4[%swap3A_34, %swap3A_35] : memref<1280x64xf32, #tpu.memory_space<vmem>>, vector<1280x64xf32>
      tpu.vector_store %arg4[%swap3A_34, %swap3A_35], %broadcast_in_dim3A_33 {strides = array<i32>} : memref<1280x64xf32, #tpu.memory_space<vmem>>, vector<1280x64xf32>,
      %broadcast_in_dim3A_37 = arith.constant 0.000000e+00 : f32
      %broadcast_in_dim3A_38 = vector.broadcast %broadcast_in_dim3A_37 : f32 to vector<1280x16xf32>
      %swap3A_39 = arith.constant 0 : index
      %swap3A_40 = arith.constant 0 : index
      %swap3A_41 = vector.load %arg5[%swap3A_39, %swap3A_40] : memref<1280x16xf32, #tpu.memory_space<vmem>>, vector<1280x16xf32>
      tpu.vector_store %arg5[%swap3A_39, %swap3A_40], %broadcast_in_dim3A_38 {strides = array<i32>} : memref<1280x16xf32, #tpu.memory_space<vmem>>, vector<1280x16xf32>,
    } else {
    }
    %iota3A = tpu.iota {dimensions = array<i32: 0>} : vector<1280x512xi32>
    %mul3A = arith.constant 1280 : i32
    %mul3A_2 = arith.muli %arg0, %mul3A : i32
    %add3A = vector.broadcast %mul3A_2 : i32 to vector<1280x512xi32>
    %add3A_3 = arith.addi %iota3A, %add3A : vector<1280x512xi32>
    %get3A = arith.constant 0 : index
    %get3A_4 = arith.constant 0 : index
    %get3A_5 = vector.load %arg2[%get3A, %get3A_4] : memref<1x512xi32, #tpu.memory_space<vmem>>, vector<1x512xi32>
    %eq3A_6 = vector.broadcast %get3A_5 : vector<1x512xi32> to vector<1280x512xi32>
    %eq3A_7 = arith.cmpi eq, %eq3A_6, %add3A_3 : vector<1280x512xi32>
    %convert_element_type3A_8 = arith.extui %eq3A_7 : vector<1280x512xi1> to vector<1280x512xi32>
    %convert_element_type3A_9 = arith.sitofp %convert_element_type3A_8 : vector<1280x512xi32> to vector<1280x512xf32>
    %convert_element_type3A_10 = arith.truncf %convert_element_type3A_9 : vector<1280x512xf32> to vector<1280x512xbf16>
    %get3A_11 = arith.constant 0 : index
    %get3A_12 = arith.constant 0 : index
    %get3A_13 = vector.load %arg4[%get3A_11, %get3A_12] : memref<1280x64xf32, #tpu.memory_space<vmem>>, vector<1280x64xf32>
    %get3A_14 = arith.constant 0 : index
    %get3A_15 = arith.constant 0 : index
    %get3A_16 = vector.load %arg3[%get3A_14, %get3A_15] : memref<512x64xf32, #tpu.memory_space<vmem>>, vector<512x64xf32>
    %convert_element_type3A_17 = arith.truncf %get3A_16 : vector<512x64xf32> to vector<512x64xbf16>
    %dot_general3A = arith.constant dense<0.000000e+00> : vector<1280x64xf32>
    %dot_general3A_18 = tpu.matmul %convert_element_type3A_10, %convert_element_type3A_17, %dot_general3A {dimension_numbers = #tpu.dot_dimension_numbers<[1], [0], [0], [1], [0, 0, 1, 1], [], []>, transpose_lhs_hint = false} : vector<1280x512xbf16>, vector<512x64xbf16>, vector<1280x64xf32> -> vector<1280x64xf32>
    %add3A_19 = arith.addf %get3A_13, %dot_general3A_18 : vector<1280x64xf32>
    %swap3A = arith.constant 0 : index
    %swap3A_20 = arith.constant 0 : index
    %swap3A_21 = vector.load %arg4[%swap3A, %swap3A_20] : memref<1280x64xf32, #tpu.memory_space<vmem>>, vector<1280x64xf32>
    tpu.vector_store %arg4[%swap3A, %swap3A_20], %add3A_19 {strides = array<i32>} : memref<1280x64xf32, #tpu.memory_space<vmem>>, vector<1280x64xf32>,
    %get3A_22 = arith.constant 0 : index
    %get3A_23 = arith.constant 0 : index
    %get3A_24 = vector.load %arg5[%get3A_22, %get3A_23] : memref<1280x16xf32, #tpu.memory_space<vmem>>, vector<1280x16xf32>
    %broadcast_in_dim3A = arith.constant 1.000000e+00 : bf16
    %broadcast_in_dim3A_25 = vector.broadcast %broadcast_in_dim3A : bf16 to vector<512x16xbf16>
    %dot_general3A_26 = arith.constant dense<0.000000e+00> : vector<1280x16xf32>
    %dot_general3A_27 = tpu.matmul %convert_element_type3A_10, %broadcast_in_dim3A_25, %dot_general3A_26 {dimension_numbers = #tpu.dot_dimension_numbers<[1], [0], [0], [1], [0, 0, 1, 1], [], []>, transpose_lhs_hint = false} : vector<1280x512xbf16>, vector<512x16xbf16>, vector<1280x16xf32> -> vector<1280x16xf32>
    %add3A_28 = arith.addf %get3A_24, %dot_general3A_27 : vector<1280x16xf32>
    %swap3A_29 = arith.constant 0 : index
    %swap3A_30 = arith.constant 0 : index
    %swap3A_31 = vector.load %arg5[%swap3A_29, %swap3A_30] : memref<1280x16xf32, #tpu.memory_space<vmem>>, vector<1280x16xf32>
    tpu.vector_store %arg5[%swap3A_29, %swap3A_30], %add3A_28 {strides = array<i32>} : memref<1280x16xf32, #tpu.memory_space<vmem>>, vector<1280x16xf32>,
    return
  }
  func.func @transform_0(%arg0: i32, %arg1: i32) -> (i32, i32) {
    %c0_i32 = arith.constant 0 : i32
    %c0_i32_0 = arith.constant 0 : i32
    return %c0_i32, %arg1 : i32, i32
  }
  func.func @transform_1(%arg0: i32, %arg1: i32) -> (i32, i32) {
    %c0_i32 = arith.constant 0 : i32
    %c0_i32_0 = arith.constant 0 : i32
    return %arg1, %c0_i32 : i32, i32
  }
  func.func @transform_2(%arg0: i32, %arg1: i32) -> (i32, i32) {
    %c0_i32 = arith.constant 0 : i32
    %c0_i32_0 = arith.constant 0 : i32
    return %arg0, %c0_i32 : i32, i32
  }
  func.func @transform_3(%arg0: i32, %arg1: i32) -> (i32, i32) {
    %c0_i32 = arith.constant 0 : i32
    %c0_i32_0 = arith.constant 0 : i32
    return %arg0, %c0_i32 : i32, i32
  }
}

module attributes {stable_mosaic.version = 14 : i64} {
  func.func @body(%arg0: i32, %arg1: memref<256x128xf32, #tpu.memory_space<vmem>>, %arg2: memref<256x1xf32, #tpu.memory_space<vmem>>, %arg3: memref<128x64xf32, #tpu.memory_space<vmem>>, %arg4: memref<128x64xf32, #tpu.memory_space<vmem>>, %arg5: memref<256x64xf32, #tpu.memory_space<vmem>>) attributes {dimension_semantics = [#tpu.dimension_semantics<arbitrary>], iteration_bounds = array<i64: 640>, scalar_prefetch = 0 : i64, scratch_operands = 0 : i64, tpu.core_type = #tpu.core_type<tc>, window_params = [{transform_indices = @transform_0, window_bounds = array<i64: 256, 128>}, {transform_indices = @transform_1, window_bounds = array<i64: 256, 1>}, {pipeline_mode = #tpu.pipeline_mode<synchronous>, transform_indices = @transform_2, window_bounds = array<i64: 128, 64>}, {pipeline_mode = #tpu.pipeline_mode<synchronous>, transform_indices = @transform_3, window_bounds = array<i64: 128, 64>}, {transform_indices = @transform_4, window_bounds = array<i64: 256, 64>}]} {
    %get3A = arith.constant 0 : index
    %get3A_0 = arith.constant 0 : index
    %get3A_1 = vector.load %arg2[%get3A, %get3A_0] : memref<256x1xf32, #tpu.memory_space<vmem>>, vector<256x1xf32>
    %broadcast_in_dim3A = arith.constant 0.000000e+00 : f32
    %broadcast_in_dim3A_2 = vector.broadcast %broadcast_in_dim3A : f32 to vector<256x64xf32>
    %get3A_3 = arith.constant 0 : index
    %get3A_4 = arith.constant 0 : index
    %get3A_5 = vector.load %arg3[%get3A_3, %get3A_4] : memref<128x64xf32, #tpu.memory_space<vmem>>, vector<1x64xf32>
    %mul3A = vector.broadcast %get3A_1 : vector<256x1xf32> to vector<256x64xf32>
    %mul3A_6 = vector.broadcast %get3A_5 : vector<1x64xf32> to vector<256x64xf32>
    %mul3A_7 = arith.mulf %mul3A, %mul3A_6 : vector<256x64xf32>
    %get3A_8 = arith.constant 0 : index
    %get3A_9 = arith.constant 0 : index
    %get3A_10 = vector.load %arg4[%get3A_8, %get3A_9] : memref<128x64xf32, #tpu.memory_space<vmem>>, vector<1x64xf32>
    %add3A = vector.broadcast %get3A_10 : vector<1x64xf32> to vector<256x64xf32>
    %add3A_11 = arith.addf %mul3A_7, %add3A : vector<256x64xf32>
    %max3A = arith.constant 0.000000e+00 : f32
    %max3A_12 = vector.broadcast %max3A : f32 to vector<256x64xf32>
    %max3A_13 = arith.maximumf %add3A_11, %max3A_12 : vector<256x64xf32>
    %get3A_14 = arith.constant 0 : index
    %get3A_15 = arith.constant 0 : index
    %get3A_16 = vector.load %arg1[%get3A_14, %get3A_15] : memref<256x128xf32, #tpu.memory_space<vmem>>, vector<256x1xf32>
    %mul3A_17 = vector.broadcast %get3A_16 : vector<256x1xf32> to vector<256x64xf32>
    %mul3A_18 = arith.mulf %mul3A_17, %max3A_13 : vector<256x64xf32>
    %add3A_19 = arith.addf %broadcast_in_dim3A_2, %mul3A_18 : vector<256x64xf32>
    %get3A_20 = arith.constant 1 : index
    %get3A_21 = arith.constant 0 : index
    %get3A_22 = vector.load %arg3[%get3A_20, %get3A_21] : memref<128x64xf32, #tpu.memory_space<vmem>>, vector<1x64xf32>
    %mul3A_23 = vector.broadcast %get3A_1 : vector<256x1xf32> to vector<256x64xf32>
    %mul3A_24 = vector.broadcast %get3A_22 : vector<1x64xf32> to vector<256x64xf32>
    %mul3A_25 = arith.mulf %mul3A_23, %mul3A_24 : vector<256x64xf32>
    %get3A_26 = arith.constant 1 : index
    %get3A_27 = arith.constant 0 : index
    %get3A_28 = vector.load %arg4[%get3A_26, %get3A_27] : memref<128x64xf32, #tpu.memory_space<vmem>>, vector<1x64xf32>
    %add3A_29 = vector.broadcast %get3A_28 : vector<1x64xf32> to vector<256x64xf32>
    %add3A_30 = arith.addf %mul3A_25, %add3A_29 : vector<256x64xf32>
    %max3A_31 = arith.constant 0.000000e+00 : f32
    %max3A_32 = vector.broadcast %max3A_31 : f32 to vector<256x64xf32>
    %max3A_33 = arith.maximumf %add3A_30, %max3A_32 : vector<256x64xf32>
    %get3A_34 = arith.constant 0 : index
    %get3A_35 = arith.constant 1 : index
    %get3A_36 = vector.load %arg1[%get3A_34, %get3A_35] : memref<256x128xf32, #tpu.memory_space<vmem>>, vector<256x1xf32>
    %mul3A_37 = vector.broadcast %get3A_36 : vector<256x1xf32> to vector<256x64xf32>
    %mul3A_38 = arith.mulf %mul3A_37, %max3A_33 : vector<256x64xf32>
    %add3A_39 = arith.addf %add3A_19, %mul3A_38 : vector<256x64xf32>
    %get3A_40 = arith.constant 2 : index
    %get3A_41 = arith.constant 0 : index
    %get3A_42 = vector.load %arg3[%get3A_40, %get3A_41] : memref<128x64xf32, #tpu.memory_space<vmem>>, vector<1x64xf32>
    %mul3A_43 = vector.broadcast %get3A_1 : vector<256x1xf32> to vector<256x64xf32>
    %mul3A_44 = vector.broadcast %get3A_42 : vector<1x64xf32> to vector<256x64xf32>
    %mul3A_45 = arith.mulf %mul3A_43, %mul3A_44 : vector<256x64xf32>
    %get3A_46 = arith.constant 2 : index
    %get3A_47 = arith.constant 0 : index
    %get3A_48 = vector.load %arg4[%get3A_46, %get3A_47] : memref<128x64xf32, #tpu.memory_space<vmem>>, vector<1x64xf32>
    %add3A_49 = vector.broadcast %get3A_48 : vector<1x64xf32> to vector<256x64xf32>
    %add3A_50 = arith.addf %mul3A_45, %add3A_49 : vector<256x64xf32>
    %max3A_51 = arith.constant 0.000000e+00 : f32
    %max3A_52 = vector.broadcast %max3A_51 : f32 to vector<256x64xf32>
    %max3A_53 = arith.maximumf %add3A_50, %max3A_52 : vector<256x64xf32>
    %get3A_54 = arith.constant 0 : index
    %get3A_55 = arith.constant 2 : index
    %get3A_56 = vector.load %arg1[%get3A_54, %get3A_55] : memref<256x128xf32, #tpu.memory_space<vmem>>, vector<256x1xf32>
    %mul3A_57 = vector.broadcast %get3A_56 : vector<256x1xf32> to vector<256x64xf32>
    %mul3A_58 = arith.mulf %mul3A_57, %max3A_53 : vector<256x64xf32>
    %add3A_59 = arith.addf %add3A_39, %mul3A_58 : vector<256x64xf32>
    %get3A_60 = arith.constant 3 : index
    %get3A_61 = arith.constant 0 : index
    %get3A_62 = vector.load %arg3[%get3A_60, %get3A_61] : memref<128x64xf32, #tpu.memory_space<vmem>>, vector<1x64xf32>
    %mul3A_63 = vector.broadcast %get3A_1 : vector<256x1xf32> to vector<256x64xf32>
    %mul3A_64 = vector.broadcast %get3A_62 : vector<1x64xf32> to vector<256x64xf32>
    %mul3A_65 = arith.mulf %mul3A_63, %mul3A_64 : vector<256x64xf32>
    %get3A_66 = arith.constant 3 : index
    %get3A_67 = arith.constant 0 : index
    %get3A_68 = vector.load %arg4[%get3A_66, %get3A_67] : memref<128x64xf32, #tpu.memory_space<vmem>>, vector<1x64xf32>
    %add3A_69 = vector.broadcast %get3A_68 : vector<1x64xf32> to vector<256x64xf32>
    %add3A_70 = arith.addf %mul3A_65, %add3A_69 : vector<256x64xf32>
    %max3A_71 = arith.constant 0.000000e+00 : f32
    %max3A_72 = vector.broadcast %max3A_71 : f32 to vector<256x64xf32>
    %max3A_73 = arith.maximumf %add3A_70, %max3A_72 : vector<256x64xf32>
    %get3A_74 = arith.constant 0 : index
    %get3A_75 = arith.constant 3 : index
    %get3A_76 = vector.load %arg1[%get3A_74, %get3A_75] : memref<256x128xf32, #tpu.memory_space<vmem>>, vector<256x1xf32>
    %mul3A_77 = vector.broadcast %get3A_76 : vector<256x1xf32> to vector<256x64xf32>
    %mul3A_78 = arith.mulf %mul3A_77, %max3A_73 : vector<256x64xf32>
    %add3A_79 = arith.addf %add3A_59, %mul3A_78 : vector<256x64xf32>
    %get3A_80 = arith.constant 4 : index
    %get3A_81 = arith.constant 0 : index
    %get3A_82 = vector.load %arg3[%get3A_80, %get3A_81] : memref<128x64xf32, #tpu.memory_space<vmem>>, vector<1x64xf32>
    %mul3A_83 = vector.broadcast %get3A_1 : vector<256x1xf32> to vector<256x64xf32>
    %mul3A_84 = vector.broadcast %get3A_82 : vector<1x64xf32> to vector<256x64xf32>
    %mul3A_85 = arith.mulf %mul3A_83, %mul3A_84 : vector<256x64xf32>
    %get3A_86 = arith.constant 4 : index
    %get3A_87 = arith.constant 0 : index
    %get3A_88 = vector.load %arg4[%get3A_86, %get3A_87] : memref<128x64xf32, #tpu.memory_space<vmem>>, vector<1x64xf32>
    %add3A_89 = vector.broadcast %get3A_88 : vector<1x64xf32> to vector<256x64xf32>
    %add3A_90 = arith.addf %mul3A_85, %add3A_89 : vector<256x64xf32>
    %max3A_91 = arith.constant 0.000000e+00 : f32
    %max3A_92 = vector.broadcast %max3A_91 : f32 to vector<256x64xf32>
    %max3A_93 = arith.maximumf %add3A_90, %max3A_92 : vector<256x64xf32>
    %get3A_94 = arith.constant 0 : index
    %get3A_95 = arith.constant 4 : index
    %get3A_96 = vector.load %arg1[%get3A_94, %get3A_95] : memref<256x128xf32, #tpu.memory_space<vmem>>, vector<256x1xf32>
    %mul3A_97 = vector.broadcast %get3A_96 : vector<256x1xf32> to vector<256x64xf32>
    %mul3A_98 = arith.mulf %mul3A_97, %max3A_93 : vector<256x64xf32>
    %add3A_99 = arith.addf %add3A_79, %mul3A_98 : vector<256x64xf32>
    %get3A_100 = arith.constant 5 : index
    %get3A_101 = arith.constant 0 : index
    %get3A_102 = vector.load %arg3[%get3A_100, %get3A_101] : memref<128x64xf32, #tpu.memory_space<vmem>>, vector<1x64xf32>
    %mul3A_103 = vector.broadcast %get3A_1 : vector<256x1xf32> to vector<256x64xf32>
    %mul3A_104 = vector.broadcast %get3A_102 : vector<1x64xf32> to vector<256x64xf32>
    %mul3A_105 = arith.mulf %mul3A_103, %mul3A_104 : vector<256x64xf32>
    %get3A_106 = arith.constant 5 : index
    %get3A_107 = arith.constant 0 : index
    %get3A_108 = vector.load %arg4[%get3A_106, %get3A_107] : memref<128x64xf32, #tpu.memory_space<vmem>>, vector<1x64xf32>
    %add3A_109 = vector.broadcast %get3A_108 : vector<1x64xf32> to vector<256x64xf32>
    %add3A_110 = arith.addf %mul3A_105, %add3A_109 : vector<256x64xf32>
    %max3A_111 = arith.constant 0.000000e+00 : f32
    %max3A_112 = vector.broadcast %max3A_111 : f32 to vector<256x64xf32>
    %max3A_113 = arith.maximumf %add3A_110, %max3A_112 : vector<256x64xf32>
    %get3A_114 = arith.constant 0 : index
    %get3A_115 = arith.constant 5 : index
    %get3A_116 = vector.load %arg1[%get3A_114, %get3A_115] : memref<256x128xf32, #tpu.memory_space<vmem>>, vector<256x1xf32>
    %mul3A_117 = vector.broadcast %get3A_116 : vector<256x1xf32> to vector<256x64xf32>
    %mul3A_118 = arith.mulf %mul3A_117, %max3A_113 : vector<256x64xf32>
    %add3A_119 = arith.addf %add3A_99, %mul3A_118 : vector<256x64xf32>
    %get3A_120 = arith.constant 6 : index
    %get3A_121 = arith.constant 0 : index
    %get3A_122 = vector.load %arg3[%get3A_120, %get3A_121] : memref<128x64xf32, #tpu.memory_space<vmem>>, vector<1x64xf32>
    %mul3A_123 = vector.broadcast %get3A_1 : vector<256x1xf32> to vector<256x64xf32>
    %mul3A_124 = vector.broadcast %get3A_122 : vector<1x64xf32> to vector<256x64xf32>
    %mul3A_125 = arith.mulf %mul3A_123, %mul3A_124 : vector<256x64xf32>
    %get3A_126 = arith.constant 6 : index
    %get3A_127 = arith.constant 0 : index
    %get3A_128 = vector.load %arg4[%get3A_126, %get3A_127] : memref<128x64xf32, #tpu.memory_space<vmem>>, vector<1x64xf32>
    %add3A_129 = vector.broadcast %get3A_128 : vector<1x64xf32> to vector<256x64xf32>
    %add3A_130 = arith.addf %mul3A_125, %add3A_129 : vector<256x64xf32>
    %max3A_131 = arith.constant 0.000000e+00 : f32
    %max3A_132 = vector.broadcast %max3A_131 : f32 to vector<256x64xf32>
    %max3A_133 = arith.maximumf %add3A_130, %max3A_132 : vector<256x64xf32>
    %get3A_134 = arith.constant 0 : index
    %get3A_135 = arith.constant 6 : index
    %get3A_136 = vector.load %arg1[%get3A_134, %get3A_135] : memref<256x128xf32, #tpu.memory_space<vmem>>, vector<256x1xf32>
    %mul3A_137 = vector.broadcast %get3A_136 : vector<256x1xf32> to vector<256x64xf32>
    %mul3A_138 = arith.mulf %mul3A_137, %max3A_133 : vector<256x64xf32>
    %add3A_139 = arith.addf %add3A_119, %mul3A_138 : vector<256x64xf32>
    %get3A_140 = arith.constant 7 : index
    %get3A_141 = arith.constant 0 : index
    %get3A_142 = vector.load %arg3[%get3A_140, %get3A_141] : memref<128x64xf32, #tpu.memory_space<vmem>>, vector<1x64xf32>
    %mul3A_143 = vector.broadcast %get3A_1 : vector<256x1xf32> to vector<256x64xf32>
    %mul3A_144 = vector.broadcast %get3A_142 : vector<1x64xf32> to vector<256x64xf32>
    %mul3A_145 = arith.mulf %mul3A_143, %mul3A_144 : vector<256x64xf32>
    %get3A_146 = arith.constant 7 : index
    %get3A_147 = arith.constant 0 : index
    %get3A_148 = vector.load %arg4[%get3A_146, %get3A_147] : memref<128x64xf32, #tpu.memory_space<vmem>>, vector<1x64xf32>
    %add3A_149 = vector.broadcast %get3A_148 : vector<1x64xf32> to vector<256x64xf32>
    %add3A_150 = arith.addf %mul3A_145, %add3A_149 : vector<256x64xf32>
    %max3A_151 = arith.constant 0.000000e+00 : f32
    %max3A_152 = vector.broadcast %max3A_151 : f32 to vector<256x64xf32>
    %max3A_153 = arith.maximumf %add3A_150, %max3A_152 : vector<256x64xf32>
    %get3A_154 = arith.constant 0 : index
    %get3A_155 = arith.constant 7 : index
    %get3A_156 = vector.load %arg1[%get3A_154, %get3A_155] : memref<256x128xf32, #tpu.memory_space<vmem>>, vector<256x1xf32>
    %mul3A_157 = vector.broadcast %get3A_156 : vector<256x1xf32> to vector<256x64xf32>
    %mul3A_158 = arith.mulf %mul3A_157, %max3A_153 : vector<256x64xf32>
    %add3A_159 = arith.addf %add3A_139, %mul3A_158 : vector<256x64xf32>
    %get3A_160 = arith.constant 8 : index
    %get3A_161 = arith.constant 0 : index
    %get3A_162 = vector.load %arg3[%get3A_160, %get3A_161] : memref<128x64xf32, #tpu.memory_space<vmem>>, vector<1x64xf32>
    %mul3A_163 = vector.broadcast %get3A_1 : vector<256x1xf32> to vector<256x64xf32>
    %mul3A_164 = vector.broadcast %get3A_162 : vector<1x64xf32> to vector<256x64xf32>
    %mul3A_165 = arith.mulf %mul3A_163, %mul3A_164 : vector<256x64xf32>
    %get3A_166 = arith.constant 8 : index
    %get3A_167 = arith.constant 0 : index
    %get3A_168 = vector.load %arg4[%get3A_166, %get3A_167] : memref<128x64xf32, #tpu.memory_space<vmem>>, vector<1x64xf32>
    %add3A_169 = vector.broadcast %get3A_168 : vector<1x64xf32> to vector<256x64xf32>
    %add3A_170 = arith.addf %mul3A_165, %add3A_169 : vector<256x64xf32>
    %max3A_171 = arith.constant 0.000000e+00 : f32
    %max3A_172 = vector.broadcast %max3A_171 : f32 to vector<256x64xf32>
    %max3A_173 = arith.maximumf %add3A_170, %max3A_172 : vector<256x64xf32>
    %get3A_174 = arith.constant 0 : index
    %get3A_175 = arith.constant 8 : index
    %get3A_176 = vector.load %arg1[%get3A_174, %get3A_175] : memref<256x128xf32, #tpu.memory_space<vmem>>, vector<256x1xf32>
    %mul3A_177 = vector.broadcast %get3A_176 : vector<256x1xf32> to vector<256x64xf32>
    %mul3A_178 = arith.mulf %mul3A_177, %max3A_173 : vector<256x64xf32>
    %add3A_179 = arith.addf %add3A_159, %mul3A_178 : vector<256x64xf32>
    %get3A_180 = arith.constant 9 : index
    %get3A_181 = arith.constant 0 : index
    %get3A_182 = vector.load %arg3[%get3A_180, %get3A_181] : memref<128x64xf32, #tpu.memory_space<vmem>>, vector<1x64xf32>
    %mul3A_183 = vector.broadcast %get3A_1 : vector<256x1xf32> to vector<256x64xf32>
    %mul3A_184 = vector.broadcast %get3A_182 : vector<1x64xf32> to vector<256x64xf32>
    %mul3A_185 = arith.mulf %mul3A_183, %mul3A_184 : vector<256x64xf32>
    %get3A_186 = arith.constant 9 : index
    %get3A_187 = arith.constant 0 : index
    %get3A_188 = vector.load %arg4[%get3A_186, %get3A_187] : memref<128x64xf32, #tpu.memory_space<vmem>>, vector<1x64xf32>
    %add3A_189 = vector.broadcast %get3A_188 : vector<1x64xf32> to vector<256x64xf32>
    %add3A_190 = arith.addf %mul3A_185, %add3A_189 : vector<256x64xf32>
    %max3A_191 = arith.constant 0.000000e+00 : f32
    %max3A_192 = vector.broadcast %max3A_191 : f32 to vector<256x64xf32>
    %max3A_193 = arith.maximumf %add3A_190, %max3A_192 : vector<256x64xf32>
    %get3A_194 = arith.constant 0 : index
    %get3A_195 = arith.constant 9 : index
    %get3A_196 = vector.load %arg1[%get3A_194, %get3A_195] : memref<256x128xf32, #tpu.memory_space<vmem>>, vector<256x1xf32>
    %mul3A_197 = vector.broadcast %get3A_196 : vector<256x1xf32> to vector<256x64xf32>
    %mul3A_198 = arith.mulf %mul3A_197, %max3A_193 : vector<256x64xf32>
    %add3A_199 = arith.addf %add3A_179, %mul3A_198 : vector<256x64xf32>
    %get3A_200 = arith.constant 10 : index
    %get3A_201 = arith.constant 0 : index
    %get3A_202 = vector.load %arg3[%get3A_200, %get3A_201] : memref<128x64xf32, #tpu.memory_space<vmem>>, vector<1x64xf32>
    %mul3A_203 = vector.broadcast %get3A_1 : vector<256x1xf32> to vector<256x64xf32>
    %mul3A_204 = vector.broadcast %get3A_202 : vector<1x64xf32> to vector<256x64xf32>
    %mul3A_205 = arith.mulf %mul3A_203, %mul3A_204 : vector<256x64xf32>
    %get3A_206 = arith.constant 10 : index
    %get3A_207 = arith.constant 0 : index
    %get3A_208 = vector.load %arg4[%get3A_206, %get3A_207] : memref<128x64xf32, #tpu.memory_space<vmem>>, vector<1x64xf32>
    %add3A_209 = vector.broadcast %get3A_208 : vector<1x64xf32> to vector<256x64xf32>
    %add3A_210 = arith.addf %mul3A_205, %add3A_209 : vector<256x64xf32>
    %max3A_211 = arith.constant 0.000000e+00 : f32
    %max3A_212 = vector.broadcast %max3A_211 : f32 to vector<256x64xf32>
    %max3A_213 = arith.maximumf %add3A_210, %max3A_212 : vector<256x64xf32>
    %get3A_214 = arith.constant 0 : index
    %get3A_215 = arith.constant 10 : index
    %get3A_216 = vector.load %arg1[%get3A_214, %get3A_215] : memref<256x128xf32, #tpu.memory_space<vmem>>, vector<256x1xf32>
    %mul3A_217 = vector.broadcast %get3A_216 : vector<256x1xf32> to vector<256x64xf32>
    %mul3A_218 = arith.mulf %mul3A_217, %max3A_213 : vector<256x64xf32>
    %add3A_219 = arith.addf %add3A_199, %mul3A_218 : vector<256x64xf32>
    %get3A_220 = arith.constant 11 : index
    %get3A_221 = arith.constant 0 : index
    %get3A_222 = vector.load %arg3[%get3A_220, %get3A_221] : memref<128x64xf32, #tpu.memory_space<vmem>>, vector<1x64xf32>
    %mul3A_223 = vector.broadcast %get3A_1 : vector<256x1xf32> to vector<256x64xf32>
    %mul3A_224 = vector.broadcast %get3A_222 : vector<1x64xf32> to vector<256x64xf32>
    %mul3A_225 = arith.mulf %mul3A_223, %mul3A_224 : vector<256x64xf32>
    %get3A_226 = arith.constant 11 : index
    %get3A_227 = arith.constant 0 : index
    %get3A_228 = vector.load %arg4[%get3A_226, %get3A_227] : memref<128x64xf32, #tpu.memory_space<vmem>>, vector<1x64xf32>
    %add3A_229 = vector.broadcast %get3A_228 : vector<1x64xf32> to vector<256x64xf32>
    %add3A_230 = arith.addf %mul3A_225, %add3A_229 : vector<256x64xf32>
    %max3A_231 = arith.constant 0.000000e+00 : f32
    %max3A_232 = vector.broadcast %max3A_231 : f32 to vector<256x64xf32>
    %max3A_233 = arith.maximumf %add3A_230, %max3A_232 : vector<256x64xf32>
    %get3A_234 = arith.constant 0 : index
    %get3A_235 = arith.constant 11 : index
    %get3A_236 = vector.load %arg1[%get3A_234, %get3A_235] : memref<256x128xf32, #tpu.memory_space<vmem>>, vector<256x1xf32>
    %mul3A_237 = vector.broadcast %get3A_236 : vector<256x1xf32> to vector<256x64xf32>
    %mul3A_238 = arith.mulf %mul3A_237, %max3A_233 : vector<256x64xf32>
    %add3A_239 = arith.addf %add3A_219, %mul3A_238 : vector<256x64xf32>
    %get3A_240 = arith.constant 12 : index
    %get3A_241 = arith.constant 0 : index
    %get3A_242 = vector.load %arg3[%get3A_240, %get3A_241] : memref<128x64xf32, #tpu.memory_space<vmem>>, vector<1x64xf32>
    %mul3A_243 = vector.broadcast %get3A_1 : vector<256x1xf32> to vector<256x64xf32>
    %mul3A_244 = vector.broadcast %get3A_242 : vector<1x64xf32> to vector<256x64xf32>
    %mul3A_245 = arith.mulf %mul3A_243, %mul3A_244 : vector<256x64xf32>
    %get3A_246 = arith.constant 12 : index
    %get3A_247 = arith.constant 0 : index
    %get3A_248 = vector.load %arg4[%get3A_246, %get3A_247] : memref<128x64xf32, #tpu.memory_space<vmem>>, vector<1x64xf32>
    %add3A_249 = vector.broadcast %get3A_248 : vector<1x64xf32> to vector<256x64xf32>
    %add3A_250 = arith.addf %mul3A_245, %add3A_249 : vector<256x64xf32>
    %max3A_251 = arith.constant 0.000000e+00 : f32
    %max3A_252 = vector.broadcast %max3A_251 : f32 to vector<256x64xf32>
    %max3A_253 = arith.maximumf %add3A_250, %max3A_252 : vector<256x64xf32>
    %get3A_254 = arith.constant 0 : index
    %get3A_255 = arith.constant 12 : index
    %get3A_256 = vector.load %arg1[%get3A_254, %get3A_255] : memref<256x128xf32, #tpu.memory_space<vmem>>, vector<256x1xf32>
    %mul3A_257 = vector.broadcast %get3A_256 : vector<256x1xf32> to vector<256x64xf32>
    %mul3A_258 = arith.mulf %mul3A_257, %max3A_253 : vector<256x64xf32>
    %add3A_259 = arith.addf %add3A_239, %mul3A_258 : vector<256x64xf32>
    %get3A_260 = arith.constant 13 : index
    %get3A_261 = arith.constant 0 : index
    %get3A_262 = vector.load %arg3[%get3A_260, %get3A_261] : memref<128x64xf32, #tpu.memory_space<vmem>>, vector<1x64xf32>
    %mul3A_263 = vector.broadcast %get3A_1 : vector<256x1xf32> to vector<256x64xf32>
    %mul3A_264 = vector.broadcast %get3A_262 : vector<1x64xf32> to vector<256x64xf32>
    %mul3A_265 = arith.mulf %mul3A_263, %mul3A_264 : vector<256x64xf32>
    %get3A_266 = arith.constant 13 : index
    %get3A_267 = arith.constant 0 : index
    %get3A_268 = vector.load %arg4[%get3A_266, %get3A_267] : memref<128x64xf32, #tpu.memory_space<vmem>>, vector<1x64xf32>
    %add3A_269 = vector.broadcast %get3A_268 : vector<1x64xf32> to vector<256x64xf32>
    %add3A_270 = arith.addf %mul3A_265, %add3A_269 : vector<256x64xf32>
    %max3A_271 = arith.constant 0.000000e+00 : f32
    %max3A_272 = vector.broadcast %max3A_271 : f32 to vector<256x64xf32>
    %max3A_273 = arith.maximumf %add3A_270, %max3A_272 : vector<256x64xf32>
    %get3A_274 = arith.constant 0 : index
    %get3A_275 = arith.constant 13 : index
    %get3A_276 = vector.load %arg1[%get3A_274, %get3A_275] : memref<256x128xf32, #tpu.memory_space<vmem>>, vector<256x1xf32>
    %mul3A_277 = vector.broadcast %get3A_276 : vector<256x1xf32> to vector<256x64xf32>
    %mul3A_278 = arith.mulf %mul3A_277, %max3A_273 : vector<256x64xf32>
    %add3A_279 = arith.addf %add3A_259, %mul3A_278 : vector<256x64xf32>
    %get3A_280 = arith.constant 14 : index
    %get3A_281 = arith.constant 0 : index
    %get3A_282 = vector.load %arg3[%get3A_280, %get3A_281] : memref<128x64xf32, #tpu.memory_space<vmem>>, vector<1x64xf32>
    %mul3A_283 = vector.broadcast %get3A_1 : vector<256x1xf32> to vector<256x64xf32>
    %mul3A_284 = vector.broadcast %get3A_282 : vector<1x64xf32> to vector<256x64xf32>
    %mul3A_285 = arith.mulf %mul3A_283, %mul3A_284 : vector<256x64xf32>
    %get3A_286 = arith.constant 14 : index
    %get3A_287 = arith.constant 0 : index
    %get3A_288 = vector.load %arg4[%get3A_286, %get3A_287] : memref<128x64xf32, #tpu.memory_space<vmem>>, vector<1x64xf32>
    %add3A_289 = vector.broadcast %get3A_288 : vector<1x64xf32> to vector<256x64xf32>
    %add3A_290 = arith.addf %mul3A_285, %add3A_289 : vector<256x64xf32>
    %max3A_291 = arith.constant 0.000000e+00 : f32
    %max3A_292 = vector.broadcast %max3A_291 : f32 to vector<256x64xf32>
    %max3A_293 = arith.maximumf %add3A_290, %max3A_292 : vector<256x64xf32>
    %get3A_294 = arith.constant 0 : index
    %get3A_295 = arith.constant 14 : index
    %get3A_296 = vector.load %arg1[%get3A_294, %get3A_295] : memref<256x128xf32, #tpu.memory_space<vmem>>, vector<256x1xf32>
    %mul3A_297 = vector.broadcast %get3A_296 : vector<256x1xf32> to vector<256x64xf32>
    %mul3A_298 = arith.mulf %mul3A_297, %max3A_293 : vector<256x64xf32>
    %add3A_299 = arith.addf %add3A_279, %mul3A_298 : vector<256x64xf32>
    %get3A_300 = arith.constant 15 : index
    %get3A_301 = arith.constant 0 : index
    %get3A_302 = vector.load %arg3[%get3A_300, %get3A_301] : memref<128x64xf32, #tpu.memory_space<vmem>>, vector<1x64xf32>
    %mul3A_303 = vector.broadcast %get3A_1 : vector<256x1xf32> to vector<256x64xf32>
    %mul3A_304 = vector.broadcast %get3A_302 : vector<1x64xf32> to vector<256x64xf32>
    %mul3A_305 = arith.mulf %mul3A_303, %mul3A_304 : vector<256x64xf32>
    %get3A_306 = arith.constant 15 : index
    %get3A_307 = arith.constant 0 : index
    %get3A_308 = vector.load %arg4[%get3A_306, %get3A_307] : memref<128x64xf32, #tpu.memory_space<vmem>>, vector<1x64xf32>
    %add3A_309 = vector.broadcast %get3A_308 : vector<1x64xf32> to vector<256x64xf32>
    %add3A_310 = arith.addf %mul3A_305, %add3A_309 : vector<256x64xf32>
    %max3A_311 = arith.constant 0.000000e+00 : f32
    %max3A_312 = vector.broadcast %max3A_311 : f32 to vector<256x64xf32>
    %max3A_313 = arith.maximumf %add3A_310, %max3A_312 : vector<256x64xf32>
    %get3A_314 = arith.constant 0 : index
    %get3A_315 = arith.constant 15 : index
    %get3A_316 = vector.load %arg1[%get3A_314, %get3A_315] : memref<256x128xf32, #tpu.memory_space<vmem>>, vector<256x1xf32>
    %mul3A_317 = vector.broadcast %get3A_316 : vector<256x1xf32> to vector<256x64xf32>
    %mul3A_318 = arith.mulf %mul3A_317, %max3A_313 : vector<256x64xf32>
    %add3A_319 = arith.addf %add3A_299, %mul3A_318 : vector<256x64xf32>
    %get3A_320 = arith.constant 16 : index
    %get3A_321 = arith.constant 0 : index
    %get3A_322 = vector.load %arg3[%get3A_320, %get3A_321] : memref<128x64xf32, #tpu.memory_space<vmem>>, vector<1x64xf32>
    %mul3A_323 = vector.broadcast %get3A_1 : vector<256x1xf32> to vector<256x64xf32>
    %mul3A_324 = vector.broadcast %get3A_322 : vector<1x64xf32> to vector<256x64xf32>
    %mul3A_325 = arith.mulf %mul3A_323, %mul3A_324 : vector<256x64xf32>
    %get3A_326 = arith.constant 16 : index
    %get3A_327 = arith.constant 0 : index
    %get3A_328 = vector.load %arg4[%get3A_326, %get3A_327] : memref<128x64xf32, #tpu.memory_space<vmem>>, vector<1x64xf32>
    %add3A_329 = vector.broadcast %get3A_328 : vector<1x64xf32> to vector<256x64xf32>
    %add3A_330 = arith.addf %mul3A_325, %add3A_329 : vector<256x64xf32>
    %max3A_331 = arith.constant 0.000000e+00 : f32
    %max3A_332 = vector.broadcast %max3A_331 : f32 to vector<256x64xf32>
    %max3A_333 = arith.maximumf %add3A_330, %max3A_332 : vector<256x64xf32>
    %get3A_334 = arith.constant 0 : index
    %get3A_335 = arith.constant 16 : index
    %get3A_336 = vector.load %arg1[%get3A_334, %get3A_335] : memref<256x128xf32, #tpu.memory_space<vmem>>, vector<256x1xf32>
    %mul3A_337 = vector.broadcast %get3A_336 : vector<256x1xf32> to vector<256x64xf32>
    %mul3A_338 = arith.mulf %mul3A_337, %max3A_333 : vector<256x64xf32>
    %add3A_339 = arith.addf %add3A_319, %mul3A_338 : vector<256x64xf32>
    %get3A_340 = arith.constant 17 : index
    %get3A_341 = arith.constant 0 : index
    %get3A_342 = vector.load %arg3[%get3A_340, %get3A_341] : memref<128x64xf32, #tpu.memory_space<vmem>>, vector<1x64xf32>
    %mul3A_343 = vector.broadcast %get3A_1 : vector<256x1xf32> to vector<256x64xf32>
    %mul3A_344 = vector.broadcast %get3A_342 : vector<1x64xf32> to vector<256x64xf32>
    %mul3A_345 = arith.mulf %mul3A_343, %mul3A_344 : vector<256x64xf32>
    %get3A_346 = arith.constant 17 : index
    %get3A_347 = arith.constant 0 : index
    %get3A_348 = vector.load %arg4[%get3A_346, %get3A_347] : memref<128x64xf32, #tpu.memory_space<vmem>>, vector<1x64xf32>
    %add3A_349 = vector.broadcast %get3A_348 : vector<1x64xf32> to vector<256x64xf32>
    %add3A_350 = arith.addf %mul3A_345, %add3A_349 : vector<256x64xf32>
    %max3A_351 = arith.constant 0.000000e+00 : f32
    %max3A_352 = vector.broadcast %max3A_351 : f32 to vector<256x64xf32>
    %max3A_353 = arith.maximumf %add3A_350, %max3A_352 : vector<256x64xf32>
    %get3A_354 = arith.constant 0 : index
    %get3A_355 = arith.constant 17 : index
    %get3A_356 = vector.load %arg1[%get3A_354, %get3A_355] : memref<256x128xf32, #tpu.memory_space<vmem>>, vector<256x1xf32>
    %mul3A_357 = vector.broadcast %get3A_356 : vector<256x1xf32> to vector<256x64xf32>
    %mul3A_358 = arith.mulf %mul3A_357, %max3A_353 : vector<256x64xf32>
    %add3A_359 = arith.addf %add3A_339, %mul3A_358 : vector<256x64xf32>
    %get3A_360 = arith.constant 18 : index
    %get3A_361 = arith.constant 0 : index
    %get3A_362 = vector.load %arg3[%get3A_360, %get3A_361] : memref<128x64xf32, #tpu.memory_space<vmem>>, vector<1x64xf32>
    %mul3A_363 = vector.broadcast %get3A_1 : vector<256x1xf32> to vector<256x64xf32>
    %mul3A_364 = vector.broadcast %get3A_362 : vector<1x64xf32> to vector<256x64xf32>
    %mul3A_365 = arith.mulf %mul3A_363, %mul3A_364 : vector<256x64xf32>
    %get3A_366 = arith.constant 18 : index
    %get3A_367 = arith.constant 0 : index
    %get3A_368 = vector.load %arg4[%get3A_366, %get3A_367] : memref<128x64xf32, #tpu.memory_space<vmem>>, vector<1x64xf32>
    %add3A_369 = vector.broadcast %get3A_368 : vector<1x64xf32> to vector<256x64xf32>
    %add3A_370 = arith.addf %mul3A_365, %add3A_369 : vector<256x64xf32>
    %max3A_371 = arith.constant 0.000000e+00 : f32
    %max3A_372 = vector.broadcast %max3A_371 : f32 to vector<256x64xf32>
    %max3A_373 = arith.maximumf %add3A_370, %max3A_372 : vector<256x64xf32>
    %get3A_374 = arith.constant 0 : index
    %get3A_375 = arith.constant 18 : index
    %get3A_376 = vector.load %arg1[%get3A_374, %get3A_375] : memref<256x128xf32, #tpu.memory_space<vmem>>, vector<256x1xf32>
    %mul3A_377 = vector.broadcast %get3A_376 : vector<256x1xf32> to vector<256x64xf32>
    %mul3A_378 = arith.mulf %mul3A_377, %max3A_373 : vector<256x64xf32>
    %add3A_379 = arith.addf %add3A_359, %mul3A_378 : vector<256x64xf32>
    %get3A_380 = arith.constant 19 : index
    %get3A_381 = arith.constant 0 : index
    %get3A_382 = vector.load %arg3[%get3A_380, %get3A_381] : memref<128x64xf32, #tpu.memory_space<vmem>>, vector<1x64xf32>
    %mul3A_383 = vector.broadcast %get3A_1 : vector<256x1xf32> to vector<256x64xf32>
    %mul3A_384 = vector.broadcast %get3A_382 : vector<1x64xf32> to vector<256x64xf32>
    %mul3A_385 = arith.mulf %mul3A_383, %mul3A_384 : vector<256x64xf32>
    %get3A_386 = arith.constant 19 : index
    %get3A_387 = arith.constant 0 : index
    %get3A_388 = vector.load %arg4[%get3A_386, %get3A_387] : memref<128x64xf32, #tpu.memory_space<vmem>>, vector<1x64xf32>
    %add3A_389 = vector.broadcast %get3A_388 : vector<1x64xf32> to vector<256x64xf32>
    %add3A_390 = arith.addf %mul3A_385, %add3A_389 : vector<256x64xf32>
    %max3A_391 = arith.constant 0.000000e+00 : f32
    %max3A_392 = vector.broadcast %max3A_391 : f32 to vector<256x64xf32>
    %max3A_393 = arith.maximumf %add3A_390, %max3A_392 : vector<256x64xf32>
    %get3A_394 = arith.constant 0 : index
    %get3A_395 = arith.constant 19 : index
    %get3A_396 = vector.load %arg1[%get3A_394, %get3A_395] : memref<256x128xf32, #tpu.memory_space<vmem>>, vector<256x1xf32>
    %mul3A_397 = vector.broadcast %get3A_396 : vector<256x1xf32> to vector<256x64xf32>
    %mul3A_398 = arith.mulf %mul3A_397, %max3A_393 : vector<256x64xf32>
    %add3A_399 = arith.addf %add3A_379, %mul3A_398 : vector<256x64xf32>
    %get3A_400 = arith.constant 20 : index
    %get3A_401 = arith.constant 0 : index
    %get3A_402 = vector.load %arg3[%get3A_400, %get3A_401] : memref<128x64xf32, #tpu.memory_space<vmem>>, vector<1x64xf32>
    %mul3A_403 = vector.broadcast %get3A_1 : vector<256x1xf32> to vector<256x64xf32>
    %mul3A_404 = vector.broadcast %get3A_402 : vector<1x64xf32> to vector<256x64xf32>
    %mul3A_405 = arith.mulf %mul3A_403, %mul3A_404 : vector<256x64xf32>
    %get3A_406 = arith.constant 20 : index
    %get3A_407 = arith.constant 0 : index
    %get3A_408 = vector.load %arg4[%get3A_406, %get3A_407] : memref<128x64xf32, #tpu.memory_space<vmem>>, vector<1x64xf32>
    %add3A_409 = vector.broadcast %get3A_408 : vector<1x64xf32> to vector<256x64xf32>
    %add3A_410 = arith.addf %mul3A_405, %add3A_409 : vector<256x64xf32>
    %max3A_411 = arith.constant 0.000000e+00 : f32
    %max3A_412 = vector.broadcast %max3A_411 : f32 to vector<256x64xf32>
    %max3A_413 = arith.maximumf %add3A_410, %max3A_412 : vector<256x64xf32>
    %get3A_414 = arith.constant 0 : index
    %get3A_415 = arith.constant 20 : index
    %get3A_416 = vector.load %arg1[%get3A_414, %get3A_415] : memref<256x128xf32, #tpu.memory_space<vmem>>, vector<256x1xf32>
    %mul3A_417 = vector.broadcast %get3A_416 : vector<256x1xf32> to vector<256x64xf32>
    %mul3A_418 = arith.mulf %mul3A_417, %max3A_413 : vector<256x64xf32>
    %add3A_419 = arith.addf %add3A_399, %mul3A_418 : vector<256x64xf32>
    %get3A_420 = arith.constant 21 : index
    %get3A_421 = arith.constant 0 : index
    %get3A_422 = vector.load %arg3[%get3A_420, %get3A_421] : memref<128x64xf32, #tpu.memory_space<vmem>>, vector<1x64xf32>
    %mul3A_423 = vector.broadcast %get3A_1 : vector<256x1xf32> to vector<256x64xf32>
    %mul3A_424 = vector.broadcast %get3A_422 : vector<1x64xf32> to vector<256x64xf32>
    %mul3A_425 = arith.mulf %mul3A_423, %mul3A_424 : vector<256x64xf32>
    %get3A_426 = arith.constant 21 : index
    %get3A_427 = arith.constant 0 : index
    %get3A_428 = vector.load %arg4[%get3A_426, %get3A_427] : memref<128x64xf32, #tpu.memory_space<vmem>>, vector<1x64xf32>
    %add3A_429 = vector.broadcast %get3A_428 : vector<1x64xf32> to vector<256x64xf32>
    %add3A_430 = arith.addf %mul3A_425, %add3A_429 : vector<256x64xf32>
    %max3A_431 = arith.constant 0.000000e+00 : f32
    %max3A_432 = vector.broadcast %max3A_431 : f32 to vector<256x64xf32>
    %max3A_433 = arith.maximumf %add3A_430, %max3A_432 : vector<256x64xf32>
    %get3A_434 = arith.constant 0 : index
    %get3A_435 = arith.constant 21 : index
    %get3A_436 = vector.load %arg1[%get3A_434, %get3A_435] : memref<256x128xf32, #tpu.memory_space<vmem>>, vector<256x1xf32>
    %mul3A_437 = vector.broadcast %get3A_436 : vector<256x1xf32> to vector<256x64xf32>
    %mul3A_438 = arith.mulf %mul3A_437, %max3A_433 : vector<256x64xf32>
    %add3A_439 = arith.addf %add3A_419, %mul3A_438 : vector<256x64xf32>
    %get3A_440 = arith.constant 22 : index
    %get3A_441 = arith.constant 0 : index
    %get3A_442 = vector.load %arg3[%get3A_440, %get3A_441] : memref<128x64xf32, #tpu.memory_space<vmem>>, vector<1x64xf32>
    %mul3A_443 = vector.broadcast %get3A_1 : vector<256x1xf32> to vector<256x64xf32>
    %mul3A_444 = vector.broadcast %get3A_442 : vector<1x64xf32> to vector<256x64xf32>
    %mul3A_445 = arith.mulf %mul3A_443, %mul3A_444 : vector<256x64xf32>
    %get3A_446 = arith.constant 22 : index
    %get3A_447 = arith.constant 0 : index
    %get3A_448 = vector.load %arg4[%get3A_446, %get3A_447] : memref<128x64xf32, #tpu.memory_space<vmem>>, vector<1x64xf32>
    %add3A_449 = vector.broadcast %get3A_448 : vector<1x64xf32> to vector<256x64xf32>
    %add3A_450 = arith.addf %mul3A_445, %add3A_449 : vector<256x64xf32>
    %max3A_451 = arith.constant 0.000000e+00 : f32
    %max3A_452 = vector.broadcast %max3A_451 : f32 to vector<256x64xf32>
    %max3A_453 = arith.maximumf %add3A_450, %max3A_452 : vector<256x64xf32>
    %get3A_454 = arith.constant 0 : index
    %get3A_455 = arith.constant 22 : index
    %get3A_456 = vector.load %arg1[%get3A_454, %get3A_455] : memref<256x128xf32, #tpu.memory_space<vmem>>, vector<256x1xf32>
    %mul3A_457 = vector.broadcast %get3A_456 : vector<256x1xf32> to vector<256x64xf32>
    %mul3A_458 = arith.mulf %mul3A_457, %max3A_453 : vector<256x64xf32>
    %add3A_459 = arith.addf %add3A_439, %mul3A_458 : vector<256x64xf32>
    %get3A_460 = arith.constant 23 : index
    %get3A_461 = arith.constant 0 : index
    %get3A_462 = vector.load %arg3[%get3A_460, %get3A_461] : memref<128x64xf32, #tpu.memory_space<vmem>>, vector<1x64xf32>
    %mul3A_463 = vector.broadcast %get3A_1 : vector<256x1xf32> to vector<256x64xf32>
    %mul3A_464 = vector.broadcast %get3A_462 : vector<1x64xf32> to vector<256x64xf32>
    %mul3A_465 = arith.mulf %mul3A_463, %mul3A_464 : vector<256x64xf32>
    %get3A_466 = arith.constant 23 : index
    %get3A_467 = arith.constant 0 : index
    %get3A_468 = vector.load %arg4[%get3A_466, %get3A_467] : memref<128x64xf32, #tpu.memory_space<vmem>>, vector<1x64xf32>
    %add3A_469 = vector.broadcast %get3A_468 : vector<1x64xf32> to vector<256x64xf32>
    %add3A_470 = arith.addf %mul3A_465, %add3A_469 : vector<256x64xf32>
    %max3A_471 = arith.constant 0.000000e+00 : f32
    %max3A_472 = vector.broadcast %max3A_471 : f32 to vector<256x64xf32>
    %max3A_473 = arith.maximumf %add3A_470, %max3A_472 : vector<256x64xf32>
    %get3A_474 = arith.constant 0 : index
    %get3A_475 = arith.constant 23 : index
    %get3A_476 = vector.load %arg1[%get3A_474, %get3A_475] : memref<256x128xf32, #tpu.memory_space<vmem>>, vector<256x1xf32>
    %mul3A_477 = vector.broadcast %get3A_476 : vector<256x1xf32> to vector<256x64xf32>
    %mul3A_478 = arith.mulf %mul3A_477, %max3A_473 : vector<256x64xf32>
    %add3A_479 = arith.addf %add3A_459, %mul3A_478 : vector<256x64xf32>
    %get3A_480 = arith.constant 24 : index
    %get3A_481 = arith.constant 0 : index
    %get3A_482 = vector.load %arg3[%get3A_480, %get3A_481] : memref<128x64xf32, #tpu.memory_space<vmem>>, vector<1x64xf32>
    %mul3A_483 = vector.broadcast %get3A_1 : vector<256x1xf32> to vector<256x64xf32>
    %mul3A_484 = vector.broadcast %get3A_482 : vector<1x64xf32> to vector<256x64xf32>
    %mul3A_485 = arith.mulf %mul3A_483, %mul3A_484 : vector<256x64xf32>
    %get3A_486 = arith.constant 24 : index
    %get3A_487 = arith.constant 0 : index
    %get3A_488 = vector.load %arg4[%get3A_486, %get3A_487] : memref<128x64xf32, #tpu.memory_space<vmem>>, vector<1x64xf32>
    %add3A_489 = vector.broadcast %get3A_488 : vector<1x64xf32> to vector<256x64xf32>
    %add3A_490 = arith.addf %mul3A_485, %add3A_489 : vector<256x64xf32>
    %max3A_491 = arith.constant 0.000000e+00 : f32
    %max3A_492 = vector.broadcast %max3A_491 : f32 to vector<256x64xf32>
    %max3A_493 = arith.maximumf %add3A_490, %max3A_492 : vector<256x64xf32>
    %get3A_494 = arith.constant 0 : index
    %get3A_495 = arith.constant 24 : index
    %get3A_496 = vector.load %arg1[%get3A_494, %get3A_495] : memref<256x128xf32, #tpu.memory_space<vmem>>, vector<256x1xf32>
    %mul3A_497 = vector.broadcast %get3A_496 : vector<256x1xf32> to vector<256x64xf32>
    %mul3A_498 = arith.mulf %mul3A_497, %max3A_493 : vector<256x64xf32>
    %add3A_499 = arith.addf %add3A_479, %mul3A_498 : vector<256x64xf32>
    %get3A_500 = arith.constant 25 : index
    %get3A_501 = arith.constant 0 : index
    %get3A_502 = vector.load %arg3[%get3A_500, %get3A_501] : memref<128x64xf32, #tpu.memory_space<vmem>>, vector<1x64xf32>
    %mul3A_503 = vector.broadcast %get3A_1 : vector<256x1xf32> to vector<256x64xf32>
    %mul3A_504 = vector.broadcast %get3A_502 : vector<1x64xf32> to vector<256x64xf32>
    %mul3A_505 = arith.mulf %mul3A_503, %mul3A_504 : vector<256x64xf32>
    %get3A_506 = arith.constant 25 : index
    %get3A_507 = arith.constant 0 : index
    %get3A_508 = vector.load %arg4[%get3A_506, %get3A_507] : memref<128x64xf32, #tpu.memory_space<vmem>>, vector<1x64xf32>
    %add3A_509 = vector.broadcast %get3A_508 : vector<1x64xf32> to vector<256x64xf32>
    %add3A_510 = arith.addf %mul3A_505, %add3A_509 : vector<256x64xf32>
    %max3A_511 = arith.constant 0.000000e+00 : f32
    %max3A_512 = vector.broadcast %max3A_511 : f32 to vector<256x64xf32>
    %max3A_513 = arith.maximumf %add3A_510, %max3A_512 : vector<256x64xf32>
    %get3A_514 = arith.constant 0 : index
    %get3A_515 = arith.constant 25 : index
    %get3A_516 = vector.load %arg1[%get3A_514, %get3A_515] : memref<256x128xf32, #tpu.memory_space<vmem>>, vector<256x1xf32>
    %mul3A_517 = vector.broadcast %get3A_516 : vector<256x1xf32> to vector<256x64xf32>
    %mul3A_518 = arith.mulf %mul3A_517, %max3A_513 : vector<256x64xf32>
    %add3A_519 = arith.addf %add3A_499, %mul3A_518 : vector<256x64xf32>
    %get3A_520 = arith.constant 26 : index
    %get3A_521 = arith.constant 0 : index
    %get3A_522 = vector.load %arg3[%get3A_520, %get3A_521] : memref<128x64xf32, #tpu.memory_space<vmem>>, vector<1x64xf32>
    %mul3A_523 = vector.broadcast %get3A_1 : vector<256x1xf32> to vector<256x64xf32>
    %mul3A_524 = vector.broadcast %get3A_522 : vector<1x64xf32> to vector<256x64xf32>
    %mul3A_525 = arith.mulf %mul3A_523, %mul3A_524 : vector<256x64xf32>
    %get3A_526 = arith.constant 26 : index
    %get3A_527 = arith.constant 0 : index
    %get3A_528 = vector.load %arg4[%get3A_526, %get3A_527] : memref<128x64xf32, #tpu.memory_space<vmem>>, vector<1x64xf32>
    %add3A_529 = vector.broadcast %get3A_528 : vector<1x64xf32> to vector<256x64xf32>
    %add3A_530 = arith.addf %mul3A_525, %add3A_529 : vector<256x64xf32>
    %max3A_531 = arith.constant 0.000000e+00 : f32
    %max3A_532 = vector.broadcast %max3A_531 : f32 to vector<256x64xf32>
    %max3A_533 = arith.maximumf %add3A_530, %max3A_532 : vector<256x64xf32>
    %get3A_534 = arith.constant 0 : index
    %get3A_535 = arith.constant 26 : index
    %get3A_536 = vector.load %arg1[%get3A_534, %get3A_535] : memref<256x128xf32, #tpu.memory_space<vmem>>, vector<256x1xf32>
    %mul3A_537 = vector.broadcast %get3A_536 : vector<256x1xf32> to vector<256x64xf32>
    %mul3A_538 = arith.mulf %mul3A_537, %max3A_533 : vector<256x64xf32>
    %add3A_539 = arith.addf %add3A_519, %mul3A_538 : vector<256x64xf32>
    %get3A_540 = arith.constant 27 : index
    %get3A_541 = arith.constant 0 : index
    %get3A_542 = vector.load %arg3[%get3A_540, %get3A_541] : memref<128x64xf32, #tpu.memory_space<vmem>>, vector<1x64xf32>
    %mul3A_543 = vector.broadcast %get3A_1 : vector<256x1xf32> to vector<256x64xf32>
    %mul3A_544 = vector.broadcast %get3A_542 : vector<1x64xf32> to vector<256x64xf32>
    %mul3A_545 = arith.mulf %mul3A_543, %mul3A_544 : vector<256x64xf32>
    %get3A_546 = arith.constant 27 : index
    %get3A_547 = arith.constant 0 : index
    %get3A_548 = vector.load %arg4[%get3A_546, %get3A_547] : memref<128x64xf32, #tpu.memory_space<vmem>>, vector<1x64xf32>
    %add3A_549 = vector.broadcast %get3A_548 : vector<1x64xf32> to vector<256x64xf32>
    %add3A_550 = arith.addf %mul3A_545, %add3A_549 : vector<256x64xf32>
    %max3A_551 = arith.constant 0.000000e+00 : f32
    %max3A_552 = vector.broadcast %max3A_551 : f32 to vector<256x64xf32>
    %max3A_553 = arith.maximumf %add3A_550, %max3A_552 : vector<256x64xf32>
    %get3A_554 = arith.constant 0 : index
    %get3A_555 = arith.constant 27 : index
    %get3A_556 = vector.load %arg1[%get3A_554, %get3A_555] : memref<256x128xf32, #tpu.memory_space<vmem>>, vector<256x1xf32>
    %mul3A_557 = vector.broadcast %get3A_556 : vector<256x1xf32> to vector<256x64xf32>
    %mul3A_558 = arith.mulf %mul3A_557, %max3A_553 : vector<256x64xf32>
    %add3A_559 = arith.addf %add3A_539, %mul3A_558 : vector<256x64xf32>
    %get3A_560 = arith.constant 28 : index
    %get3A_561 = arith.constant 0 : index
    %get3A_562 = vector.load %arg3[%get3A_560, %get3A_561] : memref<128x64xf32, #tpu.memory_space<vmem>>, vector<1x64xf32>
    %mul3A_563 = vector.broadcast %get3A_1 : vector<256x1xf32> to vector<256x64xf32>
    %mul3A_564 = vector.broadcast %get3A_562 : vector<1x64xf32> to vector<256x64xf32>
    %mul3A_565 = arith.mulf %mul3A_563, %mul3A_564 : vector<256x64xf32>
    %get3A_566 = arith.constant 28 : index
    %get3A_567 = arith.constant 0 : index
    %get3A_568 = vector.load %arg4[%get3A_566, %get3A_567] : memref<128x64xf32, #tpu.memory_space<vmem>>, vector<1x64xf32>
    %add3A_569 = vector.broadcast %get3A_568 : vector<1x64xf32> to vector<256x64xf32>
    %add3A_570 = arith.addf %mul3A_565, %add3A_569 : vector<256x64xf32>
    %max3A_571 = arith.constant 0.000000e+00 : f32
    %max3A_572 = vector.broadcast %max3A_571 : f32 to vector<256x64xf32>
    %max3A_573 = arith.maximumf %add3A_570, %max3A_572 : vector<256x64xf32>
    %get3A_574 = arith.constant 0 : index
    %get3A_575 = arith.constant 28 : index
    %get3A_576 = vector.load %arg1[%get3A_574, %get3A_575] : memref<256x128xf32, #tpu.memory_space<vmem>>, vector<256x1xf32>
    %mul3A_577 = vector.broadcast %get3A_576 : vector<256x1xf32> to vector<256x64xf32>
    %mul3A_578 = arith.mulf %mul3A_577, %max3A_573 : vector<256x64xf32>
    %add3A_579 = arith.addf %add3A_559, %mul3A_578 : vector<256x64xf32>
    %get3A_580 = arith.constant 29 : index
    %get3A_581 = arith.constant 0 : index
    %get3A_582 = vector.load %arg3[%get3A_580, %get3A_581] : memref<128x64xf32, #tpu.memory_space<vmem>>, vector<1x64xf32>
    %mul3A_583 = vector.broadcast %get3A_1 : vector<256x1xf32> to vector<256x64xf32>
    %mul3A_584 = vector.broadcast %get3A_582 : vector<1x64xf32> to vector<256x64xf32>
    %mul3A_585 = arith.mulf %mul3A_583, %mul3A_584 : vector<256x64xf32>
    %get3A_586 = arith.constant 29 : index
    %get3A_587 = arith.constant 0 : index
    %get3A_588 = vector.load %arg4[%get3A_586, %get3A_587] : memref<128x64xf32, #tpu.memory_space<vmem>>, vector<1x64xf32>
    %add3A_589 = vector.broadcast %get3A_588 : vector<1x64xf32> to vector<256x64xf32>
    %add3A_590 = arith.addf %mul3A_585, %add3A_589 : vector<256x64xf32>
    %max3A_591 = arith.constant 0.000000e+00 : f32
    %max3A_592 = vector.broadcast %max3A_591 : f32 to vector<256x64xf32>
    %max3A_593 = arith.maximumf %add3A_590, %max3A_592 : vector<256x64xf32>
    %get3A_594 = arith.constant 0 : index
    %get3A_595 = arith.constant 29 : index
    %get3A_596 = vector.load %arg1[%get3A_594, %get3A_595] : memref<256x128xf32, #tpu.memory_space<vmem>>, vector<256x1xf32>
    %mul3A_597 = vector.broadcast %get3A_596 : vector<256x1xf32> to vector<256x64xf32>
    %mul3A_598 = arith.mulf %mul3A_597, %max3A_593 : vector<256x64xf32>
    %add3A_599 = arith.addf %add3A_579, %mul3A_598 : vector<256x64xf32>
    %get3A_600 = arith.constant 30 : index
    %get3A_601 = arith.constant 0 : index
    %get3A_602 = vector.load %arg3[%get3A_600, %get3A_601] : memref<128x64xf32, #tpu.memory_space<vmem>>, vector<1x64xf32>
    %mul3A_603 = vector.broadcast %get3A_1 : vector<256x1xf32> to vector<256x64xf32>
    %mul3A_604 = vector.broadcast %get3A_602 : vector<1x64xf32> to vector<256x64xf32>
    %mul3A_605 = arith.mulf %mul3A_603, %mul3A_604 : vector<256x64xf32>
    %get3A_606 = arith.constant 30 : index
    %get3A_607 = arith.constant 0 : index
    %get3A_608 = vector.load %arg4[%get3A_606, %get3A_607] : memref<128x64xf32, #tpu.memory_space<vmem>>, vector<1x64xf32>
    %add3A_609 = vector.broadcast %get3A_608 : vector<1x64xf32> to vector<256x64xf32>
    %add3A_610 = arith.addf %mul3A_605, %add3A_609 : vector<256x64xf32>
    %max3A_611 = arith.constant 0.000000e+00 : f32
    %max3A_612 = vector.broadcast %max3A_611 : f32 to vector<256x64xf32>
    %max3A_613 = arith.maximumf %add3A_610, %max3A_612 : vector<256x64xf32>
    %get3A_614 = arith.constant 0 : index
    %get3A_615 = arith.constant 30 : index
    %get3A_616 = vector.load %arg1[%get3A_614, %get3A_615] : memref<256x128xf32, #tpu.memory_space<vmem>>, vector<256x1xf32>
    %mul3A_617 = vector.broadcast %get3A_616 : vector<256x1xf32> to vector<256x64xf32>
    %mul3A_618 = arith.mulf %mul3A_617, %max3A_613 : vector<256x64xf32>
    %add3A_619 = arith.addf %add3A_599, %mul3A_618 : vector<256x64xf32>
    %get3A_620 = arith.constant 31 : index
    %get3A_621 = arith.constant 0 : index
    %get3A_622 = vector.load %arg3[%get3A_620, %get3A_621] : memref<128x64xf32, #tpu.memory_space<vmem>>, vector<1x64xf32>
    %mul3A_623 = vector.broadcast %get3A_1 : vector<256x1xf32> to vector<256x64xf32>
    %mul3A_624 = vector.broadcast %get3A_622 : vector<1x64xf32> to vector<256x64xf32>
    %mul3A_625 = arith.mulf %mul3A_623, %mul3A_624 : vector<256x64xf32>
    %get3A_626 = arith.constant 31 : index
    %get3A_627 = arith.constant 0 : index
    %get3A_628 = vector.load %arg4[%get3A_626, %get3A_627] : memref<128x64xf32, #tpu.memory_space<vmem>>, vector<1x64xf32>
    %add3A_629 = vector.broadcast %get3A_628 : vector<1x64xf32> to vector<256x64xf32>
    %add3A_630 = arith.addf %mul3A_625, %add3A_629 : vector<256x64xf32>
    %max3A_631 = arith.constant 0.000000e+00 : f32
    %max3A_632 = vector.broadcast %max3A_631 : f32 to vector<256x64xf32>
    %max3A_633 = arith.maximumf %add3A_630, %max3A_632 : vector<256x64xf32>
    %get3A_634 = arith.constant 0 : index
    %get3A_635 = arith.constant 31 : index
    %get3A_636 = vector.load %arg1[%get3A_634, %get3A_635] : memref<256x128xf32, #tpu.memory_space<vmem>>, vector<256x1xf32>
    %mul3A_637 = vector.broadcast %get3A_636 : vector<256x1xf32> to vector<256x64xf32>
    %mul3A_638 = arith.mulf %mul3A_637, %max3A_633 : vector<256x64xf32>
    %add3A_639 = arith.addf %add3A_619, %mul3A_638 : vector<256x64xf32>
    %get3A_640 = arith.constant 32 : index
    %get3A_641 = arith.constant 0 : index
    %get3A_642 = vector.load %arg3[%get3A_640, %get3A_641] : memref<128x64xf32, #tpu.memory_space<vmem>>, vector<1x64xf32>
    %mul3A_643 = vector.broadcast %get3A_1 : vector<256x1xf32> to vector<256x64xf32>
    %mul3A_644 = vector.broadcast %get3A_642 : vector<1x64xf32> to vector<256x64xf32>
    %mul3A_645 = arith.mulf %mul3A_643, %mul3A_644 : vector<256x64xf32>
    %get3A_646 = arith.constant 32 : index
    %get3A_647 = arith.constant 0 : index
    %get3A_648 = vector.load %arg4[%get3A_646, %get3A_647] : memref<128x64xf32, #tpu.memory_space<vmem>>, vector<1x64xf32>
    %add3A_649 = vector.broadcast %get3A_648 : vector<1x64xf32> to vector<256x64xf32>
    %add3A_650 = arith.addf %mul3A_645, %add3A_649 : vector<256x64xf32>
    %max3A_651 = arith.constant 0.000000e+00 : f32
    %max3A_652 = vector.broadcast %max3A_651 : f32 to vector<256x64xf32>
    %max3A_653 = arith.maximumf %add3A_650, %max3A_652 : vector<256x64xf32>
    %get3A_654 = arith.constant 0 : index
    %get3A_655 = arith.constant 32 : index
    %get3A_656 = vector.load %arg1[%get3A_654, %get3A_655] : memref<256x128xf32, #tpu.memory_space<vmem>>, vector<256x1xf32>
    %mul3A_657 = vector.broadcast %get3A_656 : vector<256x1xf32> to vector<256x64xf32>
    %mul3A_658 = arith.mulf %mul3A_657, %max3A_653 : vector<256x64xf32>
    %add3A_659 = arith.addf %add3A_639, %mul3A_658 : vector<256x64xf32>
    %get3A_660 = arith.constant 33 : index
    %get3A_661 = arith.constant 0 : index
    %get3A_662 = vector.load %arg3[%get3A_660, %get3A_661] : memref<128x64xf32, #tpu.memory_space<vmem>>, vector<1x64xf32>
    %mul3A_663 = vector.broadcast %get3A_1 : vector<256x1xf32> to vector<256x64xf32>
    %mul3A_664 = vector.broadcast %get3A_662 : vector<1x64xf32> to vector<256x64xf32>
    %mul3A_665 = arith.mulf %mul3A_663, %mul3A_664 : vector<256x64xf32>
    %get3A_666 = arith.constant 33 : index
    %get3A_667 = arith.constant 0 : index
    %get3A_668 = vector.load %arg4[%get3A_666, %get3A_667] : memref<128x64xf32, #tpu.memory_space<vmem>>, vector<1x64xf32>
    %add3A_669 = vector.broadcast %get3A_668 : vector<1x64xf32> to vector<256x64xf32>
    %add3A_670 = arith.addf %mul3A_665, %add3A_669 : vector<256x64xf32>
    %max3A_671 = arith.constant 0.000000e+00 : f32
    %max3A_672 = vector.broadcast %max3A_671 : f32 to vector<256x64xf32>
    %max3A_673 = arith.maximumf %add3A_670, %max3A_672 : vector<256x64xf32>
    %get3A_674 = arith.constant 0 : index
    %get3A_675 = arith.constant 33 : index
    %get3A_676 = vector.load %arg1[%get3A_674, %get3A_675] : memref<256x128xf32, #tpu.memory_space<vmem>>, vector<256x1xf32>
    %mul3A_677 = vector.broadcast %get3A_676 : vector<256x1xf32> to vector<256x64xf32>
    %mul3A_678 = arith.mulf %mul3A_677, %max3A_673 : vector<256x64xf32>
    %add3A_679 = arith.addf %add3A_659, %mul3A_678 : vector<256x64xf32>
    %get3A_680 = arith.constant 34 : index
    %get3A_681 = arith.constant 0 : index
    %get3A_682 = vector.load %arg3[%get3A_680, %get3A_681] : memref<128x64xf32, #tpu.memory_space<vmem>>, vector<1x64xf32>
    %mul3A_683 = vector.broadcast %get3A_1 : vector<256x1xf32> to vector<256x64xf32>
    %mul3A_684 = vector.broadcast %get3A_682 : vector<1x64xf32> to vector<256x64xf32>
    %mul3A_685 = arith.mulf %mul3A_683, %mul3A_684 : vector<256x64xf32>
    %get3A_686 = arith.constant 34 : index
    %get3A_687 = arith.constant 0 : index
    %get3A_688 = vector.load %arg4[%get3A_686, %get3A_687] : memref<128x64xf32, #tpu.memory_space<vmem>>, vector<1x64xf32>
    %add3A_689 = vector.broadcast %get3A_688 : vector<1x64xf32> to vector<256x64xf32>
    %add3A_690 = arith.addf %mul3A_685, %add3A_689 : vector<256x64xf32>
    %max3A_691 = arith.constant 0.000000e+00 : f32
    %max3A_692 = vector.broadcast %max3A_691 : f32 to vector<256x64xf32>
    %max3A_693 = arith.maximumf %add3A_690, %max3A_692 : vector<256x64xf32>
    %get3A_694 = arith.constant 0 : index
    %get3A_695 = arith.constant 34 : index
    %get3A_696 = vector.load %arg1[%get3A_694, %get3A_695] : memref<256x128xf32, #tpu.memory_space<vmem>>, vector<256x1xf32>
    %mul3A_697 = vector.broadcast %get3A_696 : vector<256x1xf32> to vector<256x64xf32>
    %mul3A_698 = arith.mulf %mul3A_697, %max3A_693 : vector<256x64xf32>
    %add3A_699 = arith.addf %add3A_679, %mul3A_698 : vector<256x64xf32>
    %get3A_700 = arith.constant 35 : index
    %get3A_701 = arith.constant 0 : index
    %get3A_702 = vector.load %arg3[%get3A_700, %get3A_701] : memref<128x64xf32, #tpu.memory_space<vmem>>, vector<1x64xf32>
    %mul3A_703 = vector.broadcast %get3A_1 : vector<256x1xf32> to vector<256x64xf32>
    %mul3A_704 = vector.broadcast %get3A_702 : vector<1x64xf32> to vector<256x64xf32>
    %mul3A_705 = arith.mulf %mul3A_703, %mul3A_704 : vector<256x64xf32>
    %get3A_706 = arith.constant 35 : index
    %get3A_707 = arith.constant 0 : index
    %get3A_708 = vector.load %arg4[%get3A_706, %get3A_707] : memref<128x64xf32, #tpu.memory_space<vmem>>, vector<1x64xf32>
    %add3A_709 = vector.broadcast %get3A_708 : vector<1x64xf32> to vector<256x64xf32>
    %add3A_710 = arith.addf %mul3A_705, %add3A_709 : vector<256x64xf32>
    %max3A_711 = arith.constant 0.000000e+00 : f32
    %max3A_712 = vector.broadcast %max3A_711 : f32 to vector<256x64xf32>
    %max3A_713 = arith.maximumf %add3A_710, %max3A_712 : vector<256x64xf32>
    %get3A_714 = arith.constant 0 : index
    %get3A_715 = arith.constant 35 : index
    %get3A_716 = vector.load %arg1[%get3A_714, %get3A_715] : memref<256x128xf32, #tpu.memory_space<vmem>>, vector<256x1xf32>
    %mul3A_717 = vector.broadcast %get3A_716 : vector<256x1xf32> to vector<256x64xf32>
    %mul3A_718 = arith.mulf %mul3A_717, %max3A_713 : vector<256x64xf32>
    %add3A_719 = arith.addf %add3A_699, %mul3A_718 : vector<256x64xf32>
    %get3A_720 = arith.constant 36 : index
    %get3A_721 = arith.constant 0 : index
    %get3A_722 = vector.load %arg3[%get3A_720, %get3A_721] : memref<128x64xf32, #tpu.memory_space<vmem>>, vector<1x64xf32>
    %mul3A_723 = vector.broadcast %get3A_1 : vector<256x1xf32> to vector<256x64xf32>
    %mul3A_724 = vector.broadcast %get3A_722 : vector<1x64xf32> to vector<256x64xf32>
    %mul3A_725 = arith.mulf %mul3A_723, %mul3A_724 : vector<256x64xf32>
    %get3A_726 = arith.constant 36 : index
    %get3A_727 = arith.constant 0 : index
    %get3A_728 = vector.load %arg4[%get3A_726, %get3A_727] : memref<128x64xf32, #tpu.memory_space<vmem>>, vector<1x64xf32>
    %add3A_729 = vector.broadcast %get3A_728 : vector<1x64xf32> to vector<256x64xf32>
    %add3A_730 = arith.addf %mul3A_725, %add3A_729 : vector<256x64xf32>
    %max3A_731 = arith.constant 0.000000e+00 : f32
    %max3A_732 = vector.broadcast %max3A_731 : f32 to vector<256x64xf32>
    %max3A_733 = arith.maximumf %add3A_730, %max3A_732 : vector<256x64xf32>
    %get3A_734 = arith.constant 0 : index
    %get3A_735 = arith.constant 36 : index
    %get3A_736 = vector.load %arg1[%get3A_734, %get3A_735] : memref<256x128xf32, #tpu.memory_space<vmem>>, vector<256x1xf32>
    %mul3A_737 = vector.broadcast %get3A_736 : vector<256x1xf32> to vector<256x64xf32>
    %mul3A_738 = arith.mulf %mul3A_737, %max3A_733 : vector<256x64xf32>
    %add3A_739 = arith.addf %add3A_719, %mul3A_738 : vector<256x64xf32>
    %get3A_740 = arith.constant 37 : index
    %get3A_741 = arith.constant 0 : index
    %get3A_742 = vector.load %arg3[%get3A_740, %get3A_741] : memref<128x64xf32, #tpu.memory_space<vmem>>, vector<1x64xf32>
    %mul3A_743 = vector.broadcast %get3A_1 : vector<256x1xf32> to vector<256x64xf32>
    %mul3A_744 = vector.broadcast %get3A_742 : vector<1x64xf32> to vector<256x64xf32>
    %mul3A_745 = arith.mulf %mul3A_743, %mul3A_744 : vector<256x64xf32>
    %get3A_746 = arith.constant 37 : index
    %get3A_747 = arith.constant 0 : index
    %get3A_748 = vector.load %arg4[%get3A_746, %get3A_747] : memref<128x64xf32, #tpu.memory_space<vmem>>, vector<1x64xf32>
    %add3A_749 = vector.broadcast %get3A_748 : vector<1x64xf32> to vector<256x64xf32>
    %add3A_750 = arith.addf %mul3A_745, %add3A_749 : vector<256x64xf32>
    %max3A_751 = arith.constant 0.000000e+00 : f32
    %max3A_752 = vector.broadcast %max3A_751 : f32 to vector<256x64xf32>
    %max3A_753 = arith.maximumf %add3A_750, %max3A_752 : vector<256x64xf32>
    %get3A_754 = arith.constant 0 : index
    %get3A_755 = arith.constant 37 : index
    %get3A_756 = vector.load %arg1[%get3A_754, %get3A_755] : memref<256x128xf32, #tpu.memory_space<vmem>>, vector<256x1xf32>
    %mul3A_757 = vector.broadcast %get3A_756 : vector<256x1xf32> to vector<256x64xf32>
    %mul3A_758 = arith.mulf %mul3A_757, %max3A_753 : vector<256x64xf32>
    %add3A_759 = arith.addf %add3A_739, %mul3A_758 : vector<256x64xf32>
    %get3A_760 = arith.constant 38 : index
    %get3A_761 = arith.constant 0 : index
    %get3A_762 = vector.load %arg3[%get3A_760, %get3A_761] : memref<128x64xf32, #tpu.memory_space<vmem>>, vector<1x64xf32>
    %mul3A_763 = vector.broadcast %get3A_1 : vector<256x1xf32> to vector<256x64xf32>
    %mul3A_764 = vector.broadcast %get3A_762 : vector<1x64xf32> to vector<256x64xf32>
    %mul3A_765 = arith.mulf %mul3A_763, %mul3A_764 : vector<256x64xf32>
    %get3A_766 = arith.constant 38 : index
    %get3A_767 = arith.constant 0 : index
    %get3A_768 = vector.load %arg4[%get3A_766, %get3A_767] : memref<128x64xf32, #tpu.memory_space<vmem>>, vector<1x64xf32>
    %add3A_769 = vector.broadcast %get3A_768 : vector<1x64xf32> to vector<256x64xf32>
    %add3A_770 = arith.addf %mul3A_765, %add3A_769 : vector<256x64xf32>
    %max3A_771 = arith.constant 0.000000e+00 : f32
    %max3A_772 = vector.broadcast %max3A_771 : f32 to vector<256x64xf32>
    %max3A_773 = arith.maximumf %add3A_770, %max3A_772 : vector<256x64xf32>
    %get3A_774 = arith.constant 0 : index
    %get3A_775 = arith.constant 38 : index
    %get3A_776 = vector.load %arg1[%get3A_774, %get3A_775] : memref<256x128xf32, #tpu.memory_space<vmem>>, vector<256x1xf32>
    %mul3A_777 = vector.broadcast %get3A_776 : vector<256x1xf32> to vector<256x64xf32>
    %mul3A_778 = arith.mulf %mul3A_777, %max3A_773 : vector<256x64xf32>
    %add3A_779 = arith.addf %add3A_759, %mul3A_778 : vector<256x64xf32>
    %get3A_780 = arith.constant 39 : index
    %get3A_781 = arith.constant 0 : index
    %get3A_782 = vector.load %arg3[%get3A_780, %get3A_781] : memref<128x64xf32, #tpu.memory_space<vmem>>, vector<1x64xf32>
    %mul3A_783 = vector.broadcast %get3A_1 : vector<256x1xf32> to vector<256x64xf32>
    %mul3A_784 = vector.broadcast %get3A_782 : vector<1x64xf32> to vector<256x64xf32>
    %mul3A_785 = arith.mulf %mul3A_783, %mul3A_784 : vector<256x64xf32>
    %get3A_786 = arith.constant 39 : index
    %get3A_787 = arith.constant 0 : index
    %get3A_788 = vector.load %arg4[%get3A_786, %get3A_787] : memref<128x64xf32, #tpu.memory_space<vmem>>, vector<1x64xf32>
    %add3A_789 = vector.broadcast %get3A_788 : vector<1x64xf32> to vector<256x64xf32>
    %add3A_790 = arith.addf %mul3A_785, %add3A_789 : vector<256x64xf32>
    %max3A_791 = arith.constant 0.000000e+00 : f32
    %max3A_792 = vector.broadcast %max3A_791 : f32 to vector<256x64xf32>
    %max3A_793 = arith.maximumf %add3A_790, %max3A_792 : vector<256x64xf32>
    %get3A_794 = arith.constant 0 : index
    %get3A_795 = arith.constant 39 : index
    %get3A_796 = vector.load %arg1[%get3A_794, %get3A_795] : memref<256x128xf32, #tpu.memory_space<vmem>>, vector<256x1xf32>
    %mul3A_797 = vector.broadcast %get3A_796 : vector<256x1xf32> to vector<256x64xf32>
    %mul3A_798 = arith.mulf %mul3A_797, %max3A_793 : vector<256x64xf32>
    %add3A_799 = arith.addf %add3A_779, %mul3A_798 : vector<256x64xf32>
    %get3A_800 = arith.constant 40 : index
    %get3A_801 = arith.constant 0 : index
    %get3A_802 = vector.load %arg3[%get3A_800, %get3A_801] : memref<128x64xf32, #tpu.memory_space<vmem>>, vector<1x64xf32>
    %mul3A_803 = vector.broadcast %get3A_1 : vector<256x1xf32> to vector<256x64xf32>
    %mul3A_804 = vector.broadcast %get3A_802 : vector<1x64xf32> to vector<256x64xf32>
    %mul3A_805 = arith.mulf %mul3A_803, %mul3A_804 : vector<256x64xf32>
    %get3A_806 = arith.constant 40 : index
    %get3A_807 = arith.constant 0 : index
    %get3A_808 = vector.load %arg4[%get3A_806, %get3A_807] : memref<128x64xf32, #tpu.memory_space<vmem>>, vector<1x64xf32>
    %add3A_809 = vector.broadcast %get3A_808 : vector<1x64xf32> to vector<256x64xf32>
    %add3A_810 = arith.addf %mul3A_805, %add3A_809 : vector<256x64xf32>
    %max3A_811 = arith.constant 0.000000e+00 : f32
    %max3A_812 = vector.broadcast %max3A_811 : f32 to vector<256x64xf32>
    %max3A_813 = arith.maximumf %add3A_810, %max3A_812 : vector<256x64xf32>
    %get3A_814 = arith.constant 0 : index
    %get3A_815 = arith.constant 40 : index
    %get3A_816 = vector.load %arg1[%get3A_814, %get3A_815] : memref<256x128xf32, #tpu.memory_space<vmem>>, vector<256x1xf32>
    %mul3A_817 = vector.broadcast %get3A_816 : vector<256x1xf32> to vector<256x64xf32>
    %mul3A_818 = arith.mulf %mul3A_817, %max3A_813 : vector<256x64xf32>
    %add3A_819 = arith.addf %add3A_799, %mul3A_818 : vector<256x64xf32>
    %get3A_820 = arith.constant 41 : index
    %get3A_821 = arith.constant 0 : index
    %get3A_822 = vector.load %arg3[%get3A_820, %get3A_821] : memref<128x64xf32, #tpu.memory_space<vmem>>, vector<1x64xf32>
    %mul3A_823 = vector.broadcast %get3A_1 : vector<256x1xf32> to vector<256x64xf32>
    %mul3A_824 = vector.broadcast %get3A_822 : vector<1x64xf32> to vector<256x64xf32>
    %mul3A_825 = arith.mulf %mul3A_823, %mul3A_824 : vector<256x64xf32>
    %get3A_826 = arith.constant 41 : index
    %get3A_827 = arith.constant 0 : index
    %get3A_828 = vector.load %arg4[%get3A_826, %get3A_827] : memref<128x64xf32, #tpu.memory_space<vmem>>, vector<1x64xf32>
    %add3A_829 = vector.broadcast %get3A_828 : vector<1x64xf32> to vector<256x64xf32>
    %add3A_830 = arith.addf %mul3A_825, %add3A_829 : vector<256x64xf32>
    %max3A_831 = arith.constant 0.000000e+00 : f32
    %max3A_832 = vector.broadcast %max3A_831 : f32 to vector<256x64xf32>
    %max3A_833 = arith.maximumf %add3A_830, %max3A_832 : vector<256x64xf32>
    %get3A_834 = arith.constant 0 : index
    %get3A_835 = arith.constant 41 : index
    %get3A_836 = vector.load %arg1[%get3A_834, %get3A_835] : memref<256x128xf32, #tpu.memory_space<vmem>>, vector<256x1xf32>
    %mul3A_837 = vector.broadcast %get3A_836 : vector<256x1xf32> to vector<256x64xf32>
    %mul3A_838 = arith.mulf %mul3A_837, %max3A_833 : vector<256x64xf32>
    %add3A_839 = arith.addf %add3A_819, %mul3A_838 : vector<256x64xf32>
    %get3A_840 = arith.constant 42 : index
    %get3A_841 = arith.constant 0 : index
    %get3A_842 = vector.load %arg3[%get3A_840, %get3A_841] : memref<128x64xf32, #tpu.memory_space<vmem>>, vector<1x64xf32>
    %mul3A_843 = vector.broadcast %get3A_1 : vector<256x1xf32> to vector<256x64xf32>
    %mul3A_844 = vector.broadcast %get3A_842 : vector<1x64xf32> to vector<256x64xf32>
    %mul3A_845 = arith.mulf %mul3A_843, %mul3A_844 : vector<256x64xf32>
    %get3A_846 = arith.constant 42 : index
    %get3A_847 = arith.constant 0 : index
    %get3A_848 = vector.load %arg4[%get3A_846, %get3A_847] : memref<128x64xf32, #tpu.memory_space<vmem>>, vector<1x64xf32>
    %add3A_849 = vector.broadcast %get3A_848 : vector<1x64xf32> to vector<256x64xf32>
    %add3A_850 = arith.addf %mul3A_845, %add3A_849 : vector<256x64xf32>
    %max3A_851 = arith.constant 0.000000e+00 : f32
    %max3A_852 = vector.broadcast %max3A_851 : f32 to vector<256x64xf32>
    %max3A_853 = arith.maximumf %add3A_850, %max3A_852 : vector<256x64xf32>
    %get3A_854 = arith.constant 0 : index
    %get3A_855 = arith.constant 42 : index
    %get3A_856 = vector.load %arg1[%get3A_854, %get3A_855] : memref<256x128xf32, #tpu.memory_space<vmem>>, vector<256x1xf32>
    %mul3A_857 = vector.broadcast %get3A_856 : vector<256x1xf32> to vector<256x64xf32>
    %mul3A_858 = arith.mulf %mul3A_857, %max3A_853 : vector<256x64xf32>
    %add3A_859 = arith.addf %add3A_839, %mul3A_858 : vector<256x64xf32>
    %get3A_860 = arith.constant 43 : index
    %get3A_861 = arith.constant 0 : index
    %get3A_862 = vector.load %arg3[%get3A_860, %get3A_861] : memref<128x64xf32, #tpu.memory_space<vmem>>, vector<1x64xf32>
    %mul3A_863 = vector.broadcast %get3A_1 : vector<256x1xf32> to vector<256x64xf32>
    %mul3A_864 = vector.broadcast %get3A_862 : vector<1x64xf32> to vector<256x64xf32>
    %mul3A_865 = arith.mulf %mul3A_863, %mul3A_864 : vector<256x64xf32>
    %get3A_866 = arith.constant 43 : index
    %get3A_867 = arith.constant 0 : index
    %get3A_868 = vector.load %arg4[%get3A_866, %get3A_867] : memref<128x64xf32, #tpu.memory_space<vmem>>, vector<1x64xf32>
    %add3A_869 = vector.broadcast %get3A_868 : vector<1x64xf32> to vector<256x64xf32>
    %add3A_870 = arith.addf %mul3A_865, %add3A_869 : vector<256x64xf32>
    %max3A_871 = arith.constant 0.000000e+00 : f32
    %max3A_872 = vector.broadcast %max3A_871 : f32 to vector<256x64xf32>
    %max3A_873 = arith.maximumf %add3A_870, %max3A_872 : vector<256x64xf32>
    %get3A_874 = arith.constant 0 : index
    %get3A_875 = arith.constant 43 : index
    %get3A_876 = vector.load %arg1[%get3A_874, %get3A_875] : memref<256x128xf32, #tpu.memory_space<vmem>>, vector<256x1xf32>
    %mul3A_877 = vector.broadcast %get3A_876 : vector<256x1xf32> to vector<256x64xf32>
    %mul3A_878 = arith.mulf %mul3A_877, %max3A_873 : vector<256x64xf32>
    %add3A_879 = arith.addf %add3A_859, %mul3A_878 : vector<256x64xf32>
    %get3A_880 = arith.constant 44 : index
    %get3A_881 = arith.constant 0 : index
    %get3A_882 = vector.load %arg3[%get3A_880, %get3A_881] : memref<128x64xf32, #tpu.memory_space<vmem>>, vector<1x64xf32>
    %mul3A_883 = vector.broadcast %get3A_1 : vector<256x1xf32> to vector<256x64xf32>
    %mul3A_884 = vector.broadcast %get3A_882 : vector<1x64xf32> to vector<256x64xf32>
    %mul3A_885 = arith.mulf %mul3A_883, %mul3A_884 : vector<256x64xf32>
    %get3A_886 = arith.constant 44 : index
    %get3A_887 = arith.constant 0 : index
    %get3A_888 = vector.load %arg4[%get3A_886, %get3A_887] : memref<128x64xf32, #tpu.memory_space<vmem>>, vector<1x64xf32>
    %add3A_889 = vector.broadcast %get3A_888 : vector<1x64xf32> to vector<256x64xf32>
    %add3A_890 = arith.addf %mul3A_885, %add3A_889 : vector<256x64xf32>
    %max3A_891 = arith.constant 0.000000e+00 : f32
    %max3A_892 = vector.broadcast %max3A_891 : f32 to vector<256x64xf32>
    %max3A_893 = arith.maximumf %add3A_890, %max3A_892 : vector<256x64xf32>
    %get3A_894 = arith.constant 0 : index
    %get3A_895 = arith.constant 44 : index
    %get3A_896 = vector.load %arg1[%get3A_894, %get3A_895] : memref<256x128xf32, #tpu.memory_space<vmem>>, vector<256x1xf32>
    %mul3A_897 = vector.broadcast %get3A_896 : vector<256x1xf32> to vector<256x64xf32>
    %mul3A_898 = arith.mulf %mul3A_897, %max3A_893 : vector<256x64xf32>
    %add3A_899 = arith.addf %add3A_879, %mul3A_898 : vector<256x64xf32>
    %get3A_900 = arith.constant 45 : index
    %get3A_901 = arith.constant 0 : index
    %get3A_902 = vector.load %arg3[%get3A_900, %get3A_901] : memref<128x64xf32, #tpu.memory_space<vmem>>, vector<1x64xf32>
    %mul3A_903 = vector.broadcast %get3A_1 : vector<256x1xf32> to vector<256x64xf32>
    %mul3A_904 = vector.broadcast %get3A_902 : vector<1x64xf32> to vector<256x64xf32>
    %mul3A_905 = arith.mulf %mul3A_903, %mul3A_904 : vector<256x64xf32>
    %get3A_906 = arith.constant 45 : index
    %get3A_907 = arith.constant 0 : index
    %get3A_908 = vector.load %arg4[%get3A_906, %get3A_907] : memref<128x64xf32, #tpu.memory_space<vmem>>, vector<1x64xf32>
    %add3A_909 = vector.broadcast %get3A_908 : vector<1x64xf32> to vector<256x64xf32>
    %add3A_910 = arith.addf %mul3A_905, %add3A_909 : vector<256x64xf32>
    %max3A_911 = arith.constant 0.000000e+00 : f32
    %max3A_912 = vector.broadcast %max3A_911 : f32 to vector<256x64xf32>
    %max3A_913 = arith.maximumf %add3A_910, %max3A_912 : vector<256x64xf32>
    %get3A_914 = arith.constant 0 : index
    %get3A_915 = arith.constant 45 : index
    %get3A_916 = vector.load %arg1[%get3A_914, %get3A_915] : memref<256x128xf32, #tpu.memory_space<vmem>>, vector<256x1xf32>
    %mul3A_917 = vector.broadcast %get3A_916 : vector<256x1xf32> to vector<256x64xf32>
    %mul3A_918 = arith.mulf %mul3A_917, %max3A_913 : vector<256x64xf32>
    %add3A_919 = arith.addf %add3A_899, %mul3A_918 : vector<256x64xf32>
    %get3A_920 = arith.constant 46 : index
    %get3A_921 = arith.constant 0 : index
    %get3A_922 = vector.load %arg3[%get3A_920, %get3A_921] : memref<128x64xf32, #tpu.memory_space<vmem>>, vector<1x64xf32>
    %mul3A_923 = vector.broadcast %get3A_1 : vector<256x1xf32> to vector<256x64xf32>
    %mul3A_924 = vector.broadcast %get3A_922 : vector<1x64xf32> to vector<256x64xf32>
    %mul3A_925 = arith.mulf %mul3A_923, %mul3A_924 : vector<256x64xf32>
    %get3A_926 = arith.constant 46 : index
    %get3A_927 = arith.constant 0 : index
    %get3A_928 = vector.load %arg4[%get3A_926, %get3A_927] : memref<128x64xf32, #tpu.memory_space<vmem>>, vector<1x64xf32>
    %add3A_929 = vector.broadcast %get3A_928 : vector<1x64xf32> to vector<256x64xf32>
    %add3A_930 = arith.addf %mul3A_925, %add3A_929 : vector<256x64xf32>
    %max3A_931 = arith.constant 0.000000e+00 : f32
    %max3A_932 = vector.broadcast %max3A_931 : f32 to vector<256x64xf32>
    %max3A_933 = arith.maximumf %add3A_930, %max3A_932 : vector<256x64xf32>
    %get3A_934 = arith.constant 0 : index
    %get3A_935 = arith.constant 46 : index
    %get3A_936 = vector.load %arg1[%get3A_934, %get3A_935] : memref<256x128xf32, #tpu.memory_space<vmem>>, vector<256x1xf32>
    %mul3A_937 = vector.broadcast %get3A_936 : vector<256x1xf32> to vector<256x64xf32>
    %mul3A_938 = arith.mulf %mul3A_937, %max3A_933 : vector<256x64xf32>
    %add3A_939 = arith.addf %add3A_919, %mul3A_938 : vector<256x64xf32>
    %get3A_940 = arith.constant 47 : index
    %get3A_941 = arith.constant 0 : index
    %get3A_942 = vector.load %arg3[%get3A_940, %get3A_941] : memref<128x64xf32, #tpu.memory_space<vmem>>, vector<1x64xf32>
    %mul3A_943 = vector.broadcast %get3A_1 : vector<256x1xf32> to vector<256x64xf32>
    %mul3A_944 = vector.broadcast %get3A_942 : vector<1x64xf32> to vector<256x64xf32>
    %mul3A_945 = arith.mulf %mul3A_943, %mul3A_944 : vector<256x64xf32>
    %get3A_946 = arith.constant 47 : index
    %get3A_947 = arith.constant 0 : index
    %get3A_948 = vector.load %arg4[%get3A_946, %get3A_947] : memref<128x64xf32, #tpu.memory_space<vmem>>, vector<1x64xf32>
    %add3A_949 = vector.broadcast %get3A_948 : vector<1x64xf32> to vector<256x64xf32>
    %add3A_950 = arith.addf %mul3A_945, %add3A_949 : vector<256x64xf32>
    %max3A_951 = arith.constant 0.000000e+00 : f32
    %max3A_952 = vector.broadcast %max3A_951 : f32 to vector<256x64xf32>
    %max3A_953 = arith.maximumf %add3A_950, %max3A_952 : vector<256x64xf32>
    %get3A_954 = arith.constant 0 : index
    %get3A_955 = arith.constant 47 : index
    %get3A_956 = vector.load %arg1[%get3A_954, %get3A_955] : memref<256x128xf32, #tpu.memory_space<vmem>>, vector<256x1xf32>
    %mul3A_957 = vector.broadcast %get3A_956 : vector<256x1xf32> to vector<256x64xf32>
    %mul3A_958 = arith.mulf %mul3A_957, %max3A_953 : vector<256x64xf32>
    %add3A_959 = arith.addf %add3A_939, %mul3A_958 : vector<256x64xf32>
    %get3A_960 = arith.constant 48 : index
    %get3A_961 = arith.constant 0 : index
    %get3A_962 = vector.load %arg3[%get3A_960, %get3A_961] : memref<128x64xf32, #tpu.memory_space<vmem>>, vector<1x64xf32>
    %mul3A_963 = vector.broadcast %get3A_1 : vector<256x1xf32> to vector<256x64xf32>
    %mul3A_964 = vector.broadcast %get3A_962 : vector<1x64xf32> to vector<256x64xf32>
    %mul3A_965 = arith.mulf %mul3A_963, %mul3A_964 : vector<256x64xf32>
    %get3A_966 = arith.constant 48 : index
    %get3A_967 = arith.constant 0 : index
    %get3A_968 = vector.load %arg4[%get3A_966, %get3A_967] : memref<128x64xf32, #tpu.memory_space<vmem>>, vector<1x64xf32>
    %add3A_969 = vector.broadcast %get3A_968 : vector<1x64xf32> to vector<256x64xf32>
    %add3A_970 = arith.addf %mul3A_965, %add3A_969 : vector<256x64xf32>
    %max3A_971 = arith.constant 0.000000e+00 : f32
    %max3A_972 = vector.broadcast %max3A_971 : f32 to vector<256x64xf32>
    %max3A_973 = arith.maximumf %add3A_970, %max3A_972 : vector<256x64xf32>
    %get3A_974 = arith.constant 0 : index
    %get3A_975 = arith.constant 48 : index
    %get3A_976 = vector.load %arg1[%get3A_974, %get3A_975] : memref<256x128xf32, #tpu.memory_space<vmem>>, vector<256x1xf32>
    %mul3A_977 = vector.broadcast %get3A_976 : vector<256x1xf32> to vector<256x64xf32>
    %mul3A_978 = arith.mulf %mul3A_977, %max3A_973 : vector<256x64xf32>
    %add3A_979 = arith.addf %add3A_959, %mul3A_978 : vector<256x64xf32>
    %get3A_980 = arith.constant 49 : index
    %get3A_981 = arith.constant 0 : index
    %get3A_982 = vector.load %arg3[%get3A_980, %get3A_981] : memref<128x64xf32, #tpu.memory_space<vmem>>, vector<1x64xf32>
    %mul3A_983 = vector.broadcast %get3A_1 : vector<256x1xf32> to vector<256x64xf32>
    %mul3A_984 = vector.broadcast %get3A_982 : vector<1x64xf32> to vector<256x64xf32>
    %mul3A_985 = arith.mulf %mul3A_983, %mul3A_984 : vector<256x64xf32>
    %get3A_986 = arith.constant 49 : index
    %get3A_987 = arith.constant 0 : index
    %get3A_988 = vector.load %arg4[%get3A_986, %get3A_987] : memref<128x64xf32, #tpu.memory_space<vmem>>, vector<1x64xf32>
    %add3A_989 = vector.broadcast %get3A_988 : vector<1x64xf32> to vector<256x64xf32>
    %add3A_990 = arith.addf %mul3A_985, %add3A_989 : vector<256x64xf32>
    %max3A_991 = arith.constant 0.000000e+00 : f32
    %max3A_992 = vector.broadcast %max3A_991 : f32 to vector<256x64xf32>
    %max3A_993 = arith.maximumf %add3A_990, %max3A_992 : vector<256x64xf32>
    %get3A_994 = arith.constant 0 : index
    %get3A_995 = arith.constant 49 : index
    %get3A_996 = vector.load %arg1[%get3A_994, %get3A_995] : memref<256x128xf32, #tpu.memory_space<vmem>>, vector<256x1xf32>
    %mul3A_997 = vector.broadcast %get3A_996 : vector<256x1xf32> to vector<256x64xf32>
    %mul3A_998 = arith.mulf %mul3A_997, %max3A_993 : vector<256x64xf32>
    %add3A_999 = arith.addf %add3A_979, %mul3A_998 : vector<256x64xf32>
    %get3A_1000 = arith.constant 50 : index
    %get3A_1001 = arith.constant 0 : index
    %get3A_1002 = vector.load %arg3[%get3A_1000, %get3A_1001] : memref<128x64xf32, #tpu.memory_space<vmem>>, vector<1x64xf32>
    %mul3A_1003 = vector.broadcast %get3A_1 : vector<256x1xf32> to vector<256x64xf32>
    %mul3A_1004 = vector.broadcast %get3A_1002 : vector<1x64xf32> to vector<256x64xf32>
    %mul3A_1005 = arith.mulf %mul3A_1003, %mul3A_1004 : vector<256x64xf32>
    %get3A_1006 = arith.constant 50 : index
    %get3A_1007 = arith.constant 0 : index
    %get3A_1008 = vector.load %arg4[%get3A_1006, %get3A_1007] : memref<128x64xf32, #tpu.memory_space<vmem>>, vector<1x64xf32>
    %add3A_1009 = vector.broadcast %get3A_1008 : vector<1x64xf32> to vector<256x64xf32>
    %add3A_1010 = arith.addf %mul3A_1005, %add3A_1009 : vector<256x64xf32>
    %max3A_1011 = arith.constant 0.000000e+00 : f32
    %max3A_1012 = vector.broadcast %max3A_1011 : f32 to vector<256x64xf32>
    %max3A_1013 = arith.maximumf %add3A_1010, %max3A_1012 : vector<256x64xf32>
    %get3A_1014 = arith.constant 0 : index
    %get3A_1015 = arith.constant 50 : index
    %get3A_1016 = vector.load %arg1[%get3A_1014, %get3A_1015] : memref<256x128xf32, #tpu.memory_space<vmem>>, vector<256x1xf32>
    %mul3A_1017 = vector.broadcast %get3A_1016 : vector<256x1xf32> to vector<256x64xf32>
    %mul3A_1018 = arith.mulf %mul3A_1017, %max3A_1013 : vector<256x64xf32>
    %add3A_1019 = arith.addf %add3A_999, %mul3A_1018 : vector<256x64xf32>
    %get3A_1020 = arith.constant 51 : index
    %get3A_1021 = arith.constant 0 : index
    %get3A_1022 = vector.load %arg3[%get3A_1020, %get3A_1021] : memref<128x64xf32, #tpu.memory_space<vmem>>, vector<1x64xf32>
    %mul3A_1023 = vector.broadcast %get3A_1 : vector<256x1xf32> to vector<256x64xf32>
    %mul3A_1024 = vector.broadcast %get3A_1022 : vector<1x64xf32> to vector<256x64xf32>
    %mul3A_1025 = arith.mulf %mul3A_1023, %mul3A_1024 : vector<256x64xf32>
    %get3A_1026 = arith.constant 51 : index
    %get3A_1027 = arith.constant 0 : index
    %get3A_1028 = vector.load %arg4[%get3A_1026, %get3A_1027] : memref<128x64xf32, #tpu.memory_space<vmem>>, vector<1x64xf32>
    %add3A_1029 = vector.broadcast %get3A_1028 : vector<1x64xf32> to vector<256x64xf32>
    %add3A_1030 = arith.addf %mul3A_1025, %add3A_1029 : vector<256x64xf32>
    %max3A_1031 = arith.constant 0.000000e+00 : f32
    %max3A_1032 = vector.broadcast %max3A_1031 : f32 to vector<256x64xf32>
    %max3A_1033 = arith.maximumf %add3A_1030, %max3A_1032 : vector<256x64xf32>
    %get3A_1034 = arith.constant 0 : index
    %get3A_1035 = arith.constant 51 : index
    %get3A_1036 = vector.load %arg1[%get3A_1034, %get3A_1035] : memref<256x128xf32, #tpu.memory_space<vmem>>, vector<256x1xf32>
    %mul3A_1037 = vector.broadcast %get3A_1036 : vector<256x1xf32> to vector<256x64xf32>
    %mul3A_1038 = arith.mulf %mul3A_1037, %max3A_1033 : vector<256x64xf32>
    %add3A_1039 = arith.addf %add3A_1019, %mul3A_1038 : vector<256x64xf32>
    %get3A_1040 = arith.constant 52 : index
    %get3A_1041 = arith.constant 0 : index
    %get3A_1042 = vector.load %arg3[%get3A_1040, %get3A_1041] : memref<128x64xf32, #tpu.memory_space<vmem>>, vector<1x64xf32>
    %mul3A_1043 = vector.broadcast %get3A_1 : vector<256x1xf32> to vector<256x64xf32>
    %mul3A_1044 = vector.broadcast %get3A_1042 : vector<1x64xf32> to vector<256x64xf32>
    %mul3A_1045 = arith.mulf %mul3A_1043, %mul3A_1044 : vector<256x64xf32>
    %get3A_1046 = arith.constant 52 : index
    %get3A_1047 = arith.constant 0 : index
    %get3A_1048 = vector.load %arg4[%get3A_1046, %get3A_1047] : memref<128x64xf32, #tpu.memory_space<vmem>>, vector<1x64xf32>
    %add3A_1049 = vector.broadcast %get3A_1048 : vector<1x64xf32> to vector<256x64xf32>
    %add3A_1050 = arith.addf %mul3A_1045, %add3A_1049 : vector<256x64xf32>
    %max3A_1051 = arith.constant 0.000000e+00 : f32
    %max3A_1052 = vector.broadcast %max3A_1051 : f32 to vector<256x64xf32>
    %max3A_1053 = arith.maximumf %add3A_1050, %max3A_1052 : vector<256x64xf32>
    %get3A_1054 = arith.constant 0 : index
    %get3A_1055 = arith.constant 52 : index
    %get3A_1056 = vector.load %arg1[%get3A_1054, %get3A_1055] : memref<256x128xf32, #tpu.memory_space<vmem>>, vector<256x1xf32>
    %mul3A_1057 = vector.broadcast %get3A_1056 : vector<256x1xf32> to vector<256x64xf32>
    %mul3A_1058 = arith.mulf %mul3A_1057, %max3A_1053 : vector<256x64xf32>
    %add3A_1059 = arith.addf %add3A_1039, %mul3A_1058 : vector<256x64xf32>
    %get3A_1060 = arith.constant 53 : index
    %get3A_1061 = arith.constant 0 : index
    %get3A_1062 = vector.load %arg3[%get3A_1060, %get3A_1061] : memref<128x64xf32, #tpu.memory_space<vmem>>, vector<1x64xf32>
    %mul3A_1063 = vector.broadcast %get3A_1 : vector<256x1xf32> to vector<256x64xf32>
    %mul3A_1064 = vector.broadcast %get3A_1062 : vector<1x64xf32> to vector<256x64xf32>
    %mul3A_1065 = arith.mulf %mul3A_1063, %mul3A_1064 : vector<256x64xf32>
    %get3A_1066 = arith.constant 53 : index
    %get3A_1067 = arith.constant 0 : index
    %get3A_1068 = vector.load %arg4[%get3A_1066, %get3A_1067] : memref<128x64xf32, #tpu.memory_space<vmem>>, vector<1x64xf32>
    %add3A_1069 = vector.broadcast %get3A_1068 : vector<1x64xf32> to vector<256x64xf32>
    %add3A_1070 = arith.addf %mul3A_1065, %add3A_1069 : vector<256x64xf32>
    %max3A_1071 = arith.constant 0.000000e+00 : f32
    %max3A_1072 = vector.broadcast %max3A_1071 : f32 to vector<256x64xf32>
    %max3A_1073 = arith.maximumf %add3A_1070, %max3A_1072 : vector<256x64xf32>
    %get3A_1074 = arith.constant 0 : index
    %get3A_1075 = arith.constant 53 : index
    %get3A_1076 = vector.load %arg1[%get3A_1074, %get3A_1075] : memref<256x128xf32, #tpu.memory_space<vmem>>, vector<256x1xf32>
    %mul3A_1077 = vector.broadcast %get3A_1076 : vector<256x1xf32> to vector<256x64xf32>
    %mul3A_1078 = arith.mulf %mul3A_1077, %max3A_1073 : vector<256x64xf32>
    %add3A_1079 = arith.addf %add3A_1059, %mul3A_1078 : vector<256x64xf32>
    %get3A_1080 = arith.constant 54 : index
    %get3A_1081 = arith.constant 0 : index
    %get3A_1082 = vector.load %arg3[%get3A_1080, %get3A_1081] : memref<128x64xf32, #tpu.memory_space<vmem>>, vector<1x64xf32>
    %mul3A_1083 = vector.broadcast %get3A_1 : vector<256x1xf32> to vector<256x64xf32>
    %mul3A_1084 = vector.broadcast %get3A_1082 : vector<1x64xf32> to vector<256x64xf32>
    %mul3A_1085 = arith.mulf %mul3A_1083, %mul3A_1084 : vector<256x64xf32>
    %get3A_1086 = arith.constant 54 : index
    %get3A_1087 = arith.constant 0 : index
    %get3A_1088 = vector.load %arg4[%get3A_1086, %get3A_1087] : memref<128x64xf32, #tpu.memory_space<vmem>>, vector<1x64xf32>
    %add3A_1089 = vector.broadcast %get3A_1088 : vector<1x64xf32> to vector<256x64xf32>
    %add3A_1090 = arith.addf %mul3A_1085, %add3A_1089 : vector<256x64xf32>
    %max3A_1091 = arith.constant 0.000000e+00 : f32
    %max3A_1092 = vector.broadcast %max3A_1091 : f32 to vector<256x64xf32>
    %max3A_1093 = arith.maximumf %add3A_1090, %max3A_1092 : vector<256x64xf32>
    %get3A_1094 = arith.constant 0 : index
    %get3A_1095 = arith.constant 54 : index
    %get3A_1096 = vector.load %arg1[%get3A_1094, %get3A_1095] : memref<256x128xf32, #tpu.memory_space<vmem>>, vector<256x1xf32>
    %mul3A_1097 = vector.broadcast %get3A_1096 : vector<256x1xf32> to vector<256x64xf32>
    %mul3A_1098 = arith.mulf %mul3A_1097, %max3A_1093 : vector<256x64xf32>
    %add3A_1099 = arith.addf %add3A_1079, %mul3A_1098 : vector<256x64xf32>
    %get3A_1100 = arith.constant 55 : index
    %get3A_1101 = arith.constant 0 : index
    %get3A_1102 = vector.load %arg3[%get3A_1100, %get3A_1101] : memref<128x64xf32, #tpu.memory_space<vmem>>, vector<1x64xf32>
    %mul3A_1103 = vector.broadcast %get3A_1 : vector<256x1xf32> to vector<256x64xf32>
    %mul3A_1104 = vector.broadcast %get3A_1102 : vector<1x64xf32> to vector<256x64xf32>
    %mul3A_1105 = arith.mulf %mul3A_1103, %mul3A_1104 : vector<256x64xf32>
    %get3A_1106 = arith.constant 55 : index
    %get3A_1107 = arith.constant 0 : index
    %get3A_1108 = vector.load %arg4[%get3A_1106, %get3A_1107] : memref<128x64xf32, #tpu.memory_space<vmem>>, vector<1x64xf32>
    %add3A_1109 = vector.broadcast %get3A_1108 : vector<1x64xf32> to vector<256x64xf32>
    %add3A_1110 = arith.addf %mul3A_1105, %add3A_1109 : vector<256x64xf32>
    %max3A_1111 = arith.constant 0.000000e+00 : f32
    %max3A_1112 = vector.broadcast %max3A_1111 : f32 to vector<256x64xf32>
    %max3A_1113 = arith.maximumf %add3A_1110, %max3A_1112 : vector<256x64xf32>
    %get3A_1114 = arith.constant 0 : index
    %get3A_1115 = arith.constant 55 : index
    %get3A_1116 = vector.load %arg1[%get3A_1114, %get3A_1115] : memref<256x128xf32, #tpu.memory_space<vmem>>, vector<256x1xf32>
    %mul3A_1117 = vector.broadcast %get3A_1116 : vector<256x1xf32> to vector<256x64xf32>
    %mul3A_1118 = arith.mulf %mul3A_1117, %max3A_1113 : vector<256x64xf32>
    %add3A_1119 = arith.addf %add3A_1099, %mul3A_1118 : vector<256x64xf32>
    %get3A_1120 = arith.constant 56 : index
    %get3A_1121 = arith.constant 0 : index
    %get3A_1122 = vector.load %arg3[%get3A_1120, %get3A_1121] : memref<128x64xf32, #tpu.memory_space<vmem>>, vector<1x64xf32>
    %mul3A_1123 = vector.broadcast %get3A_1 : vector<256x1xf32> to vector<256x64xf32>
    %mul3A_1124 = vector.broadcast %get3A_1122 : vector<1x64xf32> to vector<256x64xf32>
    %mul3A_1125 = arith.mulf %mul3A_1123, %mul3A_1124 : vector<256x64xf32>
    %get3A_1126 = arith.constant 56 : index
    %get3A_1127 = arith.constant 0 : index
    %get3A_1128 = vector.load %arg4[%get3A_1126, %get3A_1127] : memref<128x64xf32, #tpu.memory_space<vmem>>, vector<1x64xf32>
    %add3A_1129 = vector.broadcast %get3A_1128 : vector<1x64xf32> to vector<256x64xf32>
    %add3A_1130 = arith.addf %mul3A_1125, %add3A_1129 : vector<256x64xf32>
    %max3A_1131 = arith.constant 0.000000e+00 : f32
    %max3A_1132 = vector.broadcast %max3A_1131 : f32 to vector<256x64xf32>
    %max3A_1133 = arith.maximumf %add3A_1130, %max3A_1132 : vector<256x64xf32>
    %get3A_1134 = arith.constant 0 : index
    %get3A_1135 = arith.constant 56 : index
    %get3A_1136 = vector.load %arg1[%get3A_1134, %get3A_1135] : memref<256x128xf32, #tpu.memory_space<vmem>>, vector<256x1xf32>
    %mul3A_1137 = vector.broadcast %get3A_1136 : vector<256x1xf32> to vector<256x64xf32>
    %mul3A_1138 = arith.mulf %mul3A_1137, %max3A_1133 : vector<256x64xf32>
    %add3A_1139 = arith.addf %add3A_1119, %mul3A_1138 : vector<256x64xf32>
    %get3A_1140 = arith.constant 57 : index
    %get3A_1141 = arith.constant 0 : index
    %get3A_1142 = vector.load %arg3[%get3A_1140, %get3A_1141] : memref<128x64xf32, #tpu.memory_space<vmem>>, vector<1x64xf32>
    %mul3A_1143 = vector.broadcast %get3A_1 : vector<256x1xf32> to vector<256x64xf32>
    %mul3A_1144 = vector.broadcast %get3A_1142 : vector<1x64xf32> to vector<256x64xf32>
    %mul3A_1145 = arith.mulf %mul3A_1143, %mul3A_1144 : vector<256x64xf32>
    %get3A_1146 = arith.constant 57 : index
    %get3A_1147 = arith.constant 0 : index
    %get3A_1148 = vector.load %arg4[%get3A_1146, %get3A_1147] : memref<128x64xf32, #tpu.memory_space<vmem>>, vector<1x64xf32>
    %add3A_1149 = vector.broadcast %get3A_1148 : vector<1x64xf32> to vector<256x64xf32>
    %add3A_1150 = arith.addf %mul3A_1145, %add3A_1149 : vector<256x64xf32>
    %max3A_1151 = arith.constant 0.000000e+00 : f32
    %max3A_1152 = vector.broadcast %max3A_1151 : f32 to vector<256x64xf32>
    %max3A_1153 = arith.maximumf %add3A_1150, %max3A_1152 : vector<256x64xf32>
    %get3A_1154 = arith.constant 0 : index
    %get3A_1155 = arith.constant 57 : index
    %get3A_1156 = vector.load %arg1[%get3A_1154, %get3A_1155] : memref<256x128xf32, #tpu.memory_space<vmem>>, vector<256x1xf32>
    %mul3A_1157 = vector.broadcast %get3A_1156 : vector<256x1xf32> to vector<256x64xf32>
    %mul3A_1158 = arith.mulf %mul3A_1157, %max3A_1153 : vector<256x64xf32>
    %add3A_1159 = arith.addf %add3A_1139, %mul3A_1158 : vector<256x64xf32>
    %get3A_1160 = arith.constant 58 : index
    %get3A_1161 = arith.constant 0 : index
    %get3A_1162 = vector.load %arg3[%get3A_1160, %get3A_1161] : memref<128x64xf32, #tpu.memory_space<vmem>>, vector<1x64xf32>
    %mul3A_1163 = vector.broadcast %get3A_1 : vector<256x1xf32> to vector<256x64xf32>
    %mul3A_1164 = vector.broadcast %get3A_1162 : vector<1x64xf32> to vector<256x64xf32>
    %mul3A_1165 = arith.mulf %mul3A_1163, %mul3A_1164 : vector<256x64xf32>
    %get3A_1166 = arith.constant 58 : index
    %get3A_1167 = arith.constant 0 : index
    %get3A_1168 = vector.load %arg4[%get3A_1166, %get3A_1167] : memref<128x64xf32, #tpu.memory_space<vmem>>, vector<1x64xf32>
    %add3A_1169 = vector.broadcast %get3A_1168 : vector<1x64xf32> to vector<256x64xf32>
    %add3A_1170 = arith.addf %mul3A_1165, %add3A_1169 : vector<256x64xf32>
    %max3A_1171 = arith.constant 0.000000e+00 : f32
    %max3A_1172 = vector.broadcast %max3A_1171 : f32 to vector<256x64xf32>
    %max3A_1173 = arith.maximumf %add3A_1170, %max3A_1172 : vector<256x64xf32>
    %get3A_1174 = arith.constant 0 : index
    %get3A_1175 = arith.constant 58 : index
    %get3A_1176 = vector.load %arg1[%get3A_1174, %get3A_1175] : memref<256x128xf32, #tpu.memory_space<vmem>>, vector<256x1xf32>
    %mul3A_1177 = vector.broadcast %get3A_1176 : vector<256x1xf32> to vector<256x64xf32>
    %mul3A_1178 = arith.mulf %mul3A_1177, %max3A_1173 : vector<256x64xf32>
    %add3A_1179 = arith.addf %add3A_1159, %mul3A_1178 : vector<256x64xf32>
    %get3A_1180 = arith.constant 59 : index
    %get3A_1181 = arith.constant 0 : index
    %get3A_1182 = vector.load %arg3[%get3A_1180, %get3A_1181] : memref<128x64xf32, #tpu.memory_space<vmem>>, vector<1x64xf32>
    %mul3A_1183 = vector.broadcast %get3A_1 : vector<256x1xf32> to vector<256x64xf32>
    %mul3A_1184 = vector.broadcast %get3A_1182 : vector<1x64xf32> to vector<256x64xf32>
    %mul3A_1185 = arith.mulf %mul3A_1183, %mul3A_1184 : vector<256x64xf32>
    %get3A_1186 = arith.constant 59 : index
    %get3A_1187 = arith.constant 0 : index
    %get3A_1188 = vector.load %arg4[%get3A_1186, %get3A_1187] : memref<128x64xf32, #tpu.memory_space<vmem>>, vector<1x64xf32>
    %add3A_1189 = vector.broadcast %get3A_1188 : vector<1x64xf32> to vector<256x64xf32>
    %add3A_1190 = arith.addf %mul3A_1185, %add3A_1189 : vector<256x64xf32>
    %max3A_1191 = arith.constant 0.000000e+00 : f32
    %max3A_1192 = vector.broadcast %max3A_1191 : f32 to vector<256x64xf32>
    %max3A_1193 = arith.maximumf %add3A_1190, %max3A_1192 : vector<256x64xf32>
    %get3A_1194 = arith.constant 0 : index
    %get3A_1195 = arith.constant 59 : index
    %get3A_1196 = vector.load %arg1[%get3A_1194, %get3A_1195] : memref<256x128xf32, #tpu.memory_space<vmem>>, vector<256x1xf32>
    %mul3A_1197 = vector.broadcast %get3A_1196 : vector<256x1xf32> to vector<256x64xf32>
    %mul3A_1198 = arith.mulf %mul3A_1197, %max3A_1193 : vector<256x64xf32>
    %add3A_1199 = arith.addf %add3A_1179, %mul3A_1198 : vector<256x64xf32>
    %get3A_1200 = arith.constant 60 : index
    %get3A_1201 = arith.constant 0 : index
    %get3A_1202 = vector.load %arg3[%get3A_1200, %get3A_1201] : memref<128x64xf32, #tpu.memory_space<vmem>>, vector<1x64xf32>
    %mul3A_1203 = vector.broadcast %get3A_1 : vector<256x1xf32> to vector<256x64xf32>
    %mul3A_1204 = vector.broadcast %get3A_1202 : vector<1x64xf32> to vector<256x64xf32>
    %mul3A_1205 = arith.mulf %mul3A_1203, %mul3A_1204 : vector<256x64xf32>
    %get3A_1206 = arith.constant 60 : index
    %get3A_1207 = arith.constant 0 : index
    %get3A_1208 = vector.load %arg4[%get3A_1206, %get3A_1207] : memref<128x64xf32, #tpu.memory_space<vmem>>, vector<1x64xf32>
    %add3A_1209 = vector.broadcast %get3A_1208 : vector<1x64xf32> to vector<256x64xf32>
    %add3A_1210 = arith.addf %mul3A_1205, %add3A_1209 : vector<256x64xf32>
    %max3A_1211 = arith.constant 0.000000e+00 : f32
    %max3A_1212 = vector.broadcast %max3A_1211 : f32 to vector<256x64xf32>
    %max3A_1213 = arith.maximumf %add3A_1210, %max3A_1212 : vector<256x64xf32>
    %get3A_1214 = arith.constant 0 : index
    %get3A_1215 = arith.constant 60 : index
    %get3A_1216 = vector.load %arg1[%get3A_1214, %get3A_1215] : memref<256x128xf32, #tpu.memory_space<vmem>>, vector<256x1xf32>
    %mul3A_1217 = vector.broadcast %get3A_1216 : vector<256x1xf32> to vector<256x64xf32>
    %mul3A_1218 = arith.mulf %mul3A_1217, %max3A_1213 : vector<256x64xf32>
    %add3A_1219 = arith.addf %add3A_1199, %mul3A_1218 : vector<256x64xf32>
    %get3A_1220 = arith.constant 61 : index
    %get3A_1221 = arith.constant 0 : index
    %get3A_1222 = vector.load %arg3[%get3A_1220, %get3A_1221] : memref<128x64xf32, #tpu.memory_space<vmem>>, vector<1x64xf32>
    %mul3A_1223 = vector.broadcast %get3A_1 : vector<256x1xf32> to vector<256x64xf32>
    %mul3A_1224 = vector.broadcast %get3A_1222 : vector<1x64xf32> to vector<256x64xf32>
    %mul3A_1225 = arith.mulf %mul3A_1223, %mul3A_1224 : vector<256x64xf32>
    %get3A_1226 = arith.constant 61 : index
    %get3A_1227 = arith.constant 0 : index
    %get3A_1228 = vector.load %arg4[%get3A_1226, %get3A_1227] : memref<128x64xf32, #tpu.memory_space<vmem>>, vector<1x64xf32>
    %add3A_1229 = vector.broadcast %get3A_1228 : vector<1x64xf32> to vector<256x64xf32>
    %add3A_1230 = arith.addf %mul3A_1225, %add3A_1229 : vector<256x64xf32>
    %max3A_1231 = arith.constant 0.000000e+00 : f32
    %max3A_1232 = vector.broadcast %max3A_1231 : f32 to vector<256x64xf32>
    %max3A_1233 = arith.maximumf %add3A_1230, %max3A_1232 : vector<256x64xf32>
    %get3A_1234 = arith.constant 0 : index
    %get3A_1235 = arith.constant 61 : index
    %get3A_1236 = vector.load %arg1[%get3A_1234, %get3A_1235] : memref<256x128xf32, #tpu.memory_space<vmem>>, vector<256x1xf32>
    %mul3A_1237 = vector.broadcast %get3A_1236 : vector<256x1xf32> to vector<256x64xf32>
    %mul3A_1238 = arith.mulf %mul3A_1237, %max3A_1233 : vector<256x64xf32>
    %add3A_1239 = arith.addf %add3A_1219, %mul3A_1238 : vector<256x64xf32>
    %get3A_1240 = arith.constant 62 : index
    %get3A_1241 = arith.constant 0 : index
    %get3A_1242 = vector.load %arg3[%get3A_1240, %get3A_1241] : memref<128x64xf32, #tpu.memory_space<vmem>>, vector<1x64xf32>
    %mul3A_1243 = vector.broadcast %get3A_1 : vector<256x1xf32> to vector<256x64xf32>
    %mul3A_1244 = vector.broadcast %get3A_1242 : vector<1x64xf32> to vector<256x64xf32>
    %mul3A_1245 = arith.mulf %mul3A_1243, %mul3A_1244 : vector<256x64xf32>
    %get3A_1246 = arith.constant 62 : index
    %get3A_1247 = arith.constant 0 : index
    %get3A_1248 = vector.load %arg4[%get3A_1246, %get3A_1247] : memref<128x64xf32, #tpu.memory_space<vmem>>, vector<1x64xf32>
    %add3A_1249 = vector.broadcast %get3A_1248 : vector<1x64xf32> to vector<256x64xf32>
    %add3A_1250 = arith.addf %mul3A_1245, %add3A_1249 : vector<256x64xf32>
    %max3A_1251 = arith.constant 0.000000e+00 : f32
    %max3A_1252 = vector.broadcast %max3A_1251 : f32 to vector<256x64xf32>
    %max3A_1253 = arith.maximumf %add3A_1250, %max3A_1252 : vector<256x64xf32>
    %get3A_1254 = arith.constant 0 : index
    %get3A_1255 = arith.constant 62 : index
    %get3A_1256 = vector.load %arg1[%get3A_1254, %get3A_1255] : memref<256x128xf32, #tpu.memory_space<vmem>>, vector<256x1xf32>
    %mul3A_1257 = vector.broadcast %get3A_1256 : vector<256x1xf32> to vector<256x64xf32>
    %mul3A_1258 = arith.mulf %mul3A_1257, %max3A_1253 : vector<256x64xf32>
    %add3A_1259 = arith.addf %add3A_1239, %mul3A_1258 : vector<256x64xf32>
    %get3A_1260 = arith.constant 63 : index
    %get3A_1261 = arith.constant 0 : index
    %get3A_1262 = vector.load %arg3[%get3A_1260, %get3A_1261] : memref<128x64xf32, #tpu.memory_space<vmem>>, vector<1x64xf32>
    %mul3A_1263 = vector.broadcast %get3A_1 : vector<256x1xf32> to vector<256x64xf32>
    %mul3A_1264 = vector.broadcast %get3A_1262 : vector<1x64xf32> to vector<256x64xf32>
    %mul3A_1265 = arith.mulf %mul3A_1263, %mul3A_1264 : vector<256x64xf32>
    %get3A_1266 = arith.constant 63 : index
    %get3A_1267 = arith.constant 0 : index
    %get3A_1268 = vector.load %arg4[%get3A_1266, %get3A_1267] : memref<128x64xf32, #tpu.memory_space<vmem>>, vector<1x64xf32>
    %add3A_1269 = vector.broadcast %get3A_1268 : vector<1x64xf32> to vector<256x64xf32>
    %add3A_1270 = arith.addf %mul3A_1265, %add3A_1269 : vector<256x64xf32>
    %max3A_1271 = arith.constant 0.000000e+00 : f32
    %max3A_1272 = vector.broadcast %max3A_1271 : f32 to vector<256x64xf32>
    %max3A_1273 = arith.maximumf %add3A_1270, %max3A_1272 : vector<256x64xf32>
    %get3A_1274 = arith.constant 0 : index
    %get3A_1275 = arith.constant 63 : index
    %get3A_1276 = vector.load %arg1[%get3A_1274, %get3A_1275] : memref<256x128xf32, #tpu.memory_space<vmem>>, vector<256x1xf32>
    %mul3A_1277 = vector.broadcast %get3A_1276 : vector<256x1xf32> to vector<256x64xf32>
    %mul3A_1278 = arith.mulf %mul3A_1277, %max3A_1273 : vector<256x64xf32>
    %add3A_1279 = arith.addf %add3A_1259, %mul3A_1278 : vector<256x64xf32>
    %get3A_1280 = arith.constant 64 : index
    %get3A_1281 = arith.constant 0 : index
    %get3A_1282 = vector.load %arg3[%get3A_1280, %get3A_1281] : memref<128x64xf32, #tpu.memory_space<vmem>>, vector<1x64xf32>
    %mul3A_1283 = vector.broadcast %get3A_1 : vector<256x1xf32> to vector<256x64xf32>
    %mul3A_1284 = vector.broadcast %get3A_1282 : vector<1x64xf32> to vector<256x64xf32>
    %mul3A_1285 = arith.mulf %mul3A_1283, %mul3A_1284 : vector<256x64xf32>
    %get3A_1286 = arith.constant 64 : index
    %get3A_1287 = arith.constant 0 : index
    %get3A_1288 = vector.load %arg4[%get3A_1286, %get3A_1287] : memref<128x64xf32, #tpu.memory_space<vmem>>, vector<1x64xf32>
    %add3A_1289 = vector.broadcast %get3A_1288 : vector<1x64xf32> to vector<256x64xf32>
    %add3A_1290 = arith.addf %mul3A_1285, %add3A_1289 : vector<256x64xf32>
    %max3A_1291 = arith.constant 0.000000e+00 : f32
    %max3A_1292 = vector.broadcast %max3A_1291 : f32 to vector<256x64xf32>
    %max3A_1293 = arith.maximumf %add3A_1290, %max3A_1292 : vector<256x64xf32>
    %get3A_1294 = arith.constant 0 : index
    %get3A_1295 = arith.constant 64 : index
    %get3A_1296 = vector.load %arg1[%get3A_1294, %get3A_1295] : memref<256x128xf32, #tpu.memory_space<vmem>>, vector<256x1xf32>
    %mul3A_1297 = vector.broadcast %get3A_1296 : vector<256x1xf32> to vector<256x64xf32>
    %mul3A_1298 = arith.mulf %mul3A_1297, %max3A_1293 : vector<256x64xf32>
    %add3A_1299 = arith.addf %add3A_1279, %mul3A_1298 : vector<256x64xf32>
    %get3A_1300 = arith.constant 65 : index
    %get3A_1301 = arith.constant 0 : index
    %get3A_1302 = vector.load %arg3[%get3A_1300, %get3A_1301] : memref<128x64xf32, #tpu.memory_space<vmem>>, vector<1x64xf32>
    %mul3A_1303 = vector.broadcast %get3A_1 : vector<256x1xf32> to vector<256x64xf32>
    %mul3A_1304 = vector.broadcast %get3A_1302 : vector<1x64xf32> to vector<256x64xf32>
    %mul3A_1305 = arith.mulf %mul3A_1303, %mul3A_1304 : vector<256x64xf32>
    %get3A_1306 = arith.constant 65 : index
    %get3A_1307 = arith.constant 0 : index
    %get3A_1308 = vector.load %arg4[%get3A_1306, %get3A_1307] : memref<128x64xf32, #tpu.memory_space<vmem>>, vector<1x64xf32>
    %add3A_1309 = vector.broadcast %get3A_1308 : vector<1x64xf32> to vector<256x64xf32>
    %add3A_1310 = arith.addf %mul3A_1305, %add3A_1309 : vector<256x64xf32>
    %max3A_1311 = arith.constant 0.000000e+00 : f32
    %max3A_1312 = vector.broadcast %max3A_1311 : f32 to vector<256x64xf32>
    %max3A_1313 = arith.maximumf %add3A_1310, %max3A_1312 : vector<256x64xf32>
    %get3A_1314 = arith.constant 0 : index
    %get3A_1315 = arith.constant 65 : index
    %get3A_1316 = vector.load %arg1[%get3A_1314, %get3A_1315] : memref<256x128xf32, #tpu.memory_space<vmem>>, vector<256x1xf32>
    %mul3A_1317 = vector.broadcast %get3A_1316 : vector<256x1xf32> to vector<256x64xf32>
    %mul3A_1318 = arith.mulf %mul3A_1317, %max3A_1313 : vector<256x64xf32>
    %add3A_1319 = arith.addf %add3A_1299, %mul3A_1318 : vector<256x64xf32>
    %get3A_1320 = arith.constant 66 : index
    %get3A_1321 = arith.constant 0 : index
    %get3A_1322 = vector.load %arg3[%get3A_1320, %get3A_1321] : memref<128x64xf32, #tpu.memory_space<vmem>>, vector<1x64xf32>
    %mul3A_1323 = vector.broadcast %get3A_1 : vector<256x1xf32> to vector<256x64xf32>
    %mul3A_1324 = vector.broadcast %get3A_1322 : vector<1x64xf32> to vector<256x64xf32>
    %mul3A_1325 = arith.mulf %mul3A_1323, %mul3A_1324 : vector<256x64xf32>
    %get3A_1326 = arith.constant 66 : index
    %get3A_1327 = arith.constant 0 : index
    %get3A_1328 = vector.load %arg4[%get3A_1326, %get3A_1327] : memref<128x64xf32, #tpu.memory_space<vmem>>, vector<1x64xf32>
    %add3A_1329 = vector.broadcast %get3A_1328 : vector<1x64xf32> to vector<256x64xf32>
    %add3A_1330 = arith.addf %mul3A_1325, %add3A_1329 : vector<256x64xf32>
    %max3A_1331 = arith.constant 0.000000e+00 : f32
    %max3A_1332 = vector.broadcast %max3A_1331 : f32 to vector<256x64xf32>
    %max3A_1333 = arith.maximumf %add3A_1330, %max3A_1332 : vector<256x64xf32>
    %get3A_1334 = arith.constant 0 : index
    %get3A_1335 = arith.constant 66 : index
    %get3A_1336 = vector.load %arg1[%get3A_1334, %get3A_1335] : memref<256x128xf32, #tpu.memory_space<vmem>>, vector<256x1xf32>
    %mul3A_1337 = vector.broadcast %get3A_1336 : vector<256x1xf32> to vector<256x64xf32>
    %mul3A_1338 = arith.mulf %mul3A_1337, %max3A_1333 : vector<256x64xf32>
    %add3A_1339 = arith.addf %add3A_1319, %mul3A_1338 : vector<256x64xf32>
    %get3A_1340 = arith.constant 67 : index
    %get3A_1341 = arith.constant 0 : index
    %get3A_1342 = vector.load %arg3[%get3A_1340, %get3A_1341] : memref<128x64xf32, #tpu.memory_space<vmem>>, vector<1x64xf32>
    %mul3A_1343 = vector.broadcast %get3A_1 : vector<256x1xf32> to vector<256x64xf32>
    %mul3A_1344 = vector.broadcast %get3A_1342 : vector<1x64xf32> to vector<256x64xf32>
    %mul3A_1345 = arith.mulf %mul3A_1343, %mul3A_1344 : vector<256x64xf32>
    %get3A_1346 = arith.constant 67 : index
    %get3A_1347 = arith.constant 0 : index
    %get3A_1348 = vector.load %arg4[%get3A_1346, %get3A_1347] : memref<128x64xf32, #tpu.memory_space<vmem>>, vector<1x64xf32>
    %add3A_1349 = vector.broadcast %get3A_1348 : vector<1x64xf32> to vector<256x64xf32>
    %add3A_1350 = arith.addf %mul3A_1345, %add3A_1349 : vector<256x64xf32>
    %max3A_1351 = arith.constant 0.000000e+00 : f32
    %max3A_1352 = vector.broadcast %max3A_1351 : f32 to vector<256x64xf32>
    %max3A_1353 = arith.maximumf %add3A_1350, %max3A_1352 : vector<256x64xf32>
    %get3A_1354 = arith.constant 0 : index
    %get3A_1355 = arith.constant 67 : index
    %get3A_1356 = vector.load %arg1[%get3A_1354, %get3A_1355] : memref<256x128xf32, #tpu.memory_space<vmem>>, vector<256x1xf32>
    %mul3A_1357 = vector.broadcast %get3A_1356 : vector<256x1xf32> to vector<256x64xf32>
    %mul3A_1358 = arith.mulf %mul3A_1357, %max3A_1353 : vector<256x64xf32>
    %add3A_1359 = arith.addf %add3A_1339, %mul3A_1358 : vector<256x64xf32>
    %get3A_1360 = arith.constant 68 : index
    %get3A_1361 = arith.constant 0 : index
    %get3A_1362 = vector.load %arg3[%get3A_1360, %get3A_1361] : memref<128x64xf32, #tpu.memory_space<vmem>>, vector<1x64xf32>
    %mul3A_1363 = vector.broadcast %get3A_1 : vector<256x1xf32> to vector<256x64xf32>
    %mul3A_1364 = vector.broadcast %get3A_1362 : vector<1x64xf32> to vector<256x64xf32>
    %mul3A_1365 = arith.mulf %mul3A_1363, %mul3A_1364 : vector<256x64xf32>
    %get3A_1366 = arith.constant 68 : index
    %get3A_1367 = arith.constant 0 : index
    %get3A_1368 = vector.load %arg4[%get3A_1366, %get3A_1367] : memref<128x64xf32, #tpu.memory_space<vmem>>, vector<1x64xf32>
    %add3A_1369 = vector.broadcast %get3A_1368 : vector<1x64xf32> to vector<256x64xf32>
    %add3A_1370 = arith.addf %mul3A_1365, %add3A_1369 : vector<256x64xf32>
    %max3A_1371 = arith.constant 0.000000e+00 : f32
    %max3A_1372 = vector.broadcast %max3A_1371 : f32 to vector<256x64xf32>
    %max3A_1373 = arith.maximumf %add3A_1370, %max3A_1372 : vector<256x64xf32>
    %get3A_1374 = arith.constant 0 : index
    %get3A_1375 = arith.constant 68 : index
    %get3A_1376 = vector.load %arg1[%get3A_1374, %get3A_1375] : memref<256x128xf32, #tpu.memory_space<vmem>>, vector<256x1xf32>
    %mul3A_1377 = vector.broadcast %get3A_1376 : vector<256x1xf32> to vector<256x64xf32>
    %mul3A_1378 = arith.mulf %mul3A_1377, %max3A_1373 : vector<256x64xf32>
    %add3A_1379 = arith.addf %add3A_1359, %mul3A_1378 : vector<256x64xf32>
    %get3A_1380 = arith.constant 69 : index
    %get3A_1381 = arith.constant 0 : index
    %get3A_1382 = vector.load %arg3[%get3A_1380, %get3A_1381] : memref<128x64xf32, #tpu.memory_space<vmem>>, vector<1x64xf32>
    %mul3A_1383 = vector.broadcast %get3A_1 : vector<256x1xf32> to vector<256x64xf32>
    %mul3A_1384 = vector.broadcast %get3A_1382 : vector<1x64xf32> to vector<256x64xf32>
    %mul3A_1385 = arith.mulf %mul3A_1383, %mul3A_1384 : vector<256x64xf32>
    %get3A_1386 = arith.constant 69 : index
    %get3A_1387 = arith.constant 0 : index
    %get3A_1388 = vector.load %arg4[%get3A_1386, %get3A_1387] : memref<128x64xf32, #tpu.memory_space<vmem>>, vector<1x64xf32>
    %add3A_1389 = vector.broadcast %get3A_1388 : vector<1x64xf32> to vector<256x64xf32>
    %add3A_1390 = arith.addf %mul3A_1385, %add3A_1389 : vector<256x64xf32>
    %max3A_1391 = arith.constant 0.000000e+00 : f32
    %max3A_1392 = vector.broadcast %max3A_1391 : f32 to vector<256x64xf32>
    %max3A_1393 = arith.maximumf %add3A_1390, %max3A_1392 : vector<256x64xf32>
    %get3A_1394 = arith.constant 0 : index
    %get3A_1395 = arith.constant 69 : index
    %get3A_1396 = vector.load %arg1[%get3A_1394, %get3A_1395] : memref<256x128xf32, #tpu.memory_space<vmem>>, vector<256x1xf32>
    %mul3A_1397 = vector.broadcast %get3A_1396 : vector<256x1xf32> to vector<256x64xf32>
    %mul3A_1398 = arith.mulf %mul3A_1397, %max3A_1393 : vector<256x64xf32>
    %add3A_1399 = arith.addf %add3A_1379, %mul3A_1398 : vector<256x64xf32>
    %get3A_1400 = arith.constant 70 : index
    %get3A_1401 = arith.constant 0 : index
    %get3A_1402 = vector.load %arg3[%get3A_1400, %get3A_1401] : memref<128x64xf32, #tpu.memory_space<vmem>>, vector<1x64xf32>
    %mul3A_1403 = vector.broadcast %get3A_1 : vector<256x1xf32> to vector<256x64xf32>
    %mul3A_1404 = vector.broadcast %get3A_1402 : vector<1x64xf32> to vector<256x64xf32>
    %mul3A_1405 = arith.mulf %mul3A_1403, %mul3A_1404 : vector<256x64xf32>
    %get3A_1406 = arith.constant 70 : index
    %get3A_1407 = arith.constant 0 : index
    %get3A_1408 = vector.load %arg4[%get3A_1406, %get3A_1407] : memref<128x64xf32, #tpu.memory_space<vmem>>, vector<1x64xf32>
    %add3A_1409 = vector.broadcast %get3A_1408 : vector<1x64xf32> to vector<256x64xf32>
    %add3A_1410 = arith.addf %mul3A_1405, %add3A_1409 : vector<256x64xf32>
    %max3A_1411 = arith.constant 0.000000e+00 : f32
    %max3A_1412 = vector.broadcast %max3A_1411 : f32 to vector<256x64xf32>
    %max3A_1413 = arith.maximumf %add3A_1410, %max3A_1412 : vector<256x64xf32>
    %get3A_1414 = arith.constant 0 : index
    %get3A_1415 = arith.constant 70 : index
    %get3A_1416 = vector.load %arg1[%get3A_1414, %get3A_1415] : memref<256x128xf32, #tpu.memory_space<vmem>>, vector<256x1xf32>
    %mul3A_1417 = vector.broadcast %get3A_1416 : vector<256x1xf32> to vector<256x64xf32>
    %mul3A_1418 = arith.mulf %mul3A_1417, %max3A_1413 : vector<256x64xf32>
    %add3A_1419 = arith.addf %add3A_1399, %mul3A_1418 : vector<256x64xf32>
    %get3A_1420 = arith.constant 71 : index
    %get3A_1421 = arith.constant 0 : index
    %get3A_1422 = vector.load %arg3[%get3A_1420, %get3A_1421] : memref<128x64xf32, #tpu.memory_space<vmem>>, vector<1x64xf32>
    %mul3A_1423 = vector.broadcast %get3A_1 : vector<256x1xf32> to vector<256x64xf32>
    %mul3A_1424 = vector.broadcast %get3A_1422 : vector<1x64xf32> to vector<256x64xf32>
    %mul3A_1425 = arith.mulf %mul3A_1423, %mul3A_1424 : vector<256x64xf32>
    %get3A_1426 = arith.constant 71 : index
    %get3A_1427 = arith.constant 0 : index
    %get3A_1428 = vector.load %arg4[%get3A_1426, %get3A_1427] : memref<128x64xf32, #tpu.memory_space<vmem>>, vector<1x64xf32>
    %add3A_1429 = vector.broadcast %get3A_1428 : vector<1x64xf32> to vector<256x64xf32>
    %add3A_1430 = arith.addf %mul3A_1425, %add3A_1429 : vector<256x64xf32>
    %max3A_1431 = arith.constant 0.000000e+00 : f32
    %max3A_1432 = vector.broadcast %max3A_1431 : f32 to vector<256x64xf32>
    %max3A_1433 = arith.maximumf %add3A_1430, %max3A_1432 : vector<256x64xf32>
    %get3A_1434 = arith.constant 0 : index
    %get3A_1435 = arith.constant 71 : index
    %get3A_1436 = vector.load %arg1[%get3A_1434, %get3A_1435] : memref<256x128xf32, #tpu.memory_space<vmem>>, vector<256x1xf32>
    %mul3A_1437 = vector.broadcast %get3A_1436 : vector<256x1xf32> to vector<256x64xf32>
    %mul3A_1438 = arith.mulf %mul3A_1437, %max3A_1433 : vector<256x64xf32>
    %add3A_1439 = arith.addf %add3A_1419, %mul3A_1438 : vector<256x64xf32>
    %get3A_1440 = arith.constant 72 : index
    %get3A_1441 = arith.constant 0 : index
    %get3A_1442 = vector.load %arg3[%get3A_1440, %get3A_1441] : memref<128x64xf32, #tpu.memory_space<vmem>>, vector<1x64xf32>
    %mul3A_1443 = vector.broadcast %get3A_1 : vector<256x1xf32> to vector<256x64xf32>
    %mul3A_1444 = vector.broadcast %get3A_1442 : vector<1x64xf32> to vector<256x64xf32>
    %mul3A_1445 = arith.mulf %mul3A_1443, %mul3A_1444 : vector<256x64xf32>
    %get3A_1446 = arith.constant 72 : index
    %get3A_1447 = arith.constant 0 : index
    %get3A_1448 = vector.load %arg4[%get3A_1446, %get3A_1447] : memref<128x64xf32, #tpu.memory_space<vmem>>, vector<1x64xf32>
    %add3A_1449 = vector.broadcast %get3A_1448 : vector<1x64xf32> to vector<256x64xf32>
    %add3A_1450 = arith.addf %mul3A_1445, %add3A_1449 : vector<256x64xf32>
    %max3A_1451 = arith.constant 0.000000e+00 : f32
    %max3A_1452 = vector.broadcast %max3A_1451 : f32 to vector<256x64xf32>
    %max3A_1453 = arith.maximumf %add3A_1450, %max3A_1452 : vector<256x64xf32>
    %get3A_1454 = arith.constant 0 : index
    %get3A_1455 = arith.constant 72 : index
    %get3A_1456 = vector.load %arg1[%get3A_1454, %get3A_1455] : memref<256x128xf32, #tpu.memory_space<vmem>>, vector<256x1xf32>
    %mul3A_1457 = vector.broadcast %get3A_1456 : vector<256x1xf32> to vector<256x64xf32>
    %mul3A_1458 = arith.mulf %mul3A_1457, %max3A_1453 : vector<256x64xf32>
    %add3A_1459 = arith.addf %add3A_1439, %mul3A_1458 : vector<256x64xf32>
    %get3A_1460 = arith.constant 73 : index
    %get3A_1461 = arith.constant 0 : index
    %get3A_1462 = vector.load %arg3[%get3A_1460, %get3A_1461] : memref<128x64xf32, #tpu.memory_space<vmem>>, vector<1x64xf32>
    %mul3A_1463 = vector.broadcast %get3A_1 : vector<256x1xf32> to vector<256x64xf32>
    %mul3A_1464 = vector.broadcast %get3A_1462 : vector<1x64xf32> to vector<256x64xf32>
    %mul3A_1465 = arith.mulf %mul3A_1463, %mul3A_1464 : vector<256x64xf32>
    %get3A_1466 = arith.constant 73 : index
    %get3A_1467 = arith.constant 0 : index
    %get3A_1468 = vector.load %arg4[%get3A_1466, %get3A_1467] : memref<128x64xf32, #tpu.memory_space<vmem>>, vector<1x64xf32>
    %add3A_1469 = vector.broadcast %get3A_1468 : vector<1x64xf32> to vector<256x64xf32>
    %add3A_1470 = arith.addf %mul3A_1465, %add3A_1469 : vector<256x64xf32>
    %max3A_1471 = arith.constant 0.000000e+00 : f32
    %max3A_1472 = vector.broadcast %max3A_1471 : f32 to vector<256x64xf32>
    %max3A_1473 = arith.maximumf %add3A_1470, %max3A_1472 : vector<256x64xf32>
    %get3A_1474 = arith.constant 0 : index
    %get3A_1475 = arith.constant 73 : index
    %get3A_1476 = vector.load %arg1[%get3A_1474, %get3A_1475] : memref<256x128xf32, #tpu.memory_space<vmem>>, vector<256x1xf32>
    %mul3A_1477 = vector.broadcast %get3A_1476 : vector<256x1xf32> to vector<256x64xf32>
    %mul3A_1478 = arith.mulf %mul3A_1477, %max3A_1473 : vector<256x64xf32>
    %add3A_1479 = arith.addf %add3A_1459, %mul3A_1478 : vector<256x64xf32>
    %get3A_1480 = arith.constant 74 : index
    %get3A_1481 = arith.constant 0 : index
    %get3A_1482 = vector.load %arg3[%get3A_1480, %get3A_1481] : memref<128x64xf32, #tpu.memory_space<vmem>>, vector<1x64xf32>
    %mul3A_1483 = vector.broadcast %get3A_1 : vector<256x1xf32> to vector<256x64xf32>
    %mul3A_1484 = vector.broadcast %get3A_1482 : vector<1x64xf32> to vector<256x64xf32>
    %mul3A_1485 = arith.mulf %mul3A_1483, %mul3A_1484 : vector<256x64xf32>
    %get3A_1486 = arith.constant 74 : index
    %get3A_1487 = arith.constant 0 : index
    %get3A_1488 = vector.load %arg4[%get3A_1486, %get3A_1487] : memref<128x64xf32, #tpu.memory_space<vmem>>, vector<1x64xf32>
    %add3A_1489 = vector.broadcast %get3A_1488 : vector<1x64xf32> to vector<256x64xf32>
    %add3A_1490 = arith.addf %mul3A_1485, %add3A_1489 : vector<256x64xf32>
    %max3A_1491 = arith.constant 0.000000e+00 : f32
    %max3A_1492 = vector.broadcast %max3A_1491 : f32 to vector<256x64xf32>
    %max3A_1493 = arith.maximumf %add3A_1490, %max3A_1492 : vector<256x64xf32>
    %get3A_1494 = arith.constant 0 : index
    %get3A_1495 = arith.constant 74 : index
    %get3A_1496 = vector.load %arg1[%get3A_1494, %get3A_1495] : memref<256x128xf32, #tpu.memory_space<vmem>>, vector<256x1xf32>
    %mul3A_1497 = vector.broadcast %get3A_1496 : vector<256x1xf32> to vector<256x64xf32>
    %mul3A_1498 = arith.mulf %mul3A_1497, %max3A_1493 : vector<256x64xf32>
    %add3A_1499 = arith.addf %add3A_1479, %mul3A_1498 : vector<256x64xf32>
    %get3A_1500 = arith.constant 75 : index
    %get3A_1501 = arith.constant 0 : index
    %get3A_1502 = vector.load %arg3[%get3A_1500, %get3A_1501] : memref<128x64xf32, #tpu.memory_space<vmem>>, vector<1x64xf32>
    %mul3A_1503 = vector.broadcast %get3A_1 : vector<256x1xf32> to vector<256x64xf32>
    %mul3A_1504 = vector.broadcast %get3A_1502 : vector<1x64xf32> to vector<256x64xf32>
    %mul3A_1505 = arith.mulf %mul3A_1503, %mul3A_1504 : vector<256x64xf32>
    %get3A_1506 = arith.constant 75 : index
    %get3A_1507 = arith.constant 0 : index
    %get3A_1508 = vector.load %arg4[%get3A_1506, %get3A_1507] : memref<128x64xf32, #tpu.memory_space<vmem>>, vector<1x64xf32>
    %add3A_1509 = vector.broadcast %get3A_1508 : vector<1x64xf32> to vector<256x64xf32>
    %add3A_1510 = arith.addf %mul3A_1505, %add3A_1509 : vector<256x64xf32>
    %max3A_1511 = arith.constant 0.000000e+00 : f32
    %max3A_1512 = vector.broadcast %max3A_1511 : f32 to vector<256x64xf32>
    %max3A_1513 = arith.maximumf %add3A_1510, %max3A_1512 : vector<256x64xf32>
    %get3A_1514 = arith.constant 0 : index
    %get3A_1515 = arith.constant 75 : index
    %get3A_1516 = vector.load %arg1[%get3A_1514, %get3A_1515] : memref<256x128xf32, #tpu.memory_space<vmem>>, vector<256x1xf32>
    %mul3A_1517 = vector.broadcast %get3A_1516 : vector<256x1xf32> to vector<256x64xf32>
    %mul3A_1518 = arith.mulf %mul3A_1517, %max3A_1513 : vector<256x64xf32>
    %add3A_1519 = arith.addf %add3A_1499, %mul3A_1518 : vector<256x64xf32>
    %get3A_1520 = arith.constant 76 : index
    %get3A_1521 = arith.constant 0 : index
    %get3A_1522 = vector.load %arg3[%get3A_1520, %get3A_1521] : memref<128x64xf32, #tpu.memory_space<vmem>>, vector<1x64xf32>
    %mul3A_1523 = vector.broadcast %get3A_1 : vector<256x1xf32> to vector<256x64xf32>
    %mul3A_1524 = vector.broadcast %get3A_1522 : vector<1x64xf32> to vector<256x64xf32>
    %mul3A_1525 = arith.mulf %mul3A_1523, %mul3A_1524 : vector<256x64xf32>
    %get3A_1526 = arith.constant 76 : index
    %get3A_1527 = arith.constant 0 : index
    %get3A_1528 = vector.load %arg4[%get3A_1526, %get3A_1527] : memref<128x64xf32, #tpu.memory_space<vmem>>, vector<1x64xf32>
    %add3A_1529 = vector.broadcast %get3A_1528 : vector<1x64xf32> to vector<256x64xf32>
    %add3A_1530 = arith.addf %mul3A_1525, %add3A_1529 : vector<256x64xf32>
    %max3A_1531 = arith.constant 0.000000e+00 : f32
    %max3A_1532 = vector.broadcast %max3A_1531 : f32 to vector<256x64xf32>
    %max3A_1533 = arith.maximumf %add3A_1530, %max3A_1532 : vector<256x64xf32>
    %get3A_1534 = arith.constant 0 : index
    %get3A_1535 = arith.constant 76 : index
    %get3A_1536 = vector.load %arg1[%get3A_1534, %get3A_1535] : memref<256x128xf32, #tpu.memory_space<vmem>>, vector<256x1xf32>
    %mul3A_1537 = vector.broadcast %get3A_1536 : vector<256x1xf32> to vector<256x64xf32>
    %mul3A_1538 = arith.mulf %mul3A_1537, %max3A_1533 : vector<256x64xf32>
    %add3A_1539 = arith.addf %add3A_1519, %mul3A_1538 : vector<256x64xf32>
    %get3A_1540 = arith.constant 77 : index
    %get3A_1541 = arith.constant 0 : index
    %get3A_1542 = vector.load %arg3[%get3A_1540, %get3A_1541] : memref<128x64xf32, #tpu.memory_space<vmem>>, vector<1x64xf32>
    %mul3A_1543 = vector.broadcast %get3A_1 : vector<256x1xf32> to vector<256x64xf32>
    %mul3A_1544 = vector.broadcast %get3A_1542 : vector<1x64xf32> to vector<256x64xf32>
    %mul3A_1545 = arith.mulf %mul3A_1543, %mul3A_1544 : vector<256x64xf32>
    %get3A_1546 = arith.constant 77 : index
    %get3A_1547 = arith.constant 0 : index
    %get3A_1548 = vector.load %arg4[%get3A_1546, %get3A_1547] : memref<128x64xf32, #tpu.memory_space<vmem>>, vector<1x64xf32>
    %add3A_1549 = vector.broadcast %get3A_1548 : vector<1x64xf32> to vector<256x64xf32>
    %add3A_1550 = arith.addf %mul3A_1545, %add3A_1549 : vector<256x64xf32>
    %max3A_1551 = arith.constant 0.000000e+00 : f32
    %max3A_1552 = vector.broadcast %max3A_1551 : f32 to vector<256x64xf32>
    %max3A_1553 = arith.maximumf %add3A_1550, %max3A_1552 : vector<256x64xf32>
    %get3A_1554 = arith.constant 0 : index
    %get3A_1555 = arith.constant 77 : index
    %get3A_1556 = vector.load %arg1[%get3A_1554, %get3A_1555] : memref<256x128xf32, #tpu.memory_space<vmem>>, vector<256x1xf32>
    %mul3A_1557 = vector.broadcast %get3A_1556 : vector<256x1xf32> to vector<256x64xf32>
    %mul3A_1558 = arith.mulf %mul3A_1557, %max3A_1553 : vector<256x64xf32>
    %add3A_1559 = arith.addf %add3A_1539, %mul3A_1558 : vector<256x64xf32>
    %get3A_1560 = arith.constant 78 : index
    %get3A_1561 = arith.constant 0 : index
    %get3A_1562 = vector.load %arg3[%get3A_1560, %get3A_1561] : memref<128x64xf32, #tpu.memory_space<vmem>>, vector<1x64xf32>
    %mul3A_1563 = vector.broadcast %get3A_1 : vector<256x1xf32> to vector<256x64xf32>
    %mul3A_1564 = vector.broadcast %get3A_1562 : vector<1x64xf32> to vector<256x64xf32>
    %mul3A_1565 = arith.mulf %mul3A_1563, %mul3A_1564 : vector<256x64xf32>
    %get3A_1566 = arith.constant 78 : index
    %get3A_1567 = arith.constant 0 : index
    %get3A_1568 = vector.load %arg4[%get3A_1566, %get3A_1567] : memref<128x64xf32, #tpu.memory_space<vmem>>, vector<1x64xf32>
    %add3A_1569 = vector.broadcast %get3A_1568 : vector<1x64xf32> to vector<256x64xf32>
    %add3A_1570 = arith.addf %mul3A_1565, %add3A_1569 : vector<256x64xf32>
    %max3A_1571 = arith.constant 0.000000e+00 : f32
    %max3A_1572 = vector.broadcast %max3A_1571 : f32 to vector<256x64xf32>
    %max3A_1573 = arith.maximumf %add3A_1570, %max3A_1572 : vector<256x64xf32>
    %get3A_1574 = arith.constant 0 : index
    %get3A_1575 = arith.constant 78 : index
    %get3A_1576 = vector.load %arg1[%get3A_1574, %get3A_1575] : memref<256x128xf32, #tpu.memory_space<vmem>>, vector<256x1xf32>
    %mul3A_1577 = vector.broadcast %get3A_1576 : vector<256x1xf32> to vector<256x64xf32>
    %mul3A_1578 = arith.mulf %mul3A_1577, %max3A_1573 : vector<256x64xf32>
    %add3A_1579 = arith.addf %add3A_1559, %mul3A_1578 : vector<256x64xf32>
    %get3A_1580 = arith.constant 79 : index
    %get3A_1581 = arith.constant 0 : index
    %get3A_1582 = vector.load %arg3[%get3A_1580, %get3A_1581] : memref<128x64xf32, #tpu.memory_space<vmem>>, vector<1x64xf32>
    %mul3A_1583 = vector.broadcast %get3A_1 : vector<256x1xf32> to vector<256x64xf32>
    %mul3A_1584 = vector.broadcast %get3A_1582 : vector<1x64xf32> to vector<256x64xf32>
    %mul3A_1585 = arith.mulf %mul3A_1583, %mul3A_1584 : vector<256x64xf32>
    %get3A_1586 = arith.constant 79 : index
    %get3A_1587 = arith.constant 0 : index
    %get3A_1588 = vector.load %arg4[%get3A_1586, %get3A_1587] : memref<128x64xf32, #tpu.memory_space<vmem>>, vector<1x64xf32>
    %add3A_1589 = vector.broadcast %get3A_1588 : vector<1x64xf32> to vector<256x64xf32>
    %add3A_1590 = arith.addf %mul3A_1585, %add3A_1589 : vector<256x64xf32>
    %max3A_1591 = arith.constant 0.000000e+00 : f32
    %max3A_1592 = vector.broadcast %max3A_1591 : f32 to vector<256x64xf32>
    %max3A_1593 = arith.maximumf %add3A_1590, %max3A_1592 : vector<256x64xf32>
    %get3A_1594 = arith.constant 0 : index
    %get3A_1595 = arith.constant 79 : index
    %get3A_1596 = vector.load %arg1[%get3A_1594, %get3A_1595] : memref<256x128xf32, #tpu.memory_space<vmem>>, vector<256x1xf32>
    %mul3A_1597 = vector.broadcast %get3A_1596 : vector<256x1xf32> to vector<256x64xf32>
    %mul3A_1598 = arith.mulf %mul3A_1597, %max3A_1593 : vector<256x64xf32>
    %add3A_1599 = arith.addf %add3A_1579, %mul3A_1598 : vector<256x64xf32>
    %get3A_1600 = arith.constant 80 : index
    %get3A_1601 = arith.constant 0 : index
    %get3A_1602 = vector.load %arg3[%get3A_1600, %get3A_1601] : memref<128x64xf32, #tpu.memory_space<vmem>>, vector<1x64xf32>
    %mul3A_1603 = vector.broadcast %get3A_1 : vector<256x1xf32> to vector<256x64xf32>
    %mul3A_1604 = vector.broadcast %get3A_1602 : vector<1x64xf32> to vector<256x64xf32>
    %mul3A_1605 = arith.mulf %mul3A_1603, %mul3A_1604 : vector<256x64xf32>
    %get3A_1606 = arith.constant 80 : index
    %get3A_1607 = arith.constant 0 : index
    %get3A_1608 = vector.load %arg4[%get3A_1606, %get3A_1607] : memref<128x64xf32, #tpu.memory_space<vmem>>, vector<1x64xf32>
    %add3A_1609 = vector.broadcast %get3A_1608 : vector<1x64xf32> to vector<256x64xf32>
    %add3A_1610 = arith.addf %mul3A_1605, %add3A_1609 : vector<256x64xf32>
    %max3A_1611 = arith.constant 0.000000e+00 : f32
    %max3A_1612 = vector.broadcast %max3A_1611 : f32 to vector<256x64xf32>
    %max3A_1613 = arith.maximumf %add3A_1610, %max3A_1612 : vector<256x64xf32>
    %get3A_1614 = arith.constant 0 : index
    %get3A_1615 = arith.constant 80 : index
    %get3A_1616 = vector.load %arg1[%get3A_1614, %get3A_1615] : memref<256x128xf32, #tpu.memory_space<vmem>>, vector<256x1xf32>
    %mul3A_1617 = vector.broadcast %get3A_1616 : vector<256x1xf32> to vector<256x64xf32>
    %mul3A_1618 = arith.mulf %mul3A_1617, %max3A_1613 : vector<256x64xf32>
    %add3A_1619 = arith.addf %add3A_1599, %mul3A_1618 : vector<256x64xf32>
    %get3A_1620 = arith.constant 81 : index
    %get3A_1621 = arith.constant 0 : index
    %get3A_1622 = vector.load %arg3[%get3A_1620, %get3A_1621] : memref<128x64xf32, #tpu.memory_space<vmem>>, vector<1x64xf32>
    %mul3A_1623 = vector.broadcast %get3A_1 : vector<256x1xf32> to vector<256x64xf32>
    %mul3A_1624 = vector.broadcast %get3A_1622 : vector<1x64xf32> to vector<256x64xf32>
    %mul3A_1625 = arith.mulf %mul3A_1623, %mul3A_1624 : vector<256x64xf32>
    %get3A_1626 = arith.constant 81 : index
    %get3A_1627 = arith.constant 0 : index
    %get3A_1628 = vector.load %arg4[%get3A_1626, %get3A_1627] : memref<128x64xf32, #tpu.memory_space<vmem>>, vector<1x64xf32>
    %add3A_1629 = vector.broadcast %get3A_1628 : vector<1x64xf32> to vector<256x64xf32>
    %add3A_1630 = arith.addf %mul3A_1625, %add3A_1629 : vector<256x64xf32>
    %max3A_1631 = arith.constant 0.000000e+00 : f32
    %max3A_1632 = vector.broadcast %max3A_1631 : f32 to vector<256x64xf32>
    %max3A_1633 = arith.maximumf %add3A_1630, %max3A_1632 : vector<256x64xf32>
    %get3A_1634 = arith.constant 0 : index
    %get3A_1635 = arith.constant 81 : index
    %get3A_1636 = vector.load %arg1[%get3A_1634, %get3A_1635] : memref<256x128xf32, #tpu.memory_space<vmem>>, vector<256x1xf32>
    %mul3A_1637 = vector.broadcast %get3A_1636 : vector<256x1xf32> to vector<256x64xf32>
    %mul3A_1638 = arith.mulf %mul3A_1637, %max3A_1633 : vector<256x64xf32>
    %add3A_1639 = arith.addf %add3A_1619, %mul3A_1638 : vector<256x64xf32>
    %get3A_1640 = arith.constant 82 : index
    %get3A_1641 = arith.constant 0 : index
    %get3A_1642 = vector.load %arg3[%get3A_1640, %get3A_1641] : memref<128x64xf32, #tpu.memory_space<vmem>>, vector<1x64xf32>
    %mul3A_1643 = vector.broadcast %get3A_1 : vector<256x1xf32> to vector<256x64xf32>
    %mul3A_1644 = vector.broadcast %get3A_1642 : vector<1x64xf32> to vector<256x64xf32>
    %mul3A_1645 = arith.mulf %mul3A_1643, %mul3A_1644 : vector<256x64xf32>
    %get3A_1646 = arith.constant 82 : index
    %get3A_1647 = arith.constant 0 : index
    %get3A_1648 = vector.load %arg4[%get3A_1646, %get3A_1647] : memref<128x64xf32, #tpu.memory_space<vmem>>, vector<1x64xf32>
    %add3A_1649 = vector.broadcast %get3A_1648 : vector<1x64xf32> to vector<256x64xf32>
    %add3A_1650 = arith.addf %mul3A_1645, %add3A_1649 : vector<256x64xf32>
    %max3A_1651 = arith.constant 0.000000e+00 : f32
    %max3A_1652 = vector.broadcast %max3A_1651 : f32 to vector<256x64xf32>
    %max3A_1653 = arith.maximumf %add3A_1650, %max3A_1652 : vector<256x64xf32>
    %get3A_1654 = arith.constant 0 : index
    %get3A_1655 = arith.constant 82 : index
    %get3A_1656 = vector.load %arg1[%get3A_1654, %get3A_1655] : memref<256x128xf32, #tpu.memory_space<vmem>>, vector<256x1xf32>
    %mul3A_1657 = vector.broadcast %get3A_1656 : vector<256x1xf32> to vector<256x64xf32>
    %mul3A_1658 = arith.mulf %mul3A_1657, %max3A_1653 : vector<256x64xf32>
    %add3A_1659 = arith.addf %add3A_1639, %mul3A_1658 : vector<256x64xf32>
    %get3A_1660 = arith.constant 83 : index
    %get3A_1661 = arith.constant 0 : index
    %get3A_1662 = vector.load %arg3[%get3A_1660, %get3A_1661] : memref<128x64xf32, #tpu.memory_space<vmem>>, vector<1x64xf32>
    %mul3A_1663 = vector.broadcast %get3A_1 : vector<256x1xf32> to vector<256x64xf32>
    %mul3A_1664 = vector.broadcast %get3A_1662 : vector<1x64xf32> to vector<256x64xf32>
    %mul3A_1665 = arith.mulf %mul3A_1663, %mul3A_1664 : vector<256x64xf32>
    %get3A_1666 = arith.constant 83 : index
    %get3A_1667 = arith.constant 0 : index
    %get3A_1668 = vector.load %arg4[%get3A_1666, %get3A_1667] : memref<128x64xf32, #tpu.memory_space<vmem>>, vector<1x64xf32>
    %add3A_1669 = vector.broadcast %get3A_1668 : vector<1x64xf32> to vector<256x64xf32>
    %add3A_1670 = arith.addf %mul3A_1665, %add3A_1669 : vector<256x64xf32>
    %max3A_1671 = arith.constant 0.000000e+00 : f32
    %max3A_1672 = vector.broadcast %max3A_1671 : f32 to vector<256x64xf32>
    %max3A_1673 = arith.maximumf %add3A_1670, %max3A_1672 : vector<256x64xf32>
    %get3A_1674 = arith.constant 0 : index
    %get3A_1675 = arith.constant 83 : index
    %get3A_1676 = vector.load %arg1[%get3A_1674, %get3A_1675] : memref<256x128xf32, #tpu.memory_space<vmem>>, vector<256x1xf32>
    %mul3A_1677 = vector.broadcast %get3A_1676 : vector<256x1xf32> to vector<256x64xf32>
    %mul3A_1678 = arith.mulf %mul3A_1677, %max3A_1673 : vector<256x64xf32>
    %add3A_1679 = arith.addf %add3A_1659, %mul3A_1678 : vector<256x64xf32>
    %get3A_1680 = arith.constant 84 : index
    %get3A_1681 = arith.constant 0 : index
    %get3A_1682 = vector.load %arg3[%get3A_1680, %get3A_1681] : memref<128x64xf32, #tpu.memory_space<vmem>>, vector<1x64xf32>
    %mul3A_1683 = vector.broadcast %get3A_1 : vector<256x1xf32> to vector<256x64xf32>
    %mul3A_1684 = vector.broadcast %get3A_1682 : vector<1x64xf32> to vector<256x64xf32>
    %mul3A_1685 = arith.mulf %mul3A_1683, %mul3A_1684 : vector<256x64xf32>
    %get3A_1686 = arith.constant 84 : index
    %get3A_1687 = arith.constant 0 : index
    %get3A_1688 = vector.load %arg4[%get3A_1686, %get3A_1687] : memref<128x64xf32, #tpu.memory_space<vmem>>, vector<1x64xf32>
    %add3A_1689 = vector.broadcast %get3A_1688 : vector<1x64xf32> to vector<256x64xf32>
    %add3A_1690 = arith.addf %mul3A_1685, %add3A_1689 : vector<256x64xf32>
    %max3A_1691 = arith.constant 0.000000e+00 : f32
    %max3A_1692 = vector.broadcast %max3A_1691 : f32 to vector<256x64xf32>
    %max3A_1693 = arith.maximumf %add3A_1690, %max3A_1692 : vector<256x64xf32>
    %get3A_1694 = arith.constant 0 : index
    %get3A_1695 = arith.constant 84 : index
    %get3A_1696 = vector.load %arg1[%get3A_1694, %get3A_1695] : memref<256x128xf32, #tpu.memory_space<vmem>>, vector<256x1xf32>
    %mul3A_1697 = vector.broadcast %get3A_1696 : vector<256x1xf32> to vector<256x64xf32>
    %mul3A_1698 = arith.mulf %mul3A_1697, %max3A_1693 : vector<256x64xf32>
    %add3A_1699 = arith.addf %add3A_1679, %mul3A_1698 : vector<256x64xf32>
    %get3A_1700 = arith.constant 85 : index
    %get3A_1701 = arith.constant 0 : index
    %get3A_1702 = vector.load %arg3[%get3A_1700, %get3A_1701] : memref<128x64xf32, #tpu.memory_space<vmem>>, vector<1x64xf32>
    %mul3A_1703 = vector.broadcast %get3A_1 : vector<256x1xf32> to vector<256x64xf32>
    %mul3A_1704 = vector.broadcast %get3A_1702 : vector<1x64xf32> to vector<256x64xf32>
    %mul3A_1705 = arith.mulf %mul3A_1703, %mul3A_1704 : vector<256x64xf32>
    %get3A_1706 = arith.constant 85 : index
    %get3A_1707 = arith.constant 0 : index
    %get3A_1708 = vector.load %arg4[%get3A_1706, %get3A_1707] : memref<128x64xf32, #tpu.memory_space<vmem>>, vector<1x64xf32>
    %add3A_1709 = vector.broadcast %get3A_1708 : vector<1x64xf32> to vector<256x64xf32>
    %add3A_1710 = arith.addf %mul3A_1705, %add3A_1709 : vector<256x64xf32>
    %max3A_1711 = arith.constant 0.000000e+00 : f32
    %max3A_1712 = vector.broadcast %max3A_1711 : f32 to vector<256x64xf32>
    %max3A_1713 = arith.maximumf %add3A_1710, %max3A_1712 : vector<256x64xf32>
    %get3A_1714 = arith.constant 0 : index
    %get3A_1715 = arith.constant 85 : index
    %get3A_1716 = vector.load %arg1[%get3A_1714, %get3A_1715] : memref<256x128xf32, #tpu.memory_space<vmem>>, vector<256x1xf32>
    %mul3A_1717 = vector.broadcast %get3A_1716 : vector<256x1xf32> to vector<256x64xf32>
    %mul3A_1718 = arith.mulf %mul3A_1717, %max3A_1713 : vector<256x64xf32>
    %add3A_1719 = arith.addf %add3A_1699, %mul3A_1718 : vector<256x64xf32>
    %get3A_1720 = arith.constant 86 : index
    %get3A_1721 = arith.constant 0 : index
    %get3A_1722 = vector.load %arg3[%get3A_1720, %get3A_1721] : memref<128x64xf32, #tpu.memory_space<vmem>>, vector<1x64xf32>
    %mul3A_1723 = vector.broadcast %get3A_1 : vector<256x1xf32> to vector<256x64xf32>
    %mul3A_1724 = vector.broadcast %get3A_1722 : vector<1x64xf32> to vector<256x64xf32>
    %mul3A_1725 = arith.mulf %mul3A_1723, %mul3A_1724 : vector<256x64xf32>
    %get3A_1726 = arith.constant 86 : index
    %get3A_1727 = arith.constant 0 : index
    %get3A_1728 = vector.load %arg4[%get3A_1726, %get3A_1727] : memref<128x64xf32, #tpu.memory_space<vmem>>, vector<1x64xf32>
    %add3A_1729 = vector.broadcast %get3A_1728 : vector<1x64xf32> to vector<256x64xf32>
    %add3A_1730 = arith.addf %mul3A_1725, %add3A_1729 : vector<256x64xf32>
    %max3A_1731 = arith.constant 0.000000e+00 : f32
    %max3A_1732 = vector.broadcast %max3A_1731 : f32 to vector<256x64xf32>
    %max3A_1733 = arith.maximumf %add3A_1730, %max3A_1732 : vector<256x64xf32>
    %get3A_1734 = arith.constant 0 : index
    %get3A_1735 = arith.constant 86 : index
    %get3A_1736 = vector.load %arg1[%get3A_1734, %get3A_1735] : memref<256x128xf32, #tpu.memory_space<vmem>>, vector<256x1xf32>
    %mul3A_1737 = vector.broadcast %get3A_1736 : vector<256x1xf32> to vector<256x64xf32>
    %mul3A_1738 = arith.mulf %mul3A_1737, %max3A_1733 : vector<256x64xf32>
    %add3A_1739 = arith.addf %add3A_1719, %mul3A_1738 : vector<256x64xf32>
    %get3A_1740 = arith.constant 87 : index
    %get3A_1741 = arith.constant 0 : index
    %get3A_1742 = vector.load %arg3[%get3A_1740, %get3A_1741] : memref<128x64xf32, #tpu.memory_space<vmem>>, vector<1x64xf32>
    %mul3A_1743 = vector.broadcast %get3A_1 : vector<256x1xf32> to vector<256x64xf32>
    %mul3A_1744 = vector.broadcast %get3A_1742 : vector<1x64xf32> to vector<256x64xf32>
    %mul3A_1745 = arith.mulf %mul3A_1743, %mul3A_1744 : vector<256x64xf32>
    %get3A_1746 = arith.constant 87 : index
    %get3A_1747 = arith.constant 0 : index
    %get3A_1748 = vector.load %arg4[%get3A_1746, %get3A_1747] : memref<128x64xf32, #tpu.memory_space<vmem>>, vector<1x64xf32>
    %add3A_1749 = vector.broadcast %get3A_1748 : vector<1x64xf32> to vector<256x64xf32>
    %add3A_1750 = arith.addf %mul3A_1745, %add3A_1749 : vector<256x64xf32>
    %max3A_1751 = arith.constant 0.000000e+00 : f32
    %max3A_1752 = vector.broadcast %max3A_1751 : f32 to vector<256x64xf32>
    %max3A_1753 = arith.maximumf %add3A_1750, %max3A_1752 : vector<256x64xf32>
    %get3A_1754 = arith.constant 0 : index
    %get3A_1755 = arith.constant 87 : index
    %get3A_1756 = vector.load %arg1[%get3A_1754, %get3A_1755] : memref<256x128xf32, #tpu.memory_space<vmem>>, vector<256x1xf32>
    %mul3A_1757 = vector.broadcast %get3A_1756 : vector<256x1xf32> to vector<256x64xf32>
    %mul3A_1758 = arith.mulf %mul3A_1757, %max3A_1753 : vector<256x64xf32>
    %add3A_1759 = arith.addf %add3A_1739, %mul3A_1758 : vector<256x64xf32>
    %get3A_1760 = arith.constant 88 : index
    %get3A_1761 = arith.constant 0 : index
    %get3A_1762 = vector.load %arg3[%get3A_1760, %get3A_1761] : memref<128x64xf32, #tpu.memory_space<vmem>>, vector<1x64xf32>
    %mul3A_1763 = vector.broadcast %get3A_1 : vector<256x1xf32> to vector<256x64xf32>
    %mul3A_1764 = vector.broadcast %get3A_1762 : vector<1x64xf32> to vector<256x64xf32>
    %mul3A_1765 = arith.mulf %mul3A_1763, %mul3A_1764 : vector<256x64xf32>
    %get3A_1766 = arith.constant 88 : index
    %get3A_1767 = arith.constant 0 : index
    %get3A_1768 = vector.load %arg4[%get3A_1766, %get3A_1767] : memref<128x64xf32, #tpu.memory_space<vmem>>, vector<1x64xf32>
    %add3A_1769 = vector.broadcast %get3A_1768 : vector<1x64xf32> to vector<256x64xf32>
    %add3A_1770 = arith.addf %mul3A_1765, %add3A_1769 : vector<256x64xf32>
    %max3A_1771 = arith.constant 0.000000e+00 : f32
    %max3A_1772 = vector.broadcast %max3A_1771 : f32 to vector<256x64xf32>
    %max3A_1773 = arith.maximumf %add3A_1770, %max3A_1772 : vector<256x64xf32>
    %get3A_1774 = arith.constant 0 : index
    %get3A_1775 = arith.constant 88 : index
    %get3A_1776 = vector.load %arg1[%get3A_1774, %get3A_1775] : memref<256x128xf32, #tpu.memory_space<vmem>>, vector<256x1xf32>
    %mul3A_1777 = vector.broadcast %get3A_1776 : vector<256x1xf32> to vector<256x64xf32>
    %mul3A_1778 = arith.mulf %mul3A_1777, %max3A_1773 : vector<256x64xf32>
    %add3A_1779 = arith.addf %add3A_1759, %mul3A_1778 : vector<256x64xf32>
    %get3A_1780 = arith.constant 89 : index
    %get3A_1781 = arith.constant 0 : index
    %get3A_1782 = vector.load %arg3[%get3A_1780, %get3A_1781] : memref<128x64xf32, #tpu.memory_space<vmem>>, vector<1x64xf32>
    %mul3A_1783 = vector.broadcast %get3A_1 : vector<256x1xf32> to vector<256x64xf32>
    %mul3A_1784 = vector.broadcast %get3A_1782 : vector<1x64xf32> to vector<256x64xf32>
    %mul3A_1785 = arith.mulf %mul3A_1783, %mul3A_1784 : vector<256x64xf32>
    %get3A_1786 = arith.constant 89 : index
    %get3A_1787 = arith.constant 0 : index
    %get3A_1788 = vector.load %arg4[%get3A_1786, %get3A_1787] : memref<128x64xf32, #tpu.memory_space<vmem>>, vector<1x64xf32>
    %add3A_1789 = vector.broadcast %get3A_1788 : vector<1x64xf32> to vector<256x64xf32>
    %add3A_1790 = arith.addf %mul3A_1785, %add3A_1789 : vector<256x64xf32>
    %max3A_1791 = arith.constant 0.000000e+00 : f32
    %max3A_1792 = vector.broadcast %max3A_1791 : f32 to vector<256x64xf32>
    %max3A_1793 = arith.maximumf %add3A_1790, %max3A_1792 : vector<256x64xf32>
    %get3A_1794 = arith.constant 0 : index
    %get3A_1795 = arith.constant 89 : index
    %get3A_1796 = vector.load %arg1[%get3A_1794, %get3A_1795] : memref<256x128xf32, #tpu.memory_space<vmem>>, vector<256x1xf32>
    %mul3A_1797 = vector.broadcast %get3A_1796 : vector<256x1xf32> to vector<256x64xf32>
    %mul3A_1798 = arith.mulf %mul3A_1797, %max3A_1793 : vector<256x64xf32>
    %add3A_1799 = arith.addf %add3A_1779, %mul3A_1798 : vector<256x64xf32>
    %get3A_1800 = arith.constant 90 : index
    %get3A_1801 = arith.constant 0 : index
    %get3A_1802 = vector.load %arg3[%get3A_1800, %get3A_1801] : memref<128x64xf32, #tpu.memory_space<vmem>>, vector<1x64xf32>
    %mul3A_1803 = vector.broadcast %get3A_1 : vector<256x1xf32> to vector<256x64xf32>
    %mul3A_1804 = vector.broadcast %get3A_1802 : vector<1x64xf32> to vector<256x64xf32>
    %mul3A_1805 = arith.mulf %mul3A_1803, %mul3A_1804 : vector<256x64xf32>
    %get3A_1806 = arith.constant 90 : index
    %get3A_1807 = arith.constant 0 : index
    %get3A_1808 = vector.load %arg4[%get3A_1806, %get3A_1807] : memref<128x64xf32, #tpu.memory_space<vmem>>, vector<1x64xf32>
    %add3A_1809 = vector.broadcast %get3A_1808 : vector<1x64xf32> to vector<256x64xf32>
    %add3A_1810 = arith.addf %mul3A_1805, %add3A_1809 : vector<256x64xf32>
    %max3A_1811 = arith.constant 0.000000e+00 : f32
    %max3A_1812 = vector.broadcast %max3A_1811 : f32 to vector<256x64xf32>
    %max3A_1813 = arith.maximumf %add3A_1810, %max3A_1812 : vector<256x64xf32>
    %get3A_1814 = arith.constant 0 : index
    %get3A_1815 = arith.constant 90 : index
    %get3A_1816 = vector.load %arg1[%get3A_1814, %get3A_1815] : memref<256x128xf32, #tpu.memory_space<vmem>>, vector<256x1xf32>
    %mul3A_1817 = vector.broadcast %get3A_1816 : vector<256x1xf32> to vector<256x64xf32>
    %mul3A_1818 = arith.mulf %mul3A_1817, %max3A_1813 : vector<256x64xf32>
    %add3A_1819 = arith.addf %add3A_1799, %mul3A_1818 : vector<256x64xf32>
    %get3A_1820 = arith.constant 91 : index
    %get3A_1821 = arith.constant 0 : index
    %get3A_1822 = vector.load %arg3[%get3A_1820, %get3A_1821] : memref<128x64xf32, #tpu.memory_space<vmem>>, vector<1x64xf32>
    %mul3A_1823 = vector.broadcast %get3A_1 : vector<256x1xf32> to vector<256x64xf32>
    %mul3A_1824 = vector.broadcast %get3A_1822 : vector<1x64xf32> to vector<256x64xf32>
    %mul3A_1825 = arith.mulf %mul3A_1823, %mul3A_1824 : vector<256x64xf32>
    %get3A_1826 = arith.constant 91 : index
    %get3A_1827 = arith.constant 0 : index
    %get3A_1828 = vector.load %arg4[%get3A_1826, %get3A_1827] : memref<128x64xf32, #tpu.memory_space<vmem>>, vector<1x64xf32>
    %add3A_1829 = vector.broadcast %get3A_1828 : vector<1x64xf32> to vector<256x64xf32>
    %add3A_1830 = arith.addf %mul3A_1825, %add3A_1829 : vector<256x64xf32>
    %max3A_1831 = arith.constant 0.000000e+00 : f32
    %max3A_1832 = vector.broadcast %max3A_1831 : f32 to vector<256x64xf32>
    %max3A_1833 = arith.maximumf %add3A_1830, %max3A_1832 : vector<256x64xf32>
    %get3A_1834 = arith.constant 0 : index
    %get3A_1835 = arith.constant 91 : index
    %get3A_1836 = vector.load %arg1[%get3A_1834, %get3A_1835] : memref<256x128xf32, #tpu.memory_space<vmem>>, vector<256x1xf32>
    %mul3A_1837 = vector.broadcast %get3A_1836 : vector<256x1xf32> to vector<256x64xf32>
    %mul3A_1838 = arith.mulf %mul3A_1837, %max3A_1833 : vector<256x64xf32>
    %add3A_1839 = arith.addf %add3A_1819, %mul3A_1838 : vector<256x64xf32>
    %get3A_1840 = arith.constant 92 : index
    %get3A_1841 = arith.constant 0 : index
    %get3A_1842 = vector.load %arg3[%get3A_1840, %get3A_1841] : memref<128x64xf32, #tpu.memory_space<vmem>>, vector<1x64xf32>
    %mul3A_1843 = vector.broadcast %get3A_1 : vector<256x1xf32> to vector<256x64xf32>
    %mul3A_1844 = vector.broadcast %get3A_1842 : vector<1x64xf32> to vector<256x64xf32>
    %mul3A_1845 = arith.mulf %mul3A_1843, %mul3A_1844 : vector<256x64xf32>
    %get3A_1846 = arith.constant 92 : index
    %get3A_1847 = arith.constant 0 : index
    %get3A_1848 = vector.load %arg4[%get3A_1846, %get3A_1847] : memref<128x64xf32, #tpu.memory_space<vmem>>, vector<1x64xf32>
    %add3A_1849 = vector.broadcast %get3A_1848 : vector<1x64xf32> to vector<256x64xf32>
    %add3A_1850 = arith.addf %mul3A_1845, %add3A_1849 : vector<256x64xf32>
    %max3A_1851 = arith.constant 0.000000e+00 : f32
    %max3A_1852 = vector.broadcast %max3A_1851 : f32 to vector<256x64xf32>
    %max3A_1853 = arith.maximumf %add3A_1850, %max3A_1852 : vector<256x64xf32>
    %get3A_1854 = arith.constant 0 : index
    %get3A_1855 = arith.constant 92 : index
    %get3A_1856 = vector.load %arg1[%get3A_1854, %get3A_1855] : memref<256x128xf32, #tpu.memory_space<vmem>>, vector<256x1xf32>
    %mul3A_1857 = vector.broadcast %get3A_1856 : vector<256x1xf32> to vector<256x64xf32>
    %mul3A_1858 = arith.mulf %mul3A_1857, %max3A_1853 : vector<256x64xf32>
    %add3A_1859 = arith.addf %add3A_1839, %mul3A_1858 : vector<256x64xf32>
    %get3A_1860 = arith.constant 93 : index
    %get3A_1861 = arith.constant 0 : index
    %get3A_1862 = vector.load %arg3[%get3A_1860, %get3A_1861] : memref<128x64xf32, #tpu.memory_space<vmem>>, vector<1x64xf32>
    %mul3A_1863 = vector.broadcast %get3A_1 : vector<256x1xf32> to vector<256x64xf32>
    %mul3A_1864 = vector.broadcast %get3A_1862 : vector<1x64xf32> to vector<256x64xf32>
    %mul3A_1865 = arith.mulf %mul3A_1863, %mul3A_1864 : vector<256x64xf32>
    %get3A_1866 = arith.constant 93 : index
    %get3A_1867 = arith.constant 0 : index
    %get3A_1868 = vector.load %arg4[%get3A_1866, %get3A_1867] : memref<128x64xf32, #tpu.memory_space<vmem>>, vector<1x64xf32>
    %add3A_1869 = vector.broadcast %get3A_1868 : vector<1x64xf32> to vector<256x64xf32>
    %add3A_1870 = arith.addf %mul3A_1865, %add3A_1869 : vector<256x64xf32>
    %max3A_1871 = arith.constant 0.000000e+00 : f32
    %max3A_1872 = vector.broadcast %max3A_1871 : f32 to vector<256x64xf32>
    %max3A_1873 = arith.maximumf %add3A_1870, %max3A_1872 : vector<256x64xf32>
    %get3A_1874 = arith.constant 0 : index
    %get3A_1875 = arith.constant 93 : index
    %get3A_1876 = vector.load %arg1[%get3A_1874, %get3A_1875] : memref<256x128xf32, #tpu.memory_space<vmem>>, vector<256x1xf32>
    %mul3A_1877 = vector.broadcast %get3A_1876 : vector<256x1xf32> to vector<256x64xf32>
    %mul3A_1878 = arith.mulf %mul3A_1877, %max3A_1873 : vector<256x64xf32>
    %add3A_1879 = arith.addf %add3A_1859, %mul3A_1878 : vector<256x64xf32>
    %get3A_1880 = arith.constant 94 : index
    %get3A_1881 = arith.constant 0 : index
    %get3A_1882 = vector.load %arg3[%get3A_1880, %get3A_1881] : memref<128x64xf32, #tpu.memory_space<vmem>>, vector<1x64xf32>
    %mul3A_1883 = vector.broadcast %get3A_1 : vector<256x1xf32> to vector<256x64xf32>
    %mul3A_1884 = vector.broadcast %get3A_1882 : vector<1x64xf32> to vector<256x64xf32>
    %mul3A_1885 = arith.mulf %mul3A_1883, %mul3A_1884 : vector<256x64xf32>
    %get3A_1886 = arith.constant 94 : index
    %get3A_1887 = arith.constant 0 : index
    %get3A_1888 = vector.load %arg4[%get3A_1886, %get3A_1887] : memref<128x64xf32, #tpu.memory_space<vmem>>, vector<1x64xf32>
    %add3A_1889 = vector.broadcast %get3A_1888 : vector<1x64xf32> to vector<256x64xf32>
    %add3A_1890 = arith.addf %mul3A_1885, %add3A_1889 : vector<256x64xf32>
    %max3A_1891 = arith.constant 0.000000e+00 : f32
    %max3A_1892 = vector.broadcast %max3A_1891 : f32 to vector<256x64xf32>
    %max3A_1893 = arith.maximumf %add3A_1890, %max3A_1892 : vector<256x64xf32>
    %get3A_1894 = arith.constant 0 : index
    %get3A_1895 = arith.constant 94 : index
    %get3A_1896 = vector.load %arg1[%get3A_1894, %get3A_1895] : memref<256x128xf32, #tpu.memory_space<vmem>>, vector<256x1xf32>
    %mul3A_1897 = vector.broadcast %get3A_1896 : vector<256x1xf32> to vector<256x64xf32>
    %mul3A_1898 = arith.mulf %mul3A_1897, %max3A_1893 : vector<256x64xf32>
    %add3A_1899 = arith.addf %add3A_1879, %mul3A_1898 : vector<256x64xf32>
    %get3A_1900 = arith.constant 95 : index
    %get3A_1901 = arith.constant 0 : index
    %get3A_1902 = vector.load %arg3[%get3A_1900, %get3A_1901] : memref<128x64xf32, #tpu.memory_space<vmem>>, vector<1x64xf32>
    %mul3A_1903 = vector.broadcast %get3A_1 : vector<256x1xf32> to vector<256x64xf32>
    %mul3A_1904 = vector.broadcast %get3A_1902 : vector<1x64xf32> to vector<256x64xf32>
    %mul3A_1905 = arith.mulf %mul3A_1903, %mul3A_1904 : vector<256x64xf32>
    %get3A_1906 = arith.constant 95 : index
    %get3A_1907 = arith.constant 0 : index
    %get3A_1908 = vector.load %arg4[%get3A_1906, %get3A_1907] : memref<128x64xf32, #tpu.memory_space<vmem>>, vector<1x64xf32>
    %add3A_1909 = vector.broadcast %get3A_1908 : vector<1x64xf32> to vector<256x64xf32>
    %add3A_1910 = arith.addf %mul3A_1905, %add3A_1909 : vector<256x64xf32>
    %max3A_1911 = arith.constant 0.000000e+00 : f32
    %max3A_1912 = vector.broadcast %max3A_1911 : f32 to vector<256x64xf32>
    %max3A_1913 = arith.maximumf %add3A_1910, %max3A_1912 : vector<256x64xf32>
    %get3A_1914 = arith.constant 0 : index
    %get3A_1915 = arith.constant 95 : index
    %get3A_1916 = vector.load %arg1[%get3A_1914, %get3A_1915] : memref<256x128xf32, #tpu.memory_space<vmem>>, vector<256x1xf32>
    %mul3A_1917 = vector.broadcast %get3A_1916 : vector<256x1xf32> to vector<256x64xf32>
    %mul3A_1918 = arith.mulf %mul3A_1917, %max3A_1913 : vector<256x64xf32>
    %add3A_1919 = arith.addf %add3A_1899, %mul3A_1918 : vector<256x64xf32>
    %get3A_1920 = arith.constant 96 : index
    %get3A_1921 = arith.constant 0 : index
    %get3A_1922 = vector.load %arg3[%get3A_1920, %get3A_1921] : memref<128x64xf32, #tpu.memory_space<vmem>>, vector<1x64xf32>
    %mul3A_1923 = vector.broadcast %get3A_1 : vector<256x1xf32> to vector<256x64xf32>
    %mul3A_1924 = vector.broadcast %get3A_1922 : vector<1x64xf32> to vector<256x64xf32>
    %mul3A_1925 = arith.mulf %mul3A_1923, %mul3A_1924 : vector<256x64xf32>
    %get3A_1926 = arith.constant 96 : index
    %get3A_1927 = arith.constant 0 : index
    %get3A_1928 = vector.load %arg4[%get3A_1926, %get3A_1927] : memref<128x64xf32, #tpu.memory_space<vmem>>, vector<1x64xf32>
    %add3A_1929 = vector.broadcast %get3A_1928 : vector<1x64xf32> to vector<256x64xf32>
    %add3A_1930 = arith.addf %mul3A_1925, %add3A_1929 : vector<256x64xf32>
    %max3A_1931 = arith.constant 0.000000e+00 : f32
    %max3A_1932 = vector.broadcast %max3A_1931 : f32 to vector<256x64xf32>
    %max3A_1933 = arith.maximumf %add3A_1930, %max3A_1932 : vector<256x64xf32>
    %get3A_1934 = arith.constant 0 : index
    %get3A_1935 = arith.constant 96 : index
    %get3A_1936 = vector.load %arg1[%get3A_1934, %get3A_1935] : memref<256x128xf32, #tpu.memory_space<vmem>>, vector<256x1xf32>
    %mul3A_1937 = vector.broadcast %get3A_1936 : vector<256x1xf32> to vector<256x64xf32>
    %mul3A_1938 = arith.mulf %mul3A_1937, %max3A_1933 : vector<256x64xf32>
    %add3A_1939 = arith.addf %add3A_1919, %mul3A_1938 : vector<256x64xf32>
    %get3A_1940 = arith.constant 97 : index
    %get3A_1941 = arith.constant 0 : index
    %get3A_1942 = vector.load %arg3[%get3A_1940, %get3A_1941] : memref<128x64xf32, #tpu.memory_space<vmem>>, vector<1x64xf32>
    %mul3A_1943 = vector.broadcast %get3A_1 : vector<256x1xf32> to vector<256x64xf32>
    %mul3A_1944 = vector.broadcast %get3A_1942 : vector<1x64xf32> to vector<256x64xf32>
    %mul3A_1945 = arith.mulf %mul3A_1943, %mul3A_1944 : vector<256x64xf32>
    %get3A_1946 = arith.constant 97 : index
    %get3A_1947 = arith.constant 0 : index
    %get3A_1948 = vector.load %arg4[%get3A_1946, %get3A_1947] : memref<128x64xf32, #tpu.memory_space<vmem>>, vector<1x64xf32>
    %add3A_1949 = vector.broadcast %get3A_1948 : vector<1x64xf32> to vector<256x64xf32>
    %add3A_1950 = arith.addf %mul3A_1945, %add3A_1949 : vector<256x64xf32>
    %max3A_1951 = arith.constant 0.000000e+00 : f32
    %max3A_1952 = vector.broadcast %max3A_1951 : f32 to vector<256x64xf32>
    %max3A_1953 = arith.maximumf %add3A_1950, %max3A_1952 : vector<256x64xf32>
    %get3A_1954 = arith.constant 0 : index
    %get3A_1955 = arith.constant 97 : index
    %get3A_1956 = vector.load %arg1[%get3A_1954, %get3A_1955] : memref<256x128xf32, #tpu.memory_space<vmem>>, vector<256x1xf32>
    %mul3A_1957 = vector.broadcast %get3A_1956 : vector<256x1xf32> to vector<256x64xf32>
    %mul3A_1958 = arith.mulf %mul3A_1957, %max3A_1953 : vector<256x64xf32>
    %add3A_1959 = arith.addf %add3A_1939, %mul3A_1958 : vector<256x64xf32>
    %get3A_1960 = arith.constant 98 : index
    %get3A_1961 = arith.constant 0 : index
    %get3A_1962 = vector.load %arg3[%get3A_1960, %get3A_1961] : memref<128x64xf32, #tpu.memory_space<vmem>>, vector<1x64xf32>
    %mul3A_1963 = vector.broadcast %get3A_1 : vector<256x1xf32> to vector<256x64xf32>
    %mul3A_1964 = vector.broadcast %get3A_1962 : vector<1x64xf32> to vector<256x64xf32>
    %mul3A_1965 = arith.mulf %mul3A_1963, %mul3A_1964 : vector<256x64xf32>
    %get3A_1966 = arith.constant 98 : index
    %get3A_1967 = arith.constant 0 : index
    %get3A_1968 = vector.load %arg4[%get3A_1966, %get3A_1967] : memref<128x64xf32, #tpu.memory_space<vmem>>, vector<1x64xf32>
    %add3A_1969 = vector.broadcast %get3A_1968 : vector<1x64xf32> to vector<256x64xf32>
    %add3A_1970 = arith.addf %mul3A_1965, %add3A_1969 : vector<256x64xf32>
    %max3A_1971 = arith.constant 0.000000e+00 : f32
    %max3A_1972 = vector.broadcast %max3A_1971 : f32 to vector<256x64xf32>
    %max3A_1973 = arith.maximumf %add3A_1970, %max3A_1972 : vector<256x64xf32>
    %get3A_1974 = arith.constant 0 : index
    %get3A_1975 = arith.constant 98 : index
    %get3A_1976 = vector.load %arg1[%get3A_1974, %get3A_1975] : memref<256x128xf32, #tpu.memory_space<vmem>>, vector<256x1xf32>
    %mul3A_1977 = vector.broadcast %get3A_1976 : vector<256x1xf32> to vector<256x64xf32>
    %mul3A_1978 = arith.mulf %mul3A_1977, %max3A_1973 : vector<256x64xf32>
    %add3A_1979 = arith.addf %add3A_1959, %mul3A_1978 : vector<256x64xf32>
    %get3A_1980 = arith.constant 99 : index
    %get3A_1981 = arith.constant 0 : index
    %get3A_1982 = vector.load %arg3[%get3A_1980, %get3A_1981] : memref<128x64xf32, #tpu.memory_space<vmem>>, vector<1x64xf32>
    %mul3A_1983 = vector.broadcast %get3A_1 : vector<256x1xf32> to vector<256x64xf32>
    %mul3A_1984 = vector.broadcast %get3A_1982 : vector<1x64xf32> to vector<256x64xf32>
    %mul3A_1985 = arith.mulf %mul3A_1983, %mul3A_1984 : vector<256x64xf32>
    %get3A_1986 = arith.constant 99 : index
    %get3A_1987 = arith.constant 0 : index
    %get3A_1988 = vector.load %arg4[%get3A_1986, %get3A_1987] : memref<128x64xf32, #tpu.memory_space<vmem>>, vector<1x64xf32>
    %add3A_1989 = vector.broadcast %get3A_1988 : vector<1x64xf32> to vector<256x64xf32>
    %add3A_1990 = arith.addf %mul3A_1985, %add3A_1989 : vector<256x64xf32>
    %max3A_1991 = arith.constant 0.000000e+00 : f32
    %max3A_1992 = vector.broadcast %max3A_1991 : f32 to vector<256x64xf32>
    %max3A_1993 = arith.maximumf %add3A_1990, %max3A_1992 : vector<256x64xf32>
    %get3A_1994 = arith.constant 0 : index
    %get3A_1995 = arith.constant 99 : index
    %get3A_1996 = vector.load %arg1[%get3A_1994, %get3A_1995] : memref<256x128xf32, #tpu.memory_space<vmem>>, vector<256x1xf32>
    %mul3A_1997 = vector.broadcast %get3A_1996 : vector<256x1xf32> to vector<256x64xf32>
    %mul3A_1998 = arith.mulf %mul3A_1997, %max3A_1993 : vector<256x64xf32>
    %add3A_1999 = arith.addf %add3A_1979, %mul3A_1998 : vector<256x64xf32>
    %get3A_2000 = arith.constant 100 : index
    %get3A_2001 = arith.constant 0 : index
    %get3A_2002 = vector.load %arg3[%get3A_2000, %get3A_2001] : memref<128x64xf32, #tpu.memory_space<vmem>>, vector<1x64xf32>
    %mul3A_2003 = vector.broadcast %get3A_1 : vector<256x1xf32> to vector<256x64xf32>
    %mul3A_2004 = vector.broadcast %get3A_2002 : vector<1x64xf32> to vector<256x64xf32>
    %mul3A_2005 = arith.mulf %mul3A_2003, %mul3A_2004 : vector<256x64xf32>
    %get3A_2006 = arith.constant 100 : index
    %get3A_2007 = arith.constant 0 : index
    %get3A_2008 = vector.load %arg4[%get3A_2006, %get3A_2007] : memref<128x64xf32, #tpu.memory_space<vmem>>, vector<1x64xf32>
    %add3A_2009 = vector.broadcast %get3A_2008 : vector<1x64xf32> to vector<256x64xf32>
    %add3A_2010 = arith.addf %mul3A_2005, %add3A_2009 : vector<256x64xf32>
    %max3A_2011 = arith.constant 0.000000e+00 : f32
    %max3A_2012 = vector.broadcast %max3A_2011 : f32 to vector<256x64xf32>
    %max3A_2013 = arith.maximumf %add3A_2010, %max3A_2012 : vector<256x64xf32>
    %get3A_2014 = arith.constant 0 : index
    %get3A_2015 = arith.constant 100 : index
    %get3A_2016 = vector.load %arg1[%get3A_2014, %get3A_2015] : memref<256x128xf32, #tpu.memory_space<vmem>>, vector<256x1xf32>
    %mul3A_2017 = vector.broadcast %get3A_2016 : vector<256x1xf32> to vector<256x64xf32>
    %mul3A_2018 = arith.mulf %mul3A_2017, %max3A_2013 : vector<256x64xf32>
    %add3A_2019 = arith.addf %add3A_1999, %mul3A_2018 : vector<256x64xf32>
    %get3A_2020 = arith.constant 101 : index
    %get3A_2021 = arith.constant 0 : index
    %get3A_2022 = vector.load %arg3[%get3A_2020, %get3A_2021] : memref<128x64xf32, #tpu.memory_space<vmem>>, vector<1x64xf32>
    %mul3A_2023 = vector.broadcast %get3A_1 : vector<256x1xf32> to vector<256x64xf32>
    %mul3A_2024 = vector.broadcast %get3A_2022 : vector<1x64xf32> to vector<256x64xf32>
    %mul3A_2025 = arith.mulf %mul3A_2023, %mul3A_2024 : vector<256x64xf32>
    %get3A_2026 = arith.constant 101 : index
    %get3A_2027 = arith.constant 0 : index
    %get3A_2028 = vector.load %arg4[%get3A_2026, %get3A_2027] : memref<128x64xf32, #tpu.memory_space<vmem>>, vector<1x64xf32>
    %add3A_2029 = vector.broadcast %get3A_2028 : vector<1x64xf32> to vector<256x64xf32>
    %add3A_2030 = arith.addf %mul3A_2025, %add3A_2029 : vector<256x64xf32>
    %max3A_2031 = arith.constant 0.000000e+00 : f32
    %max3A_2032 = vector.broadcast %max3A_2031 : f32 to vector<256x64xf32>
    %max3A_2033 = arith.maximumf %add3A_2030, %max3A_2032 : vector<256x64xf32>
    %get3A_2034 = arith.constant 0 : index
    %get3A_2035 = arith.constant 101 : index
    %get3A_2036 = vector.load %arg1[%get3A_2034, %get3A_2035] : memref<256x128xf32, #tpu.memory_space<vmem>>, vector<256x1xf32>
    %mul3A_2037 = vector.broadcast %get3A_2036 : vector<256x1xf32> to vector<256x64xf32>
    %mul3A_2038 = arith.mulf %mul3A_2037, %max3A_2033 : vector<256x64xf32>
    %add3A_2039 = arith.addf %add3A_2019, %mul3A_2038 : vector<256x64xf32>
    %get3A_2040 = arith.constant 102 : index
    %get3A_2041 = arith.constant 0 : index
    %get3A_2042 = vector.load %arg3[%get3A_2040, %get3A_2041] : memref<128x64xf32, #tpu.memory_space<vmem>>, vector<1x64xf32>
    %mul3A_2043 = vector.broadcast %get3A_1 : vector<256x1xf32> to vector<256x64xf32>
    %mul3A_2044 = vector.broadcast %get3A_2042 : vector<1x64xf32> to vector<256x64xf32>
    %mul3A_2045 = arith.mulf %mul3A_2043, %mul3A_2044 : vector<256x64xf32>
    %get3A_2046 = arith.constant 102 : index
    %get3A_2047 = arith.constant 0 : index
    %get3A_2048 = vector.load %arg4[%get3A_2046, %get3A_2047] : memref<128x64xf32, #tpu.memory_space<vmem>>, vector<1x64xf32>
    %add3A_2049 = vector.broadcast %get3A_2048 : vector<1x64xf32> to vector<256x64xf32>
    %add3A_2050 = arith.addf %mul3A_2045, %add3A_2049 : vector<256x64xf32>
    %max3A_2051 = arith.constant 0.000000e+00 : f32
    %max3A_2052 = vector.broadcast %max3A_2051 : f32 to vector<256x64xf32>
    %max3A_2053 = arith.maximumf %add3A_2050, %max3A_2052 : vector<256x64xf32>
    %get3A_2054 = arith.constant 0 : index
    %get3A_2055 = arith.constant 102 : index
    %get3A_2056 = vector.load %arg1[%get3A_2054, %get3A_2055] : memref<256x128xf32, #tpu.memory_space<vmem>>, vector<256x1xf32>
    %mul3A_2057 = vector.broadcast %get3A_2056 : vector<256x1xf32> to vector<256x64xf32>
    %mul3A_2058 = arith.mulf %mul3A_2057, %max3A_2053 : vector<256x64xf32>
    %add3A_2059 = arith.addf %add3A_2039, %mul3A_2058 : vector<256x64xf32>
    %get3A_2060 = arith.constant 103 : index
    %get3A_2061 = arith.constant 0 : index
    %get3A_2062 = vector.load %arg3[%get3A_2060, %get3A_2061] : memref<128x64xf32, #tpu.memory_space<vmem>>, vector<1x64xf32>
    %mul3A_2063 = vector.broadcast %get3A_1 : vector<256x1xf32> to vector<256x64xf32>
    %mul3A_2064 = vector.broadcast %get3A_2062 : vector<1x64xf32> to vector<256x64xf32>
    %mul3A_2065 = arith.mulf %mul3A_2063, %mul3A_2064 : vector<256x64xf32>
    %get3A_2066 = arith.constant 103 : index
    %get3A_2067 = arith.constant 0 : index
    %get3A_2068 = vector.load %arg4[%get3A_2066, %get3A_2067] : memref<128x64xf32, #tpu.memory_space<vmem>>, vector<1x64xf32>
    %add3A_2069 = vector.broadcast %get3A_2068 : vector<1x64xf32> to vector<256x64xf32>
    %add3A_2070 = arith.addf %mul3A_2065, %add3A_2069 : vector<256x64xf32>
    %max3A_2071 = arith.constant 0.000000e+00 : f32
    %max3A_2072 = vector.broadcast %max3A_2071 : f32 to vector<256x64xf32>
    %max3A_2073 = arith.maximumf %add3A_2070, %max3A_2072 : vector<256x64xf32>
    %get3A_2074 = arith.constant 0 : index
    %get3A_2075 = arith.constant 103 : index
    %get3A_2076 = vector.load %arg1[%get3A_2074, %get3A_2075] : memref<256x128xf32, #tpu.memory_space<vmem>>, vector<256x1xf32>
    %mul3A_2077 = vector.broadcast %get3A_2076 : vector<256x1xf32> to vector<256x64xf32>
    %mul3A_2078 = arith.mulf %mul3A_2077, %max3A_2073 : vector<256x64xf32>
    %add3A_2079 = arith.addf %add3A_2059, %mul3A_2078 : vector<256x64xf32>
    %get3A_2080 = arith.constant 104 : index
    %get3A_2081 = arith.constant 0 : index
    %get3A_2082 = vector.load %arg3[%get3A_2080, %get3A_2081] : memref<128x64xf32, #tpu.memory_space<vmem>>, vector<1x64xf32>
    %mul3A_2083 = vector.broadcast %get3A_1 : vector<256x1xf32> to vector<256x64xf32>
    %mul3A_2084 = vector.broadcast %get3A_2082 : vector<1x64xf32> to vector<256x64xf32>
    %mul3A_2085 = arith.mulf %mul3A_2083, %mul3A_2084 : vector<256x64xf32>
    %get3A_2086 = arith.constant 104 : index
    %get3A_2087 = arith.constant 0 : index
    %get3A_2088 = vector.load %arg4[%get3A_2086, %get3A_2087] : memref<128x64xf32, #tpu.memory_space<vmem>>, vector<1x64xf32>
    %add3A_2089 = vector.broadcast %get3A_2088 : vector<1x64xf32> to vector<256x64xf32>
    %add3A_2090 = arith.addf %mul3A_2085, %add3A_2089 : vector<256x64xf32>
    %max3A_2091 = arith.constant 0.000000e+00 : f32
    %max3A_2092 = vector.broadcast %max3A_2091 : f32 to vector<256x64xf32>
    %max3A_2093 = arith.maximumf %add3A_2090, %max3A_2092 : vector<256x64xf32>
    %get3A_2094 = arith.constant 0 : index
    %get3A_2095 = arith.constant 104 : index
    %get3A_2096 = vector.load %arg1[%get3A_2094, %get3A_2095] : memref<256x128xf32, #tpu.memory_space<vmem>>, vector<256x1xf32>
    %mul3A_2097 = vector.broadcast %get3A_2096 : vector<256x1xf32> to vector<256x64xf32>
    %mul3A_2098 = arith.mulf %mul3A_2097, %max3A_2093 : vector<256x64xf32>
    %add3A_2099 = arith.addf %add3A_2079, %mul3A_2098 : vector<256x64xf32>
    %get3A_2100 = arith.constant 105 : index
    %get3A_2101 = arith.constant 0 : index
    %get3A_2102 = vector.load %arg3[%get3A_2100, %get3A_2101] : memref<128x64xf32, #tpu.memory_space<vmem>>, vector<1x64xf32>
    %mul3A_2103 = vector.broadcast %get3A_1 : vector<256x1xf32> to vector<256x64xf32>
    %mul3A_2104 = vector.broadcast %get3A_2102 : vector<1x64xf32> to vector<256x64xf32>
    %mul3A_2105 = arith.mulf %mul3A_2103, %mul3A_2104 : vector<256x64xf32>
    %get3A_2106 = arith.constant 105 : index
    %get3A_2107 = arith.constant 0 : index
    %get3A_2108 = vector.load %arg4[%get3A_2106, %get3A_2107] : memref<128x64xf32, #tpu.memory_space<vmem>>, vector<1x64xf32>
    %add3A_2109 = vector.broadcast %get3A_2108 : vector<1x64xf32> to vector<256x64xf32>
    %add3A_2110 = arith.addf %mul3A_2105, %add3A_2109 : vector<256x64xf32>
    %max3A_2111 = arith.constant 0.000000e+00 : f32
    %max3A_2112 = vector.broadcast %max3A_2111 : f32 to vector<256x64xf32>
    %max3A_2113 = arith.maximumf %add3A_2110, %max3A_2112 : vector<256x64xf32>
    %get3A_2114 = arith.constant 0 : index
    %get3A_2115 = arith.constant 105 : index
    %get3A_2116 = vector.load %arg1[%get3A_2114, %get3A_2115] : memref<256x128xf32, #tpu.memory_space<vmem>>, vector<256x1xf32>
    %mul3A_2117 = vector.broadcast %get3A_2116 : vector<256x1xf32> to vector<256x64xf32>
    %mul3A_2118 = arith.mulf %mul3A_2117, %max3A_2113 : vector<256x64xf32>
    %add3A_2119 = arith.addf %add3A_2099, %mul3A_2118 : vector<256x64xf32>
    %get3A_2120 = arith.constant 106 : index
    %get3A_2121 = arith.constant 0 : index
    %get3A_2122 = vector.load %arg3[%get3A_2120, %get3A_2121] : memref<128x64xf32, #tpu.memory_space<vmem>>, vector<1x64xf32>
    %mul3A_2123 = vector.broadcast %get3A_1 : vector<256x1xf32> to vector<256x64xf32>
    %mul3A_2124 = vector.broadcast %get3A_2122 : vector<1x64xf32> to vector<256x64xf32>
    %mul3A_2125 = arith.mulf %mul3A_2123, %mul3A_2124 : vector<256x64xf32>
    %get3A_2126 = arith.constant 106 : index
    %get3A_2127 = arith.constant 0 : index
    %get3A_2128 = vector.load %arg4[%get3A_2126, %get3A_2127] : memref<128x64xf32, #tpu.memory_space<vmem>>, vector<1x64xf32>
    %add3A_2129 = vector.broadcast %get3A_2128 : vector<1x64xf32> to vector<256x64xf32>
    %add3A_2130 = arith.addf %mul3A_2125, %add3A_2129 : vector<256x64xf32>
    %max3A_2131 = arith.constant 0.000000e+00 : f32
    %max3A_2132 = vector.broadcast %max3A_2131 : f32 to vector<256x64xf32>
    %max3A_2133 = arith.maximumf %add3A_2130, %max3A_2132 : vector<256x64xf32>
    %get3A_2134 = arith.constant 0 : index
    %get3A_2135 = arith.constant 106 : index
    %get3A_2136 = vector.load %arg1[%get3A_2134, %get3A_2135] : memref<256x128xf32, #tpu.memory_space<vmem>>, vector<256x1xf32>
    %mul3A_2137 = vector.broadcast %get3A_2136 : vector<256x1xf32> to vector<256x64xf32>
    %mul3A_2138 = arith.mulf %mul3A_2137, %max3A_2133 : vector<256x64xf32>
    %add3A_2139 = arith.addf %add3A_2119, %mul3A_2138 : vector<256x64xf32>
    %get3A_2140 = arith.constant 107 : index
    %get3A_2141 = arith.constant 0 : index
    %get3A_2142 = vector.load %arg3[%get3A_2140, %get3A_2141] : memref<128x64xf32, #tpu.memory_space<vmem>>, vector<1x64xf32>
    %mul3A_2143 = vector.broadcast %get3A_1 : vector<256x1xf32> to vector<256x64xf32>
    %mul3A_2144 = vector.broadcast %get3A_2142 : vector<1x64xf32> to vector<256x64xf32>
    %mul3A_2145 = arith.mulf %mul3A_2143, %mul3A_2144 : vector<256x64xf32>
    %get3A_2146 = arith.constant 107 : index
    %get3A_2147 = arith.constant 0 : index
    %get3A_2148 = vector.load %arg4[%get3A_2146, %get3A_2147] : memref<128x64xf32, #tpu.memory_space<vmem>>, vector<1x64xf32>
    %add3A_2149 = vector.broadcast %get3A_2148 : vector<1x64xf32> to vector<256x64xf32>
    %add3A_2150 = arith.addf %mul3A_2145, %add3A_2149 : vector<256x64xf32>
    %max3A_2151 = arith.constant 0.000000e+00 : f32
    %max3A_2152 = vector.broadcast %max3A_2151 : f32 to vector<256x64xf32>
    %max3A_2153 = arith.maximumf %add3A_2150, %max3A_2152 : vector<256x64xf32>
    %get3A_2154 = arith.constant 0 : index
    %get3A_2155 = arith.constant 107 : index
    %get3A_2156 = vector.load %arg1[%get3A_2154, %get3A_2155] : memref<256x128xf32, #tpu.memory_space<vmem>>, vector<256x1xf32>
    %mul3A_2157 = vector.broadcast %get3A_2156 : vector<256x1xf32> to vector<256x64xf32>
    %mul3A_2158 = arith.mulf %mul3A_2157, %max3A_2153 : vector<256x64xf32>
    %add3A_2159 = arith.addf %add3A_2139, %mul3A_2158 : vector<256x64xf32>
    %get3A_2160 = arith.constant 108 : index
    %get3A_2161 = arith.constant 0 : index
    %get3A_2162 = vector.load %arg3[%get3A_2160, %get3A_2161] : memref<128x64xf32, #tpu.memory_space<vmem>>, vector<1x64xf32>
    %mul3A_2163 = vector.broadcast %get3A_1 : vector<256x1xf32> to vector<256x64xf32>
    %mul3A_2164 = vector.broadcast %get3A_2162 : vector<1x64xf32> to vector<256x64xf32>
    %mul3A_2165 = arith.mulf %mul3A_2163, %mul3A_2164 : vector<256x64xf32>
    %get3A_2166 = arith.constant 108 : index
    %get3A_2167 = arith.constant 0 : index
    %get3A_2168 = vector.load %arg4[%get3A_2166, %get3A_2167] : memref<128x64xf32, #tpu.memory_space<vmem>>, vector<1x64xf32>
    %add3A_2169 = vector.broadcast %get3A_2168 : vector<1x64xf32> to vector<256x64xf32>
    %add3A_2170 = arith.addf %mul3A_2165, %add3A_2169 : vector<256x64xf32>
    %max3A_2171 = arith.constant 0.000000e+00 : f32
    %max3A_2172 = vector.broadcast %max3A_2171 : f32 to vector<256x64xf32>
    %max3A_2173 = arith.maximumf %add3A_2170, %max3A_2172 : vector<256x64xf32>
    %get3A_2174 = arith.constant 0 : index
    %get3A_2175 = arith.constant 108 : index
    %get3A_2176 = vector.load %arg1[%get3A_2174, %get3A_2175] : memref<256x128xf32, #tpu.memory_space<vmem>>, vector<256x1xf32>
    %mul3A_2177 = vector.broadcast %get3A_2176 : vector<256x1xf32> to vector<256x64xf32>
    %mul3A_2178 = arith.mulf %mul3A_2177, %max3A_2173 : vector<256x64xf32>
    %add3A_2179 = arith.addf %add3A_2159, %mul3A_2178 : vector<256x64xf32>
    %get3A_2180 = arith.constant 109 : index
    %get3A_2181 = arith.constant 0 : index
    %get3A_2182 = vector.load %arg3[%get3A_2180, %get3A_2181] : memref<128x64xf32, #tpu.memory_space<vmem>>, vector<1x64xf32>
    %mul3A_2183 = vector.broadcast %get3A_1 : vector<256x1xf32> to vector<256x64xf32>
    %mul3A_2184 = vector.broadcast %get3A_2182 : vector<1x64xf32> to vector<256x64xf32>
    %mul3A_2185 = arith.mulf %mul3A_2183, %mul3A_2184 : vector<256x64xf32>
    %get3A_2186 = arith.constant 109 : index
    %get3A_2187 = arith.constant 0 : index
    %get3A_2188 = vector.load %arg4[%get3A_2186, %get3A_2187] : memref<128x64xf32, #tpu.memory_space<vmem>>, vector<1x64xf32>
    %add3A_2189 = vector.broadcast %get3A_2188 : vector<1x64xf32> to vector<256x64xf32>
    %add3A_2190 = arith.addf %mul3A_2185, %add3A_2189 : vector<256x64xf32>
    %max3A_2191 = arith.constant 0.000000e+00 : f32
    %max3A_2192 = vector.broadcast %max3A_2191 : f32 to vector<256x64xf32>
    %max3A_2193 = arith.maximumf %add3A_2190, %max3A_2192 : vector<256x64xf32>
    %get3A_2194 = arith.constant 0 : index
    %get3A_2195 = arith.constant 109 : index
    %get3A_2196 = vector.load %arg1[%get3A_2194, %get3A_2195] : memref<256x128xf32, #tpu.memory_space<vmem>>, vector<256x1xf32>
    %mul3A_2197 = vector.broadcast %get3A_2196 : vector<256x1xf32> to vector<256x64xf32>
    %mul3A_2198 = arith.mulf %mul3A_2197, %max3A_2193 : vector<256x64xf32>
    %add3A_2199 = arith.addf %add3A_2179, %mul3A_2198 : vector<256x64xf32>
    %get3A_2200 = arith.constant 110 : index
    %get3A_2201 = arith.constant 0 : index
    %get3A_2202 = vector.load %arg3[%get3A_2200, %get3A_2201] : memref<128x64xf32, #tpu.memory_space<vmem>>, vector<1x64xf32>
    %mul3A_2203 = vector.broadcast %get3A_1 : vector<256x1xf32> to vector<256x64xf32>
    %mul3A_2204 = vector.broadcast %get3A_2202 : vector<1x64xf32> to vector<256x64xf32>
    %mul3A_2205 = arith.mulf %mul3A_2203, %mul3A_2204 : vector<256x64xf32>
    %get3A_2206 = arith.constant 110 : index
    %get3A_2207 = arith.constant 0 : index
    %get3A_2208 = vector.load %arg4[%get3A_2206, %get3A_2207] : memref<128x64xf32, #tpu.memory_space<vmem>>, vector<1x64xf32>
    %add3A_2209 = vector.broadcast %get3A_2208 : vector<1x64xf32> to vector<256x64xf32>
    %add3A_2210 = arith.addf %mul3A_2205, %add3A_2209 : vector<256x64xf32>
    %max3A_2211 = arith.constant 0.000000e+00 : f32
    %max3A_2212 = vector.broadcast %max3A_2211 : f32 to vector<256x64xf32>
    %max3A_2213 = arith.maximumf %add3A_2210, %max3A_2212 : vector<256x64xf32>
    %get3A_2214 = arith.constant 0 : index
    %get3A_2215 = arith.constant 110 : index
    %get3A_2216 = vector.load %arg1[%get3A_2214, %get3A_2215] : memref<256x128xf32, #tpu.memory_space<vmem>>, vector<256x1xf32>
    %mul3A_2217 = vector.broadcast %get3A_2216 : vector<256x1xf32> to vector<256x64xf32>
    %mul3A_2218 = arith.mulf %mul3A_2217, %max3A_2213 : vector<256x64xf32>
    %add3A_2219 = arith.addf %add3A_2199, %mul3A_2218 : vector<256x64xf32>
    %get3A_2220 = arith.constant 111 : index
    %get3A_2221 = arith.constant 0 : index
    %get3A_2222 = vector.load %arg3[%get3A_2220, %get3A_2221] : memref<128x64xf32, #tpu.memory_space<vmem>>, vector<1x64xf32>
    %mul3A_2223 = vector.broadcast %get3A_1 : vector<256x1xf32> to vector<256x64xf32>
    %mul3A_2224 = vector.broadcast %get3A_2222 : vector<1x64xf32> to vector<256x64xf32>
    %mul3A_2225 = arith.mulf %mul3A_2223, %mul3A_2224 : vector<256x64xf32>
    %get3A_2226 = arith.constant 111 : index
    %get3A_2227 = arith.constant 0 : index
    %get3A_2228 = vector.load %arg4[%get3A_2226, %get3A_2227] : memref<128x64xf32, #tpu.memory_space<vmem>>, vector<1x64xf32>
    %add3A_2229 = vector.broadcast %get3A_2228 : vector<1x64xf32> to vector<256x64xf32>
    %add3A_2230 = arith.addf %mul3A_2225, %add3A_2229 : vector<256x64xf32>
    %max3A_2231 = arith.constant 0.000000e+00 : f32
    %max3A_2232 = vector.broadcast %max3A_2231 : f32 to vector<256x64xf32>
    %max3A_2233 = arith.maximumf %add3A_2230, %max3A_2232 : vector<256x64xf32>
    %get3A_2234 = arith.constant 0 : index
    %get3A_2235 = arith.constant 111 : index
    %get3A_2236 = vector.load %arg1[%get3A_2234, %get3A_2235] : memref<256x128xf32, #tpu.memory_space<vmem>>, vector<256x1xf32>
    %mul3A_2237 = vector.broadcast %get3A_2236 : vector<256x1xf32> to vector<256x64xf32>
    %mul3A_2238 = arith.mulf %mul3A_2237, %max3A_2233 : vector<256x64xf32>
    %add3A_2239 = arith.addf %add3A_2219, %mul3A_2238 : vector<256x64xf32>
    %get3A_2240 = arith.constant 112 : index
    %get3A_2241 = arith.constant 0 : index
    %get3A_2242 = vector.load %arg3[%get3A_2240, %get3A_2241] : memref<128x64xf32, #tpu.memory_space<vmem>>, vector<1x64xf32>
    %mul3A_2243 = vector.broadcast %get3A_1 : vector<256x1xf32> to vector<256x64xf32>
    %mul3A_2244 = vector.broadcast %get3A_2242 : vector<1x64xf32> to vector<256x64xf32>
    %mul3A_2245 = arith.mulf %mul3A_2243, %mul3A_2244 : vector<256x64xf32>
    %get3A_2246 = arith.constant 112 : index
    %get3A_2247 = arith.constant 0 : index
    %get3A_2248 = vector.load %arg4[%get3A_2246, %get3A_2247] : memref<128x64xf32, #tpu.memory_space<vmem>>, vector<1x64xf32>
    %add3A_2249 = vector.broadcast %get3A_2248 : vector<1x64xf32> to vector<256x64xf32>
    %add3A_2250 = arith.addf %mul3A_2245, %add3A_2249 : vector<256x64xf32>
    %max3A_2251 = arith.constant 0.000000e+00 : f32
    %max3A_2252 = vector.broadcast %max3A_2251 : f32 to vector<256x64xf32>
    %max3A_2253 = arith.maximumf %add3A_2250, %max3A_2252 : vector<256x64xf32>
    %get3A_2254 = arith.constant 0 : index
    %get3A_2255 = arith.constant 112 : index
    %get3A_2256 = vector.load %arg1[%get3A_2254, %get3A_2255] : memref<256x128xf32, #tpu.memory_space<vmem>>, vector<256x1xf32>
    %mul3A_2257 = vector.broadcast %get3A_2256 : vector<256x1xf32> to vector<256x64xf32>
    %mul3A_2258 = arith.mulf %mul3A_2257, %max3A_2253 : vector<256x64xf32>
    %add3A_2259 = arith.addf %add3A_2239, %mul3A_2258 : vector<256x64xf32>
    %get3A_2260 = arith.constant 113 : index
    %get3A_2261 = arith.constant 0 : index
    %get3A_2262 = vector.load %arg3[%get3A_2260, %get3A_2261] : memref<128x64xf32, #tpu.memory_space<vmem>>, vector<1x64xf32>
    %mul3A_2263 = vector.broadcast %get3A_1 : vector<256x1xf32> to vector<256x64xf32>
    %mul3A_2264 = vector.broadcast %get3A_2262 : vector<1x64xf32> to vector<256x64xf32>
    %mul3A_2265 = arith.mulf %mul3A_2263, %mul3A_2264 : vector<256x64xf32>
    %get3A_2266 = arith.constant 113 : index
    %get3A_2267 = arith.constant 0 : index
    %get3A_2268 = vector.load %arg4[%get3A_2266, %get3A_2267] : memref<128x64xf32, #tpu.memory_space<vmem>>, vector<1x64xf32>
    %add3A_2269 = vector.broadcast %get3A_2268 : vector<1x64xf32> to vector<256x64xf32>
    %add3A_2270 = arith.addf %mul3A_2265, %add3A_2269 : vector<256x64xf32>
    %max3A_2271 = arith.constant 0.000000e+00 : f32
    %max3A_2272 = vector.broadcast %max3A_2271 : f32 to vector<256x64xf32>
    %max3A_2273 = arith.maximumf %add3A_2270, %max3A_2272 : vector<256x64xf32>
    %get3A_2274 = arith.constant 0 : index
    %get3A_2275 = arith.constant 113 : index
    %get3A_2276 = vector.load %arg1[%get3A_2274, %get3A_2275] : memref<256x128xf32, #tpu.memory_space<vmem>>, vector<256x1xf32>
    %mul3A_2277 = vector.broadcast %get3A_2276 : vector<256x1xf32> to vector<256x64xf32>
    %mul3A_2278 = arith.mulf %mul3A_2277, %max3A_2273 : vector<256x64xf32>
    %add3A_2279 = arith.addf %add3A_2259, %mul3A_2278 : vector<256x64xf32>
    %get3A_2280 = arith.constant 114 : index
    %get3A_2281 = arith.constant 0 : index
    %get3A_2282 = vector.load %arg3[%get3A_2280, %get3A_2281] : memref<128x64xf32, #tpu.memory_space<vmem>>, vector<1x64xf32>
    %mul3A_2283 = vector.broadcast %get3A_1 : vector<256x1xf32> to vector<256x64xf32>
    %mul3A_2284 = vector.broadcast %get3A_2282 : vector<1x64xf32> to vector<256x64xf32>
    %mul3A_2285 = arith.mulf %mul3A_2283, %mul3A_2284 : vector<256x64xf32>
    %get3A_2286 = arith.constant 114 : index
    %get3A_2287 = arith.constant 0 : index
    %get3A_2288 = vector.load %arg4[%get3A_2286, %get3A_2287] : memref<128x64xf32, #tpu.memory_space<vmem>>, vector<1x64xf32>
    %add3A_2289 = vector.broadcast %get3A_2288 : vector<1x64xf32> to vector<256x64xf32>
    %add3A_2290 = arith.addf %mul3A_2285, %add3A_2289 : vector<256x64xf32>
    %max3A_2291 = arith.constant 0.000000e+00 : f32
    %max3A_2292 = vector.broadcast %max3A_2291 : f32 to vector<256x64xf32>
    %max3A_2293 = arith.maximumf %add3A_2290, %max3A_2292 : vector<256x64xf32>
    %get3A_2294 = arith.constant 0 : index
    %get3A_2295 = arith.constant 114 : index
    %get3A_2296 = vector.load %arg1[%get3A_2294, %get3A_2295] : memref<256x128xf32, #tpu.memory_space<vmem>>, vector<256x1xf32>
    %mul3A_2297 = vector.broadcast %get3A_2296 : vector<256x1xf32> to vector<256x64xf32>
    %mul3A_2298 = arith.mulf %mul3A_2297, %max3A_2293 : vector<256x64xf32>
    %add3A_2299 = arith.addf %add3A_2279, %mul3A_2298 : vector<256x64xf32>
    %get3A_2300 = arith.constant 115 : index
    %get3A_2301 = arith.constant 0 : index
    %get3A_2302 = vector.load %arg3[%get3A_2300, %get3A_2301] : memref<128x64xf32, #tpu.memory_space<vmem>>, vector<1x64xf32>
    %mul3A_2303 = vector.broadcast %get3A_1 : vector<256x1xf32> to vector<256x64xf32>
    %mul3A_2304 = vector.broadcast %get3A_2302 : vector<1x64xf32> to vector<256x64xf32>
    %mul3A_2305 = arith.mulf %mul3A_2303, %mul3A_2304 : vector<256x64xf32>
    %get3A_2306 = arith.constant 115 : index
    %get3A_2307 = arith.constant 0 : index
    %get3A_2308 = vector.load %arg4[%get3A_2306, %get3A_2307] : memref<128x64xf32, #tpu.memory_space<vmem>>, vector<1x64xf32>
    %add3A_2309 = vector.broadcast %get3A_2308 : vector<1x64xf32> to vector<256x64xf32>
    %add3A_2310 = arith.addf %mul3A_2305, %add3A_2309 : vector<256x64xf32>
    %max3A_2311 = arith.constant 0.000000e+00 : f32
    %max3A_2312 = vector.broadcast %max3A_2311 : f32 to vector<256x64xf32>
    %max3A_2313 = arith.maximumf %add3A_2310, %max3A_2312 : vector<256x64xf32>
    %get3A_2314 = arith.constant 0 : index
    %get3A_2315 = arith.constant 115 : index
    %get3A_2316 = vector.load %arg1[%get3A_2314, %get3A_2315] : memref<256x128xf32, #tpu.memory_space<vmem>>, vector<256x1xf32>
    %mul3A_2317 = vector.broadcast %get3A_2316 : vector<256x1xf32> to vector<256x64xf32>
    %mul3A_2318 = arith.mulf %mul3A_2317, %max3A_2313 : vector<256x64xf32>
    %add3A_2319 = arith.addf %add3A_2299, %mul3A_2318 : vector<256x64xf32>
    %get3A_2320 = arith.constant 116 : index
    %get3A_2321 = arith.constant 0 : index
    %get3A_2322 = vector.load %arg3[%get3A_2320, %get3A_2321] : memref<128x64xf32, #tpu.memory_space<vmem>>, vector<1x64xf32>
    %mul3A_2323 = vector.broadcast %get3A_1 : vector<256x1xf32> to vector<256x64xf32>
    %mul3A_2324 = vector.broadcast %get3A_2322 : vector<1x64xf32> to vector<256x64xf32>
    %mul3A_2325 = arith.mulf %mul3A_2323, %mul3A_2324 : vector<256x64xf32>
    %get3A_2326 = arith.constant 116 : index
    %get3A_2327 = arith.constant 0 : index
    %get3A_2328 = vector.load %arg4[%get3A_2326, %get3A_2327] : memref<128x64xf32, #tpu.memory_space<vmem>>, vector<1x64xf32>
    %add3A_2329 = vector.broadcast %get3A_2328 : vector<1x64xf32> to vector<256x64xf32>
    %add3A_2330 = arith.addf %mul3A_2325, %add3A_2329 : vector<256x64xf32>
    %max3A_2331 = arith.constant 0.000000e+00 : f32
    %max3A_2332 = vector.broadcast %max3A_2331 : f32 to vector<256x64xf32>
    %max3A_2333 = arith.maximumf %add3A_2330, %max3A_2332 : vector<256x64xf32>
    %get3A_2334 = arith.constant 0 : index
    %get3A_2335 = arith.constant 116 : index
    %get3A_2336 = vector.load %arg1[%get3A_2334, %get3A_2335] : memref<256x128xf32, #tpu.memory_space<vmem>>, vector<256x1xf32>
    %mul3A_2337 = vector.broadcast %get3A_2336 : vector<256x1xf32> to vector<256x64xf32>
    %mul3A_2338 = arith.mulf %mul3A_2337, %max3A_2333 : vector<256x64xf32>
    %add3A_2339 = arith.addf %add3A_2319, %mul3A_2338 : vector<256x64xf32>
    %get3A_2340 = arith.constant 117 : index
    %get3A_2341 = arith.constant 0 : index
    %get3A_2342 = vector.load %arg3[%get3A_2340, %get3A_2341] : memref<128x64xf32, #tpu.memory_space<vmem>>, vector<1x64xf32>
    %mul3A_2343 = vector.broadcast %get3A_1 : vector<256x1xf32> to vector<256x64xf32>
    %mul3A_2344 = vector.broadcast %get3A_2342 : vector<1x64xf32> to vector<256x64xf32>
    %mul3A_2345 = arith.mulf %mul3A_2343, %mul3A_2344 : vector<256x64xf32>
    %get3A_2346 = arith.constant 117 : index
    %get3A_2347 = arith.constant 0 : index
    %get3A_2348 = vector.load %arg4[%get3A_2346, %get3A_2347] : memref<128x64xf32, #tpu.memory_space<vmem>>, vector<1x64xf32>
    %add3A_2349 = vector.broadcast %get3A_2348 : vector<1x64xf32> to vector<256x64xf32>
    %add3A_2350 = arith.addf %mul3A_2345, %add3A_2349 : vector<256x64xf32>
    %max3A_2351 = arith.constant 0.000000e+00 : f32
    %max3A_2352 = vector.broadcast %max3A_2351 : f32 to vector<256x64xf32>
    %max3A_2353 = arith.maximumf %add3A_2350, %max3A_2352 : vector<256x64xf32>
    %get3A_2354 = arith.constant 0 : index
    %get3A_2355 = arith.constant 117 : index
    %get3A_2356 = vector.load %arg1[%get3A_2354, %get3A_2355] : memref<256x128xf32, #tpu.memory_space<vmem>>, vector<256x1xf32>
    %mul3A_2357 = vector.broadcast %get3A_2356 : vector<256x1xf32> to vector<256x64xf32>
    %mul3A_2358 = arith.mulf %mul3A_2357, %max3A_2353 : vector<256x64xf32>
    %add3A_2359 = arith.addf %add3A_2339, %mul3A_2358 : vector<256x64xf32>
    %get3A_2360 = arith.constant 118 : index
    %get3A_2361 = arith.constant 0 : index
    %get3A_2362 = vector.load %arg3[%get3A_2360, %get3A_2361] : memref<128x64xf32, #tpu.memory_space<vmem>>, vector<1x64xf32>
    %mul3A_2363 = vector.broadcast %get3A_1 : vector<256x1xf32> to vector<256x64xf32>
    %mul3A_2364 = vector.broadcast %get3A_2362 : vector<1x64xf32> to vector<256x64xf32>
    %mul3A_2365 = arith.mulf %mul3A_2363, %mul3A_2364 : vector<256x64xf32>
    %get3A_2366 = arith.constant 118 : index
    %get3A_2367 = arith.constant 0 : index
    %get3A_2368 = vector.load %arg4[%get3A_2366, %get3A_2367] : memref<128x64xf32, #tpu.memory_space<vmem>>, vector<1x64xf32>
    %add3A_2369 = vector.broadcast %get3A_2368 : vector<1x64xf32> to vector<256x64xf32>
    %add3A_2370 = arith.addf %mul3A_2365, %add3A_2369 : vector<256x64xf32>
    %max3A_2371 = arith.constant 0.000000e+00 : f32
    %max3A_2372 = vector.broadcast %max3A_2371 : f32 to vector<256x64xf32>
    %max3A_2373 = arith.maximumf %add3A_2370, %max3A_2372 : vector<256x64xf32>
    %get3A_2374 = arith.constant 0 : index
    %get3A_2375 = arith.constant 118 : index
    %get3A_2376 = vector.load %arg1[%get3A_2374, %get3A_2375] : memref<256x128xf32, #tpu.memory_space<vmem>>, vector<256x1xf32>
    %mul3A_2377 = vector.broadcast %get3A_2376 : vector<256x1xf32> to vector<256x64xf32>
    %mul3A_2378 = arith.mulf %mul3A_2377, %max3A_2373 : vector<256x64xf32>
    %add3A_2379 = arith.addf %add3A_2359, %mul3A_2378 : vector<256x64xf32>
    %get3A_2380 = arith.constant 119 : index
    %get3A_2381 = arith.constant 0 : index
    %get3A_2382 = vector.load %arg3[%get3A_2380, %get3A_2381] : memref<128x64xf32, #tpu.memory_space<vmem>>, vector<1x64xf32>
    %mul3A_2383 = vector.broadcast %get3A_1 : vector<256x1xf32> to vector<256x64xf32>
    %mul3A_2384 = vector.broadcast %get3A_2382 : vector<1x64xf32> to vector<256x64xf32>
    %mul3A_2385 = arith.mulf %mul3A_2383, %mul3A_2384 : vector<256x64xf32>
    %get3A_2386 = arith.constant 119 : index
    %get3A_2387 = arith.constant 0 : index
    %get3A_2388 = vector.load %arg4[%get3A_2386, %get3A_2387] : memref<128x64xf32, #tpu.memory_space<vmem>>, vector<1x64xf32>
    %add3A_2389 = vector.broadcast %get3A_2388 : vector<1x64xf32> to vector<256x64xf32>
    %add3A_2390 = arith.addf %mul3A_2385, %add3A_2389 : vector<256x64xf32>
    %max3A_2391 = arith.constant 0.000000e+00 : f32
    %max3A_2392 = vector.broadcast %max3A_2391 : f32 to vector<256x64xf32>
    %max3A_2393 = arith.maximumf %add3A_2390, %max3A_2392 : vector<256x64xf32>
    %get3A_2394 = arith.constant 0 : index
    %get3A_2395 = arith.constant 119 : index
    %get3A_2396 = vector.load %arg1[%get3A_2394, %get3A_2395] : memref<256x128xf32, #tpu.memory_space<vmem>>, vector<256x1xf32>
    %mul3A_2397 = vector.broadcast %get3A_2396 : vector<256x1xf32> to vector<256x64xf32>
    %mul3A_2398 = arith.mulf %mul3A_2397, %max3A_2393 : vector<256x64xf32>
    %add3A_2399 = arith.addf %add3A_2379, %mul3A_2398 : vector<256x64xf32>
    %get3A_2400 = arith.constant 120 : index
    %get3A_2401 = arith.constant 0 : index
    %get3A_2402 = vector.load %arg3[%get3A_2400, %get3A_2401] : memref<128x64xf32, #tpu.memory_space<vmem>>, vector<1x64xf32>
    %mul3A_2403 = vector.broadcast %get3A_1 : vector<256x1xf32> to vector<256x64xf32>
    %mul3A_2404 = vector.broadcast %get3A_2402 : vector<1x64xf32> to vector<256x64xf32>
    %mul3A_2405 = arith.mulf %mul3A_2403, %mul3A_2404 : vector<256x64xf32>
    %get3A_2406 = arith.constant 120 : index
    %get3A_2407 = arith.constant 0 : index
    %get3A_2408 = vector.load %arg4[%get3A_2406, %get3A_2407] : memref<128x64xf32, #tpu.memory_space<vmem>>, vector<1x64xf32>
    %add3A_2409 = vector.broadcast %get3A_2408 : vector<1x64xf32> to vector<256x64xf32>
    %add3A_2410 = arith.addf %mul3A_2405, %add3A_2409 : vector<256x64xf32>
    %max3A_2411 = arith.constant 0.000000e+00 : f32
    %max3A_2412 = vector.broadcast %max3A_2411 : f32 to vector<256x64xf32>
    %max3A_2413 = arith.maximumf %add3A_2410, %max3A_2412 : vector<256x64xf32>
    %get3A_2414 = arith.constant 0 : index
    %get3A_2415 = arith.constant 120 : index
    %get3A_2416 = vector.load %arg1[%get3A_2414, %get3A_2415] : memref<256x128xf32, #tpu.memory_space<vmem>>, vector<256x1xf32>
    %mul3A_2417 = vector.broadcast %get3A_2416 : vector<256x1xf32> to vector<256x64xf32>
    %mul3A_2418 = arith.mulf %mul3A_2417, %max3A_2413 : vector<256x64xf32>
    %add3A_2419 = arith.addf %add3A_2399, %mul3A_2418 : vector<256x64xf32>
    %get3A_2420 = arith.constant 121 : index
    %get3A_2421 = arith.constant 0 : index
    %get3A_2422 = vector.load %arg3[%get3A_2420, %get3A_2421] : memref<128x64xf32, #tpu.memory_space<vmem>>, vector<1x64xf32>
    %mul3A_2423 = vector.broadcast %get3A_1 : vector<256x1xf32> to vector<256x64xf32>
    %mul3A_2424 = vector.broadcast %get3A_2422 : vector<1x64xf32> to vector<256x64xf32>
    %mul3A_2425 = arith.mulf %mul3A_2423, %mul3A_2424 : vector<256x64xf32>
    %get3A_2426 = arith.constant 121 : index
    %get3A_2427 = arith.constant 0 : index
    %get3A_2428 = vector.load %arg4[%get3A_2426, %get3A_2427] : memref<128x64xf32, #tpu.memory_space<vmem>>, vector<1x64xf32>
    %add3A_2429 = vector.broadcast %get3A_2428 : vector<1x64xf32> to vector<256x64xf32>
    %add3A_2430 = arith.addf %mul3A_2425, %add3A_2429 : vector<256x64xf32>
    %max3A_2431 = arith.constant 0.000000e+00 : f32
    %max3A_2432 = vector.broadcast %max3A_2431 : f32 to vector<256x64xf32>
    %max3A_2433 = arith.maximumf %add3A_2430, %max3A_2432 : vector<256x64xf32>
    %get3A_2434 = arith.constant 0 : index
    %get3A_2435 = arith.constant 121 : index
    %get3A_2436 = vector.load %arg1[%get3A_2434, %get3A_2435] : memref<256x128xf32, #tpu.memory_space<vmem>>, vector<256x1xf32>
    %mul3A_2437 = vector.broadcast %get3A_2436 : vector<256x1xf32> to vector<256x64xf32>
    %mul3A_2438 = arith.mulf %mul3A_2437, %max3A_2433 : vector<256x64xf32>
    %add3A_2439 = arith.addf %add3A_2419, %mul3A_2438 : vector<256x64xf32>
    %get3A_2440 = arith.constant 122 : index
    %get3A_2441 = arith.constant 0 : index
    %get3A_2442 = vector.load %arg3[%get3A_2440, %get3A_2441] : memref<128x64xf32, #tpu.memory_space<vmem>>, vector<1x64xf32>
    %mul3A_2443 = vector.broadcast %get3A_1 : vector<256x1xf32> to vector<256x64xf32>
    %mul3A_2444 = vector.broadcast %get3A_2442 : vector<1x64xf32> to vector<256x64xf32>
    %mul3A_2445 = arith.mulf %mul3A_2443, %mul3A_2444 : vector<256x64xf32>
    %get3A_2446 = arith.constant 122 : index
    %get3A_2447 = arith.constant 0 : index
    %get3A_2448 = vector.load %arg4[%get3A_2446, %get3A_2447] : memref<128x64xf32, #tpu.memory_space<vmem>>, vector<1x64xf32>
    %add3A_2449 = vector.broadcast %get3A_2448 : vector<1x64xf32> to vector<256x64xf32>
    %add3A_2450 = arith.addf %mul3A_2445, %add3A_2449 : vector<256x64xf32>
    %max3A_2451 = arith.constant 0.000000e+00 : f32
    %max3A_2452 = vector.broadcast %max3A_2451 : f32 to vector<256x64xf32>
    %max3A_2453 = arith.maximumf %add3A_2450, %max3A_2452 : vector<256x64xf32>
    %get3A_2454 = arith.constant 0 : index
    %get3A_2455 = arith.constant 122 : index
    %get3A_2456 = vector.load %arg1[%get3A_2454, %get3A_2455] : memref<256x128xf32, #tpu.memory_space<vmem>>, vector<256x1xf32>
    %mul3A_2457 = vector.broadcast %get3A_2456 : vector<256x1xf32> to vector<256x64xf32>
    %mul3A_2458 = arith.mulf %mul3A_2457, %max3A_2453 : vector<256x64xf32>
    %add3A_2459 = arith.addf %add3A_2439, %mul3A_2458 : vector<256x64xf32>
    %get3A_2460 = arith.constant 123 : index
    %get3A_2461 = arith.constant 0 : index
    %get3A_2462 = vector.load %arg3[%get3A_2460, %get3A_2461] : memref<128x64xf32, #tpu.memory_space<vmem>>, vector<1x64xf32>
    %mul3A_2463 = vector.broadcast %get3A_1 : vector<256x1xf32> to vector<256x64xf32>
    %mul3A_2464 = vector.broadcast %get3A_2462 : vector<1x64xf32> to vector<256x64xf32>
    %mul3A_2465 = arith.mulf %mul3A_2463, %mul3A_2464 : vector<256x64xf32>
    %get3A_2466 = arith.constant 123 : index
    %get3A_2467 = arith.constant 0 : index
    %get3A_2468 = vector.load %arg4[%get3A_2466, %get3A_2467] : memref<128x64xf32, #tpu.memory_space<vmem>>, vector<1x64xf32>
    %add3A_2469 = vector.broadcast %get3A_2468 : vector<1x64xf32> to vector<256x64xf32>
    %add3A_2470 = arith.addf %mul3A_2465, %add3A_2469 : vector<256x64xf32>
    %max3A_2471 = arith.constant 0.000000e+00 : f32
    %max3A_2472 = vector.broadcast %max3A_2471 : f32 to vector<256x64xf32>
    %max3A_2473 = arith.maximumf %add3A_2470, %max3A_2472 : vector<256x64xf32>
    %get3A_2474 = arith.constant 0 : index
    %get3A_2475 = arith.constant 123 : index
    %get3A_2476 = vector.load %arg1[%get3A_2474, %get3A_2475] : memref<256x128xf32, #tpu.memory_space<vmem>>, vector<256x1xf32>
    %mul3A_2477 = vector.broadcast %get3A_2476 : vector<256x1xf32> to vector<256x64xf32>
    %mul3A_2478 = arith.mulf %mul3A_2477, %max3A_2473 : vector<256x64xf32>
    %add3A_2479 = arith.addf %add3A_2459, %mul3A_2478 : vector<256x64xf32>
    %get3A_2480 = arith.constant 124 : index
    %get3A_2481 = arith.constant 0 : index
    %get3A_2482 = vector.load %arg3[%get3A_2480, %get3A_2481] : memref<128x64xf32, #tpu.memory_space<vmem>>, vector<1x64xf32>
    %mul3A_2483 = vector.broadcast %get3A_1 : vector<256x1xf32> to vector<256x64xf32>
    %mul3A_2484 = vector.broadcast %get3A_2482 : vector<1x64xf32> to vector<256x64xf32>
    %mul3A_2485 = arith.mulf %mul3A_2483, %mul3A_2484 : vector<256x64xf32>
    %get3A_2486 = arith.constant 124 : index
    %get3A_2487 = arith.constant 0 : index
    %get3A_2488 = vector.load %arg4[%get3A_2486, %get3A_2487] : memref<128x64xf32, #tpu.memory_space<vmem>>, vector<1x64xf32>
    %add3A_2489 = vector.broadcast %get3A_2488 : vector<1x64xf32> to vector<256x64xf32>
    %add3A_2490 = arith.addf %mul3A_2485, %add3A_2489 : vector<256x64xf32>
    %max3A_2491 = arith.constant 0.000000e+00 : f32
    %max3A_2492 = vector.broadcast %max3A_2491 : f32 to vector<256x64xf32>
    %max3A_2493 = arith.maximumf %add3A_2490, %max3A_2492 : vector<256x64xf32>
    %get3A_2494 = arith.constant 0 : index
    %get3A_2495 = arith.constant 124 : index
    %get3A_2496 = vector.load %arg1[%get3A_2494, %get3A_2495] : memref<256x128xf32, #tpu.memory_space<vmem>>, vector<256x1xf32>
    %mul3A_2497 = vector.broadcast %get3A_2496 : vector<256x1xf32> to vector<256x64xf32>
    %mul3A_2498 = arith.mulf %mul3A_2497, %max3A_2493 : vector<256x64xf32>
    %add3A_2499 = arith.addf %add3A_2479, %mul3A_2498 : vector<256x64xf32>
    %get3A_2500 = arith.constant 125 : index
    %get3A_2501 = arith.constant 0 : index
    %get3A_2502 = vector.load %arg3[%get3A_2500, %get3A_2501] : memref<128x64xf32, #tpu.memory_space<vmem>>, vector<1x64xf32>
    %mul3A_2503 = vector.broadcast %get3A_1 : vector<256x1xf32> to vector<256x64xf32>
    %mul3A_2504 = vector.broadcast %get3A_2502 : vector<1x64xf32> to vector<256x64xf32>
    %mul3A_2505 = arith.mulf %mul3A_2503, %mul3A_2504 : vector<256x64xf32>
    %get3A_2506 = arith.constant 125 : index
    %get3A_2507 = arith.constant 0 : index
    %get3A_2508 = vector.load %arg4[%get3A_2506, %get3A_2507] : memref<128x64xf32, #tpu.memory_space<vmem>>, vector<1x64xf32>
    %add3A_2509 = vector.broadcast %get3A_2508 : vector<1x64xf32> to vector<256x64xf32>
    %add3A_2510 = arith.addf %mul3A_2505, %add3A_2509 : vector<256x64xf32>
    %max3A_2511 = arith.constant 0.000000e+00 : f32
    %max3A_2512 = vector.broadcast %max3A_2511 : f32 to vector<256x64xf32>
    %max3A_2513 = arith.maximumf %add3A_2510, %max3A_2512 : vector<256x64xf32>
    %get3A_2514 = arith.constant 0 : index
    %get3A_2515 = arith.constant 125 : index
    %get3A_2516 = vector.load %arg1[%get3A_2514, %get3A_2515] : memref<256x128xf32, #tpu.memory_space<vmem>>, vector<256x1xf32>
    %mul3A_2517 = vector.broadcast %get3A_2516 : vector<256x1xf32> to vector<256x64xf32>
    %mul3A_2518 = arith.mulf %mul3A_2517, %max3A_2513 : vector<256x64xf32>
    %add3A_2519 = arith.addf %add3A_2499, %mul3A_2518 : vector<256x64xf32>
    %get3A_2520 = arith.constant 126 : index
    %get3A_2521 = arith.constant 0 : index
    %get3A_2522 = vector.load %arg3[%get3A_2520, %get3A_2521] : memref<128x64xf32, #tpu.memory_space<vmem>>, vector<1x64xf32>
    %mul3A_2523 = vector.broadcast %get3A_1 : vector<256x1xf32> to vector<256x64xf32>
    %mul3A_2524 = vector.broadcast %get3A_2522 : vector<1x64xf32> to vector<256x64xf32>
    %mul3A_2525 = arith.mulf %mul3A_2523, %mul3A_2524 : vector<256x64xf32>
    %get3A_2526 = arith.constant 126 : index
    %get3A_2527 = arith.constant 0 : index
    %get3A_2528 = vector.load %arg4[%get3A_2526, %get3A_2527] : memref<128x64xf32, #tpu.memory_space<vmem>>, vector<1x64xf32>
    %add3A_2529 = vector.broadcast %get3A_2528 : vector<1x64xf32> to vector<256x64xf32>
    %add3A_2530 = arith.addf %mul3A_2525, %add3A_2529 : vector<256x64xf32>
    %max3A_2531 = arith.constant 0.000000e+00 : f32
    %max3A_2532 = vector.broadcast %max3A_2531 : f32 to vector<256x64xf32>
    %max3A_2533 = arith.maximumf %add3A_2530, %max3A_2532 : vector<256x64xf32>
    %get3A_2534 = arith.constant 0 : index
    %get3A_2535 = arith.constant 126 : index
    %get3A_2536 = vector.load %arg1[%get3A_2534, %get3A_2535] : memref<256x128xf32, #tpu.memory_space<vmem>>, vector<256x1xf32>
    %mul3A_2537 = vector.broadcast %get3A_2536 : vector<256x1xf32> to vector<256x64xf32>
    %mul3A_2538 = arith.mulf %mul3A_2537, %max3A_2533 : vector<256x64xf32>
    %add3A_2539 = arith.addf %add3A_2519, %mul3A_2538 : vector<256x64xf32>
    %get3A_2540 = arith.constant 127 : index
    %get3A_2541 = arith.constant 0 : index
    %get3A_2542 = vector.load %arg3[%get3A_2540, %get3A_2541] : memref<128x64xf32, #tpu.memory_space<vmem>>, vector<1x64xf32>
    %mul3A_2543 = vector.broadcast %get3A_1 : vector<256x1xf32> to vector<256x64xf32>
    %mul3A_2544 = vector.broadcast %get3A_2542 : vector<1x64xf32> to vector<256x64xf32>
    %mul3A_2545 = arith.mulf %mul3A_2543, %mul3A_2544 : vector<256x64xf32>
    %get3A_2546 = arith.constant 127 : index
    %get3A_2547 = arith.constant 0 : index
    %get3A_2548 = vector.load %arg4[%get3A_2546, %get3A_2547] : memref<128x64xf32, #tpu.memory_space<vmem>>, vector<1x64xf32>
    %add3A_2549 = vector.broadcast %get3A_2548 : vector<1x64xf32> to vector<256x64xf32>
    %add3A_2550 = arith.addf %mul3A_2545, %add3A_2549 : vector<256x64xf32>
    %max3A_2551 = arith.constant 0.000000e+00 : f32
    %max3A_2552 = vector.broadcast %max3A_2551 : f32 to vector<256x64xf32>
    %max3A_2553 = arith.maximumf %add3A_2550, %max3A_2552 : vector<256x64xf32>
    %get3A_2554 = arith.constant 0 : index
    %get3A_2555 = arith.constant 127 : index
    %get3A_2556 = vector.load %arg1[%get3A_2554, %get3A_2555] : memref<256x128xf32, #tpu.memory_space<vmem>>, vector<256x1xf32>
    %mul3A_2557 = vector.broadcast %get3A_2556 : vector<256x1xf32> to vector<256x64xf32>
    %mul3A_2558 = arith.mulf %mul3A_2557, %max3A_2553 : vector<256x64xf32>
    %add3A_2559 = arith.addf %add3A_2539, %mul3A_2558 : vector<256x64xf32>
    %swap3A = arith.constant 0 : index
    %swap3A_2560 = arith.constant 0 : index
    %swap3A_2561 = vector.load %arg5[%swap3A, %swap3A_2560] : memref<256x64xf32, #tpu.memory_space<vmem>>, vector<256x64xf32>
    tpu.vector_store %arg5[%swap3A, %swap3A_2560], %add3A_2559 {strides = array<i32>} : memref<256x64xf32, #tpu.memory_space<vmem>>, vector<256x64xf32>,
    return
  }
  func.func @transform_0(%arg0: i32) -> (i32, i32) {
    %c0_i32 = arith.constant 0 : i32
    %c0_i32_0 = arith.constant 0 : i32
    return %arg0, %c0_i32 : i32, i32
  }
  func.func @transform_1(%arg0: i32) -> (i32, i32) {
    %c0_i32 = arith.constant 0 : i32
    %c0_i32_0 = arith.constant 0 : i32
    return %arg0, %c0_i32 : i32, i32
  }
  func.func @transform_2(%arg0: i32) -> (i32, i32) {
    %c0_i32 = arith.constant 0 : i32
    %c0_i32_0 = arith.constant 0 : i32
    %c0_i32_1 = arith.constant 0 : i32
    return %c0_i32, %c0_i32_0 : i32, i32
  }
  func.func @transform_3(%arg0: i32) -> (i32, i32) {
    %c0_i32 = arith.constant 0 : i32
    %c0_i32_0 = arith.constant 0 : i32
    %c0_i32_1 = arith.constant 0 : i32
    return %c0_i32, %c0_i32_0 : i32, i32
  }
  func.func @transform_4(%arg0: i32) -> (i32, i32) {
    %c0_i32 = arith.constant 0 : i32
    %c0_i32_0 = arith.constant 0 : i32
    return %arg0, %c0_i32 : i32, i32
  }
}

module attributes {stable_mosaic.version = 14 : i64} {
  func.func @body(%arg0: i32, %arg1: memref<400x128xf32, #tpu.memory_space<vmem>>, %arg2: memref<128x64xf32, #tpu.memory_space<vmem>>, %arg3: memref<400x64xf32, #tpu.memory_space<vmem>>, %arg4: memref<400x16xf32, #tpu.memory_space<vmem>>, %arg5: memref<1x64xf32, #tpu.memory_space<vmem>>, %arg6: memref<400x128xf32, #tpu.memory_space<vmem>>) attributes {dimension_semantics = [#tpu.dimension_semantics<arbitrary>], iteration_bounds = array<i64: 25>, scalar_prefetch = 0 : i64, scratch_operands = 0 : i64, tpu.core_type = #tpu.core_type<tc>, window_params = [{transform_indices = @transform_0, window_bounds = array<i64: 400, 128>}, {pipeline_mode = #tpu.pipeline_mode<synchronous>, transform_indices = @transform_1, window_bounds = array<i64: 128, 64>}, {transform_indices = @transform_2, window_bounds = array<i64: 400, 64>}, {transform_indices = @transform_3, window_bounds = array<i64: 400, 16>}, {pipeline_mode = #tpu.pipeline_mode<synchronous>, transform_indices = @transform_4, window_bounds = array<i64: 1, 64>}, {transform_indices = @transform_5, window_bounds = array<i64: 400, 128>}]} {
    %get3A = arith.constant 0 : index
    %get3A_0 = arith.constant 0 : index
    %get3A_1 = vector.load %arg4[%get3A, %get3A_0] : memref<400x16xf32, #tpu.memory_space<vmem>>, vector<400x1xf32>
    %get3A_2 = arith.constant 0 : index
    %get3A_3 = arith.constant 0 : index
    %get3A_4 = vector.load %arg1[%get3A_2, %get3A_3] : memref<400x128xf32, #tpu.memory_space<vmem>>, vector<400x128xf32>
    %get3A_5 = arith.constant 0 : index
    %get3A_6 = arith.constant 0 : index
    %get3A_7 = vector.load %arg2[%get3A_5, %get3A_6] : memref<128x64xf32, #tpu.memory_space<vmem>>, vector<128x64xf32>
    %dot_general3A = arith.constant dense<0.000000e+00> : vector<400x64xf32>
    %dot_general3A_8 = tpu.matmul %get3A_4, %get3A_7, %dot_general3A {dimension_numbers = #tpu.dot_dimension_numbers<[1], [0], [0], [1], [0, 0, 1, 1], [], []>, transpose_lhs_hint = false} : vector<400x128xf32>, vector<128x64xf32>, vector<400x64xf32> -> vector<400x64xf32>
    %get3A_9 = arith.constant 0 : index
    %get3A_10 = arith.constant 0 : index
    %get3A_11 = vector.load %arg3[%get3A_9, %get3A_10] : memref<400x64xf32, #tpu.memory_space<vmem>>, vector<400x64xf32>
    %max3A = arith.constant 1.000000e+00 : f32
    %max3A_12 = vector.broadcast %max3A : f32 to vector<400x1xf32>
    %max3A_13 = arith.maximumf %get3A_1, %max3A_12 : vector<400x1xf32>
    %div3A = vector.broadcast %max3A_13 : vector<400x1xf32> to vector<400x64xf32>
    %div3A_14 = arith.divf %get3A_11, %div3A : vector<400x64xf32>
    %add3A = arith.addf %dot_general3A_8, %div3A_14 : vector<400x64xf32>
    %get3A_15 = arith.constant 0 : index
    %get3A_16 = arith.constant 0 : index
    %get3A_17 = vector.load %arg5[%get3A_15, %get3A_16] : memref<1x64xf32, #tpu.memory_space<vmem>>, vector<1x64xf32>
    %add3A_18 = vector.broadcast %get3A_17 : vector<1x64xf32> to vector<400x64xf32>
    %add3A_19 = arith.addf %add3A, %add3A_18 : vector<400x64xf32>
    %max3A_20 = arith.constant 0.000000e+00 : f32
    %max3A_21 = vector.broadcast %max3A_20 : f32 to vector<400x64xf32>
    %max3A_22 = arith.maximumf %add3A_19, %max3A_21 : vector<400x64xf32>
    %broadcast_in_dim3A = arith.constant 0.000000e+00 : f32
    %broadcast_in_dim3A_23 = vector.broadcast %broadcast_in_dim3A : f32 to vector<400x64xf32>
    %concatenate3A = tpu.concatenate %max3A_22, %broadcast_in_dim3A_23 in 1 : vector<400x64xf32>, vector<400x64xf32> -> vector<400x128xf32>
    %swap3A = arith.constant 0 : index
    %swap3A_24 = arith.constant 0 : index
    %swap3A_25 = vector.load %arg6[%swap3A, %swap3A_24] : memref<400x128xf32, #tpu.memory_space<vmem>>, vector<400x128xf32>
    tpu.vector_store %arg6[%swap3A, %swap3A_24], %concatenate3A {strides = array<i32>} : memref<400x128xf32, #tpu.memory_space<vmem>>, vector<400x128xf32>,
    return
  }
  func.func @transform_0(%arg0: i32) -> (i32, i32) {
    %c0_i32 = arith.constant 0 : i32
    %c0_i32_0 = arith.constant 0 : i32
    return %arg0, %c0_i32 : i32, i32
  }
  func.func @transform_1(%arg0: i32) -> (i32, i32) {
    %c0_i32 = arith.constant 0 : i32
    %c0_i32_0 = arith.constant 0 : i32
    %c0_i32_1 = arith.constant 0 : i32
    return %c0_i32, %c0_i32_0 : i32, i32
  }
  func.func @transform_2(%arg0: i32) -> (i32, i32) {
    %c0_i32 = arith.constant 0 : i32
    %c0_i32_0 = arith.constant 0 : i32
    return %arg0, %c0_i32 : i32, i32
  }
  func.func @transform_3(%arg0: i32) -> (i32, i32) {
    %c0_i32 = arith.constant 0 : i32
    %c0_i32_0 = arith.constant 0 : i32
    return %arg0, %c0_i32 : i32, i32
  }
  func.func @transform_4(%arg0: i32) -> (i32, i32) {
    %c0_i32 = arith.constant 0 : i32
    %c0_i32_0 = arith.constant 0 : i32
    %c0_i32_1 = arith.constant 0 : i32
    return %c0_i32, %c0_i32_0 : i32, i32
  }
  func.func @transform_5(%arg0: i32) -> (i32, i32) {
    %c0_i32 = arith.constant 0 : i32
    %c0_i32_0 = arith.constant 0 : i32
    return %arg0, %c0_i32 : i32, i32
  }
}

module attributes {stable_mosaic.version = 14 : i64} {
  func.func @body(%arg0: i32, %arg1: memref<256x128xf32, #tpu.memory_space<vmem>>, %arg2: memref<256x1xf32, #tpu.memory_space<vmem>>, %arg3: memref<64x64xf32, #tpu.memory_space<vmem>>, %arg4: memref<64x64xf32, #tpu.memory_space<vmem>>, %arg5: memref<256x64xf32, #tpu.memory_space<vmem>>) attributes {dimension_semantics = [#tpu.dimension_semantics<arbitrary>], iteration_bounds = array<i64: 640>, scalar_prefetch = 0 : i64, scratch_operands = 0 : i64, tpu.core_type = #tpu.core_type<tc>, window_params = [{transform_indices = @transform_0, window_bounds = array<i64: 256, 128>}, {transform_indices = @transform_1, window_bounds = array<i64: 256, 1>}, {pipeline_mode = #tpu.pipeline_mode<synchronous>, transform_indices = @transform_2, window_bounds = array<i64: 64, 64>}, {pipeline_mode = #tpu.pipeline_mode<synchronous>, transform_indices = @transform_3, window_bounds = array<i64: 64, 64>}, {transform_indices = @transform_4, window_bounds = array<i64: 256, 64>}]} {
    %get3A = arith.constant 0 : index
    %get3A_0 = arith.constant 0 : index
    %get3A_1 = vector.load %arg2[%get3A, %get3A_0] : memref<256x1xf32, #tpu.memory_space<vmem>>, vector<256x1xf32>
    %broadcast_in_dim3A = arith.constant 0.000000e+00 : f32
    %broadcast_in_dim3A_2 = vector.broadcast %broadcast_in_dim3A : f32 to vector<256x64xf32>
    %get3A_3 = arith.constant 0 : index
    %get3A_4 = arith.constant 0 : index
    %get3A_5 = vector.load %arg3[%get3A_3, %get3A_4] : memref<64x64xf32, #tpu.memory_space<vmem>>, vector<1x64xf32>
    %mul3A = vector.broadcast %get3A_1 : vector<256x1xf32> to vector<256x64xf32>
    %mul3A_6 = vector.broadcast %get3A_5 : vector<1x64xf32> to vector<256x64xf32>
    %mul3A_7 = arith.mulf %mul3A, %mul3A_6 : vector<256x64xf32>
    %get3A_8 = arith.constant 0 : index
    %get3A_9 = arith.constant 0 : index
    %get3A_10 = vector.load %arg4[%get3A_8, %get3A_9] : memref<64x64xf32, #tpu.memory_space<vmem>>, vector<1x64xf32>
    %add3A = vector.broadcast %get3A_10 : vector<1x64xf32> to vector<256x64xf32>
    %add3A_11 = arith.addf %mul3A_7, %add3A : vector<256x64xf32>
    %max3A = arith.constant 0.000000e+00 : f32
    %max3A_12 = vector.broadcast %max3A : f32 to vector<256x64xf32>
    %max3A_13 = arith.maximumf %add3A_11, %max3A_12 : vector<256x64xf32>
    %get3A_14 = arith.constant 0 : index
    %get3A_15 = arith.constant 0 : index
    %get3A_16 = vector.load %arg1[%get3A_14, %get3A_15] : memref<256x128xf32, #tpu.memory_space<vmem>>, vector<256x1xf32>
    %mul3A_17 = vector.broadcast %get3A_16 : vector<256x1xf32> to vector<256x64xf32>
    %mul3A_18 = arith.mulf %mul3A_17, %max3A_13 : vector<256x64xf32>
    %add3A_19 = arith.addf %broadcast_in_dim3A_2, %mul3A_18 : vector<256x64xf32>
    %get3A_20 = arith.constant 1 : index
    %get3A_21 = arith.constant 0 : index
    %get3A_22 = vector.load %arg3[%get3A_20, %get3A_21] : memref<64x64xf32, #tpu.memory_space<vmem>>, vector<1x64xf32>
    %mul3A_23 = vector.broadcast %get3A_1 : vector<256x1xf32> to vector<256x64xf32>
    %mul3A_24 = vector.broadcast %get3A_22 : vector<1x64xf32> to vector<256x64xf32>
    %mul3A_25 = arith.mulf %mul3A_23, %mul3A_24 : vector<256x64xf32>
    %get3A_26 = arith.constant 1 : index
    %get3A_27 = arith.constant 0 : index
    %get3A_28 = vector.load %arg4[%get3A_26, %get3A_27] : memref<64x64xf32, #tpu.memory_space<vmem>>, vector<1x64xf32>
    %add3A_29 = vector.broadcast %get3A_28 : vector<1x64xf32> to vector<256x64xf32>
    %add3A_30 = arith.addf %mul3A_25, %add3A_29 : vector<256x64xf32>
    %max3A_31 = arith.constant 0.000000e+00 : f32
    %max3A_32 = vector.broadcast %max3A_31 : f32 to vector<256x64xf32>
    %max3A_33 = arith.maximumf %add3A_30, %max3A_32 : vector<256x64xf32>
    %get3A_34 = arith.constant 0 : index
    %get3A_35 = arith.constant 1 : index
    %get3A_36 = vector.load %arg1[%get3A_34, %get3A_35] : memref<256x128xf32, #tpu.memory_space<vmem>>, vector<256x1xf32>
    %mul3A_37 = vector.broadcast %get3A_36 : vector<256x1xf32> to vector<256x64xf32>
    %mul3A_38 = arith.mulf %mul3A_37, %max3A_33 : vector<256x64xf32>
    %add3A_39 = arith.addf %add3A_19, %mul3A_38 : vector<256x64xf32>
    %get3A_40 = arith.constant 2 : index
    %get3A_41 = arith.constant 0 : index
    %get3A_42 = vector.load %arg3[%get3A_40, %get3A_41] : memref<64x64xf32, #tpu.memory_space<vmem>>, vector<1x64xf32>
    %mul3A_43 = vector.broadcast %get3A_1 : vector<256x1xf32> to vector<256x64xf32>
    %mul3A_44 = vector.broadcast %get3A_42 : vector<1x64xf32> to vector<256x64xf32>
    %mul3A_45 = arith.mulf %mul3A_43, %mul3A_44 : vector<256x64xf32>
    %get3A_46 = arith.constant 2 : index
    %get3A_47 = arith.constant 0 : index
    %get3A_48 = vector.load %arg4[%get3A_46, %get3A_47] : memref<64x64xf32, #tpu.memory_space<vmem>>, vector<1x64xf32>
    %add3A_49 = vector.broadcast %get3A_48 : vector<1x64xf32> to vector<256x64xf32>
    %add3A_50 = arith.addf %mul3A_45, %add3A_49 : vector<256x64xf32>
    %max3A_51 = arith.constant 0.000000e+00 : f32
    %max3A_52 = vector.broadcast %max3A_51 : f32 to vector<256x64xf32>
    %max3A_53 = arith.maximumf %add3A_50, %max3A_52 : vector<256x64xf32>
    %get3A_54 = arith.constant 0 : index
    %get3A_55 = arith.constant 2 : index
    %get3A_56 = vector.load %arg1[%get3A_54, %get3A_55] : memref<256x128xf32, #tpu.memory_space<vmem>>, vector<256x1xf32>
    %mul3A_57 = vector.broadcast %get3A_56 : vector<256x1xf32> to vector<256x64xf32>
    %mul3A_58 = arith.mulf %mul3A_57, %max3A_53 : vector<256x64xf32>
    %add3A_59 = arith.addf %add3A_39, %mul3A_58 : vector<256x64xf32>
    %get3A_60 = arith.constant 3 : index
    %get3A_61 = arith.constant 0 : index
    %get3A_62 = vector.load %arg3[%get3A_60, %get3A_61] : memref<64x64xf32, #tpu.memory_space<vmem>>, vector<1x64xf32>
    %mul3A_63 = vector.broadcast %get3A_1 : vector<256x1xf32> to vector<256x64xf32>
    %mul3A_64 = vector.broadcast %get3A_62 : vector<1x64xf32> to vector<256x64xf32>
    %mul3A_65 = arith.mulf %mul3A_63, %mul3A_64 : vector<256x64xf32>
    %get3A_66 = arith.constant 3 : index
    %get3A_67 = arith.constant 0 : index
    %get3A_68 = vector.load %arg4[%get3A_66, %get3A_67] : memref<64x64xf32, #tpu.memory_space<vmem>>, vector<1x64xf32>
    %add3A_69 = vector.broadcast %get3A_68 : vector<1x64xf32> to vector<256x64xf32>
    %add3A_70 = arith.addf %mul3A_65, %add3A_69 : vector<256x64xf32>
    %max3A_71 = arith.constant 0.000000e+00 : f32
    %max3A_72 = vector.broadcast %max3A_71 : f32 to vector<256x64xf32>
    %max3A_73 = arith.maximumf %add3A_70, %max3A_72 : vector<256x64xf32>
    %get3A_74 = arith.constant 0 : index
    %get3A_75 = arith.constant 3 : index
    %get3A_76 = vector.load %arg1[%get3A_74, %get3A_75] : memref<256x128xf32, #tpu.memory_space<vmem>>, vector<256x1xf32>
    %mul3A_77 = vector.broadcast %get3A_76 : vector<256x1xf32> to vector<256x64xf32>
    %mul3A_78 = arith.mulf %mul3A_77, %max3A_73 : vector<256x64xf32>
    %add3A_79 = arith.addf %add3A_59, %mul3A_78 : vector<256x64xf32>
    %get3A_80 = arith.constant 4 : index
    %get3A_81 = arith.constant 0 : index
    %get3A_82 = vector.load %arg3[%get3A_80, %get3A_81] : memref<64x64xf32, #tpu.memory_space<vmem>>, vector<1x64xf32>
    %mul3A_83 = vector.broadcast %get3A_1 : vector<256x1xf32> to vector<256x64xf32>
    %mul3A_84 = vector.broadcast %get3A_82 : vector<1x64xf32> to vector<256x64xf32>
    %mul3A_85 = arith.mulf %mul3A_83, %mul3A_84 : vector<256x64xf32>
    %get3A_86 = arith.constant 4 : index
    %get3A_87 = arith.constant 0 : index
    %get3A_88 = vector.load %arg4[%get3A_86, %get3A_87] : memref<64x64xf32, #tpu.memory_space<vmem>>, vector<1x64xf32>
    %add3A_89 = vector.broadcast %get3A_88 : vector<1x64xf32> to vector<256x64xf32>
    %add3A_90 = arith.addf %mul3A_85, %add3A_89 : vector<256x64xf32>
    %max3A_91 = arith.constant 0.000000e+00 : f32
    %max3A_92 = vector.broadcast %max3A_91 : f32 to vector<256x64xf32>
    %max3A_93 = arith.maximumf %add3A_90, %max3A_92 : vector<256x64xf32>
    %get3A_94 = arith.constant 0 : index
    %get3A_95 = arith.constant 4 : index
    %get3A_96 = vector.load %arg1[%get3A_94, %get3A_95] : memref<256x128xf32, #tpu.memory_space<vmem>>, vector<256x1xf32>
    %mul3A_97 = vector.broadcast %get3A_96 : vector<256x1xf32> to vector<256x64xf32>
    %mul3A_98 = arith.mulf %mul3A_97, %max3A_93 : vector<256x64xf32>
    %add3A_99 = arith.addf %add3A_79, %mul3A_98 : vector<256x64xf32>
    %get3A_100 = arith.constant 5 : index
    %get3A_101 = arith.constant 0 : index
    %get3A_102 = vector.load %arg3[%get3A_100, %get3A_101] : memref<64x64xf32, #tpu.memory_space<vmem>>, vector<1x64xf32>
    %mul3A_103 = vector.broadcast %get3A_1 : vector<256x1xf32> to vector<256x64xf32>
    %mul3A_104 = vector.broadcast %get3A_102 : vector<1x64xf32> to vector<256x64xf32>
    %mul3A_105 = arith.mulf %mul3A_103, %mul3A_104 : vector<256x64xf32>
    %get3A_106 = arith.constant 5 : index
    %get3A_107 = arith.constant 0 : index
    %get3A_108 = vector.load %arg4[%get3A_106, %get3A_107] : memref<64x64xf32, #tpu.memory_space<vmem>>, vector<1x64xf32>
    %add3A_109 = vector.broadcast %get3A_108 : vector<1x64xf32> to vector<256x64xf32>
    %add3A_110 = arith.addf %mul3A_105, %add3A_109 : vector<256x64xf32>
    %max3A_111 = arith.constant 0.000000e+00 : f32
    %max3A_112 = vector.broadcast %max3A_111 : f32 to vector<256x64xf32>
    %max3A_113 = arith.maximumf %add3A_110, %max3A_112 : vector<256x64xf32>
    %get3A_114 = arith.constant 0 : index
    %get3A_115 = arith.constant 5 : index
    %get3A_116 = vector.load %arg1[%get3A_114, %get3A_115] : memref<256x128xf32, #tpu.memory_space<vmem>>, vector<256x1xf32>
    %mul3A_117 = vector.broadcast %get3A_116 : vector<256x1xf32> to vector<256x64xf32>
    %mul3A_118 = arith.mulf %mul3A_117, %max3A_113 : vector<256x64xf32>
    %add3A_119 = arith.addf %add3A_99, %mul3A_118 : vector<256x64xf32>
    %get3A_120 = arith.constant 6 : index
    %get3A_121 = arith.constant 0 : index
    %get3A_122 = vector.load %arg3[%get3A_120, %get3A_121] : memref<64x64xf32, #tpu.memory_space<vmem>>, vector<1x64xf32>
    %mul3A_123 = vector.broadcast %get3A_1 : vector<256x1xf32> to vector<256x64xf32>
    %mul3A_124 = vector.broadcast %get3A_122 : vector<1x64xf32> to vector<256x64xf32>
    %mul3A_125 = arith.mulf %mul3A_123, %mul3A_124 : vector<256x64xf32>
    %get3A_126 = arith.constant 6 : index
    %get3A_127 = arith.constant 0 : index
    %get3A_128 = vector.load %arg4[%get3A_126, %get3A_127] : memref<64x64xf32, #tpu.memory_space<vmem>>, vector<1x64xf32>
    %add3A_129 = vector.broadcast %get3A_128 : vector<1x64xf32> to vector<256x64xf32>
    %add3A_130 = arith.addf %mul3A_125, %add3A_129 : vector<256x64xf32>
    %max3A_131 = arith.constant 0.000000e+00 : f32
    %max3A_132 = vector.broadcast %max3A_131 : f32 to vector<256x64xf32>
    %max3A_133 = arith.maximumf %add3A_130, %max3A_132 : vector<256x64xf32>
    %get3A_134 = arith.constant 0 : index
    %get3A_135 = arith.constant 6 : index
    %get3A_136 = vector.load %arg1[%get3A_134, %get3A_135] : memref<256x128xf32, #tpu.memory_space<vmem>>, vector<256x1xf32>
    %mul3A_137 = vector.broadcast %get3A_136 : vector<256x1xf32> to vector<256x64xf32>
    %mul3A_138 = arith.mulf %mul3A_137, %max3A_133 : vector<256x64xf32>
    %add3A_139 = arith.addf %add3A_119, %mul3A_138 : vector<256x64xf32>
    %get3A_140 = arith.constant 7 : index
    %get3A_141 = arith.constant 0 : index
    %get3A_142 = vector.load %arg3[%get3A_140, %get3A_141] : memref<64x64xf32, #tpu.memory_space<vmem>>, vector<1x64xf32>
    %mul3A_143 = vector.broadcast %get3A_1 : vector<256x1xf32> to vector<256x64xf32>
    %mul3A_144 = vector.broadcast %get3A_142 : vector<1x64xf32> to vector<256x64xf32>
    %mul3A_145 = arith.mulf %mul3A_143, %mul3A_144 : vector<256x64xf32>
    %get3A_146 = arith.constant 7 : index
    %get3A_147 = arith.constant 0 : index
    %get3A_148 = vector.load %arg4[%get3A_146, %get3A_147] : memref<64x64xf32, #tpu.memory_space<vmem>>, vector<1x64xf32>
    %add3A_149 = vector.broadcast %get3A_148 : vector<1x64xf32> to vector<256x64xf32>
    %add3A_150 = arith.addf %mul3A_145, %add3A_149 : vector<256x64xf32>
    %max3A_151 = arith.constant 0.000000e+00 : f32
    %max3A_152 = vector.broadcast %max3A_151 : f32 to vector<256x64xf32>
    %max3A_153 = arith.maximumf %add3A_150, %max3A_152 : vector<256x64xf32>
    %get3A_154 = arith.constant 0 : index
    %get3A_155 = arith.constant 7 : index
    %get3A_156 = vector.load %arg1[%get3A_154, %get3A_155] : memref<256x128xf32, #tpu.memory_space<vmem>>, vector<256x1xf32>
    %mul3A_157 = vector.broadcast %get3A_156 : vector<256x1xf32> to vector<256x64xf32>
    %mul3A_158 = arith.mulf %mul3A_157, %max3A_153 : vector<256x64xf32>
    %add3A_159 = arith.addf %add3A_139, %mul3A_158 : vector<256x64xf32>
    %get3A_160 = arith.constant 8 : index
    %get3A_161 = arith.constant 0 : index
    %get3A_162 = vector.load %arg3[%get3A_160, %get3A_161] : memref<64x64xf32, #tpu.memory_space<vmem>>, vector<1x64xf32>
    %mul3A_163 = vector.broadcast %get3A_1 : vector<256x1xf32> to vector<256x64xf32>
    %mul3A_164 = vector.broadcast %get3A_162 : vector<1x64xf32> to vector<256x64xf32>
    %mul3A_165 = arith.mulf %mul3A_163, %mul3A_164 : vector<256x64xf32>
    %get3A_166 = arith.constant 8 : index
    %get3A_167 = arith.constant 0 : index
    %get3A_168 = vector.load %arg4[%get3A_166, %get3A_167] : memref<64x64xf32, #tpu.memory_space<vmem>>, vector<1x64xf32>
    %add3A_169 = vector.broadcast %get3A_168 : vector<1x64xf32> to vector<256x64xf32>
    %add3A_170 = arith.addf %mul3A_165, %add3A_169 : vector<256x64xf32>
    %max3A_171 = arith.constant 0.000000e+00 : f32
    %max3A_172 = vector.broadcast %max3A_171 : f32 to vector<256x64xf32>
    %max3A_173 = arith.maximumf %add3A_170, %max3A_172 : vector<256x64xf32>
    %get3A_174 = arith.constant 0 : index
    %get3A_175 = arith.constant 8 : index
    %get3A_176 = vector.load %arg1[%get3A_174, %get3A_175] : memref<256x128xf32, #tpu.memory_space<vmem>>, vector<256x1xf32>
    %mul3A_177 = vector.broadcast %get3A_176 : vector<256x1xf32> to vector<256x64xf32>
    %mul3A_178 = arith.mulf %mul3A_177, %max3A_173 : vector<256x64xf32>
    %add3A_179 = arith.addf %add3A_159, %mul3A_178 : vector<256x64xf32>
    %get3A_180 = arith.constant 9 : index
    %get3A_181 = arith.constant 0 : index
    %get3A_182 = vector.load %arg3[%get3A_180, %get3A_181] : memref<64x64xf32, #tpu.memory_space<vmem>>, vector<1x64xf32>
    %mul3A_183 = vector.broadcast %get3A_1 : vector<256x1xf32> to vector<256x64xf32>
    %mul3A_184 = vector.broadcast %get3A_182 : vector<1x64xf32> to vector<256x64xf32>
    %mul3A_185 = arith.mulf %mul3A_183, %mul3A_184 : vector<256x64xf32>
    %get3A_186 = arith.constant 9 : index
    %get3A_187 = arith.constant 0 : index
    %get3A_188 = vector.load %arg4[%get3A_186, %get3A_187] : memref<64x64xf32, #tpu.memory_space<vmem>>, vector<1x64xf32>
    %add3A_189 = vector.broadcast %get3A_188 : vector<1x64xf32> to vector<256x64xf32>
    %add3A_190 = arith.addf %mul3A_185, %add3A_189 : vector<256x64xf32>
    %max3A_191 = arith.constant 0.000000e+00 : f32
    %max3A_192 = vector.broadcast %max3A_191 : f32 to vector<256x64xf32>
    %max3A_193 = arith.maximumf %add3A_190, %max3A_192 : vector<256x64xf32>
    %get3A_194 = arith.constant 0 : index
    %get3A_195 = arith.constant 9 : index
    %get3A_196 = vector.load %arg1[%get3A_194, %get3A_195] : memref<256x128xf32, #tpu.memory_space<vmem>>, vector<256x1xf32>
    %mul3A_197 = vector.broadcast %get3A_196 : vector<256x1xf32> to vector<256x64xf32>
    %mul3A_198 = arith.mulf %mul3A_197, %max3A_193 : vector<256x64xf32>
    %add3A_199 = arith.addf %add3A_179, %mul3A_198 : vector<256x64xf32>
    %get3A_200 = arith.constant 10 : index
    %get3A_201 = arith.constant 0 : index
    %get3A_202 = vector.load %arg3[%get3A_200, %get3A_201] : memref<64x64xf32, #tpu.memory_space<vmem>>, vector<1x64xf32>
    %mul3A_203 = vector.broadcast %get3A_1 : vector<256x1xf32> to vector<256x64xf32>
    %mul3A_204 = vector.broadcast %get3A_202 : vector<1x64xf32> to vector<256x64xf32>
    %mul3A_205 = arith.mulf %mul3A_203, %mul3A_204 : vector<256x64xf32>
    %get3A_206 = arith.constant 10 : index
    %get3A_207 = arith.constant 0 : index
    %get3A_208 = vector.load %arg4[%get3A_206, %get3A_207] : memref<64x64xf32, #tpu.memory_space<vmem>>, vector<1x64xf32>
    %add3A_209 = vector.broadcast %get3A_208 : vector<1x64xf32> to vector<256x64xf32>
    %add3A_210 = arith.addf %mul3A_205, %add3A_209 : vector<256x64xf32>
    %max3A_211 = arith.constant 0.000000e+00 : f32
    %max3A_212 = vector.broadcast %max3A_211 : f32 to vector<256x64xf32>
    %max3A_213 = arith.maximumf %add3A_210, %max3A_212 : vector<256x64xf32>
    %get3A_214 = arith.constant 0 : index
    %get3A_215 = arith.constant 10 : index
    %get3A_216 = vector.load %arg1[%get3A_214, %get3A_215] : memref<256x128xf32, #tpu.memory_space<vmem>>, vector<256x1xf32>
    %mul3A_217 = vector.broadcast %get3A_216 : vector<256x1xf32> to vector<256x64xf32>
    %mul3A_218 = arith.mulf %mul3A_217, %max3A_213 : vector<256x64xf32>
    %add3A_219 = arith.addf %add3A_199, %mul3A_218 : vector<256x64xf32>
    %get3A_220 = arith.constant 11 : index
    %get3A_221 = arith.constant 0 : index
    %get3A_222 = vector.load %arg3[%get3A_220, %get3A_221] : memref<64x64xf32, #tpu.memory_space<vmem>>, vector<1x64xf32>
    %mul3A_223 = vector.broadcast %get3A_1 : vector<256x1xf32> to vector<256x64xf32>
    %mul3A_224 = vector.broadcast %get3A_222 : vector<1x64xf32> to vector<256x64xf32>
    %mul3A_225 = arith.mulf %mul3A_223, %mul3A_224 : vector<256x64xf32>
    %get3A_226 = arith.constant 11 : index
    %get3A_227 = arith.constant 0 : index
    %get3A_228 = vector.load %arg4[%get3A_226, %get3A_227] : memref<64x64xf32, #tpu.memory_space<vmem>>, vector<1x64xf32>
    %add3A_229 = vector.broadcast %get3A_228 : vector<1x64xf32> to vector<256x64xf32>
    %add3A_230 = arith.addf %mul3A_225, %add3A_229 : vector<256x64xf32>
    %max3A_231 = arith.constant 0.000000e+00 : f32
    %max3A_232 = vector.broadcast %max3A_231 : f32 to vector<256x64xf32>
    %max3A_233 = arith.maximumf %add3A_230, %max3A_232 : vector<256x64xf32>
    %get3A_234 = arith.constant 0 : index
    %get3A_235 = arith.constant 11 : index
    %get3A_236 = vector.load %arg1[%get3A_234, %get3A_235] : memref<256x128xf32, #tpu.memory_space<vmem>>, vector<256x1xf32>
    %mul3A_237 = vector.broadcast %get3A_236 : vector<256x1xf32> to vector<256x64xf32>
    %mul3A_238 = arith.mulf %mul3A_237, %max3A_233 : vector<256x64xf32>
    %add3A_239 = arith.addf %add3A_219, %mul3A_238 : vector<256x64xf32>
    %get3A_240 = arith.constant 12 : index
    %get3A_241 = arith.constant 0 : index
    %get3A_242 = vector.load %arg3[%get3A_240, %get3A_241] : memref<64x64xf32, #tpu.memory_space<vmem>>, vector<1x64xf32>
    %mul3A_243 = vector.broadcast %get3A_1 : vector<256x1xf32> to vector<256x64xf32>
    %mul3A_244 = vector.broadcast %get3A_242 : vector<1x64xf32> to vector<256x64xf32>
    %mul3A_245 = arith.mulf %mul3A_243, %mul3A_244 : vector<256x64xf32>
    %get3A_246 = arith.constant 12 : index
    %get3A_247 = arith.constant 0 : index
    %get3A_248 = vector.load %arg4[%get3A_246, %get3A_247] : memref<64x64xf32, #tpu.memory_space<vmem>>, vector<1x64xf32>
    %add3A_249 = vector.broadcast %get3A_248 : vector<1x64xf32> to vector<256x64xf32>
    %add3A_250 = arith.addf %mul3A_245, %add3A_249 : vector<256x64xf32>
    %max3A_251 = arith.constant 0.000000e+00 : f32
    %max3A_252 = vector.broadcast %max3A_251 : f32 to vector<256x64xf32>
    %max3A_253 = arith.maximumf %add3A_250, %max3A_252 : vector<256x64xf32>
    %get3A_254 = arith.constant 0 : index
    %get3A_255 = arith.constant 12 : index
    %get3A_256 = vector.load %arg1[%get3A_254, %get3A_255] : memref<256x128xf32, #tpu.memory_space<vmem>>, vector<256x1xf32>
    %mul3A_257 = vector.broadcast %get3A_256 : vector<256x1xf32> to vector<256x64xf32>
    %mul3A_258 = arith.mulf %mul3A_257, %max3A_253 : vector<256x64xf32>
    %add3A_259 = arith.addf %add3A_239, %mul3A_258 : vector<256x64xf32>
    %get3A_260 = arith.constant 13 : index
    %get3A_261 = arith.constant 0 : index
    %get3A_262 = vector.load %arg3[%get3A_260, %get3A_261] : memref<64x64xf32, #tpu.memory_space<vmem>>, vector<1x64xf32>
    %mul3A_263 = vector.broadcast %get3A_1 : vector<256x1xf32> to vector<256x64xf32>
    %mul3A_264 = vector.broadcast %get3A_262 : vector<1x64xf32> to vector<256x64xf32>
    %mul3A_265 = arith.mulf %mul3A_263, %mul3A_264 : vector<256x64xf32>
    %get3A_266 = arith.constant 13 : index
    %get3A_267 = arith.constant 0 : index
    %get3A_268 = vector.load %arg4[%get3A_266, %get3A_267] : memref<64x64xf32, #tpu.memory_space<vmem>>, vector<1x64xf32>
    %add3A_269 = vector.broadcast %get3A_268 : vector<1x64xf32> to vector<256x64xf32>
    %add3A_270 = arith.addf %mul3A_265, %add3A_269 : vector<256x64xf32>
    %max3A_271 = arith.constant 0.000000e+00 : f32
    %max3A_272 = vector.broadcast %max3A_271 : f32 to vector<256x64xf32>
    %max3A_273 = arith.maximumf %add3A_270, %max3A_272 : vector<256x64xf32>
    %get3A_274 = arith.constant 0 : index
    %get3A_275 = arith.constant 13 : index
    %get3A_276 = vector.load %arg1[%get3A_274, %get3A_275] : memref<256x128xf32, #tpu.memory_space<vmem>>, vector<256x1xf32>
    %mul3A_277 = vector.broadcast %get3A_276 : vector<256x1xf32> to vector<256x64xf32>
    %mul3A_278 = arith.mulf %mul3A_277, %max3A_273 : vector<256x64xf32>
    %add3A_279 = arith.addf %add3A_259, %mul3A_278 : vector<256x64xf32>
    %get3A_280 = arith.constant 14 : index
    %get3A_281 = arith.constant 0 : index
    %get3A_282 = vector.load %arg3[%get3A_280, %get3A_281] : memref<64x64xf32, #tpu.memory_space<vmem>>, vector<1x64xf32>
    %mul3A_283 = vector.broadcast %get3A_1 : vector<256x1xf32> to vector<256x64xf32>
    %mul3A_284 = vector.broadcast %get3A_282 : vector<1x64xf32> to vector<256x64xf32>
    %mul3A_285 = arith.mulf %mul3A_283, %mul3A_284 : vector<256x64xf32>
    %get3A_286 = arith.constant 14 : index
    %get3A_287 = arith.constant 0 : index
    %get3A_288 = vector.load %arg4[%get3A_286, %get3A_287] : memref<64x64xf32, #tpu.memory_space<vmem>>, vector<1x64xf32>
    %add3A_289 = vector.broadcast %get3A_288 : vector<1x64xf32> to vector<256x64xf32>
    %add3A_290 = arith.addf %mul3A_285, %add3A_289 : vector<256x64xf32>
    %max3A_291 = arith.constant 0.000000e+00 : f32
    %max3A_292 = vector.broadcast %max3A_291 : f32 to vector<256x64xf32>
    %max3A_293 = arith.maximumf %add3A_290, %max3A_292 : vector<256x64xf32>
    %get3A_294 = arith.constant 0 : index
    %get3A_295 = arith.constant 14 : index
    %get3A_296 = vector.load %arg1[%get3A_294, %get3A_295] : memref<256x128xf32, #tpu.memory_space<vmem>>, vector<256x1xf32>
    %mul3A_297 = vector.broadcast %get3A_296 : vector<256x1xf32> to vector<256x64xf32>
    %mul3A_298 = arith.mulf %mul3A_297, %max3A_293 : vector<256x64xf32>
    %add3A_299 = arith.addf %add3A_279, %mul3A_298 : vector<256x64xf32>
    %get3A_300 = arith.constant 15 : index
    %get3A_301 = arith.constant 0 : index
    %get3A_302 = vector.load %arg3[%get3A_300, %get3A_301] : memref<64x64xf32, #tpu.memory_space<vmem>>, vector<1x64xf32>
    %mul3A_303 = vector.broadcast %get3A_1 : vector<256x1xf32> to vector<256x64xf32>
    %mul3A_304 = vector.broadcast %get3A_302 : vector<1x64xf32> to vector<256x64xf32>
    %mul3A_305 = arith.mulf %mul3A_303, %mul3A_304 : vector<256x64xf32>
    %get3A_306 = arith.constant 15 : index
    %get3A_307 = arith.constant 0 : index
    %get3A_308 = vector.load %arg4[%get3A_306, %get3A_307] : memref<64x64xf32, #tpu.memory_space<vmem>>, vector<1x64xf32>
    %add3A_309 = vector.broadcast %get3A_308 : vector<1x64xf32> to vector<256x64xf32>
    %add3A_310 = arith.addf %mul3A_305, %add3A_309 : vector<256x64xf32>
    %max3A_311 = arith.constant 0.000000e+00 : f32
    %max3A_312 = vector.broadcast %max3A_311 : f32 to vector<256x64xf32>
    %max3A_313 = arith.maximumf %add3A_310, %max3A_312 : vector<256x64xf32>
    %get3A_314 = arith.constant 0 : index
    %get3A_315 = arith.constant 15 : index
    %get3A_316 = vector.load %arg1[%get3A_314, %get3A_315] : memref<256x128xf32, #tpu.memory_space<vmem>>, vector<256x1xf32>
    %mul3A_317 = vector.broadcast %get3A_316 : vector<256x1xf32> to vector<256x64xf32>
    %mul3A_318 = arith.mulf %mul3A_317, %max3A_313 : vector<256x64xf32>
    %add3A_319 = arith.addf %add3A_299, %mul3A_318 : vector<256x64xf32>
    %get3A_320 = arith.constant 16 : index
    %get3A_321 = arith.constant 0 : index
    %get3A_322 = vector.load %arg3[%get3A_320, %get3A_321] : memref<64x64xf32, #tpu.memory_space<vmem>>, vector<1x64xf32>
    %mul3A_323 = vector.broadcast %get3A_1 : vector<256x1xf32> to vector<256x64xf32>
    %mul3A_324 = vector.broadcast %get3A_322 : vector<1x64xf32> to vector<256x64xf32>
    %mul3A_325 = arith.mulf %mul3A_323, %mul3A_324 : vector<256x64xf32>
    %get3A_326 = arith.constant 16 : index
    %get3A_327 = arith.constant 0 : index
    %get3A_328 = vector.load %arg4[%get3A_326, %get3A_327] : memref<64x64xf32, #tpu.memory_space<vmem>>, vector<1x64xf32>
    %add3A_329 = vector.broadcast %get3A_328 : vector<1x64xf32> to vector<256x64xf32>
    %add3A_330 = arith.addf %mul3A_325, %add3A_329 : vector<256x64xf32>
    %max3A_331 = arith.constant 0.000000e+00 : f32
    %max3A_332 = vector.broadcast %max3A_331 : f32 to vector<256x64xf32>
    %max3A_333 = arith.maximumf %add3A_330, %max3A_332 : vector<256x64xf32>
    %get3A_334 = arith.constant 0 : index
    %get3A_335 = arith.constant 16 : index
    %get3A_336 = vector.load %arg1[%get3A_334, %get3A_335] : memref<256x128xf32, #tpu.memory_space<vmem>>, vector<256x1xf32>
    %mul3A_337 = vector.broadcast %get3A_336 : vector<256x1xf32> to vector<256x64xf32>
    %mul3A_338 = arith.mulf %mul3A_337, %max3A_333 : vector<256x64xf32>
    %add3A_339 = arith.addf %add3A_319, %mul3A_338 : vector<256x64xf32>
    %get3A_340 = arith.constant 17 : index
    %get3A_341 = arith.constant 0 : index
    %get3A_342 = vector.load %arg3[%get3A_340, %get3A_341] : memref<64x64xf32, #tpu.memory_space<vmem>>, vector<1x64xf32>
    %mul3A_343 = vector.broadcast %get3A_1 : vector<256x1xf32> to vector<256x64xf32>
    %mul3A_344 = vector.broadcast %get3A_342 : vector<1x64xf32> to vector<256x64xf32>
    %mul3A_345 = arith.mulf %mul3A_343, %mul3A_344 : vector<256x64xf32>
    %get3A_346 = arith.constant 17 : index
    %get3A_347 = arith.constant 0 : index
    %get3A_348 = vector.load %arg4[%get3A_346, %get3A_347] : memref<64x64xf32, #tpu.memory_space<vmem>>, vector<1x64xf32>
    %add3A_349 = vector.broadcast %get3A_348 : vector<1x64xf32> to vector<256x64xf32>
    %add3A_350 = arith.addf %mul3A_345, %add3A_349 : vector<256x64xf32>
    %max3A_351 = arith.constant 0.000000e+00 : f32
    %max3A_352 = vector.broadcast %max3A_351 : f32 to vector<256x64xf32>
    %max3A_353 = arith.maximumf %add3A_350, %max3A_352 : vector<256x64xf32>
    %get3A_354 = arith.constant 0 : index
    %get3A_355 = arith.constant 17 : index
    %get3A_356 = vector.load %arg1[%get3A_354, %get3A_355] : memref<256x128xf32, #tpu.memory_space<vmem>>, vector<256x1xf32>
    %mul3A_357 = vector.broadcast %get3A_356 : vector<256x1xf32> to vector<256x64xf32>
    %mul3A_358 = arith.mulf %mul3A_357, %max3A_353 : vector<256x64xf32>
    %add3A_359 = arith.addf %add3A_339, %mul3A_358 : vector<256x64xf32>
    %get3A_360 = arith.constant 18 : index
    %get3A_361 = arith.constant 0 : index
    %get3A_362 = vector.load %arg3[%get3A_360, %get3A_361] : memref<64x64xf32, #tpu.memory_space<vmem>>, vector<1x64xf32>
    %mul3A_363 = vector.broadcast %get3A_1 : vector<256x1xf32> to vector<256x64xf32>
    %mul3A_364 = vector.broadcast %get3A_362 : vector<1x64xf32> to vector<256x64xf32>
    %mul3A_365 = arith.mulf %mul3A_363, %mul3A_364 : vector<256x64xf32>
    %get3A_366 = arith.constant 18 : index
    %get3A_367 = arith.constant 0 : index
    %get3A_368 = vector.load %arg4[%get3A_366, %get3A_367] : memref<64x64xf32, #tpu.memory_space<vmem>>, vector<1x64xf32>
    %add3A_369 = vector.broadcast %get3A_368 : vector<1x64xf32> to vector<256x64xf32>
    %add3A_370 = arith.addf %mul3A_365, %add3A_369 : vector<256x64xf32>
    %max3A_371 = arith.constant 0.000000e+00 : f32
    %max3A_372 = vector.broadcast %max3A_371 : f32 to vector<256x64xf32>
    %max3A_373 = arith.maximumf %add3A_370, %max3A_372 : vector<256x64xf32>
    %get3A_374 = arith.constant 0 : index
    %get3A_375 = arith.constant 18 : index
    %get3A_376 = vector.load %arg1[%get3A_374, %get3A_375] : memref<256x128xf32, #tpu.memory_space<vmem>>, vector<256x1xf32>
    %mul3A_377 = vector.broadcast %get3A_376 : vector<256x1xf32> to vector<256x64xf32>
    %mul3A_378 = arith.mulf %mul3A_377, %max3A_373 : vector<256x64xf32>
    %add3A_379 = arith.addf %add3A_359, %mul3A_378 : vector<256x64xf32>
    %get3A_380 = arith.constant 19 : index
    %get3A_381 = arith.constant 0 : index
    %get3A_382 = vector.load %arg3[%get3A_380, %get3A_381] : memref<64x64xf32, #tpu.memory_space<vmem>>, vector<1x64xf32>
    %mul3A_383 = vector.broadcast %get3A_1 : vector<256x1xf32> to vector<256x64xf32>
    %mul3A_384 = vector.broadcast %get3A_382 : vector<1x64xf32> to vector<256x64xf32>
    %mul3A_385 = arith.mulf %mul3A_383, %mul3A_384 : vector<256x64xf32>
    %get3A_386 = arith.constant 19 : index
    %get3A_387 = arith.constant 0 : index
    %get3A_388 = vector.load %arg4[%get3A_386, %get3A_387] : memref<64x64xf32, #tpu.memory_space<vmem>>, vector<1x64xf32>
    %add3A_389 = vector.broadcast %get3A_388 : vector<1x64xf32> to vector<256x64xf32>
    %add3A_390 = arith.addf %mul3A_385, %add3A_389 : vector<256x64xf32>
    %max3A_391 = arith.constant 0.000000e+00 : f32
    %max3A_392 = vector.broadcast %max3A_391 : f32 to vector<256x64xf32>
    %max3A_393 = arith.maximumf %add3A_390, %max3A_392 : vector<256x64xf32>
    %get3A_394 = arith.constant 0 : index
    %get3A_395 = arith.constant 19 : index
    %get3A_396 = vector.load %arg1[%get3A_394, %get3A_395] : memref<256x128xf32, #tpu.memory_space<vmem>>, vector<256x1xf32>
    %mul3A_397 = vector.broadcast %get3A_396 : vector<256x1xf32> to vector<256x64xf32>
    %mul3A_398 = arith.mulf %mul3A_397, %max3A_393 : vector<256x64xf32>
    %add3A_399 = arith.addf %add3A_379, %mul3A_398 : vector<256x64xf32>
    %get3A_400 = arith.constant 20 : index
    %get3A_401 = arith.constant 0 : index
    %get3A_402 = vector.load %arg3[%get3A_400, %get3A_401] : memref<64x64xf32, #tpu.memory_space<vmem>>, vector<1x64xf32>
    %mul3A_403 = vector.broadcast %get3A_1 : vector<256x1xf32> to vector<256x64xf32>
    %mul3A_404 = vector.broadcast %get3A_402 : vector<1x64xf32> to vector<256x64xf32>
    %mul3A_405 = arith.mulf %mul3A_403, %mul3A_404 : vector<256x64xf32>
    %get3A_406 = arith.constant 20 : index
    %get3A_407 = arith.constant 0 : index
    %get3A_408 = vector.load %arg4[%get3A_406, %get3A_407] : memref<64x64xf32, #tpu.memory_space<vmem>>, vector<1x64xf32>
    %add3A_409 = vector.broadcast %get3A_408 : vector<1x64xf32> to vector<256x64xf32>
    %add3A_410 = arith.addf %mul3A_405, %add3A_409 : vector<256x64xf32>
    %max3A_411 = arith.constant 0.000000e+00 : f32
    %max3A_412 = vector.broadcast %max3A_411 : f32 to vector<256x64xf32>
    %max3A_413 = arith.maximumf %add3A_410, %max3A_412 : vector<256x64xf32>
    %get3A_414 = arith.constant 0 : index
    %get3A_415 = arith.constant 20 : index
    %get3A_416 = vector.load %arg1[%get3A_414, %get3A_415] : memref<256x128xf32, #tpu.memory_space<vmem>>, vector<256x1xf32>
    %mul3A_417 = vector.broadcast %get3A_416 : vector<256x1xf32> to vector<256x64xf32>
    %mul3A_418 = arith.mulf %mul3A_417, %max3A_413 : vector<256x64xf32>
    %add3A_419 = arith.addf %add3A_399, %mul3A_418 : vector<256x64xf32>
    %get3A_420 = arith.constant 21 : index
    %get3A_421 = arith.constant 0 : index
    %get3A_422 = vector.load %arg3[%get3A_420, %get3A_421] : memref<64x64xf32, #tpu.memory_space<vmem>>, vector<1x64xf32>
    %mul3A_423 = vector.broadcast %get3A_1 : vector<256x1xf32> to vector<256x64xf32>
    %mul3A_424 = vector.broadcast %get3A_422 : vector<1x64xf32> to vector<256x64xf32>
    %mul3A_425 = arith.mulf %mul3A_423, %mul3A_424 : vector<256x64xf32>
    %get3A_426 = arith.constant 21 : index
    %get3A_427 = arith.constant 0 : index
    %get3A_428 = vector.load %arg4[%get3A_426, %get3A_427] : memref<64x64xf32, #tpu.memory_space<vmem>>, vector<1x64xf32>
    %add3A_429 = vector.broadcast %get3A_428 : vector<1x64xf32> to vector<256x64xf32>
    %add3A_430 = arith.addf %mul3A_425, %add3A_429 : vector<256x64xf32>
    %max3A_431 = arith.constant 0.000000e+00 : f32
    %max3A_432 = vector.broadcast %max3A_431 : f32 to vector<256x64xf32>
    %max3A_433 = arith.maximumf %add3A_430, %max3A_432 : vector<256x64xf32>
    %get3A_434 = arith.constant 0 : index
    %get3A_435 = arith.constant 21 : index
    %get3A_436 = vector.load %arg1[%get3A_434, %get3A_435] : memref<256x128xf32, #tpu.memory_space<vmem>>, vector<256x1xf32>
    %mul3A_437 = vector.broadcast %get3A_436 : vector<256x1xf32> to vector<256x64xf32>
    %mul3A_438 = arith.mulf %mul3A_437, %max3A_433 : vector<256x64xf32>
    %add3A_439 = arith.addf %add3A_419, %mul3A_438 : vector<256x64xf32>
    %get3A_440 = arith.constant 22 : index
    %get3A_441 = arith.constant 0 : index
    %get3A_442 = vector.load %arg3[%get3A_440, %get3A_441] : memref<64x64xf32, #tpu.memory_space<vmem>>, vector<1x64xf32>
    %mul3A_443 = vector.broadcast %get3A_1 : vector<256x1xf32> to vector<256x64xf32>
    %mul3A_444 = vector.broadcast %get3A_442 : vector<1x64xf32> to vector<256x64xf32>
    %mul3A_445 = arith.mulf %mul3A_443, %mul3A_444 : vector<256x64xf32>
    %get3A_446 = arith.constant 22 : index
    %get3A_447 = arith.constant 0 : index
    %get3A_448 = vector.load %arg4[%get3A_446, %get3A_447] : memref<64x64xf32, #tpu.memory_space<vmem>>, vector<1x64xf32>
    %add3A_449 = vector.broadcast %get3A_448 : vector<1x64xf32> to vector<256x64xf32>
    %add3A_450 = arith.addf %mul3A_445, %add3A_449 : vector<256x64xf32>
    %max3A_451 = arith.constant 0.000000e+00 : f32
    %max3A_452 = vector.broadcast %max3A_451 : f32 to vector<256x64xf32>
    %max3A_453 = arith.maximumf %add3A_450, %max3A_452 : vector<256x64xf32>
    %get3A_454 = arith.constant 0 : index
    %get3A_455 = arith.constant 22 : index
    %get3A_456 = vector.load %arg1[%get3A_454, %get3A_455] : memref<256x128xf32, #tpu.memory_space<vmem>>, vector<256x1xf32>
    %mul3A_457 = vector.broadcast %get3A_456 : vector<256x1xf32> to vector<256x64xf32>
    %mul3A_458 = arith.mulf %mul3A_457, %max3A_453 : vector<256x64xf32>
    %add3A_459 = arith.addf %add3A_439, %mul3A_458 : vector<256x64xf32>
    %get3A_460 = arith.constant 23 : index
    %get3A_461 = arith.constant 0 : index
    %get3A_462 = vector.load %arg3[%get3A_460, %get3A_461] : memref<64x64xf32, #tpu.memory_space<vmem>>, vector<1x64xf32>
    %mul3A_463 = vector.broadcast %get3A_1 : vector<256x1xf32> to vector<256x64xf32>
    %mul3A_464 = vector.broadcast %get3A_462 : vector<1x64xf32> to vector<256x64xf32>
    %mul3A_465 = arith.mulf %mul3A_463, %mul3A_464 : vector<256x64xf32>
    %get3A_466 = arith.constant 23 : index
    %get3A_467 = arith.constant 0 : index
    %get3A_468 = vector.load %arg4[%get3A_466, %get3A_467] : memref<64x64xf32, #tpu.memory_space<vmem>>, vector<1x64xf32>
    %add3A_469 = vector.broadcast %get3A_468 : vector<1x64xf32> to vector<256x64xf32>
    %add3A_470 = arith.addf %mul3A_465, %add3A_469 : vector<256x64xf32>
    %max3A_471 = arith.constant 0.000000e+00 : f32
    %max3A_472 = vector.broadcast %max3A_471 : f32 to vector<256x64xf32>
    %max3A_473 = arith.maximumf %add3A_470, %max3A_472 : vector<256x64xf32>
    %get3A_474 = arith.constant 0 : index
    %get3A_475 = arith.constant 23 : index
    %get3A_476 = vector.load %arg1[%get3A_474, %get3A_475] : memref<256x128xf32, #tpu.memory_space<vmem>>, vector<256x1xf32>
    %mul3A_477 = vector.broadcast %get3A_476 : vector<256x1xf32> to vector<256x64xf32>
    %mul3A_478 = arith.mulf %mul3A_477, %max3A_473 : vector<256x64xf32>
    %add3A_479 = arith.addf %add3A_459, %mul3A_478 : vector<256x64xf32>
    %get3A_480 = arith.constant 24 : index
    %get3A_481 = arith.constant 0 : index
    %get3A_482 = vector.load %arg3[%get3A_480, %get3A_481] : memref<64x64xf32, #tpu.memory_space<vmem>>, vector<1x64xf32>
    %mul3A_483 = vector.broadcast %get3A_1 : vector<256x1xf32> to vector<256x64xf32>
    %mul3A_484 = vector.broadcast %get3A_482 : vector<1x64xf32> to vector<256x64xf32>
    %mul3A_485 = arith.mulf %mul3A_483, %mul3A_484 : vector<256x64xf32>
    %get3A_486 = arith.constant 24 : index
    %get3A_487 = arith.constant 0 : index
    %get3A_488 = vector.load %arg4[%get3A_486, %get3A_487] : memref<64x64xf32, #tpu.memory_space<vmem>>, vector<1x64xf32>
    %add3A_489 = vector.broadcast %get3A_488 : vector<1x64xf32> to vector<256x64xf32>
    %add3A_490 = arith.addf %mul3A_485, %add3A_489 : vector<256x64xf32>
    %max3A_491 = arith.constant 0.000000e+00 : f32
    %max3A_492 = vector.broadcast %max3A_491 : f32 to vector<256x64xf32>
    %max3A_493 = arith.maximumf %add3A_490, %max3A_492 : vector<256x64xf32>
    %get3A_494 = arith.constant 0 : index
    %get3A_495 = arith.constant 24 : index
    %get3A_496 = vector.load %arg1[%get3A_494, %get3A_495] : memref<256x128xf32, #tpu.memory_space<vmem>>, vector<256x1xf32>
    %mul3A_497 = vector.broadcast %get3A_496 : vector<256x1xf32> to vector<256x64xf32>
    %mul3A_498 = arith.mulf %mul3A_497, %max3A_493 : vector<256x64xf32>
    %add3A_499 = arith.addf %add3A_479, %mul3A_498 : vector<256x64xf32>
    %get3A_500 = arith.constant 25 : index
    %get3A_501 = arith.constant 0 : index
    %get3A_502 = vector.load %arg3[%get3A_500, %get3A_501] : memref<64x64xf32, #tpu.memory_space<vmem>>, vector<1x64xf32>
    %mul3A_503 = vector.broadcast %get3A_1 : vector<256x1xf32> to vector<256x64xf32>
    %mul3A_504 = vector.broadcast %get3A_502 : vector<1x64xf32> to vector<256x64xf32>
    %mul3A_505 = arith.mulf %mul3A_503, %mul3A_504 : vector<256x64xf32>
    %get3A_506 = arith.constant 25 : index
    %get3A_507 = arith.constant 0 : index
    %get3A_508 = vector.load %arg4[%get3A_506, %get3A_507] : memref<64x64xf32, #tpu.memory_space<vmem>>, vector<1x64xf32>
    %add3A_509 = vector.broadcast %get3A_508 : vector<1x64xf32> to vector<256x64xf32>
    %add3A_510 = arith.addf %mul3A_505, %add3A_509 : vector<256x64xf32>
    %max3A_511 = arith.constant 0.000000e+00 : f32
    %max3A_512 = vector.broadcast %max3A_511 : f32 to vector<256x64xf32>
    %max3A_513 = arith.maximumf %add3A_510, %max3A_512 : vector<256x64xf32>
    %get3A_514 = arith.constant 0 : index
    %get3A_515 = arith.constant 25 : index
    %get3A_516 = vector.load %arg1[%get3A_514, %get3A_515] : memref<256x128xf32, #tpu.memory_space<vmem>>, vector<256x1xf32>
    %mul3A_517 = vector.broadcast %get3A_516 : vector<256x1xf32> to vector<256x64xf32>
    %mul3A_518 = arith.mulf %mul3A_517, %max3A_513 : vector<256x64xf32>
    %add3A_519 = arith.addf %add3A_499, %mul3A_518 : vector<256x64xf32>
    %get3A_520 = arith.constant 26 : index
    %get3A_521 = arith.constant 0 : index
    %get3A_522 = vector.load %arg3[%get3A_520, %get3A_521] : memref<64x64xf32, #tpu.memory_space<vmem>>, vector<1x64xf32>
    %mul3A_523 = vector.broadcast %get3A_1 : vector<256x1xf32> to vector<256x64xf32>
    %mul3A_524 = vector.broadcast %get3A_522 : vector<1x64xf32> to vector<256x64xf32>
    %mul3A_525 = arith.mulf %mul3A_523, %mul3A_524 : vector<256x64xf32>
    %get3A_526 = arith.constant 26 : index
    %get3A_527 = arith.constant 0 : index
    %get3A_528 = vector.load %arg4[%get3A_526, %get3A_527] : memref<64x64xf32, #tpu.memory_space<vmem>>, vector<1x64xf32>
    %add3A_529 = vector.broadcast %get3A_528 : vector<1x64xf32> to vector<256x64xf32>
    %add3A_530 = arith.addf %mul3A_525, %add3A_529 : vector<256x64xf32>
    %max3A_531 = arith.constant 0.000000e+00 : f32
    %max3A_532 = vector.broadcast %max3A_531 : f32 to vector<256x64xf32>
    %max3A_533 = arith.maximumf %add3A_530, %max3A_532 : vector<256x64xf32>
    %get3A_534 = arith.constant 0 : index
    %get3A_535 = arith.constant 26 : index
    %get3A_536 = vector.load %arg1[%get3A_534, %get3A_535] : memref<256x128xf32, #tpu.memory_space<vmem>>, vector<256x1xf32>
    %mul3A_537 = vector.broadcast %get3A_536 : vector<256x1xf32> to vector<256x64xf32>
    %mul3A_538 = arith.mulf %mul3A_537, %max3A_533 : vector<256x64xf32>
    %add3A_539 = arith.addf %add3A_519, %mul3A_538 : vector<256x64xf32>
    %get3A_540 = arith.constant 27 : index
    %get3A_541 = arith.constant 0 : index
    %get3A_542 = vector.load %arg3[%get3A_540, %get3A_541] : memref<64x64xf32, #tpu.memory_space<vmem>>, vector<1x64xf32>
    %mul3A_543 = vector.broadcast %get3A_1 : vector<256x1xf32> to vector<256x64xf32>
    %mul3A_544 = vector.broadcast %get3A_542 : vector<1x64xf32> to vector<256x64xf32>
    %mul3A_545 = arith.mulf %mul3A_543, %mul3A_544 : vector<256x64xf32>
    %get3A_546 = arith.constant 27 : index
    %get3A_547 = arith.constant 0 : index
    %get3A_548 = vector.load %arg4[%get3A_546, %get3A_547] : memref<64x64xf32, #tpu.memory_space<vmem>>, vector<1x64xf32>
    %add3A_549 = vector.broadcast %get3A_548 : vector<1x64xf32> to vector<256x64xf32>
    %add3A_550 = arith.addf %mul3A_545, %add3A_549 : vector<256x64xf32>
    %max3A_551 = arith.constant 0.000000e+00 : f32
    %max3A_552 = vector.broadcast %max3A_551 : f32 to vector<256x64xf32>
    %max3A_553 = arith.maximumf %add3A_550, %max3A_552 : vector<256x64xf32>
    %get3A_554 = arith.constant 0 : index
    %get3A_555 = arith.constant 27 : index
    %get3A_556 = vector.load %arg1[%get3A_554, %get3A_555] : memref<256x128xf32, #tpu.memory_space<vmem>>, vector<256x1xf32>
    %mul3A_557 = vector.broadcast %get3A_556 : vector<256x1xf32> to vector<256x64xf32>
    %mul3A_558 = arith.mulf %mul3A_557, %max3A_553 : vector<256x64xf32>
    %add3A_559 = arith.addf %add3A_539, %mul3A_558 : vector<256x64xf32>
    %get3A_560 = arith.constant 28 : index
    %get3A_561 = arith.constant 0 : index
    %get3A_562 = vector.load %arg3[%get3A_560, %get3A_561] : memref<64x64xf32, #tpu.memory_space<vmem>>, vector<1x64xf32>
    %mul3A_563 = vector.broadcast %get3A_1 : vector<256x1xf32> to vector<256x64xf32>
    %mul3A_564 = vector.broadcast %get3A_562 : vector<1x64xf32> to vector<256x64xf32>
    %mul3A_565 = arith.mulf %mul3A_563, %mul3A_564 : vector<256x64xf32>
    %get3A_566 = arith.constant 28 : index
    %get3A_567 = arith.constant 0 : index
    %get3A_568 = vector.load %arg4[%get3A_566, %get3A_567] : memref<64x64xf32, #tpu.memory_space<vmem>>, vector<1x64xf32>
    %add3A_569 = vector.broadcast %get3A_568 : vector<1x64xf32> to vector<256x64xf32>
    %add3A_570 = arith.addf %mul3A_565, %add3A_569 : vector<256x64xf32>
    %max3A_571 = arith.constant 0.000000e+00 : f32
    %max3A_572 = vector.broadcast %max3A_571 : f32 to vector<256x64xf32>
    %max3A_573 = arith.maximumf %add3A_570, %max3A_572 : vector<256x64xf32>
    %get3A_574 = arith.constant 0 : index
    %get3A_575 = arith.constant 28 : index
    %get3A_576 = vector.load %arg1[%get3A_574, %get3A_575] : memref<256x128xf32, #tpu.memory_space<vmem>>, vector<256x1xf32>
    %mul3A_577 = vector.broadcast %get3A_576 : vector<256x1xf32> to vector<256x64xf32>
    %mul3A_578 = arith.mulf %mul3A_577, %max3A_573 : vector<256x64xf32>
    %add3A_579 = arith.addf %add3A_559, %mul3A_578 : vector<256x64xf32>
    %get3A_580 = arith.constant 29 : index
    %get3A_581 = arith.constant 0 : index
    %get3A_582 = vector.load %arg3[%get3A_580, %get3A_581] : memref<64x64xf32, #tpu.memory_space<vmem>>, vector<1x64xf32>
    %mul3A_583 = vector.broadcast %get3A_1 : vector<256x1xf32> to vector<256x64xf32>
    %mul3A_584 = vector.broadcast %get3A_582 : vector<1x64xf32> to vector<256x64xf32>
    %mul3A_585 = arith.mulf %mul3A_583, %mul3A_584 : vector<256x64xf32>
    %get3A_586 = arith.constant 29 : index
    %get3A_587 = arith.constant 0 : index
    %get3A_588 = vector.load %arg4[%get3A_586, %get3A_587] : memref<64x64xf32, #tpu.memory_space<vmem>>, vector<1x64xf32>
    %add3A_589 = vector.broadcast %get3A_588 : vector<1x64xf32> to vector<256x64xf32>
    %add3A_590 = arith.addf %mul3A_585, %add3A_589 : vector<256x64xf32>
    %max3A_591 = arith.constant 0.000000e+00 : f32
    %max3A_592 = vector.broadcast %max3A_591 : f32 to vector<256x64xf32>
    %max3A_593 = arith.maximumf %add3A_590, %max3A_592 : vector<256x64xf32>
    %get3A_594 = arith.constant 0 : index
    %get3A_595 = arith.constant 29 : index
    %get3A_596 = vector.load %arg1[%get3A_594, %get3A_595] : memref<256x128xf32, #tpu.memory_space<vmem>>, vector<256x1xf32>
    %mul3A_597 = vector.broadcast %get3A_596 : vector<256x1xf32> to vector<256x64xf32>
    %mul3A_598 = arith.mulf %mul3A_597, %max3A_593 : vector<256x64xf32>
    %add3A_599 = arith.addf %add3A_579, %mul3A_598 : vector<256x64xf32>
    %get3A_600 = arith.constant 30 : index
    %get3A_601 = arith.constant 0 : index
    %get3A_602 = vector.load %arg3[%get3A_600, %get3A_601] : memref<64x64xf32, #tpu.memory_space<vmem>>, vector<1x64xf32>
    %mul3A_603 = vector.broadcast %get3A_1 : vector<256x1xf32> to vector<256x64xf32>
    %mul3A_604 = vector.broadcast %get3A_602 : vector<1x64xf32> to vector<256x64xf32>
    %mul3A_605 = arith.mulf %mul3A_603, %mul3A_604 : vector<256x64xf32>
    %get3A_606 = arith.constant 30 : index
    %get3A_607 = arith.constant 0 : index
    %get3A_608 = vector.load %arg4[%get3A_606, %get3A_607] : memref<64x64xf32, #tpu.memory_space<vmem>>, vector<1x64xf32>
    %add3A_609 = vector.broadcast %get3A_608 : vector<1x64xf32> to vector<256x64xf32>
    %add3A_610 = arith.addf %mul3A_605, %add3A_609 : vector<256x64xf32>
    %max3A_611 = arith.constant 0.000000e+00 : f32
    %max3A_612 = vector.broadcast %max3A_611 : f32 to vector<256x64xf32>
    %max3A_613 = arith.maximumf %add3A_610, %max3A_612 : vector<256x64xf32>
    %get3A_614 = arith.constant 0 : index
    %get3A_615 = arith.constant 30 : index
    %get3A_616 = vector.load %arg1[%get3A_614, %get3A_615] : memref<256x128xf32, #tpu.memory_space<vmem>>, vector<256x1xf32>
    %mul3A_617 = vector.broadcast %get3A_616 : vector<256x1xf32> to vector<256x64xf32>
    %mul3A_618 = arith.mulf %mul3A_617, %max3A_613 : vector<256x64xf32>
    %add3A_619 = arith.addf %add3A_599, %mul3A_618 : vector<256x64xf32>
    %get3A_620 = arith.constant 31 : index
    %get3A_621 = arith.constant 0 : index
    %get3A_622 = vector.load %arg3[%get3A_620, %get3A_621] : memref<64x64xf32, #tpu.memory_space<vmem>>, vector<1x64xf32>
    %mul3A_623 = vector.broadcast %get3A_1 : vector<256x1xf32> to vector<256x64xf32>
    %mul3A_624 = vector.broadcast %get3A_622 : vector<1x64xf32> to vector<256x64xf32>
    %mul3A_625 = arith.mulf %mul3A_623, %mul3A_624 : vector<256x64xf32>
    %get3A_626 = arith.constant 31 : index
    %get3A_627 = arith.constant 0 : index
    %get3A_628 = vector.load %arg4[%get3A_626, %get3A_627] : memref<64x64xf32, #tpu.memory_space<vmem>>, vector<1x64xf32>
    %add3A_629 = vector.broadcast %get3A_628 : vector<1x64xf32> to vector<256x64xf32>
    %add3A_630 = arith.addf %mul3A_625, %add3A_629 : vector<256x64xf32>
    %max3A_631 = arith.constant 0.000000e+00 : f32
    %max3A_632 = vector.broadcast %max3A_631 : f32 to vector<256x64xf32>
    %max3A_633 = arith.maximumf %add3A_630, %max3A_632 : vector<256x64xf32>
    %get3A_634 = arith.constant 0 : index
    %get3A_635 = arith.constant 31 : index
    %get3A_636 = vector.load %arg1[%get3A_634, %get3A_635] : memref<256x128xf32, #tpu.memory_space<vmem>>, vector<256x1xf32>
    %mul3A_637 = vector.broadcast %get3A_636 : vector<256x1xf32> to vector<256x64xf32>
    %mul3A_638 = arith.mulf %mul3A_637, %max3A_633 : vector<256x64xf32>
    %add3A_639 = arith.addf %add3A_619, %mul3A_638 : vector<256x64xf32>
    %get3A_640 = arith.constant 32 : index
    %get3A_641 = arith.constant 0 : index
    %get3A_642 = vector.load %arg3[%get3A_640, %get3A_641] : memref<64x64xf32, #tpu.memory_space<vmem>>, vector<1x64xf32>
    %mul3A_643 = vector.broadcast %get3A_1 : vector<256x1xf32> to vector<256x64xf32>
    %mul3A_644 = vector.broadcast %get3A_642 : vector<1x64xf32> to vector<256x64xf32>
    %mul3A_645 = arith.mulf %mul3A_643, %mul3A_644 : vector<256x64xf32>
    %get3A_646 = arith.constant 32 : index
    %get3A_647 = arith.constant 0 : index
    %get3A_648 = vector.load %arg4[%get3A_646, %get3A_647] : memref<64x64xf32, #tpu.memory_space<vmem>>, vector<1x64xf32>
    %add3A_649 = vector.broadcast %get3A_648 : vector<1x64xf32> to vector<256x64xf32>
    %add3A_650 = arith.addf %mul3A_645, %add3A_649 : vector<256x64xf32>
    %max3A_651 = arith.constant 0.000000e+00 : f32
    %max3A_652 = vector.broadcast %max3A_651 : f32 to vector<256x64xf32>
    %max3A_653 = arith.maximumf %add3A_650, %max3A_652 : vector<256x64xf32>
    %get3A_654 = arith.constant 0 : index
    %get3A_655 = arith.constant 32 : index
    %get3A_656 = vector.load %arg1[%get3A_654, %get3A_655] : memref<256x128xf32, #tpu.memory_space<vmem>>, vector<256x1xf32>
    %mul3A_657 = vector.broadcast %get3A_656 : vector<256x1xf32> to vector<256x64xf32>
    %mul3A_658 = arith.mulf %mul3A_657, %max3A_653 : vector<256x64xf32>
    %add3A_659 = arith.addf %add3A_639, %mul3A_658 : vector<256x64xf32>
    %get3A_660 = arith.constant 33 : index
    %get3A_661 = arith.constant 0 : index
    %get3A_662 = vector.load %arg3[%get3A_660, %get3A_661] : memref<64x64xf32, #tpu.memory_space<vmem>>, vector<1x64xf32>
    %mul3A_663 = vector.broadcast %get3A_1 : vector<256x1xf32> to vector<256x64xf32>
    %mul3A_664 = vector.broadcast %get3A_662 : vector<1x64xf32> to vector<256x64xf32>
    %mul3A_665 = arith.mulf %mul3A_663, %mul3A_664 : vector<256x64xf32>
    %get3A_666 = arith.constant 33 : index
    %get3A_667 = arith.constant 0 : index
    %get3A_668 = vector.load %arg4[%get3A_666, %get3A_667] : memref<64x64xf32, #tpu.memory_space<vmem>>, vector<1x64xf32>
    %add3A_669 = vector.broadcast %get3A_668 : vector<1x64xf32> to vector<256x64xf32>
    %add3A_670 = arith.addf %mul3A_665, %add3A_669 : vector<256x64xf32>
    %max3A_671 = arith.constant 0.000000e+00 : f32
    %max3A_672 = vector.broadcast %max3A_671 : f32 to vector<256x64xf32>
    %max3A_673 = arith.maximumf %add3A_670, %max3A_672 : vector<256x64xf32>
    %get3A_674 = arith.constant 0 : index
    %get3A_675 = arith.constant 33 : index
    %get3A_676 = vector.load %arg1[%get3A_674, %get3A_675] : memref<256x128xf32, #tpu.memory_space<vmem>>, vector<256x1xf32>
    %mul3A_677 = vector.broadcast %get3A_676 : vector<256x1xf32> to vector<256x64xf32>
    %mul3A_678 = arith.mulf %mul3A_677, %max3A_673 : vector<256x64xf32>
    %add3A_679 = arith.addf %add3A_659, %mul3A_678 : vector<256x64xf32>
    %get3A_680 = arith.constant 34 : index
    %get3A_681 = arith.constant 0 : index
    %get3A_682 = vector.load %arg3[%get3A_680, %get3A_681] : memref<64x64xf32, #tpu.memory_space<vmem>>, vector<1x64xf32>
    %mul3A_683 = vector.broadcast %get3A_1 : vector<256x1xf32> to vector<256x64xf32>
    %mul3A_684 = vector.broadcast %get3A_682 : vector<1x64xf32> to vector<256x64xf32>
    %mul3A_685 = arith.mulf %mul3A_683, %mul3A_684 : vector<256x64xf32>
    %get3A_686 = arith.constant 34 : index
    %get3A_687 = arith.constant 0 : index
    %get3A_688 = vector.load %arg4[%get3A_686, %get3A_687] : memref<64x64xf32, #tpu.memory_space<vmem>>, vector<1x64xf32>
    %add3A_689 = vector.broadcast %get3A_688 : vector<1x64xf32> to vector<256x64xf32>
    %add3A_690 = arith.addf %mul3A_685, %add3A_689 : vector<256x64xf32>
    %max3A_691 = arith.constant 0.000000e+00 : f32
    %max3A_692 = vector.broadcast %max3A_691 : f32 to vector<256x64xf32>
    %max3A_693 = arith.maximumf %add3A_690, %max3A_692 : vector<256x64xf32>
    %get3A_694 = arith.constant 0 : index
    %get3A_695 = arith.constant 34 : index
    %get3A_696 = vector.load %arg1[%get3A_694, %get3A_695] : memref<256x128xf32, #tpu.memory_space<vmem>>, vector<256x1xf32>
    %mul3A_697 = vector.broadcast %get3A_696 : vector<256x1xf32> to vector<256x64xf32>
    %mul3A_698 = arith.mulf %mul3A_697, %max3A_693 : vector<256x64xf32>
    %add3A_699 = arith.addf %add3A_679, %mul3A_698 : vector<256x64xf32>
    %get3A_700 = arith.constant 35 : index
    %get3A_701 = arith.constant 0 : index
    %get3A_702 = vector.load %arg3[%get3A_700, %get3A_701] : memref<64x64xf32, #tpu.memory_space<vmem>>, vector<1x64xf32>
    %mul3A_703 = vector.broadcast %get3A_1 : vector<256x1xf32> to vector<256x64xf32>
    %mul3A_704 = vector.broadcast %get3A_702 : vector<1x64xf32> to vector<256x64xf32>
    %mul3A_705 = arith.mulf %mul3A_703, %mul3A_704 : vector<256x64xf32>
    %get3A_706 = arith.constant 35 : index
    %get3A_707 = arith.constant 0 : index
    %get3A_708 = vector.load %arg4[%get3A_706, %get3A_707] : memref<64x64xf32, #tpu.memory_space<vmem>>, vector<1x64xf32>
    %add3A_709 = vector.broadcast %get3A_708 : vector<1x64xf32> to vector<256x64xf32>
    %add3A_710 = arith.addf %mul3A_705, %add3A_709 : vector<256x64xf32>
    %max3A_711 = arith.constant 0.000000e+00 : f32
    %max3A_712 = vector.broadcast %max3A_711 : f32 to vector<256x64xf32>
    %max3A_713 = arith.maximumf %add3A_710, %max3A_712 : vector<256x64xf32>
    %get3A_714 = arith.constant 0 : index
    %get3A_715 = arith.constant 35 : index
    %get3A_716 = vector.load %arg1[%get3A_714, %get3A_715] : memref<256x128xf32, #tpu.memory_space<vmem>>, vector<256x1xf32>
    %mul3A_717 = vector.broadcast %get3A_716 : vector<256x1xf32> to vector<256x64xf32>
    %mul3A_718 = arith.mulf %mul3A_717, %max3A_713 : vector<256x64xf32>
    %add3A_719 = arith.addf %add3A_699, %mul3A_718 : vector<256x64xf32>
    %get3A_720 = arith.constant 36 : index
    %get3A_721 = arith.constant 0 : index
    %get3A_722 = vector.load %arg3[%get3A_720, %get3A_721] : memref<64x64xf32, #tpu.memory_space<vmem>>, vector<1x64xf32>
    %mul3A_723 = vector.broadcast %get3A_1 : vector<256x1xf32> to vector<256x64xf32>
    %mul3A_724 = vector.broadcast %get3A_722 : vector<1x64xf32> to vector<256x64xf32>
    %mul3A_725 = arith.mulf %mul3A_723, %mul3A_724 : vector<256x64xf32>
    %get3A_726 = arith.constant 36 : index
    %get3A_727 = arith.constant 0 : index
    %get3A_728 = vector.load %arg4[%get3A_726, %get3A_727] : memref<64x64xf32, #tpu.memory_space<vmem>>, vector<1x64xf32>
    %add3A_729 = vector.broadcast %get3A_728 : vector<1x64xf32> to vector<256x64xf32>
    %add3A_730 = arith.addf %mul3A_725, %add3A_729 : vector<256x64xf32>
    %max3A_731 = arith.constant 0.000000e+00 : f32
    %max3A_732 = vector.broadcast %max3A_731 : f32 to vector<256x64xf32>
    %max3A_733 = arith.maximumf %add3A_730, %max3A_732 : vector<256x64xf32>
    %get3A_734 = arith.constant 0 : index
    %get3A_735 = arith.constant 36 : index
    %get3A_736 = vector.load %arg1[%get3A_734, %get3A_735] : memref<256x128xf32, #tpu.memory_space<vmem>>, vector<256x1xf32>
    %mul3A_737 = vector.broadcast %get3A_736 : vector<256x1xf32> to vector<256x64xf32>
    %mul3A_738 = arith.mulf %mul3A_737, %max3A_733 : vector<256x64xf32>
    %add3A_739 = arith.addf %add3A_719, %mul3A_738 : vector<256x64xf32>
    %get3A_740 = arith.constant 37 : index
    %get3A_741 = arith.constant 0 : index
    %get3A_742 = vector.load %arg3[%get3A_740, %get3A_741] : memref<64x64xf32, #tpu.memory_space<vmem>>, vector<1x64xf32>
    %mul3A_743 = vector.broadcast %get3A_1 : vector<256x1xf32> to vector<256x64xf32>
    %mul3A_744 = vector.broadcast %get3A_742 : vector<1x64xf32> to vector<256x64xf32>
    %mul3A_745 = arith.mulf %mul3A_743, %mul3A_744 : vector<256x64xf32>
    %get3A_746 = arith.constant 37 : index
    %get3A_747 = arith.constant 0 : index
    %get3A_748 = vector.load %arg4[%get3A_746, %get3A_747] : memref<64x64xf32, #tpu.memory_space<vmem>>, vector<1x64xf32>
    %add3A_749 = vector.broadcast %get3A_748 : vector<1x64xf32> to vector<256x64xf32>
    %add3A_750 = arith.addf %mul3A_745, %add3A_749 : vector<256x64xf32>
    %max3A_751 = arith.constant 0.000000e+00 : f32
    %max3A_752 = vector.broadcast %max3A_751 : f32 to vector<256x64xf32>
    %max3A_753 = arith.maximumf %add3A_750, %max3A_752 : vector<256x64xf32>
    %get3A_754 = arith.constant 0 : index
    %get3A_755 = arith.constant 37 : index
    %get3A_756 = vector.load %arg1[%get3A_754, %get3A_755] : memref<256x128xf32, #tpu.memory_space<vmem>>, vector<256x1xf32>
    %mul3A_757 = vector.broadcast %get3A_756 : vector<256x1xf32> to vector<256x64xf32>
    %mul3A_758 = arith.mulf %mul3A_757, %max3A_753 : vector<256x64xf32>
    %add3A_759 = arith.addf %add3A_739, %mul3A_758 : vector<256x64xf32>
    %get3A_760 = arith.constant 38 : index
    %get3A_761 = arith.constant 0 : index
    %get3A_762 = vector.load %arg3[%get3A_760, %get3A_761] : memref<64x64xf32, #tpu.memory_space<vmem>>, vector<1x64xf32>
    %mul3A_763 = vector.broadcast %get3A_1 : vector<256x1xf32> to vector<256x64xf32>
    %mul3A_764 = vector.broadcast %get3A_762 : vector<1x64xf32> to vector<256x64xf32>
    %mul3A_765 = arith.mulf %mul3A_763, %mul3A_764 : vector<256x64xf32>
    %get3A_766 = arith.constant 38 : index
    %get3A_767 = arith.constant 0 : index
    %get3A_768 = vector.load %arg4[%get3A_766, %get3A_767] : memref<64x64xf32, #tpu.memory_space<vmem>>, vector<1x64xf32>
    %add3A_769 = vector.broadcast %get3A_768 : vector<1x64xf32> to vector<256x64xf32>
    %add3A_770 = arith.addf %mul3A_765, %add3A_769 : vector<256x64xf32>
    %max3A_771 = arith.constant 0.000000e+00 : f32
    %max3A_772 = vector.broadcast %max3A_771 : f32 to vector<256x64xf32>
    %max3A_773 = arith.maximumf %add3A_770, %max3A_772 : vector<256x64xf32>
    %get3A_774 = arith.constant 0 : index
    %get3A_775 = arith.constant 38 : index
    %get3A_776 = vector.load %arg1[%get3A_774, %get3A_775] : memref<256x128xf32, #tpu.memory_space<vmem>>, vector<256x1xf32>
    %mul3A_777 = vector.broadcast %get3A_776 : vector<256x1xf32> to vector<256x64xf32>
    %mul3A_778 = arith.mulf %mul3A_777, %max3A_773 : vector<256x64xf32>
    %add3A_779 = arith.addf %add3A_759, %mul3A_778 : vector<256x64xf32>
    %get3A_780 = arith.constant 39 : index
    %get3A_781 = arith.constant 0 : index
    %get3A_782 = vector.load %arg3[%get3A_780, %get3A_781] : memref<64x64xf32, #tpu.memory_space<vmem>>, vector<1x64xf32>
    %mul3A_783 = vector.broadcast %get3A_1 : vector<256x1xf32> to vector<256x64xf32>
    %mul3A_784 = vector.broadcast %get3A_782 : vector<1x64xf32> to vector<256x64xf32>
    %mul3A_785 = arith.mulf %mul3A_783, %mul3A_784 : vector<256x64xf32>
    %get3A_786 = arith.constant 39 : index
    %get3A_787 = arith.constant 0 : index
    %get3A_788 = vector.load %arg4[%get3A_786, %get3A_787] : memref<64x64xf32, #tpu.memory_space<vmem>>, vector<1x64xf32>
    %add3A_789 = vector.broadcast %get3A_788 : vector<1x64xf32> to vector<256x64xf32>
    %add3A_790 = arith.addf %mul3A_785, %add3A_789 : vector<256x64xf32>
    %max3A_791 = arith.constant 0.000000e+00 : f32
    %max3A_792 = vector.broadcast %max3A_791 : f32 to vector<256x64xf32>
    %max3A_793 = arith.maximumf %add3A_790, %max3A_792 : vector<256x64xf32>
    %get3A_794 = arith.constant 0 : index
    %get3A_795 = arith.constant 39 : index
    %get3A_796 = vector.load %arg1[%get3A_794, %get3A_795] : memref<256x128xf32, #tpu.memory_space<vmem>>, vector<256x1xf32>
    %mul3A_797 = vector.broadcast %get3A_796 : vector<256x1xf32> to vector<256x64xf32>
    %mul3A_798 = arith.mulf %mul3A_797, %max3A_793 : vector<256x64xf32>
    %add3A_799 = arith.addf %add3A_779, %mul3A_798 : vector<256x64xf32>
    %get3A_800 = arith.constant 40 : index
    %get3A_801 = arith.constant 0 : index
    %get3A_802 = vector.load %arg3[%get3A_800, %get3A_801] : memref<64x64xf32, #tpu.memory_space<vmem>>, vector<1x64xf32>
    %mul3A_803 = vector.broadcast %get3A_1 : vector<256x1xf32> to vector<256x64xf32>
    %mul3A_804 = vector.broadcast %get3A_802 : vector<1x64xf32> to vector<256x64xf32>
    %mul3A_805 = arith.mulf %mul3A_803, %mul3A_804 : vector<256x64xf32>
    %get3A_806 = arith.constant 40 : index
    %get3A_807 = arith.constant 0 : index
    %get3A_808 = vector.load %arg4[%get3A_806, %get3A_807] : memref<64x64xf32, #tpu.memory_space<vmem>>, vector<1x64xf32>
    %add3A_809 = vector.broadcast %get3A_808 : vector<1x64xf32> to vector<256x64xf32>
    %add3A_810 = arith.addf %mul3A_805, %add3A_809 : vector<256x64xf32>
    %max3A_811 = arith.constant 0.000000e+00 : f32
    %max3A_812 = vector.broadcast %max3A_811 : f32 to vector<256x64xf32>
    %max3A_813 = arith.maximumf %add3A_810, %max3A_812 : vector<256x64xf32>
    %get3A_814 = arith.constant 0 : index
    %get3A_815 = arith.constant 40 : index
    %get3A_816 = vector.load %arg1[%get3A_814, %get3A_815] : memref<256x128xf32, #tpu.memory_space<vmem>>, vector<256x1xf32>
    %mul3A_817 = vector.broadcast %get3A_816 : vector<256x1xf32> to vector<256x64xf32>
    %mul3A_818 = arith.mulf %mul3A_817, %max3A_813 : vector<256x64xf32>
    %add3A_819 = arith.addf %add3A_799, %mul3A_818 : vector<256x64xf32>
    %get3A_820 = arith.constant 41 : index
    %get3A_821 = arith.constant 0 : index
    %get3A_822 = vector.load %arg3[%get3A_820, %get3A_821] : memref<64x64xf32, #tpu.memory_space<vmem>>, vector<1x64xf32>
    %mul3A_823 = vector.broadcast %get3A_1 : vector<256x1xf32> to vector<256x64xf32>
    %mul3A_824 = vector.broadcast %get3A_822 : vector<1x64xf32> to vector<256x64xf32>
    %mul3A_825 = arith.mulf %mul3A_823, %mul3A_824 : vector<256x64xf32>
    %get3A_826 = arith.constant 41 : index
    %get3A_827 = arith.constant 0 : index
    %get3A_828 = vector.load %arg4[%get3A_826, %get3A_827] : memref<64x64xf32, #tpu.memory_space<vmem>>, vector<1x64xf32>
    %add3A_829 = vector.broadcast %get3A_828 : vector<1x64xf32> to vector<256x64xf32>
    %add3A_830 = arith.addf %mul3A_825, %add3A_829 : vector<256x64xf32>
    %max3A_831 = arith.constant 0.000000e+00 : f32
    %max3A_832 = vector.broadcast %max3A_831 : f32 to vector<256x64xf32>
    %max3A_833 = arith.maximumf %add3A_830, %max3A_832 : vector<256x64xf32>
    %get3A_834 = arith.constant 0 : index
    %get3A_835 = arith.constant 41 : index
    %get3A_836 = vector.load %arg1[%get3A_834, %get3A_835] : memref<256x128xf32, #tpu.memory_space<vmem>>, vector<256x1xf32>
    %mul3A_837 = vector.broadcast %get3A_836 : vector<256x1xf32> to vector<256x64xf32>
    %mul3A_838 = arith.mulf %mul3A_837, %max3A_833 : vector<256x64xf32>
    %add3A_839 = arith.addf %add3A_819, %mul3A_838 : vector<256x64xf32>
    %get3A_840 = arith.constant 42 : index
    %get3A_841 = arith.constant 0 : index
    %get3A_842 = vector.load %arg3[%get3A_840, %get3A_841] : memref<64x64xf32, #tpu.memory_space<vmem>>, vector<1x64xf32>
    %mul3A_843 = vector.broadcast %get3A_1 : vector<256x1xf32> to vector<256x64xf32>
    %mul3A_844 = vector.broadcast %get3A_842 : vector<1x64xf32> to vector<256x64xf32>
    %mul3A_845 = arith.mulf %mul3A_843, %mul3A_844 : vector<256x64xf32>
    %get3A_846 = arith.constant 42 : index
    %get3A_847 = arith.constant 0 : index
    %get3A_848 = vector.load %arg4[%get3A_846, %get3A_847] : memref<64x64xf32, #tpu.memory_space<vmem>>, vector<1x64xf32>
    %add3A_849 = vector.broadcast %get3A_848 : vector<1x64xf32> to vector<256x64xf32>
    %add3A_850 = arith.addf %mul3A_845, %add3A_849 : vector<256x64xf32>
    %max3A_851 = arith.constant 0.000000e+00 : f32
    %max3A_852 = vector.broadcast %max3A_851 : f32 to vector<256x64xf32>
    %max3A_853 = arith.maximumf %add3A_850, %max3A_852 : vector<256x64xf32>
    %get3A_854 = arith.constant 0 : index
    %get3A_855 = arith.constant 42 : index
    %get3A_856 = vector.load %arg1[%get3A_854, %get3A_855] : memref<256x128xf32, #tpu.memory_space<vmem>>, vector<256x1xf32>
    %mul3A_857 = vector.broadcast %get3A_856 : vector<256x1xf32> to vector<256x64xf32>
    %mul3A_858 = arith.mulf %mul3A_857, %max3A_853 : vector<256x64xf32>
    %add3A_859 = arith.addf %add3A_839, %mul3A_858 : vector<256x64xf32>
    %get3A_860 = arith.constant 43 : index
    %get3A_861 = arith.constant 0 : index
    %get3A_862 = vector.load %arg3[%get3A_860, %get3A_861] : memref<64x64xf32, #tpu.memory_space<vmem>>, vector<1x64xf32>
    %mul3A_863 = vector.broadcast %get3A_1 : vector<256x1xf32> to vector<256x64xf32>
    %mul3A_864 = vector.broadcast %get3A_862 : vector<1x64xf32> to vector<256x64xf32>
    %mul3A_865 = arith.mulf %mul3A_863, %mul3A_864 : vector<256x64xf32>
    %get3A_866 = arith.constant 43 : index
    %get3A_867 = arith.constant 0 : index
    %get3A_868 = vector.load %arg4[%get3A_866, %get3A_867] : memref<64x64xf32, #tpu.memory_space<vmem>>, vector<1x64xf32>
    %add3A_869 = vector.broadcast %get3A_868 : vector<1x64xf32> to vector<256x64xf32>
    %add3A_870 = arith.addf %mul3A_865, %add3A_869 : vector<256x64xf32>
    %max3A_871 = arith.constant 0.000000e+00 : f32
    %max3A_872 = vector.broadcast %max3A_871 : f32 to vector<256x64xf32>
    %max3A_873 = arith.maximumf %add3A_870, %max3A_872 : vector<256x64xf32>
    %get3A_874 = arith.constant 0 : index
    %get3A_875 = arith.constant 43 : index
    %get3A_876 = vector.load %arg1[%get3A_874, %get3A_875] : memref<256x128xf32, #tpu.memory_space<vmem>>, vector<256x1xf32>
    %mul3A_877 = vector.broadcast %get3A_876 : vector<256x1xf32> to vector<256x64xf32>
    %mul3A_878 = arith.mulf %mul3A_877, %max3A_873 : vector<256x64xf32>
    %add3A_879 = arith.addf %add3A_859, %mul3A_878 : vector<256x64xf32>
    %get3A_880 = arith.constant 44 : index
    %get3A_881 = arith.constant 0 : index
    %get3A_882 = vector.load %arg3[%get3A_880, %get3A_881] : memref<64x64xf32, #tpu.memory_space<vmem>>, vector<1x64xf32>
    %mul3A_883 = vector.broadcast %get3A_1 : vector<256x1xf32> to vector<256x64xf32>
    %mul3A_884 = vector.broadcast %get3A_882 : vector<1x64xf32> to vector<256x64xf32>
    %mul3A_885 = arith.mulf %mul3A_883, %mul3A_884 : vector<256x64xf32>
    %get3A_886 = arith.constant 44 : index
    %get3A_887 = arith.constant 0 : index
    %get3A_888 = vector.load %arg4[%get3A_886, %get3A_887] : memref<64x64xf32, #tpu.memory_space<vmem>>, vector<1x64xf32>
    %add3A_889 = vector.broadcast %get3A_888 : vector<1x64xf32> to vector<256x64xf32>
    %add3A_890 = arith.addf %mul3A_885, %add3A_889 : vector<256x64xf32>
    %max3A_891 = arith.constant 0.000000e+00 : f32
    %max3A_892 = vector.broadcast %max3A_891 : f32 to vector<256x64xf32>
    %max3A_893 = arith.maximumf %add3A_890, %max3A_892 : vector<256x64xf32>
    %get3A_894 = arith.constant 0 : index
    %get3A_895 = arith.constant 44 : index
    %get3A_896 = vector.load %arg1[%get3A_894, %get3A_895] : memref<256x128xf32, #tpu.memory_space<vmem>>, vector<256x1xf32>
    %mul3A_897 = vector.broadcast %get3A_896 : vector<256x1xf32> to vector<256x64xf32>
    %mul3A_898 = arith.mulf %mul3A_897, %max3A_893 : vector<256x64xf32>
    %add3A_899 = arith.addf %add3A_879, %mul3A_898 : vector<256x64xf32>
    %get3A_900 = arith.constant 45 : index
    %get3A_901 = arith.constant 0 : index
    %get3A_902 = vector.load %arg3[%get3A_900, %get3A_901] : memref<64x64xf32, #tpu.memory_space<vmem>>, vector<1x64xf32>
    %mul3A_903 = vector.broadcast %get3A_1 : vector<256x1xf32> to vector<256x64xf32>
    %mul3A_904 = vector.broadcast %get3A_902 : vector<1x64xf32> to vector<256x64xf32>
    %mul3A_905 = arith.mulf %mul3A_903, %mul3A_904 : vector<256x64xf32>
    %get3A_906 = arith.constant 45 : index
    %get3A_907 = arith.constant 0 : index
    %get3A_908 = vector.load %arg4[%get3A_906, %get3A_907] : memref<64x64xf32, #tpu.memory_space<vmem>>, vector<1x64xf32>
    %add3A_909 = vector.broadcast %get3A_908 : vector<1x64xf32> to vector<256x64xf32>
    %add3A_910 = arith.addf %mul3A_905, %add3A_909 : vector<256x64xf32>
    %max3A_911 = arith.constant 0.000000e+00 : f32
    %max3A_912 = vector.broadcast %max3A_911 : f32 to vector<256x64xf32>
    %max3A_913 = arith.maximumf %add3A_910, %max3A_912 : vector<256x64xf32>
    %get3A_914 = arith.constant 0 : index
    %get3A_915 = arith.constant 45 : index
    %get3A_916 = vector.load %arg1[%get3A_914, %get3A_915] : memref<256x128xf32, #tpu.memory_space<vmem>>, vector<256x1xf32>
    %mul3A_917 = vector.broadcast %get3A_916 : vector<256x1xf32> to vector<256x64xf32>
    %mul3A_918 = arith.mulf %mul3A_917, %max3A_913 : vector<256x64xf32>
    %add3A_919 = arith.addf %add3A_899, %mul3A_918 : vector<256x64xf32>
    %get3A_920 = arith.constant 46 : index
    %get3A_921 = arith.constant 0 : index
    %get3A_922 = vector.load %arg3[%get3A_920, %get3A_921] : memref<64x64xf32, #tpu.memory_space<vmem>>, vector<1x64xf32>
    %mul3A_923 = vector.broadcast %get3A_1 : vector<256x1xf32> to vector<256x64xf32>
    %mul3A_924 = vector.broadcast %get3A_922 : vector<1x64xf32> to vector<256x64xf32>
    %mul3A_925 = arith.mulf %mul3A_923, %mul3A_924 : vector<256x64xf32>
    %get3A_926 = arith.constant 46 : index
    %get3A_927 = arith.constant 0 : index
    %get3A_928 = vector.load %arg4[%get3A_926, %get3A_927] : memref<64x64xf32, #tpu.memory_space<vmem>>, vector<1x64xf32>
    %add3A_929 = vector.broadcast %get3A_928 : vector<1x64xf32> to vector<256x64xf32>
    %add3A_930 = arith.addf %mul3A_925, %add3A_929 : vector<256x64xf32>
    %max3A_931 = arith.constant 0.000000e+00 : f32
    %max3A_932 = vector.broadcast %max3A_931 : f32 to vector<256x64xf32>
    %max3A_933 = arith.maximumf %add3A_930, %max3A_932 : vector<256x64xf32>
    %get3A_934 = arith.constant 0 : index
    %get3A_935 = arith.constant 46 : index
    %get3A_936 = vector.load %arg1[%get3A_934, %get3A_935] : memref<256x128xf32, #tpu.memory_space<vmem>>, vector<256x1xf32>
    %mul3A_937 = vector.broadcast %get3A_936 : vector<256x1xf32> to vector<256x64xf32>
    %mul3A_938 = arith.mulf %mul3A_937, %max3A_933 : vector<256x64xf32>
    %add3A_939 = arith.addf %add3A_919, %mul3A_938 : vector<256x64xf32>
    %get3A_940 = arith.constant 47 : index
    %get3A_941 = arith.constant 0 : index
    %get3A_942 = vector.load %arg3[%get3A_940, %get3A_941] : memref<64x64xf32, #tpu.memory_space<vmem>>, vector<1x64xf32>
    %mul3A_943 = vector.broadcast %get3A_1 : vector<256x1xf32> to vector<256x64xf32>
    %mul3A_944 = vector.broadcast %get3A_942 : vector<1x64xf32> to vector<256x64xf32>
    %mul3A_945 = arith.mulf %mul3A_943, %mul3A_944 : vector<256x64xf32>
    %get3A_946 = arith.constant 47 : index
    %get3A_947 = arith.constant 0 : index
    %get3A_948 = vector.load %arg4[%get3A_946, %get3A_947] : memref<64x64xf32, #tpu.memory_space<vmem>>, vector<1x64xf32>
    %add3A_949 = vector.broadcast %get3A_948 : vector<1x64xf32> to vector<256x64xf32>
    %add3A_950 = arith.addf %mul3A_945, %add3A_949 : vector<256x64xf32>
    %max3A_951 = arith.constant 0.000000e+00 : f32
    %max3A_952 = vector.broadcast %max3A_951 : f32 to vector<256x64xf32>
    %max3A_953 = arith.maximumf %add3A_950, %max3A_952 : vector<256x64xf32>
    %get3A_954 = arith.constant 0 : index
    %get3A_955 = arith.constant 47 : index
    %get3A_956 = vector.load %arg1[%get3A_954, %get3A_955] : memref<256x128xf32, #tpu.memory_space<vmem>>, vector<256x1xf32>
    %mul3A_957 = vector.broadcast %get3A_956 : vector<256x1xf32> to vector<256x64xf32>
    %mul3A_958 = arith.mulf %mul3A_957, %max3A_953 : vector<256x64xf32>
    %add3A_959 = arith.addf %add3A_939, %mul3A_958 : vector<256x64xf32>
    %get3A_960 = arith.constant 48 : index
    %get3A_961 = arith.constant 0 : index
    %get3A_962 = vector.load %arg3[%get3A_960, %get3A_961] : memref<64x64xf32, #tpu.memory_space<vmem>>, vector<1x64xf32>
    %mul3A_963 = vector.broadcast %get3A_1 : vector<256x1xf32> to vector<256x64xf32>
    %mul3A_964 = vector.broadcast %get3A_962 : vector<1x64xf32> to vector<256x64xf32>
    %mul3A_965 = arith.mulf %mul3A_963, %mul3A_964 : vector<256x64xf32>
    %get3A_966 = arith.constant 48 : index
    %get3A_967 = arith.constant 0 : index
    %get3A_968 = vector.load %arg4[%get3A_966, %get3A_967] : memref<64x64xf32, #tpu.memory_space<vmem>>, vector<1x64xf32>
    %add3A_969 = vector.broadcast %get3A_968 : vector<1x64xf32> to vector<256x64xf32>
    %add3A_970 = arith.addf %mul3A_965, %add3A_969 : vector<256x64xf32>
    %max3A_971 = arith.constant 0.000000e+00 : f32
    %max3A_972 = vector.broadcast %max3A_971 : f32 to vector<256x64xf32>
    %max3A_973 = arith.maximumf %add3A_970, %max3A_972 : vector<256x64xf32>
    %get3A_974 = arith.constant 0 : index
    %get3A_975 = arith.constant 48 : index
    %get3A_976 = vector.load %arg1[%get3A_974, %get3A_975] : memref<256x128xf32, #tpu.memory_space<vmem>>, vector<256x1xf32>
    %mul3A_977 = vector.broadcast %get3A_976 : vector<256x1xf32> to vector<256x64xf32>
    %mul3A_978 = arith.mulf %mul3A_977, %max3A_973 : vector<256x64xf32>
    %add3A_979 = arith.addf %add3A_959, %mul3A_978 : vector<256x64xf32>
    %get3A_980 = arith.constant 49 : index
    %get3A_981 = arith.constant 0 : index
    %get3A_982 = vector.load %arg3[%get3A_980, %get3A_981] : memref<64x64xf32, #tpu.memory_space<vmem>>, vector<1x64xf32>
    %mul3A_983 = vector.broadcast %get3A_1 : vector<256x1xf32> to vector<256x64xf32>
    %mul3A_984 = vector.broadcast %get3A_982 : vector<1x64xf32> to vector<256x64xf32>
    %mul3A_985 = arith.mulf %mul3A_983, %mul3A_984 : vector<256x64xf32>
    %get3A_986 = arith.constant 49 : index
    %get3A_987 = arith.constant 0 : index
    %get3A_988 = vector.load %arg4[%get3A_986, %get3A_987] : memref<64x64xf32, #tpu.memory_space<vmem>>, vector<1x64xf32>
    %add3A_989 = vector.broadcast %get3A_988 : vector<1x64xf32> to vector<256x64xf32>
    %add3A_990 = arith.addf %mul3A_985, %add3A_989 : vector<256x64xf32>
    %max3A_991 = arith.constant 0.000000e+00 : f32
    %max3A_992 = vector.broadcast %max3A_991 : f32 to vector<256x64xf32>
    %max3A_993 = arith.maximumf %add3A_990, %max3A_992 : vector<256x64xf32>
    %get3A_994 = arith.constant 0 : index
    %get3A_995 = arith.constant 49 : index
    %get3A_996 = vector.load %arg1[%get3A_994, %get3A_995] : memref<256x128xf32, #tpu.memory_space<vmem>>, vector<256x1xf32>
    %mul3A_997 = vector.broadcast %get3A_996 : vector<256x1xf32> to vector<256x64xf32>
    %mul3A_998 = arith.mulf %mul3A_997, %max3A_993 : vector<256x64xf32>
    %add3A_999 = arith.addf %add3A_979, %mul3A_998 : vector<256x64xf32>
    %get3A_1000 = arith.constant 50 : index
    %get3A_1001 = arith.constant 0 : index
    %get3A_1002 = vector.load %arg3[%get3A_1000, %get3A_1001] : memref<64x64xf32, #tpu.memory_space<vmem>>, vector<1x64xf32>
    %mul3A_1003 = vector.broadcast %get3A_1 : vector<256x1xf32> to vector<256x64xf32>
    %mul3A_1004 = vector.broadcast %get3A_1002 : vector<1x64xf32> to vector<256x64xf32>
    %mul3A_1005 = arith.mulf %mul3A_1003, %mul3A_1004 : vector<256x64xf32>
    %get3A_1006 = arith.constant 50 : index
    %get3A_1007 = arith.constant 0 : index
    %get3A_1008 = vector.load %arg4[%get3A_1006, %get3A_1007] : memref<64x64xf32, #tpu.memory_space<vmem>>, vector<1x64xf32>
    %add3A_1009 = vector.broadcast %get3A_1008 : vector<1x64xf32> to vector<256x64xf32>
    %add3A_1010 = arith.addf %mul3A_1005, %add3A_1009 : vector<256x64xf32>
    %max3A_1011 = arith.constant 0.000000e+00 : f32
    %max3A_1012 = vector.broadcast %max3A_1011 : f32 to vector<256x64xf32>
    %max3A_1013 = arith.maximumf %add3A_1010, %max3A_1012 : vector<256x64xf32>
    %get3A_1014 = arith.constant 0 : index
    %get3A_1015 = arith.constant 50 : index
    %get3A_1016 = vector.load %arg1[%get3A_1014, %get3A_1015] : memref<256x128xf32, #tpu.memory_space<vmem>>, vector<256x1xf32>
    %mul3A_1017 = vector.broadcast %get3A_1016 : vector<256x1xf32> to vector<256x64xf32>
    %mul3A_1018 = arith.mulf %mul3A_1017, %max3A_1013 : vector<256x64xf32>
    %add3A_1019 = arith.addf %add3A_999, %mul3A_1018 : vector<256x64xf32>
    %get3A_1020 = arith.constant 51 : index
    %get3A_1021 = arith.constant 0 : index
    %get3A_1022 = vector.load %arg3[%get3A_1020, %get3A_1021] : memref<64x64xf32, #tpu.memory_space<vmem>>, vector<1x64xf32>
    %mul3A_1023 = vector.broadcast %get3A_1 : vector<256x1xf32> to vector<256x64xf32>
    %mul3A_1024 = vector.broadcast %get3A_1022 : vector<1x64xf32> to vector<256x64xf32>
    %mul3A_1025 = arith.mulf %mul3A_1023, %mul3A_1024 : vector<256x64xf32>
    %get3A_1026 = arith.constant 51 : index
    %get3A_1027 = arith.constant 0 : index
    %get3A_1028 = vector.load %arg4[%get3A_1026, %get3A_1027] : memref<64x64xf32, #tpu.memory_space<vmem>>, vector<1x64xf32>
    %add3A_1029 = vector.broadcast %get3A_1028 : vector<1x64xf32> to vector<256x64xf32>
    %add3A_1030 = arith.addf %mul3A_1025, %add3A_1029 : vector<256x64xf32>
    %max3A_1031 = arith.constant 0.000000e+00 : f32
    %max3A_1032 = vector.broadcast %max3A_1031 : f32 to vector<256x64xf32>
    %max3A_1033 = arith.maximumf %add3A_1030, %max3A_1032 : vector<256x64xf32>
    %get3A_1034 = arith.constant 0 : index
    %get3A_1035 = arith.constant 51 : index
    %get3A_1036 = vector.load %arg1[%get3A_1034, %get3A_1035] : memref<256x128xf32, #tpu.memory_space<vmem>>, vector<256x1xf32>
    %mul3A_1037 = vector.broadcast %get3A_1036 : vector<256x1xf32> to vector<256x64xf32>
    %mul3A_1038 = arith.mulf %mul3A_1037, %max3A_1033 : vector<256x64xf32>
    %add3A_1039 = arith.addf %add3A_1019, %mul3A_1038 : vector<256x64xf32>
    %get3A_1040 = arith.constant 52 : index
    %get3A_1041 = arith.constant 0 : index
    %get3A_1042 = vector.load %arg3[%get3A_1040, %get3A_1041] : memref<64x64xf32, #tpu.memory_space<vmem>>, vector<1x64xf32>
    %mul3A_1043 = vector.broadcast %get3A_1 : vector<256x1xf32> to vector<256x64xf32>
    %mul3A_1044 = vector.broadcast %get3A_1042 : vector<1x64xf32> to vector<256x64xf32>
    %mul3A_1045 = arith.mulf %mul3A_1043, %mul3A_1044 : vector<256x64xf32>
    %get3A_1046 = arith.constant 52 : index
    %get3A_1047 = arith.constant 0 : index
    %get3A_1048 = vector.load %arg4[%get3A_1046, %get3A_1047] : memref<64x64xf32, #tpu.memory_space<vmem>>, vector<1x64xf32>
    %add3A_1049 = vector.broadcast %get3A_1048 : vector<1x64xf32> to vector<256x64xf32>
    %add3A_1050 = arith.addf %mul3A_1045, %add3A_1049 : vector<256x64xf32>
    %max3A_1051 = arith.constant 0.000000e+00 : f32
    %max3A_1052 = vector.broadcast %max3A_1051 : f32 to vector<256x64xf32>
    %max3A_1053 = arith.maximumf %add3A_1050, %max3A_1052 : vector<256x64xf32>
    %get3A_1054 = arith.constant 0 : index
    %get3A_1055 = arith.constant 52 : index
    %get3A_1056 = vector.load %arg1[%get3A_1054, %get3A_1055] : memref<256x128xf32, #tpu.memory_space<vmem>>, vector<256x1xf32>
    %mul3A_1057 = vector.broadcast %get3A_1056 : vector<256x1xf32> to vector<256x64xf32>
    %mul3A_1058 = arith.mulf %mul3A_1057, %max3A_1053 : vector<256x64xf32>
    %add3A_1059 = arith.addf %add3A_1039, %mul3A_1058 : vector<256x64xf32>
    %get3A_1060 = arith.constant 53 : index
    %get3A_1061 = arith.constant 0 : index
    %get3A_1062 = vector.load %arg3[%get3A_1060, %get3A_1061] : memref<64x64xf32, #tpu.memory_space<vmem>>, vector<1x64xf32>
    %mul3A_1063 = vector.broadcast %get3A_1 : vector<256x1xf32> to vector<256x64xf32>
    %mul3A_1064 = vector.broadcast %get3A_1062 : vector<1x64xf32> to vector<256x64xf32>
    %mul3A_1065 = arith.mulf %mul3A_1063, %mul3A_1064 : vector<256x64xf32>
    %get3A_1066 = arith.constant 53 : index
    %get3A_1067 = arith.constant 0 : index
    %get3A_1068 = vector.load %arg4[%get3A_1066, %get3A_1067] : memref<64x64xf32, #tpu.memory_space<vmem>>, vector<1x64xf32>
    %add3A_1069 = vector.broadcast %get3A_1068 : vector<1x64xf32> to vector<256x64xf32>
    %add3A_1070 = arith.addf %mul3A_1065, %add3A_1069 : vector<256x64xf32>
    %max3A_1071 = arith.constant 0.000000e+00 : f32
    %max3A_1072 = vector.broadcast %max3A_1071 : f32 to vector<256x64xf32>
    %max3A_1073 = arith.maximumf %add3A_1070, %max3A_1072 : vector<256x64xf32>
    %get3A_1074 = arith.constant 0 : index
    %get3A_1075 = arith.constant 53 : index
    %get3A_1076 = vector.load %arg1[%get3A_1074, %get3A_1075] : memref<256x128xf32, #tpu.memory_space<vmem>>, vector<256x1xf32>
    %mul3A_1077 = vector.broadcast %get3A_1076 : vector<256x1xf32> to vector<256x64xf32>
    %mul3A_1078 = arith.mulf %mul3A_1077, %max3A_1073 : vector<256x64xf32>
    %add3A_1079 = arith.addf %add3A_1059, %mul3A_1078 : vector<256x64xf32>
    %get3A_1080 = arith.constant 54 : index
    %get3A_1081 = arith.constant 0 : index
    %get3A_1082 = vector.load %arg3[%get3A_1080, %get3A_1081] : memref<64x64xf32, #tpu.memory_space<vmem>>, vector<1x64xf32>
    %mul3A_1083 = vector.broadcast %get3A_1 : vector<256x1xf32> to vector<256x64xf32>
    %mul3A_1084 = vector.broadcast %get3A_1082 : vector<1x64xf32> to vector<256x64xf32>
    %mul3A_1085 = arith.mulf %mul3A_1083, %mul3A_1084 : vector<256x64xf32>
    %get3A_1086 = arith.constant 54 : index
    %get3A_1087 = arith.constant 0 : index
    %get3A_1088 = vector.load %arg4[%get3A_1086, %get3A_1087] : memref<64x64xf32, #tpu.memory_space<vmem>>, vector<1x64xf32>
    %add3A_1089 = vector.broadcast %get3A_1088 : vector<1x64xf32> to vector<256x64xf32>
    %add3A_1090 = arith.addf %mul3A_1085, %add3A_1089 : vector<256x64xf32>
    %max3A_1091 = arith.constant 0.000000e+00 : f32
    %max3A_1092 = vector.broadcast %max3A_1091 : f32 to vector<256x64xf32>
    %max3A_1093 = arith.maximumf %add3A_1090, %max3A_1092 : vector<256x64xf32>
    %get3A_1094 = arith.constant 0 : index
    %get3A_1095 = arith.constant 54 : index
    %get3A_1096 = vector.load %arg1[%get3A_1094, %get3A_1095] : memref<256x128xf32, #tpu.memory_space<vmem>>, vector<256x1xf32>
    %mul3A_1097 = vector.broadcast %get3A_1096 : vector<256x1xf32> to vector<256x64xf32>
    %mul3A_1098 = arith.mulf %mul3A_1097, %max3A_1093 : vector<256x64xf32>
    %add3A_1099 = arith.addf %add3A_1079, %mul3A_1098 : vector<256x64xf32>
    %get3A_1100 = arith.constant 55 : index
    %get3A_1101 = arith.constant 0 : index
    %get3A_1102 = vector.load %arg3[%get3A_1100, %get3A_1101] : memref<64x64xf32, #tpu.memory_space<vmem>>, vector<1x64xf32>
    %mul3A_1103 = vector.broadcast %get3A_1 : vector<256x1xf32> to vector<256x64xf32>
    %mul3A_1104 = vector.broadcast %get3A_1102 : vector<1x64xf32> to vector<256x64xf32>
    %mul3A_1105 = arith.mulf %mul3A_1103, %mul3A_1104 : vector<256x64xf32>
    %get3A_1106 = arith.constant 55 : index
    %get3A_1107 = arith.constant 0 : index
    %get3A_1108 = vector.load %arg4[%get3A_1106, %get3A_1107] : memref<64x64xf32, #tpu.memory_space<vmem>>, vector<1x64xf32>
    %add3A_1109 = vector.broadcast %get3A_1108 : vector<1x64xf32> to vector<256x64xf32>
    %add3A_1110 = arith.addf %mul3A_1105, %add3A_1109 : vector<256x64xf32>
    %max3A_1111 = arith.constant 0.000000e+00 : f32
    %max3A_1112 = vector.broadcast %max3A_1111 : f32 to vector<256x64xf32>
    %max3A_1113 = arith.maximumf %add3A_1110, %max3A_1112 : vector<256x64xf32>
    %get3A_1114 = arith.constant 0 : index
    %get3A_1115 = arith.constant 55 : index
    %get3A_1116 = vector.load %arg1[%get3A_1114, %get3A_1115] : memref<256x128xf32, #tpu.memory_space<vmem>>, vector<256x1xf32>
    %mul3A_1117 = vector.broadcast %get3A_1116 : vector<256x1xf32> to vector<256x64xf32>
    %mul3A_1118 = arith.mulf %mul3A_1117, %max3A_1113 : vector<256x64xf32>
    %add3A_1119 = arith.addf %add3A_1099, %mul3A_1118 : vector<256x64xf32>
    %get3A_1120 = arith.constant 56 : index
    %get3A_1121 = arith.constant 0 : index
    %get3A_1122 = vector.load %arg3[%get3A_1120, %get3A_1121] : memref<64x64xf32, #tpu.memory_space<vmem>>, vector<1x64xf32>
    %mul3A_1123 = vector.broadcast %get3A_1 : vector<256x1xf32> to vector<256x64xf32>
    %mul3A_1124 = vector.broadcast %get3A_1122 : vector<1x64xf32> to vector<256x64xf32>
    %mul3A_1125 = arith.mulf %mul3A_1123, %mul3A_1124 : vector<256x64xf32>
    %get3A_1126 = arith.constant 56 : index
    %get3A_1127 = arith.constant 0 : index
    %get3A_1128 = vector.load %arg4[%get3A_1126, %get3A_1127] : memref<64x64xf32, #tpu.memory_space<vmem>>, vector<1x64xf32>
    %add3A_1129 = vector.broadcast %get3A_1128 : vector<1x64xf32> to vector<256x64xf32>
    %add3A_1130 = arith.addf %mul3A_1125, %add3A_1129 : vector<256x64xf32>
    %max3A_1131 = arith.constant 0.000000e+00 : f32
    %max3A_1132 = vector.broadcast %max3A_1131 : f32 to vector<256x64xf32>
    %max3A_1133 = arith.maximumf %add3A_1130, %max3A_1132 : vector<256x64xf32>
    %get3A_1134 = arith.constant 0 : index
    %get3A_1135 = arith.constant 56 : index
    %get3A_1136 = vector.load %arg1[%get3A_1134, %get3A_1135] : memref<256x128xf32, #tpu.memory_space<vmem>>, vector<256x1xf32>
    %mul3A_1137 = vector.broadcast %get3A_1136 : vector<256x1xf32> to vector<256x64xf32>
    %mul3A_1138 = arith.mulf %mul3A_1137, %max3A_1133 : vector<256x64xf32>
    %add3A_1139 = arith.addf %add3A_1119, %mul3A_1138 : vector<256x64xf32>
    %get3A_1140 = arith.constant 57 : index
    %get3A_1141 = arith.constant 0 : index
    %get3A_1142 = vector.load %arg3[%get3A_1140, %get3A_1141] : memref<64x64xf32, #tpu.memory_space<vmem>>, vector<1x64xf32>
    %mul3A_1143 = vector.broadcast %get3A_1 : vector<256x1xf32> to vector<256x64xf32>
    %mul3A_1144 = vector.broadcast %get3A_1142 : vector<1x64xf32> to vector<256x64xf32>
    %mul3A_1145 = arith.mulf %mul3A_1143, %mul3A_1144 : vector<256x64xf32>
    %get3A_1146 = arith.constant 57 : index
    %get3A_1147 = arith.constant 0 : index
    %get3A_1148 = vector.load %arg4[%get3A_1146, %get3A_1147] : memref<64x64xf32, #tpu.memory_space<vmem>>, vector<1x64xf32>
    %add3A_1149 = vector.broadcast %get3A_1148 : vector<1x64xf32> to vector<256x64xf32>
    %add3A_1150 = arith.addf %mul3A_1145, %add3A_1149 : vector<256x64xf32>
    %max3A_1151 = arith.constant 0.000000e+00 : f32
    %max3A_1152 = vector.broadcast %max3A_1151 : f32 to vector<256x64xf32>
    %max3A_1153 = arith.maximumf %add3A_1150, %max3A_1152 : vector<256x64xf32>
    %get3A_1154 = arith.constant 0 : index
    %get3A_1155 = arith.constant 57 : index
    %get3A_1156 = vector.load %arg1[%get3A_1154, %get3A_1155] : memref<256x128xf32, #tpu.memory_space<vmem>>, vector<256x1xf32>
    %mul3A_1157 = vector.broadcast %get3A_1156 : vector<256x1xf32> to vector<256x64xf32>
    %mul3A_1158 = arith.mulf %mul3A_1157, %max3A_1153 : vector<256x64xf32>
    %add3A_1159 = arith.addf %add3A_1139, %mul3A_1158 : vector<256x64xf32>
    %get3A_1160 = arith.constant 58 : index
    %get3A_1161 = arith.constant 0 : index
    %get3A_1162 = vector.load %arg3[%get3A_1160, %get3A_1161] : memref<64x64xf32, #tpu.memory_space<vmem>>, vector<1x64xf32>
    %mul3A_1163 = vector.broadcast %get3A_1 : vector<256x1xf32> to vector<256x64xf32>
    %mul3A_1164 = vector.broadcast %get3A_1162 : vector<1x64xf32> to vector<256x64xf32>
    %mul3A_1165 = arith.mulf %mul3A_1163, %mul3A_1164 : vector<256x64xf32>
    %get3A_1166 = arith.constant 58 : index
    %get3A_1167 = arith.constant 0 : index
    %get3A_1168 = vector.load %arg4[%get3A_1166, %get3A_1167] : memref<64x64xf32, #tpu.memory_space<vmem>>, vector<1x64xf32>
    %add3A_1169 = vector.broadcast %get3A_1168 : vector<1x64xf32> to vector<256x64xf32>
    %add3A_1170 = arith.addf %mul3A_1165, %add3A_1169 : vector<256x64xf32>
    %max3A_1171 = arith.constant 0.000000e+00 : f32
    %max3A_1172 = vector.broadcast %max3A_1171 : f32 to vector<256x64xf32>
    %max3A_1173 = arith.maximumf %add3A_1170, %max3A_1172 : vector<256x64xf32>
    %get3A_1174 = arith.constant 0 : index
    %get3A_1175 = arith.constant 58 : index
    %get3A_1176 = vector.load %arg1[%get3A_1174, %get3A_1175] : memref<256x128xf32, #tpu.memory_space<vmem>>, vector<256x1xf32>
    %mul3A_1177 = vector.broadcast %get3A_1176 : vector<256x1xf32> to vector<256x64xf32>
    %mul3A_1178 = arith.mulf %mul3A_1177, %max3A_1173 : vector<256x64xf32>
    %add3A_1179 = arith.addf %add3A_1159, %mul3A_1178 : vector<256x64xf32>
    %get3A_1180 = arith.constant 59 : index
    %get3A_1181 = arith.constant 0 : index
    %get3A_1182 = vector.load %arg3[%get3A_1180, %get3A_1181] : memref<64x64xf32, #tpu.memory_space<vmem>>, vector<1x64xf32>
    %mul3A_1183 = vector.broadcast %get3A_1 : vector<256x1xf32> to vector<256x64xf32>
    %mul3A_1184 = vector.broadcast %get3A_1182 : vector<1x64xf32> to vector<256x64xf32>
    %mul3A_1185 = arith.mulf %mul3A_1183, %mul3A_1184 : vector<256x64xf32>
    %get3A_1186 = arith.constant 59 : index
    %get3A_1187 = arith.constant 0 : index
    %get3A_1188 = vector.load %arg4[%get3A_1186, %get3A_1187] : memref<64x64xf32, #tpu.memory_space<vmem>>, vector<1x64xf32>
    %add3A_1189 = vector.broadcast %get3A_1188 : vector<1x64xf32> to vector<256x64xf32>
    %add3A_1190 = arith.addf %mul3A_1185, %add3A_1189 : vector<256x64xf32>
    %max3A_1191 = arith.constant 0.000000e+00 : f32
    %max3A_1192 = vector.broadcast %max3A_1191 : f32 to vector<256x64xf32>
    %max3A_1193 = arith.maximumf %add3A_1190, %max3A_1192 : vector<256x64xf32>
    %get3A_1194 = arith.constant 0 : index
    %get3A_1195 = arith.constant 59 : index
    %get3A_1196 = vector.load %arg1[%get3A_1194, %get3A_1195] : memref<256x128xf32, #tpu.memory_space<vmem>>, vector<256x1xf32>
    %mul3A_1197 = vector.broadcast %get3A_1196 : vector<256x1xf32> to vector<256x64xf32>
    %mul3A_1198 = arith.mulf %mul3A_1197, %max3A_1193 : vector<256x64xf32>
    %add3A_1199 = arith.addf %add3A_1179, %mul3A_1198 : vector<256x64xf32>
    %get3A_1200 = arith.constant 60 : index
    %get3A_1201 = arith.constant 0 : index
    %get3A_1202 = vector.load %arg3[%get3A_1200, %get3A_1201] : memref<64x64xf32, #tpu.memory_space<vmem>>, vector<1x64xf32>
    %mul3A_1203 = vector.broadcast %get3A_1 : vector<256x1xf32> to vector<256x64xf32>
    %mul3A_1204 = vector.broadcast %get3A_1202 : vector<1x64xf32> to vector<256x64xf32>
    %mul3A_1205 = arith.mulf %mul3A_1203, %mul3A_1204 : vector<256x64xf32>
    %get3A_1206 = arith.constant 60 : index
    %get3A_1207 = arith.constant 0 : index
    %get3A_1208 = vector.load %arg4[%get3A_1206, %get3A_1207] : memref<64x64xf32, #tpu.memory_space<vmem>>, vector<1x64xf32>
    %add3A_1209 = vector.broadcast %get3A_1208 : vector<1x64xf32> to vector<256x64xf32>
    %add3A_1210 = arith.addf %mul3A_1205, %add3A_1209 : vector<256x64xf32>
    %max3A_1211 = arith.constant 0.000000e+00 : f32
    %max3A_1212 = vector.broadcast %max3A_1211 : f32 to vector<256x64xf32>
    %max3A_1213 = arith.maximumf %add3A_1210, %max3A_1212 : vector<256x64xf32>
    %get3A_1214 = arith.constant 0 : index
    %get3A_1215 = arith.constant 60 : index
    %get3A_1216 = vector.load %arg1[%get3A_1214, %get3A_1215] : memref<256x128xf32, #tpu.memory_space<vmem>>, vector<256x1xf32>
    %mul3A_1217 = vector.broadcast %get3A_1216 : vector<256x1xf32> to vector<256x64xf32>
    %mul3A_1218 = arith.mulf %mul3A_1217, %max3A_1213 : vector<256x64xf32>
    %add3A_1219 = arith.addf %add3A_1199, %mul3A_1218 : vector<256x64xf32>
    %get3A_1220 = arith.constant 61 : index
    %get3A_1221 = arith.constant 0 : index
    %get3A_1222 = vector.load %arg3[%get3A_1220, %get3A_1221] : memref<64x64xf32, #tpu.memory_space<vmem>>, vector<1x64xf32>
    %mul3A_1223 = vector.broadcast %get3A_1 : vector<256x1xf32> to vector<256x64xf32>
    %mul3A_1224 = vector.broadcast %get3A_1222 : vector<1x64xf32> to vector<256x64xf32>
    %mul3A_1225 = arith.mulf %mul3A_1223, %mul3A_1224 : vector<256x64xf32>
    %get3A_1226 = arith.constant 61 : index
    %get3A_1227 = arith.constant 0 : index
    %get3A_1228 = vector.load %arg4[%get3A_1226, %get3A_1227] : memref<64x64xf32, #tpu.memory_space<vmem>>, vector<1x64xf32>
    %add3A_1229 = vector.broadcast %get3A_1228 : vector<1x64xf32> to vector<256x64xf32>
    %add3A_1230 = arith.addf %mul3A_1225, %add3A_1229 : vector<256x64xf32>
    %max3A_1231 = arith.constant 0.000000e+00 : f32
    %max3A_1232 = vector.broadcast %max3A_1231 : f32 to vector<256x64xf32>
    %max3A_1233 = arith.maximumf %add3A_1230, %max3A_1232 : vector<256x64xf32>
    %get3A_1234 = arith.constant 0 : index
    %get3A_1235 = arith.constant 61 : index
    %get3A_1236 = vector.load %arg1[%get3A_1234, %get3A_1235] : memref<256x128xf32, #tpu.memory_space<vmem>>, vector<256x1xf32>
    %mul3A_1237 = vector.broadcast %get3A_1236 : vector<256x1xf32> to vector<256x64xf32>
    %mul3A_1238 = arith.mulf %mul3A_1237, %max3A_1233 : vector<256x64xf32>
    %add3A_1239 = arith.addf %add3A_1219, %mul3A_1238 : vector<256x64xf32>
    %get3A_1240 = arith.constant 62 : index
    %get3A_1241 = arith.constant 0 : index
    %get3A_1242 = vector.load %arg3[%get3A_1240, %get3A_1241] : memref<64x64xf32, #tpu.memory_space<vmem>>, vector<1x64xf32>
    %mul3A_1243 = vector.broadcast %get3A_1 : vector<256x1xf32> to vector<256x64xf32>
    %mul3A_1244 = vector.broadcast %get3A_1242 : vector<1x64xf32> to vector<256x64xf32>
    %mul3A_1245 = arith.mulf %mul3A_1243, %mul3A_1244 : vector<256x64xf32>
    %get3A_1246 = arith.constant 62 : index
    %get3A_1247 = arith.constant 0 : index
    %get3A_1248 = vector.load %arg4[%get3A_1246, %get3A_1247] : memref<64x64xf32, #tpu.memory_space<vmem>>, vector<1x64xf32>
    %add3A_1249 = vector.broadcast %get3A_1248 : vector<1x64xf32> to vector<256x64xf32>
    %add3A_1250 = arith.addf %mul3A_1245, %add3A_1249 : vector<256x64xf32>
    %max3A_1251 = arith.constant 0.000000e+00 : f32
    %max3A_1252 = vector.broadcast %max3A_1251 : f32 to vector<256x64xf32>
    %max3A_1253 = arith.maximumf %add3A_1250, %max3A_1252 : vector<256x64xf32>
    %get3A_1254 = arith.constant 0 : index
    %get3A_1255 = arith.constant 62 : index
    %get3A_1256 = vector.load %arg1[%get3A_1254, %get3A_1255] : memref<256x128xf32, #tpu.memory_space<vmem>>, vector<256x1xf32>
    %mul3A_1257 = vector.broadcast %get3A_1256 : vector<256x1xf32> to vector<256x64xf32>
    %mul3A_1258 = arith.mulf %mul3A_1257, %max3A_1253 : vector<256x64xf32>
    %add3A_1259 = arith.addf %add3A_1239, %mul3A_1258 : vector<256x64xf32>
    %get3A_1260 = arith.constant 63 : index
    %get3A_1261 = arith.constant 0 : index
    %get3A_1262 = vector.load %arg3[%get3A_1260, %get3A_1261] : memref<64x64xf32, #tpu.memory_space<vmem>>, vector<1x64xf32>
    %mul3A_1263 = vector.broadcast %get3A_1 : vector<256x1xf32> to vector<256x64xf32>
    %mul3A_1264 = vector.broadcast %get3A_1262 : vector<1x64xf32> to vector<256x64xf32>
    %mul3A_1265 = arith.mulf %mul3A_1263, %mul3A_1264 : vector<256x64xf32>
    %get3A_1266 = arith.constant 63 : index
    %get3A_1267 = arith.constant 0 : index
    %get3A_1268 = vector.load %arg4[%get3A_1266, %get3A_1267] : memref<64x64xf32, #tpu.memory_space<vmem>>, vector<1x64xf32>
    %add3A_1269 = vector.broadcast %get3A_1268 : vector<1x64xf32> to vector<256x64xf32>
    %add3A_1270 = arith.addf %mul3A_1265, %add3A_1269 : vector<256x64xf32>
    %max3A_1271 = arith.constant 0.000000e+00 : f32
    %max3A_1272 = vector.broadcast %max3A_1271 : f32 to vector<256x64xf32>
    %max3A_1273 = arith.maximumf %add3A_1270, %max3A_1272 : vector<256x64xf32>
    %get3A_1274 = arith.constant 0 : index
    %get3A_1275 = arith.constant 63 : index
    %get3A_1276 = vector.load %arg1[%get3A_1274, %get3A_1275] : memref<256x128xf32, #tpu.memory_space<vmem>>, vector<256x1xf32>
    %mul3A_1277 = vector.broadcast %get3A_1276 : vector<256x1xf32> to vector<256x64xf32>
    %mul3A_1278 = arith.mulf %mul3A_1277, %max3A_1273 : vector<256x64xf32>
    %add3A_1279 = arith.addf %add3A_1259, %mul3A_1278 : vector<256x64xf32>
    %swap3A = arith.constant 0 : index
    %swap3A_1280 = arith.constant 0 : index
    %swap3A_1281 = vector.load %arg5[%swap3A, %swap3A_1280] : memref<256x64xf32, #tpu.memory_space<vmem>>, vector<256x64xf32>
    tpu.vector_store %arg5[%swap3A, %swap3A_1280], %add3A_1279 {strides = array<i32>} : memref<256x64xf32, #tpu.memory_space<vmem>>, vector<256x64xf32>,
    return
  }
  func.func @transform_0(%arg0: i32) -> (i32, i32) {
    %c0_i32 = arith.constant 0 : i32
    %c0_i32_0 = arith.constant 0 : i32
    return %arg0, %c0_i32 : i32, i32
  }
  func.func @transform_1(%arg0: i32) -> (i32, i32) {
    %c0_i32 = arith.constant 0 : i32
    %c0_i32_0 = arith.constant 0 : i32
    return %arg0, %c0_i32 : i32, i32
  }
  func.func @transform_2(%arg0: i32) -> (i32, i32) {
    %c0_i32 = arith.constant 0 : i32
    %c0_i32_0 = arith.constant 0 : i32
    %c0_i32_1 = arith.constant 0 : i32
    return %c0_i32, %c0_i32_0 : i32, i32
  }
  func.func @transform_3(%arg0: i32) -> (i32, i32) {
    %c0_i32 = arith.constant 0 : i32
    %c0_i32_0 = arith.constant 0 : i32
    %c0_i32_1 = arith.constant 0 : i32
    return %c0_i32, %c0_i32_0 : i32, i32
  }
  func.func @transform_4(%arg0: i32) -> (i32, i32) {
    %c0_i32 = arith.constant 0 : i32
    %c0_i32_0 = arith.constant 0 : i32
    return %arg0, %c0_i32 : i32, i32
  }
}

module attributes {stable_mosaic.version = 14 : i64} {
  func.func @body(%arg0: i32, %arg1: i32, %arg2: memref<1x512xi32, #tpu.memory_space<vmem>>, %arg3: memref<512x64xf32, #tpu.memory_space<vmem>>, %arg4: memref<1280x64xf32, #tpu.memory_space<vmem>>) attributes {dimension_semantics = [#tpu.dimension_semantics<arbitrary>, #tpu.dimension_semantics<arbitrary>], iteration_bounds = array<i64: 8, 320>, scalar_prefetch = 0 : i64, scratch_operands = 0 : i64, tpu.core_type = #tpu.core_type<tc>, window_params = [{transform_indices = @transform_0, window_bounds = array<i64: 1, 512>}, {transform_indices = @transform_1, window_bounds = array<i64: 512, 64>}, {transform_indices = @transform_2, window_bounds = array<i64: 1280, 64>}]} {
    %eq3A = arith.constant 0 : i32
    %eq3A_0 = arith.cmpi eq, %arg1, %eq3A : i32
    %convert_element_type3A = arith.extui %eq3A_0 : i1 to i32
    %cond3A = arith.constant 0 : i32
    %cond3A_1 = arith.cmpi ne, %convert_element_type3A, %cond3A : i32
    scf.if %cond3A_1 {
      %broadcast_in_dim3A = arith.constant 0.000000e+00 : f32
      %broadcast_in_dim3A_22 = vector.broadcast %broadcast_in_dim3A : f32 to vector<1280x64xf32>
      %swap3A_23 = arith.constant 0 : index
      %swap3A_24 = arith.constant 0 : index
      %swap3A_25 = vector.load %arg4[%swap3A_23, %swap3A_24] : memref<1280x64xf32, #tpu.memory_space<vmem>>, vector<1280x64xf32>
      tpu.vector_store %arg4[%swap3A_23, %swap3A_24], %broadcast_in_dim3A_22 {strides = array<i32>} : memref<1280x64xf32, #tpu.memory_space<vmem>>, vector<1280x64xf32>,
    } else {
    }
    %iota3A = tpu.iota {dimensions = array<i32: 0>} : vector<1280x512xi32>
    %mul3A = arith.constant 1280 : i32
    %mul3A_2 = arith.muli %arg0, %mul3A : i32
    %add3A = vector.broadcast %mul3A_2 : i32 to vector<1280x512xi32>
    %add3A_3 = arith.addi %iota3A, %add3A : vector<1280x512xi32>
    %get3A = arith.constant 0 : index
    %get3A_4 = arith.constant 0 : index
    %get3A_5 = vector.load %arg2[%get3A, %get3A_4] : memref<1x512xi32, #tpu.memory_space<vmem>>, vector<1x512xi32>
    %eq3A_6 = vector.broadcast %get3A_5 : vector<1x512xi32> to vector<1280x512xi32>
    %eq3A_7 = arith.cmpi eq, %eq3A_6, %add3A_3 : vector<1280x512xi32>
    %convert_element_type3A_8 = arith.extui %eq3A_7 : vector<1280x512xi1> to vector<1280x512xi32>
    %convert_element_type3A_9 = arith.sitofp %convert_element_type3A_8 : vector<1280x512xi32> to vector<1280x512xf32>
    %convert_element_type3A_10 = arith.truncf %convert_element_type3A_9 : vector<1280x512xf32> to vector<1280x512xbf16>
    %get3A_11 = arith.constant 0 : index
    %get3A_12 = arith.constant 0 : index
    %get3A_13 = vector.load %arg4[%get3A_11, %get3A_12] : memref<1280x64xf32, #tpu.memory_space<vmem>>, vector<1280x64xf32>
    %get3A_14 = arith.constant 0 : index
    %get3A_15 = arith.constant 0 : index
    %get3A_16 = vector.load %arg3[%get3A_14, %get3A_15] : memref<512x64xf32, #tpu.memory_space<vmem>>, vector<512x64xf32>
    %convert_element_type3A_17 = arith.truncf %get3A_16 : vector<512x64xf32> to vector<512x64xbf16>
    %dot_general3A = arith.constant dense<0.000000e+00> : vector<1280x64xf32>
    %dot_general3A_18 = tpu.matmul %convert_element_type3A_10, %convert_element_type3A_17, %dot_general3A {dimension_numbers = #tpu.dot_dimension_numbers<[1], [0], [0], [1], [0, 0, 1, 1], [], []>, transpose_lhs_hint = false} : vector<1280x512xbf16>, vector<512x64xbf16>, vector<1280x64xf32> -> vector<1280x64xf32>
    %add3A_19 = arith.addf %get3A_13, %dot_general3A_18 : vector<1280x64xf32>
    %swap3A = arith.constant 0 : index
    %swap3A_20 = arith.constant 0 : index
    %swap3A_21 = vector.load %arg4[%swap3A, %swap3A_20] : memref<1280x64xf32, #tpu.memory_space<vmem>>, vector<1280x64xf32>
    tpu.vector_store %arg4[%swap3A, %swap3A_20], %add3A_19 {strides = array<i32>} : memref<1280x64xf32, #tpu.memory_space<vmem>>, vector<1280x64xf32>,
    return
  }
  func.func @transform_0(%arg0: i32, %arg1: i32) -> (i32, i32) {
    %c0_i32 = arith.constant 0 : i32
    %c0_i32_0 = arith.constant 0 : i32
    return %c0_i32, %arg1 : i32, i32
  }
  func.func @transform_1(%arg0: i32, %arg1: i32) -> (i32, i32) {
    %c0_i32 = arith.constant 0 : i32
    %c0_i32_0 = arith.constant 0 : i32
    return %arg1, %c0_i32 : i32, i32
  }
  func.func @transform_2(%arg0: i32, %arg1: i32) -> (i32, i32) {
    %c0_i32 = arith.constant 0 : i32
    %c0_i32_0 = arith.constant 0 : i32
    return %arg0, %c0_i32 : i32, i32
  }
}

module attributes {stable_mosaic.version = 14 : i64} {
  func.func @body(%arg0: i32, %arg1: memref<400x64xf32, #tpu.memory_space<vmem>>, %arg2: memref<64x64xf32, #tpu.memory_space<vmem>>, %arg3: memref<400x64xf32, #tpu.memory_space<vmem>>, %arg4: memref<400x16xf32, #tpu.memory_space<vmem>>, %arg5: memref<1x64xf32, #tpu.memory_space<vmem>>, %arg6: memref<400x64xf32, #tpu.memory_space<vmem>>) attributes {dimension_semantics = [#tpu.dimension_semantics<arbitrary>], iteration_bounds = array<i64: 25>, scalar_prefetch = 0 : i64, scratch_operands = 0 : i64, tpu.core_type = #tpu.core_type<tc>, window_params = [{transform_indices = @transform_0, window_bounds = array<i64: 400, 64>}, {pipeline_mode = #tpu.pipeline_mode<synchronous>, transform_indices = @transform_1, window_bounds = array<i64: 64, 64>}, {transform_indices = @transform_2, window_bounds = array<i64: 400, 64>}, {transform_indices = @transform_3, window_bounds = array<i64: 400, 16>}, {pipeline_mode = #tpu.pipeline_mode<synchronous>, transform_indices = @transform_4, window_bounds = array<i64: 1, 64>}, {transform_indices = @transform_5, window_bounds = array<i64: 400, 64>}]} {
    %get3A = arith.constant 0 : index
    %get3A_0 = arith.constant 0 : index
    %get3A_1 = vector.load %arg4[%get3A, %get3A_0] : memref<400x16xf32, #tpu.memory_space<vmem>>, vector<400x1xf32>
    %get3A_2 = arith.constant 0 : index
    %get3A_3 = arith.constant 0 : index
    %get3A_4 = vector.load %arg1[%get3A_2, %get3A_3] : memref<400x64xf32, #tpu.memory_space<vmem>>, vector<400x64xf32>
    %get3A_5 = arith.constant 0 : index
    %get3A_6 = arith.constant 0 : index
    %get3A_7 = vector.load %arg2[%get3A_5, %get3A_6] : memref<64x64xf32, #tpu.memory_space<vmem>>, vector<64x64xf32>
    %dot_general3A = arith.constant dense<0.000000e+00> : vector<400x64xf32>
    %dot_general3A_8 = tpu.matmul %get3A_4, %get3A_7, %dot_general3A {dimension_numbers = #tpu.dot_dimension_numbers<[1], [0], [0], [1], [0, 0, 1, 1], [], []>, transpose_lhs_hint = false} : vector<400x64xf32>, vector<64x64xf32>, vector<400x64xf32> -> vector<400x64xf32>
    %get3A_9 = arith.constant 0 : index
    %get3A_10 = arith.constant 0 : index
    %get3A_11 = vector.load %arg3[%get3A_9, %get3A_10] : memref<400x64xf32, #tpu.memory_space<vmem>>, vector<400x64xf32>
    %max3A = arith.constant 1.000000e+00 : f32
    %max3A_12 = vector.broadcast %max3A : f32 to vector<400x1xf32>
    %max3A_13 = arith.maximumf %get3A_1, %max3A_12 : vector<400x1xf32>
    %div3A = vector.broadcast %max3A_13 : vector<400x1xf32> to vector<400x64xf32>
    %div3A_14 = arith.divf %get3A_11, %div3A : vector<400x64xf32>
    %add3A = arith.addf %dot_general3A_8, %div3A_14 : vector<400x64xf32>
    %get3A_15 = arith.constant 0 : index
    %get3A_16 = arith.constant 0 : index
    %get3A_17 = vector.load %arg5[%get3A_15, %get3A_16] : memref<1x64xf32, #tpu.memory_space<vmem>>, vector<1x64xf32>
    %add3A_18 = vector.broadcast %get3A_17 : vector<1x64xf32> to vector<400x64xf32>
    %add3A_19 = arith.addf %add3A, %add3A_18 : vector<400x64xf32>
    %max3A_20 = arith.constant 0.000000e+00 : f32
    %max3A_21 = vector.broadcast %max3A_20 : f32 to vector<400x64xf32>
    %max3A_22 = arith.maximumf %add3A_19, %max3A_21 : vector<400x64xf32>
    %swap3A = arith.constant 0 : index
    %swap3A_23 = arith.constant 0 : index
    %swap3A_24 = vector.load %arg6[%swap3A, %swap3A_23] : memref<400x64xf32, #tpu.memory_space<vmem>>, vector<400x64xf32>
    tpu.vector_store %arg6[%swap3A, %swap3A_23], %max3A_22 {strides = array<i32>} : memref<400x64xf32, #tpu.memory_space<vmem>>, vector<400x64xf32>,
    return
  }
  func.func @transform_0(%arg0: i32) -> (i32, i32) {
    %c0_i32 = arith.constant 0 : i32
    %c0_i32_0 = arith.constant 0 : i32
    return %arg0, %c0_i32 : i32, i32
  }
  func.func @transform_1(%arg0: i32) -> (i32, i32) {
    %c0_i32 = arith.constant 0 : i32
    %c0_i32_0 = arith.constant 0 : i32
    %c0_i32_1 = arith.constant 0 : i32
    return %c0_i32, %c0_i32_0 : i32, i32
  }
  func.func @transform_2(%arg0: i32) -> (i32, i32) {
    %c0_i32 = arith.constant 0 : i32
    %c0_i32_0 = arith.constant 0 : i32
    return %arg0, %c0_i32 : i32, i32
  }
  func.func @transform_3(%arg0: i32) -> (i32, i32) {
    %c0_i32 = arith.constant 0 : i32
    %c0_i32_0 = arith.constant 0 : i32
    return %arg0, %c0_i32 : i32, i32
  }
  func.func @transform_4(%arg0: i32) -> (i32, i32) {
    %c0_i32 = arith.constant 0 : i32
    %c0_i32_0 = arith.constant 0 : i32
    %c0_i32_1 = arith.constant 0 : i32
    return %c0_i32, %c0_i32_0 : i32, i32
  }
  func.func @transform_5(%arg0: i32) -> (i32, i32) {
    %c0_i32 = arith.constant 0 : i32
    %c0_i32_0 = arith.constant 0 : i32
    return %arg0, %c0_i32 : i32, i32
  }
}

module attributes {stable_mosaic.version = 14 : i64} {
  func.func @body(%arg0: memref<10000x64xf32, #tpu.memory_space<vmem>>, %arg1: memref<10000x1xi32, #tpu.memory_space<vmem>>, %arg2: memref<16x64xf32, #tpu.memory_space<vmem>>) attributes {dimension_semantics = [], scalar_prefetch = 0 : i64, scratch_operands = 0 : i64, tpu.core_type = #tpu.core_type<tc>} {
    %get3A = arith.constant 0 : index
    %get3A_0 = arith.constant 0 : index
    %get3A_1 = vector.load %arg1[%get3A, %get3A_0] : memref<10000x1xi32, #tpu.memory_space<vmem>>, vector<10000x1xi32>
    %iota3A = tpu.iota {dimensions = array<i32: 1>} : vector<1x16xi32>
    %eq3A = vector.broadcast %get3A_1 : vector<10000x1xi32> to vector<10000x16xi32>
    %eq3A_2 = vector.broadcast %iota3A : vector<1x16xi32> to vector<10000x16xi32>
    %eq3A_3 = arith.cmpi eq, %eq3A, %eq3A_2 : vector<10000x16xi32>
    %convert_element_type3A = arith.extui %eq3A_3 : vector<10000x16xi1> to vector<10000x16xi32>
    %convert_element_type3A_4 = arith.sitofp %convert_element_type3A : vector<10000x16xi32> to vector<10000x16xf32>
    %get3A_5 = arith.constant 0 : index
    %get3A_6 = arith.constant 0 : index
    %get3A_7 = vector.load %arg0[%get3A_5, %get3A_6] : memref<10000x64xf32, #tpu.memory_space<vmem>>, vector<10000x64xf32>
    %dot_general3A = arith.constant dense<0.000000e+00> : vector<16x64xf32>
    %dot_general3A_8 = tpu.matmul %convert_element_type3A_4, %get3A_7, %dot_general3A {dimension_numbers = #tpu.dot_dimension_numbers<[0], [0], [1], [1], [0, 1, 1, 1], [], []>, transpose_lhs_hint = false} : vector<10000x16xf32>, vector<10000x64xf32>, vector<16x64xf32> -> vector<16x64xf32>
    %broadcast_in_dim3A = arith.constant 1.000000e+00 : f32
    %broadcast_in_dim3A_9 = vector.broadcast %broadcast_in_dim3A : f32 to vector<10000x1xf32>
    %dot_general3A_10 = arith.constant dense<0.000000e+00> : vector<16x1xf32>
    %dot_general3A_11 = tpu.matmul %convert_element_type3A_4, %broadcast_in_dim3A_9, %dot_general3A_10 {dimension_numbers = #tpu.dot_dimension_numbers<[0], [0], [1], [1], [0, 1, 1, 1], [], []>, transpose_lhs_hint = false} : vector<10000x16xf32>, vector<10000x1xf32>, vector<16x1xf32> -> vector<16x1xf32>
    %max3A = arith.constant 1.000000e+00 : f32
    %max3A_12 = vector.broadcast %max3A : f32 to vector<16x1xf32>
    %max3A_13 = arith.maximumf %dot_general3A_11, %max3A_12 : vector<16x1xf32>
    %div3A = vector.broadcast %max3A_13 : vector<16x1xf32> to vector<16x64xf32>
    %div3A_14 = arith.divf %dot_general3A_8, %div3A : vector<16x64xf32>
    %swap3A = arith.constant 0 : index
    %swap3A_15 = arith.constant 0 : index
    %swap3A_16 = vector.load %arg2[%swap3A, %swap3A_15] : memref<16x64xf32, #tpu.memory_space<vmem>>, vector<16x64xf32>
    tpu.vector_store %arg2[%swap3A, %swap3A_15], %div3A_14 {strides = array<i32>} : memref<16x64xf32, #tpu.memory_space<vmem>>, vector<16x64xf32>,
    return
  }
}

</mosaic_0001>

<sc_bundles>
// kernel: kernel.11.cloned.1.call-start
scs
__scs_entry_jumppad:
0x0: {  	(pc) =	sbr.rel $0x88, $3  }
0x1: {  	(tag) =	ssettag $0x0;
	lr =	simm.s32 $0x1  }
0x2: {  	[smem:$0x3F95] =	sst lr;
	_ =	strace $0xD0000000  }
0x3: {  	_ = 	snop  }
0x4: {  	_ = 	snop  }
0x5: {  	_ = 	snop  }
0x6: {  	_ = 	snop  }
0x7: {  	_ = 	snop  }
__scs_overlays_trampoline_lowered:
0x8: {  	[smem:$0x3FA4] =	sst s0  }
0x9: {  	[smem:$0x3FA5] =	sst s1  }
0xa: {  	[smem:$0x3FA6] =	sst s2  }
0xb: {  	[smem:$0x3FA7] =	sst s3  }
0xc: {  	[smem:$0x3FA8] =	sst s4  }
0xd: {  	[smem:$0x3FA9] =	sst s5  }
0xe: {  	[smem:$0x3FAA] =	sst s6  }
0xf: {  	[smem:$0x3FAB] =	sst s7  }
0x10: {  	[smem:$0x3FAC] =	sst s8  }
0x11: {  	[smem:$0x3FAD] =	sst s9;
	s0 =	simm.s32 @!p0 $0x0  }
0x12: {  	s1 =	sld [smem:$0x3F93];
	s0 =	simm.s32 @p0 $0x1  }
0x13: {  	[smem:$0x3FAE] =	sst s0;
	s0 =	simm.s32 @!p1 $0x0  }
0x14: {  	s2 =	sld [smem:$0x3F92];
	s0 =	simm.s32 @p1 $0x1  }
0x15: {  	[smem:$0x3FAF] =	sst s0;
	s0 =	simm.s32 @!p2 $0x0  }
0x16: {  	s3 =	sld [smem:$0x3FDB];
	s0 =	simm.s32 @p2 $0x1  }
0x17: {  	s4 =	simm.s32 $0x1BF5;
	[smem:$0x3FB1] =	sst s0  }
0x18: {  	s0 =	sld [smem:$0x3F94];
	_ =	swait.ge [sflag:s4], $0x0  }
0x19: {  	s7 =	sld [smem:$0x3F95]  }
0x1a: {  	s8 =	sadd.s32 $0xFFFFE003, lr  }
0x1b: {  	s9 =	sadd.s32 $0xFFFFFEF7, lr;
	s5 =	simm.s32 $0xFFFFFFFF;
	p2 =	slt.u32 s8, $0xFFFFF086  }
0x1c: {  	p1 =	slt.u32 s9, $0xF7A;
	s5 =	simm.s32 @!p2 $0x0  }
0x1d: {  	s5 =	simm.s32 @p1 $0x1;
	p0 =	seq.s32 s7, s2  }
0x1e: {  	s7 =	smul.u32 @!p0 $0xF7A, s2;
	p2 =	seq.s32 @!p0 s5, $0x0  }
0x1f: {  	s9 =	smul.u32 $0xF7A, s1;
	s8 =	simm.s32 @!p0 $0x1BF5;
	p2 =	por !p2, p0  }
0x20: {  	[sflag:s8] =	ssyncset.s32 @!p0 $0xFFFFF086;
	s6 =	sadd.s32 @!p0 s3, s7;
	s7 =	simm.s32 @!p0 $0x108  }
0x21: {  	s3 =	sadd.s32 s3, s9;
	s6 =	sadd.s32 @!p0 $0x88, s6;
	s7 =	simm.s32 @p2 $0x1082  }
0x22: {  	[simem:s7], [sflag:s8] =	dma.local @!p0 [hbm:s6], $0xF7A  }
0x23: {  	s9 =	sor.u32 $0xD0000000, s2;
	s6 =	simm.s32 $0x108;
	_ =	swait.ge @!p0 [sflag:s8], $0x0  }
0x24: {  	s3 =	sadd.s32 $0x88, s3;
	s6 =	simm.s32 @!p1 $0x1082;
	[sflag:s4] =	ssyncset.s32 $0xFFFFF086  }
0x25: {  	[simem:s6], [sflag:s4] =	dma.local [hbm:s3], $0xF7A  }
0x26: {  	[smem:$0x3F95] =	sst s1;
	(tag) =	ssettag s2;
	_ =	strace s9  }
0x27: {  	s1 =	sld [smem:$0x3FA5]  }
0x28: {  	s2 =	sld [smem:$0x3FA6]  }
0x29: {  	s4 =	sld [smem:$0x3FA8]  }
0x2a: {  	p0 =	seq.s32 s5, $0x0;
	s5 =	sld [smem:$0x3FA9]  }
0x2b: {  	s6 =	sld [smem:$0x3FAA]  }
0x2c: {  	s7 =	sld [smem:$0x3FAB]  }
0x2d: {  	s3 =	simm.s32 $0x108;
	s8 =	sld [smem:$0x3FAC]  }
0x2e: {  	s3 =	simm.s32 @!p0 $0x1082;
	s9 =	sld [smem:$0x3FAD]  }
0x2f: {  	lr =	sadd.s32 s0, s3;
	s0 =	sld [smem:$0x3FA4]  }
0x30: {  	s3 =	sld [smem:$0x3FA7]  }
0x31: {  	[smem:$0x3FB0] =	sst s10  }
0x32: {  	s10 =	sld [smem:$0x3FAE];
	_ =	sdelay $0x3  }
0x33: {  	p0 =	seq.s32 s10, $0x1;
	s10 =	sld [smem:$0x3FB0];
	_ =	sdelay $0x3  }
0x34: {  	[smem:$0x3FB0] =	sst s10  }
0x35: {  	s10 =	sld [smem:$0x3FAF];
	_ =	sdelay $0x3  }
0x36: {  	p1 =	seq.s32 s10, $0x1;
	s10 =	sld [smem:$0x3FB0];
	_ =	sdelay $0x3  }
0x37: {  	[smem:$0x3FB0] =	sst s10  }
0x38: {  	s10 =	sld [smem:$0x3FB1]  }
0x39: {  	_ = 	snop;
	(pc) =	sbr.ind lr, $3  }
0x3a: {  	_ = 	snop  }
0x3b: {  	_ = 	snop  }
0x3c: {  	p2 =	seq.s32 s10, $0x1;
	s10 =	sld [smem:$0x3FB0]  }
0x3d: {  	_ =	shalt  }
0x3e: {  	_ =	shalt  }
0x3f: {  	_ =	shalt  }
0x40: {  	_ =	shalt  }
0x41: {  	_ =	shalt  }
0x42: {  	_ =	shalt  }
0x43: {  	_ =	shalt  }
0x44: {  	_ =	shalt  }
0x45: {  	_ =	shalt  }
0x46: {  	_ =	shalt  }
0x47: {  	_ =	shalt  }
0x48: {  	_ =	shalt  }
0x49: {  	_ =	shalt  }
0x4a: {  	_ =	shalt  }
0x4b: {  	_ =	shalt  }
0x4c: {  	_ =	shalt  }
0x4d: {  	_ =	shalt  }
0x4e: {  	_ =	shalt  }
0x4f: {  	_ =	shalt  }
0x50: {  	_ =	shalt  }
0x51: {  	_ =	shalt  }
0x52: {  	_ =	shalt  }
0x53: {  	_ =	shalt  }
0x54: {  	_ =	shalt  }
0x55: {  	_ =	shalt  }
0x56: {  	_ =	shalt  }
0x57: {  	_ =	shalt  }
0x58: {  	_ =	shalt  }
0x59: {  	_ =	shalt  }
0x5a: {  	_ =	shalt  }
0x5b: {  	_ =	shalt  }
0x5c: {  	_ =	shalt  }
0x5d: {  	_ =	shalt  }
0x5e: {  	_ =	shalt  }
0x5f: {  	_ =	shalt  }
0x60: {  	_ =	shalt  }
0x61: {  	_ =	shalt  }
0x62: {  	_ =	shalt  }
0x63: {  	_ =	shalt  }
0x64: {  	_ =	shalt  }
0x65: {  	_ =	shalt  }
0x66: {  	_ =	shalt  }
0x67: {  	_ =	shalt  }
0x68: {  	_ =	shalt  }
0x69: {  	_ =	shalt  }
0x6a: {  	_ =	shalt  }
0x6b: {  	_ =	shalt  }
0x6c: {  	_ =	shalt  }
0x6d: {  	_ =	shalt  }
0x6e: {  	_ =	shalt  }
0x6f: {  	_ =	shalt  }
0x70: {  	_ =	shalt  }
0x71: {  	_ =	shalt  }
0x72: {  	_ =	shalt  }
0x73: {  	_ =	shalt  }
0x74: {  	_ =	shalt  }
0x75: {  	_ =	shalt  }
0x76: {  	_ =	shalt  }
0x77: {  	_ =	shalt  }
0x78: {  	_ =	shalt  }
0x79: {  	_ =	shalt  }
0x7a: {  	_ =	shalt  }
0x7b: {  	_ =	shalt  }
0x7c: {  	_ =	shalt  }
0x7d: {  	_ =	shalt  }
0x7e: {  	_ =	shalt  }
0x7f: {  	_ =	shalt  }
0x80: {  	_ =	shalt  }
0x81: {  	_ =	shalt  }
0x82: {  	_ =	shalt  }
0x83: {  	_ =	shalt  }
0x84: {  	_ =	shalt  }
0x85: {  	_ =	shalt  }
0x86: {  	_ =	shalt  }
0x87: {  	_ =	shalt  }
.Lfunc_end0:
.L_simem_size_0:
called_computation_lowered:
.L_overlay_start_0:
0x88: {  	s2 =	sld [smem:$0x3FD9]  }
0x89: {  	s3 =	sld [smem:$0x3FFE];
	_ =	sdelay $0x1  }
0x8a: {  	s1 =	srdreg.scid  }
0x8b: {  	s0 =	sand.u32 $0x1, s1  }
0x8c: {  	s17 =	sshll.u32 s0, $0xA;
	s2 =	sadd.s32 s3, s2  }
0x8d: {  	s2 =	sadd.s32 s2, s17  }
0x8e: {  	[smem:$0x3FBC] =	sst s2  }
0x8f: {  	_ = 	snop  }
0x90: {  	s2 =	sld [smem:$0x3FC9];
	(tm) =	ssettm $0x1  }
0x91: {  	s18 =	sld [smem:$0x3FFB];
	_ =	sdelay $0x3  }
0x92: {  	_ =	strace s18  }
0x93: {  	s3 =	sld [smem:$0x3FFC];
	_ =	sdelay $0x3  }
0x94: {  	_ =	strace s3  }
0x95: {  	s3 =	sld [smem:$0x3FFD];
	_ =	sdelay $0x3  }
0x96: {  	_ =	strace s3  }
0x97: {  	_ =	strace $0x8FFFFFFF  }
0x98: {  	s19 =	sld [smem:$0x3FDB];
	_ =	sdelay $0x1  }
0x99: {  	s4 =	simm.s32 $_scs_section_size  }
0x9a: {  	s5 =	simm.s32 $_size__tile_overlayer_lowered;
	s6 =	simm.s32 $_tile_overlayer_lowered  }
0x9b: {  	s22 =	simm.s32 $0x1BFF;
	s21 =	sshll.u32 s6, $0x1;
	s3 =	sadd.s32 s4, s19  }
0x9c: {  	s7 =	simm.s32 $0x0;
	s20 =	sshll.u32 s5, $0x1;
	s5 =	sadd.s32 s21, s3  }
0x9d: {  	[timem:s7], [sflag:s22] =	dma.local [hbm:s5], s20  }
0x9e: {  	_ =	swait.ge [sflag:s22], s20  }
0x9f: {  	s4 =	ssub.s32 $0x0, s20;
	[sflag:s22] =	ssyncset.done $0x0  }
0xa0: {  	[sflag:s22] =	ssyncadd.s32 s4;
	_ =	sdelay $0x1  }
0xa1: {  	s23 =	simm.s32 $0x1B8B  }
0xa2: {  	_ =	swait.ge [sflag:s23], $0x1  }
0xa3: {  	[sflag:s23] =	ssyncset.done $0x0  }
0xa4: {  	s25 =	simm.s32 $0x1B8E;
	s24 =	sld [smem:$0x3FFE];
	[sflag:s23] =	ssyncadd.s32 $0xFFFFFFFF  }
0xa5: {  	s26 =	simm.s32 $execute0_lowered;
	[smem:$0x3FD2] =	sst s25  }
0xa6: {  	s5 =	sshll.u32 s26, $0x1;
	_ =	strace $0x80000046;
	[dreg:$0x1] =	wrdreg $0xFFFFFFFF  }
0xa7: {  	s28 =	simm.s32 $_size_execute0_lowered;
	s3 =	sadd.s32 s3, s5;
	[dreg:$0x0] =	wrdreg $0x0  }
0xa8: {  	s5 =	sshll.u32 s28, $0x1;
	[dreg:$0x2] =	wrdreg s3  }
0xa9: {  	[dreg:$0x3] =	wrdreg s5  }
0xaa: {  	[dreg:$0x4] =	wrdreg $0xC0  }
0xab: {  	_ =	task [dreg:s7], $0x5FFFF  }
0xac: {  	[dreg:$0x1] =	wrdreg $0xFFFFFFFF  }
0xad: {  	[dreg:$0x0] =	wrdreg $0x60  }
0xae: {  	[dreg:$0x2] =	wrdreg s2  }
0xaf: {  	[dreg:$0x3] =	wrdreg s24  }
0xb0: {  	[dreg:$0x4] =	wrdreg $0x9  }
0xb1: {  	_ =	task.clear_ibuf [dreg:s7], $0x5FFFF;
	_ =	strace $0x90000046  }
0xb2: {  	s29 =	simm.s32 $0x9;
	_ =	strace $0x80000048  }
0xb3: {  	_ =	swait.ge [sflag:s29], $0x1  }
0xb4: {  	[sflag:s29] =	ssyncadd.s32 $0xFFFFFFFF  }
0xb5: {  	_ =	strace $0x90000048  }
0xb6: {  	_ =	sfence  }
0xb7: {  	s30 =	sld [smem:$0x0];
	_ =	sdelay $0x2  }
0xb8: {  	s31 =	sshll.u32 s1, $0xD;
	s1 =	sshrl.u32 s1, $0x2  }
0xb9: {  	s3 =	sand.u32 $0x4000, s31;
	s1 =	sadd.s32 s1, s30  }
0xba: {  	s0 =	sor.u32 s3, s0;
	s1 =	sshll.u32 s1, $0x11  }
0xbb: {  	s0 =	sor.u32 s1, s0  }
0xbc: {  	s0 =	sadd.s32 $0x8F2B, s0  }
0xbd: {  	[sflag:s0] =	ssyncadd.remote.s32 $0x1  }
0xbe: {  	_ =	sfence.sel $0xFFFF  }
0xbf: {  	[dreg:$0x0] =	wrdreg $0xFFFFFFFF;
	(pc) =	sbr.abs _section_cstart, $3  }
0xc0: {  	[dreg:$0x1] =	wrdreg $0xFFFFFFFF  }
0xc1: {  	_ =	task.clear_ibuf [dreg:s7], $0x2FFFF;
	_ =	strace $0x9FFFFFFF  }
0xc2: {  	(tm) =	ssettm $0x7FFFFFFF  }
0xc3: {  	_ =	shalt  }
tec
execute0_lowered:
.L_overlay_start_1:
0x0: {  	(tag) =	ssettag $0x1  }
0x1: {  	s1 =	srdreg.scid;
	s2 =	rddreg [dreg:$0x0]  }
0x2: {  	s0 =	stileid.u32;
	s5 =	rddreg [dreg:$0x1]  }
0x3: {  	s3 =	simm.s32 $0x0;
	s11 =	simm.s32 $0x0;
	s4 =	sand.u32 $0x1, s1  }
0x4: {  	s28 =	sshll.u32 s0, $0x1;
	s1 =	rddreg [dreg:$0x2];
	s7 =	smul.u32 $0x28000, s0  }
0x5: {  	[smem:$0x7FF] =	sst s3;
	s6 =	sor.u32 s4, s28;
	s10 =	smul.u32 $0x14000, s4  }
0x6: {  	s8 =	ssub.s32 $0x2, s4;
	_ =	strace $0x80000047;
	s6 =	smul.u32 $0x280, s6  }
0x7: {  	s9 =	sshrl.u32 s8, $0x1;
	s30 =	sadd.s32 s7, s5;
	s7 =	simm.s32 $0x2  }
0x8: {  	s31 =	ssub.s32 s8, s9;
	s8 =	simm.s32 $0x80;
	s9 =	simm.s32 $0x1400  }
0x9: {  	s29 =	sadd.s32 s6, s5;
	s5 =	smax.u32 s31, $0x1;
	s6 =	sadd.s32 s10, s30  }
0xa: {  	s10 =	simm.s32 $0x1;
	s4 =	sadd.s32 $0x2400, s29;
	s6 =	sadd.s32 $0x7400, s6  }
.LBB2_1:
0xb: {  	[tilespmem:s3], [sflag:$0x2] =	stream.linear.gather [hbm4b:s4+s3], $0x1400, $0x38;
	[tilespmem:$0x5400] =	vst v63  }
0xc: {  	_ =	swait.ge [sflag:s7], $0x1400  }
0xd: {  	[sflag:s7] =	ssyncset.done $0x0  }
0xe: {  	s12 =	simm.s32 $0x0;
	[sflag:s7] =	ssyncadd.s32 $0xFFFFEC00  }
0xf: {  	[tilespmem:s9], [sflag:$0x1] =	stream.indirect.gather [hbm4b:s2+s8], $0x80, s12, s8, $0xb8;
	[tilespmem:$0x5400] =	vst v63  }
0x10: {  	_ =	swait.ge [sflag:s10], $0x4000  }
0x11: {  	[sflag:s10] =	ssyncset.done $0x0  }
0x12: {  	[sflag:s10] =	ssyncadd.s32 $0xFFFFC000  }
0x13: {  	[hbm4b:s6+s3] =	stream.linear.scatter [tilespmem:s9], [sflag:$0x2], $0x4000, $0x38;
	[tilespmem:$0x5400] =	vst v63  }
0x14: {  	s13 =	simm.s32 $0x200;
	_ =	swait.ge [sflag:s7], $0x4000  }
0x15: {  	s14 =	simm.s32 $0x400;
	s12 =	sadd.s32 $0x800, s6;
	[sflag:s7] =	ssyncset.done $0x0  }
.LBB2_2:
0x16: {  	s15 =	sshra.s32 s13, $0x2  }
0x17: {  	[sflag:s7] =	ssyncadd.s32 $0xFFFFC000;
	s13 =	smov.u32 s14;
	s16 =	sadd.s32 $0x200, s14  }
0x18: {  	[tilespmem:s9], [sflag:$0x1] =	stream.indirect.gather [hbm4b:s2+s8], $0x80, s15, s8, $0xb8;
	[tilespmem:$0x5400] =	vst v63  }
0x19: {  	p0 =	sne.s32 s14, $0x4E00;
	_ =	swait.ge [sflag:s10], $0x4000  }
.Ltmp0:
0x1a: {  	[sflag:s10] =	ssyncset.done $0x0;
	(pc) =	sbr.rel @p0 .LBB2_2-.Ltmp0, $4  }
0x1b: {  	[sflag:s10] =	ssyncadd.s32 $0xFFFFC000  }
0x1c: {  	[hbm4b:s12+s3] =	stream.linear.scatter [tilespmem:s9], [sflag:$0x2], $0x4000, $0x38;
	[tilespmem:$0x5400] =	vst v63  }
0x1d: {  	_ =	swait.ge [sflag:s7], $0x4000  }
0x1e: {  	s14 =	smov.u32 s16;
	s12 =	sadd.s32 $0x800, s12;
	[sflag:s7] =	ssyncset.done $0x0  }
0x1f: {  	s13 =	sshra.s32 s13, $0x2;
	[sflag:s7] =	ssyncadd.s32 $0xFFFFC000  }
0x20: {  	[tilespmem:s9], [sflag:$0x1] =	stream.indirect.gather [hbm4b:s2+s8], $0x80, s13, s8, $0xb8;
	[tilespmem:$0x5400] =	vst v63  }
0x21: {  	s11 =	sadd.s32 $0x1, s11;
	_ =	swait.ge [sflag:s10], $0x4000  }
0x22: {  	p0 =	sne.s32 s11, s5;
	[sflag:s10] =	ssyncset.done $0x0  }
.Ltmp1:
0x23: {  	[sflag:s10] =	ssyncadd.s32 $0xFFFFC000;
	(pc) =	sbr.rel @p0 .LBB2_1-.Ltmp1, $4  }
0x24: {  	[hbm4b:s12+s3] =	stream.linear.scatter [tilespmem:s9], [sflag:$0x2], $0x4000, $0x38;
	[tilespmem:$0x5400] =	vst v63  }
0x25: {  	_ =	swait.ge [sflag:s7], $0x4000  }
0x26: {  	[sflag:s7] =	ssyncset.done $0x0  }
0x27: {  	[sflag:s7] =	ssyncadd.s32 $0xFFFFC000  }
0x28: {  	_ =	sfence.sel $0x180000  }
0x29: {  	[bflag:$0x0] =	sbarrier.arrive $0xFFFF  }
0x2a: {  	p0 =	sne.s32 s0, $0x0;
	_ =	strace $0x90000047  }
0x2b: {  	s0 =	sadd.s32 @!p0 $0x100000, s1;
	[bflag:$0x2] =	sbarrier.arrive $0xFFFF  }
0x2c: {  	[sflag:s0] =	ssyncadd.tile.s32 @!p0 $0x1;
	_ =	shalt  }
.Lfunc_end2:
_tile_overlayer_lowered:
.L_overlay_start_2:
0x2d: {  	(tag) =	ssettag $0x2  }
0x2e: {  	s0 =	rddreg [dreg:$0x0];
	s2 =	stileid.u32  }
0x2f: {  	s1 =	rddreg [dreg:$0x1];
	p0 =	sne.s32 s2, $0x0  }
0x30: {  	s3 =	rddreg [dreg:$0x2];
	[bflag:$0x3] =	sbarrier.arrive $0xFFFF;
	s2 =	simm.s32 @!p0 $0x1C02  }
0x31: {  	[timem:s3], [sflag:s2] =	dma.local @!p0 [hbm:s0], s1  }
0x32: {  	s0 =	simm.s32 @!p0 $0x2  }
0x33: {  	_ =	swait.ge @!p0 [sflag:s0], s1  }
0x34: {  	s1 =	ssub.s32 @!p0 $0x0, s1;
	[sflag:s0] =	ssyncset.done @!p0 $0x0  }
0x35: {  	[sflag:s0] =	ssyncadd.s32 @!p0 s1  }
0x36: {  	[bflag:$0x3] =	sbarrier.arrive $0xFFFF  }
0x37: {  	_ =	shalt  }

// kernel: kernel.14.cloned.1.call-start
scs
__scs_entry_jumppad:
0x0: {  	(pc) =	sbr.rel $0x88, $3  }
0x1: {  	(tag) =	ssettag $0x0;
	lr =	simm.s32 $0x1  }
0x2: {  	[smem:$0x3F95] =	sst lr;
	_ =	strace $0xD0000000  }
0x3: {  	_ = 	snop  }
0x4: {  	_ = 	snop  }
0x5: {  	_ = 	snop  }
0x6: {  	_ = 	snop  }
0x7: {  	_ = 	snop  }
__scs_overlays_trampoline_lowered:
0x8: {  	[smem:$0x3FA4] =	sst s0  }
0x9: {  	[smem:$0x3FA5] =	sst s1  }
0xa: {  	[smem:$0x3FA6] =	sst s2  }
0xb: {  	[smem:$0x3FA7] =	sst s3  }
0xc: {  	[smem:$0x3FA8] =	sst s4  }
0xd: {  	[smem:$0x3FA9] =	sst s5  }
0xe: {  	[smem:$0x3FAA] =	sst s6  }
0xf: {  	[smem:$0x3FAB] =	sst s7  }
0x10: {  	[smem:$0x3FAC] =	sst s8  }
0x11: {  	[smem:$0x3FAD] =	sst s9;
	s0 =	simm.s32 @!p0 $0x0  }
0x12: {  	s1 =	sld [smem:$0x3F93];
	s0 =	simm.s32 @p0 $0x1  }
0x13: {  	[smem:$0x3FAE] =	sst s0;
	s0 =	simm.s32 @!p1 $0x0  }
0x14: {  	s2 =	sld [smem:$0x3F92];
	s0 =	simm.s32 @p1 $0x1  }
0x15: {  	[smem:$0x3FAF] =	sst s0;
	s0 =	simm.s32 @!p2 $0x0  }
0x16: {  	s3 =	sld [smem:$0x3FDB];
	s0 =	simm.s32 @p2 $0x1  }
0x17: {  	s4 =	simm.s32 $0x1BF5;
	[smem:$0x3FB1] =	sst s0  }
0x18: {  	s0 =	sld [smem:$0x3F94];
	_ =	swait.ge [sflag:s4], $0x0  }
0x19: {  	s7 =	sld [smem:$0x3F95]  }
0x1a: {  	s8 =	sadd.s32 $0xFFFFE003, lr  }
0x1b: {  	s9 =	sadd.s32 $0xFFFFFEF7, lr;
	s5 =	simm.s32 $0xFFFFFFFF;
	p2 =	slt.u32 s8, $0xFFFFF086  }
0x1c: {  	p1 =	slt.u32 s9, $0xF7A;
	s5 =	simm.s32 @!p2 $0x0  }
0x1d: {  	s5 =	simm.s32 @p1 $0x1;
	p0 =	seq.s32 s7, s2  }
0x1e: {  	s7 =	smul.u32 @!p0 $0xF7A, s2;
	p2 =	seq.s32 @!p0 s5, $0x0  }
0x1f: {  	s9 =	smul.u32 $0xF7A, s1;
	s8 =	simm.s32 @!p0 $0x1BF5;
	p2 =	por !p2, p0  }
0x20: {  	[sflag:s8] =	ssyncset.s32 @!p0 $0xFFFFF086;
	s6 =	sadd.s32 @!p0 s3, s7;
	s7 =	simm.s32 @!p0 $0x108  }
0x21: {  	s3 =	sadd.s32 s3, s9;
	s6 =	sadd.s32 @!p0 $0x88, s6;
	s7 =	simm.s32 @p2 $0x1082  }
0x22: {  	[simem:s7], [sflag:s8] =	dma.local @!p0 [hbm:s6], $0xF7A  }
0x23: {  	s9 =	sor.u32 $0xD0000000, s2;
	s6 =	simm.s32 $0x108;
	_ =	swait.ge @!p0 [sflag:s8], $0x0  }
0x24: {  	s3 =	sadd.s32 $0x88, s3;
	s6 =	simm.s32 @!p1 $0x1082;
	[sflag:s4] =	ssyncset.s32 $0xFFFFF086  }
0x25: {  	[simem:s6], [sflag:s4] =	dma.local [hbm:s3], $0xF7A  }
0x26: {  	[smem:$0x3F95] =	sst s1;
	(tag) =	ssettag s2;
	_ =	strace s9  }
0x27: {  	s1 =	sld [smem:$0x3FA5]  }
0x28: {  	s2 =	sld [smem:$0x3FA6]  }
0x29: {  	s4 =	sld [smem:$0x3FA8]  }
0x2a: {  	p0 =	seq.s32 s5, $0x0;
	s5 =	sld [smem:$0x3FA9]  }
0x2b: {  	s6 =	sld [smem:$0x3FAA]  }
0x2c: {  	s7 =	sld [smem:$0x3FAB]  }
0x2d: {  	s3 =	simm.s32 $0x108;
	s8 =	sld [smem:$0x3FAC]  }
0x2e: {  	s3 =	simm.s32 @!p0 $0x1082;
	s9 =	sld [smem:$0x3FAD]  }
0x2f: {  	lr =	sadd.s32 s0, s3;
	s0 =	sld [smem:$0x3FA4]  }
0x30: {  	s3 =	sld [smem:$0x3FA7]  }
0x31: {  	[smem:$0x3FB0] =	sst s10  }
0x32: {  	s10 =	sld [smem:$0x3FAE];
	_ =	sdelay $0x3  }
0x33: {  	p0 =	seq.s32 s10, $0x1;
	s10 =	sld [smem:$0x3FB0];
	_ =	sdelay $0x3  }
0x34: {  	[smem:$0x3FB0] =	sst s10  }
0x35: {  	s10 =	sld [smem:$0x3FAF];
	_ =	sdelay $0x3  }
0x36: {  	p1 =	seq.s32 s10, $0x1;
	s10 =	sld [smem:$0x3FB0];
	_ =	sdelay $0x3  }
0x37: {  	[smem:$0x3FB0] =	sst s10  }
0x38: {  	s10 =	sld [smem:$0x3FB1]  }
0x39: {  	_ = 	snop;
	(pc) =	sbr.ind lr, $3  }
0x3a: {  	_ = 	snop  }
0x3b: {  	_ = 	snop  }
0x3c: {  	p2 =	seq.s32 s10, $0x1;
	s10 =	sld [smem:$0x3FB0]  }
0x3d: {  	_ =	shalt  }
0x3e: {  	_ =	shalt  }
0x3f: {  	_ =	shalt  }
0x40: {  	_ =	shalt  }
0x41: {  	_ =	shalt  }
0x42: {  	_ =	shalt  }
0x43: {  	_ =	shalt  }
0x44: {  	_ =	shalt  }
0x45: {  	_ =	shalt  }
0x46: {  	_ =	shalt  }
0x47: {  	_ =	shalt  }
0x48: {  	_ =	shalt  }
0x49: {  	_ =	shalt  }
0x4a: {  	_ =	shalt  }
0x4b: {  	_ =	shalt  }
0x4c: {  	_ =	shalt  }
0x4d: {  	_ =	shalt  }
0x4e: {  	_ =	shalt  }
0x4f: {  	_ =	shalt  }
0x50: {  	_ =	shalt  }
0x51: {  	_ =	shalt  }
0x52: {  	_ =	shalt  }
0x53: {  	_ =	shalt  }
0x54: {  	_ =	shalt  }
0x55: {  	_ =	shalt  }
0x56: {  	_ =	shalt  }
0x57: {  	_ =	shalt  }
0x58: {  	_ =	shalt  }
0x59: {  	_ =	shalt  }
0x5a: {  	_ =	shalt  }
0x5b: {  	_ =	shalt  }
0x5c: {  	_ =	shalt  }
0x5d: {  	_ =	shalt  }
0x5e: {  	_ =	shalt  }
0x5f: {  	_ =	shalt  }
0x60: {  	_ =	shalt  }
0x61: {  	_ =	shalt  }
0x62: {  	_ =	shalt  }
0x63: {  	_ =	shalt  }
0x64: {  	_ =	shalt  }
0x65: {  	_ =	shalt  }
0x66: {  	_ =	shalt  }
0x67: {  	_ =	shalt  }
0x68: {  	_ =	shalt  }
0x69: {  	_ =	shalt  }
0x6a: {  	_ =	shalt  }
0x6b: {  	_ =	shalt  }
0x6c: {  	_ =	shalt  }
0x6d: {  	_ =	shalt  }
0x6e: {  	_ =	shalt  }
0x6f: {  	_ =	shalt  }
0x70: {  	_ =	shalt  }
0x71: {  	_ =	shalt  }
0x72: {  	_ =	shalt  }
0x73: {  	_ =	shalt  }
0x74: {  	_ =	shalt  }
0x75: {  	_ =	shalt  }
0x76: {  	_ =	shalt  }
0x77: {  	_ =	shalt  }
0x78: {  	_ =	shalt  }
0x79: {  	_ =	shalt  }
0x7a: {  	_ =	shalt  }
0x7b: {  	_ =	shalt  }
0x7c: {  	_ =	shalt  }
0x7d: {  	_ =	shalt  }
0x7e: {  	_ =	shalt  }
0x7f: {  	_ =	shalt  }
0x80: {  	_ =	shalt  }
0x81: {  	_ =	shalt  }
0x82: {  	_ =	shalt  }
0x83: {  	_ =	shalt  }
0x84: {  	_ =	shalt  }
0x85: {  	_ =	shalt  }
0x86: {  	_ =	shalt  }
0x87: {  	_ =	shalt  }
.Lfunc_end0:
.L_simem_size_0:
called_computation.1_lowered:
.L_overlay_start_0:
0x88: {  	s2 =	sld [smem:$0x3FD9]  }
0x89: {  	s3 =	sld [smem:$0x3FFE];
	_ =	sdelay $0x1  }
0x8a: {  	s1 =	srdreg.scid  }
0x8b: {  	s0 =	sand.u32 $0x1, s1  }
0x8c: {  	s16 =	sshll.u32 s0, $0xA;
	s2 =	sadd.s32 s3, s2  }
0x8d: {  	s2 =	sadd.s32 s2, s16  }
0x8e: {  	[smem:$0x3FBC] =	sst s2  }
0x8f: {  	_ = 	snop  }
0x90: {  	(tm) =	ssettm $0x1  }
0x91: {  	s17 =	sld [smem:$0x3FFB];
	_ =	sdelay $0x3  }
0x92: {  	_ =	strace s17  }
0x93: {  	s2 =	sld [smem:$0x3FFC];
	_ =	sdelay $0x3  }
0x94: {  	_ =	strace s2  }
0x95: {  	s2 =	sld [smem:$0x3FFD];
	_ =	sdelay $0x3  }
0x96: {  	_ =	strace s2  }
0x97: {  	_ =	strace $0x8FFFFFFF  }
0x98: {  	s18 =	sld [smem:$0x3FDB];
	_ =	sdelay $0x1  }
0x99: {  	s19 =	simm.s32 $_scs_section_size  }
0x9a: {  	s4 =	simm.s32 $_size__tile_overlayer_lowered;
	s5 =	simm.s32 $_tile_overlayer_lowered  }
0x9b: {  	s22 =	simm.s32 $0x1BFF;
	s21 =	sshll.u32 s5, $0x1;
	s2 =	sadd.s32 s19, s18  }
0x9c: {  	s6 =	simm.s32 $0x0;
	s20 =	sshll.u32 s4, $0x1;
	s4 =	sadd.s32 s21, s2  }
0x9d: {  	[timem:s6], [sflag:s22] =	dma.local [hbm:s4], s20  }
0x9e: {  	_ =	swait.ge [sflag:s22], s20  }
0x9f: {  	s3 =	ssub.s32 $0x0, s20;
	[sflag:s22] =	ssyncset.done $0x0  }
0xa0: {  	[sflag:s22] =	ssyncadd.s32 s3;
	_ =	sdelay $0x1  }
0xa1: {  	s23 =	simm.s32 $0x1B8B  }
0xa2: {  	_ =	swait.ge [sflag:s23], $0x1  }
0xa3: {  	[sflag:s23] =	ssyncset.done $0x0  }
0xa4: {  	s25 =	simm.s32 $0x1B8E;
	s24 =	sld [smem:$0x3FFE];
	[sflag:s23] =	ssyncadd.s32 $0xFFFFFFFF  }
0xa5: {  	s26 =	simm.s32 $execute0_lowered;
	[smem:$0x3FD2] =	sst s25  }
0xa6: {  	s4 =	sshll.u32 s26, $0x1;
	_ =	strace $0x80000049;
	[dreg:$0x1] =	wrdreg $0xFFFFFFFF  }
0xa7: {  	s28 =	simm.s32 $_size_execute0_lowered;
	s2 =	sadd.s32 s2, s4;
	[dreg:$0x0] =	wrdreg $0x0  }
0xa8: {  	s4 =	sshll.u32 s28, $0x1;
	[dreg:$0x2] =	wrdreg s2  }
0xa9: {  	[dreg:$0x3] =	wrdreg s4  }
0xaa: {  	[dreg:$0x4] =	wrdreg $0xC0  }
0xab: {  	_ =	task [dreg:s6], $0x5FFFF  }
0xac: {  	[dreg:$0x1] =	wrdreg $0xFFFFFFFF  }
0xad: {  	[dreg:$0x0] =	wrdreg $0x60  }
0xae: {  	[dreg:$0x2] =	wrdreg s24  }
0xaf: {  	[dreg:$0x3] =	wrdreg $0x9  }
0xb0: {  	_ =	task.clear_ibuf [dreg:s6], $0x4FFFF;
	_ =	strace $0x90000049  }
0xb1: {  	s29 =	simm.s32 $0x9;
	_ =	strace $0x8000004B  }
0xb2: {  	_ =	swait.ge [sflag:s29], $0x1  }
0xb3: {  	[sflag:s29] =	ssyncadd.s32 $0xFFFFFFFF  }
0xb4: {  	_ =	strace $0x9000004B  }
0xb5: {  	_ =	sfence  }
0xb6: {  	s30 =	sld [smem:$0x0];
	_ =	sdelay $0x2  }
0xb7: {  	s31 =	sshll.u32 s1, $0xD;
	s1 =	sshrl.u32 s1, $0x2  }
0xb8: {  	s3 =	sand.u32 $0x4000, s31;
	s1 =	sadd.s32 s1, s30  }
0xb9: {  	s0 =	sor.u32 s3, s0;
	s1 =	sshll.u32 s1, $0x11  }
0xba: {  	s0 =	sor.u32 s1, s0  }
0xbb: {  	s0 =	sadd.s32 $0x8F2B, s0  }
0xbc: {  	[sflag:s0] =	ssyncadd.remote.s32 $0x1  }
0xbd: {  	_ =	sfence.sel $0xFFFF  }
0xbe: {  	[dreg:$0x0] =	wrdreg $0xFFFFFFFF;
	(pc) =	sbr.abs _section_cstart, $3  }
0xbf: {  	[dreg:$0x1] =	wrdreg $0xFFFFFFFF  }
0xc0: {  	_ =	task.clear_ibuf [dreg:s6], $0x2FFFF;
	_ =	strace $0x9FFFFFFF  }
0xc1: {  	(tm) =	ssettm $0x7FFFFFFF  }
tec
execute0_lowered:
.L_overlay_start_1:
0x0: {  	(tag) =	ssettag $0x1  }
0x1: {  	s1 =	srdreg.scid  }
0x2: {  	s0 =	stileid.u32;
	s4 =	rddreg [dreg:$0x0];
	s2 =	simm.s32 $0x0  }
0x3: {  	s11 =	simm.s32 $0x0;
	s5 =	sand.u32 $0x1, s1;
	s1 =	rddreg [dreg:$0x1]  }
0x4: {  	s3 =	sshll.u32 s0, $0x1;
	[smem:$0x7FF] =	sst s2;
	s7 =	smul.u32 $0x28000, s0  }
0x5: {  	s3 =	sor.u32 s5, s3;
	_ =	strace $0x8000004A;
	s10 =	smul.u32 $0x14000, s5  }
0x6: {  	s8 =	ssub.s32 $0x2, s5;
	s6 =	smul.u32 $0x280, s3;
	s3 =	sadd.s32 $0x2F400, s4  }
0x7: {  	s9 =	sshrl.u32 s8, $0x1;
	s30 =	sadd.s32 s7, s4;
	s7 =	simm.s32 $0x2  }
0x8: {  	s31 =	ssub.s32 s8, s9;
	s8 =	simm.s32 $0x80;
	s9 =	simm.s32 $0x1400  }
0x9: {  	s29 =	sadd.s32 s6, s4;
	s5 =	smax.u32 s31, $0x1;
	s6 =	sadd.s32 s10, s30  }
0xa: {  	s10 =	simm.s32 $0x1;
	s4 =	sadd.s32 $0x2400, s29;
	s6 =	sadd.s32 $0x50C400, s6  }
.LBB2_1:
0xb: {  	[tilespmem:s2], [sflag:$0x2] =	stream.linear.gather [hbm4b:s4+s2], $0x1400, $0x38;
	[tilespmem:$0x5400] =	vst v63  }
0xc: {  	_ =	swait.ge [sflag:s7], $0x1400  }
0xd: {  	[sflag:s7] =	ssyncset.done $0x0  }
0xe: {  	s12 =	simm.s32 $0x0;
	[sflag:s7] =	ssyncadd.s32 $0xFFFFEC00  }
0xf: {  	[tilespmem:s9], [sflag:$0x1] =	stream.indirect.gather [hbm4b:s3+s8], $0x80, s12, s8, $0xb8;
	[tilespmem:$0x5400] =	vst v63  }
0x10: {  	_ =	swait.ge [sflag:s10], $0x4000  }
0x11: {  	[sflag:s10] =	ssyncset.done $0x0  }
0x12: {  	[sflag:s10] =	ssyncadd.s32 $0xFFFFC000  }
0x13: {  	[hbm4b:s6+s2] =	stream.linear.scatter [tilespmem:s9], [sflag:$0x2], $0x4000, $0x38;
	[tilespmem:$0x5400] =	vst v63  }
0x14: {  	s13 =	simm.s32 $0x200;
	_ =	swait.ge [sflag:s7], $0x4000  }
0x15: {  	s14 =	simm.s32 $0x400;
	s12 =	sadd.s32 $0x800, s6;
	[sflag:s7] =	ssyncset.done $0x0  }
.LBB2_2:
0x16: {  	s15 =	sshra.s32 s13, $0x2  }
0x17: {  	[sflag:s7] =	ssyncadd.s32 $0xFFFFC000;
	s13 =	smov.u32 s14;
	s16 =	sadd.s32 $0x200, s14  }
0x18: {  	[tilespmem:s9], [sflag:$0x1] =	stream.indirect.gather [hbm4b:s3+s8], $0x80, s15, s8, $0xb8;
	[tilespmem:$0x5400] =	vst v63  }
0x19: {  	p0 =	sne.s32 s14, $0x4E00;
	_ =	swait.ge [sflag:s10], $0x4000  }
.Ltmp0:
0x1a: {  	[sflag:s10] =	ssyncset.done $0x0;
	(pc) =	sbr.rel @p0 .LBB2_2-.Ltmp0, $4  }
0x1b: {  	[sflag:s10] =	ssyncadd.s32 $0xFFFFC000  }
0x1c: {  	[hbm4b:s12+s2] =	stream.linear.scatter [tilespmem:s9], [sflag:$0x2], $0x4000, $0x38;
	[tilespmem:$0x5400] =	vst v63  }
0x1d: {  	_ =	swait.ge [sflag:s7], $0x4000  }
0x1e: {  	s14 =	smov.u32 s16;
	s12 =	sadd.s32 $0x800, s12;
	[sflag:s7] =	ssyncset.done $0x0  }
0x1f: {  	s13 =	sshra.s32 s13, $0x2;
	[sflag:s7] =	ssyncadd.s32 $0xFFFFC000  }
0x20: {  	[tilespmem:s9], [sflag:$0x1] =	stream.indirect.gather [hbm4b:s3+s8], $0x80, s13, s8, $0xb8;
	[tilespmem:$0x5400] =	vst v63  }
0x21: {  	s11 =	sadd.s32 $0x1, s11;
	_ =	swait.ge [sflag:s10], $0x4000  }
0x22: {  	p0 =	sne.s32 s11, s5;
	[sflag:s10] =	ssyncset.done $0x0  }
.Ltmp1:
0x23: {  	[sflag:s10] =	ssyncadd.s32 $0xFFFFC000;
	(pc) =	sbr.rel @p0 .LBB2_1-.Ltmp1, $4  }
0x24: {  	[hbm4b:s12+s2] =	stream.linear.scatter [tilespmem:s9], [sflag:$0x2], $0x4000, $0x38;
	[tilespmem:$0x5400] =	vst v63  }
0x25: {  	_ =	swait.ge [sflag:s7], $0x4000  }
0x26: {  	[sflag:s7] =	ssyncset.done $0x0  }
0x27: {  	[sflag:s7] =	ssyncadd.s32 $0xFFFFC000  }
0x28: {  	_ =	sfence.sel $0x180000  }
0x29: {  	[bflag:$0x0] =	sbarrier.arrive $0xFFFF  }
0x2a: {  	p0 =	sne.s32 s0, $0x0;
	_ =	strace $0x9000004A  }
0x2b: {  	s0 =	sadd.s32 @!p0 $0x100000, s1;
	[bflag:$0x2] =	sbarrier.arrive $0xFFFF  }
0x2c: {  	[sflag:s0] =	ssyncadd.tile.s32 @!p0 $0x1;
	_ =	shalt  }
.Lfunc_end2:
_tile_overlayer_lowered:
.L_overlay_start_2:
0x2d: {  	(tag) =	ssettag $0x2  }
0x2e: {  	s0 =	rddreg [dreg:$0x0];
	s2 =	stileid.u32  }
0x2f: {  	s1 =	rddreg [dreg:$0x1];
	p0 =	sne.s32 s2, $0x0  }
0x30: {  	s3 =	rddreg [dreg:$0x2];
	[bflag:$0x3] =	sbarrier.arrive $0xFFFF;
	s2 =	simm.s32 @!p0 $0x1C02  }
0x31: {  	[timem:s3], [sflag:s2] =	dma.local @!p0 [hbm:s0], s1  }
0x32: {  	s0 =	simm.s32 @!p0 $0x2  }
0x33: {  	_ =	swait.ge @!p0 [sflag:s0], s1  }
0x34: {  	s1 =	ssub.s32 @!p0 $0x0, s1;
	[sflag:s0] =	ssyncset.done @!p0 $0x0  }
0x35: {  	[sflag:s0] =	ssyncadd.s32 @!p0 s1  }
0x36: {  	[bflag:$0x3] =	sbarrier.arrive $0xFFFF  }
0x37: {  	_ =	shalt  }

</sc_bundles>
